<compile_context>
chip_gen: v7x
topology: tpu7x:2x2x1
jax: 0.10.2.dev20260603
libtpu: 0.0.44.dev20260713+nightly
codegen_flags: <defaults>
</compile_context>

<pallas_src>
import functools

import jax
import jax.numpy as jnp
from jax import lax
from jax.experimental import pallas as pl
from jax.experimental.pallas import tpu as pltpu
from jax.experimental.pallas import tpu_sc as plsc

N = 50000
NP = 50176
E = 1600000
D = 32

NCORES = 2
NTILES = 16
NW = NCORES * NTILES
ROWS_T = NP // NTILES
RQ = ROWS_T // 64

CC = 128
NB = 3
NROWS_E = E // CC
ROWS_W = 390
NG = ROWS_W // NB
NTAIL = NROWS_E - NW * ROWS_W

_mesh = plsc.VectorSubcoreMesh(core_axis_name="c", subcore_axis_name="s")


def _gather(tbl_hbm, idxrow, rows, sem):
    return pltpu.make_async_copy(tbl_hbm.at[idxrow], rows, sem)


@functools.partial(
    pl.kernel,
    out_type=jax.ShapeDtypeStruct((NCORES * NP,), jnp.float32),
    mesh=_mesh,
    compiler_params=pltpu.CompilerParams(use_tc_tiling_on_sc=False),
    scratch_types=[
        pltpu.VMEM((NB, 2, CC), jnp.int32),
        pltpu.VMEM((NB, 2, CC), jnp.int32),
        pltpu.VMEM((NB, 2, CC), jnp.int32),
        pltpu.VMEM((NB, 2, CC), jnp.int32),
        pltpu.VMEM((CC,), jnp.float32),
        pltpu.VMEM((ROWS_T,), jnp.float32),
        pltpu.VMEM_SHARED((NP,), jnp.float32),
        pltpu.SemaphoreType.DMA,
        pltpu.SemaphoreType.DMA,
        pltpu.SemaphoreType.DMA,
        pltpu.SemaphoreType.DMA,
    ],
)
def _sc_degree(eidx_hbm, zeros_hbm, out_hbm, idx0, idx1, scidx0, scidx1,
               ones_v, stg, deg_sh, semi0, semi1, sems0, sems1):
    c = lax.axis_index("c")
    s = lax.axis_index("s")
    w = c * NTILES + s
    pltpu.sync_copy(zeros_hbm, stg)
    pltpu.sync_copy(stg, deg_sh.at[pl.ds(s * ROWS_T, ROWS_T)])
    for i in range(CC // 16):
        ones_v[pl.ds(i * 16, 16)] = jnp.full((16,), 1.0, jnp.float32)
    plsc.subcore_barrier()

    r0 = w * ROWS_W + jnp.minimum(w, NTAIL)
    pltpu.sync_copy(eidx_hbm.at[pl.ds(r0, NB)], idx0)
    pltpu.async_copy(eidx_hbm.at[pl.ds(r0 + NB, NB)], idx1, semi1)

    def phase(g, idx, scidx, oidx, oscidx, semo, semso, semself, semsself):
        @pl.when(jnp.logical_and(g >= 1, g + 1 < NG))
        def _():
            for b in range(NB):
                pltpu.make_async_copy(
                    ones_v, deg_sh.at[oscidx.at[b, 1]], semso).wait()

        @pl.when(g + 1 < NG)
        def _():
            pltpu.make_async_copy(
                eidx_hbm.at[pl.ds(r0 + (g + 1) * NB, NB)], oidx, semo).wait()

        for b in range(NB):
            for i in range(CC // 16):
                scidx[b, 1, pl.ds(i * 16, 16)] = idx[b, 1, pl.ds(i * 16, 16)]
        for b in range(NB):
            pltpu.async_copy(ones_v, deg_sh.at[scidx.at[b, 1]], semsself,
                             add=True)

        @pl.when(g + 2 < NG)
        def _():
            pltpu.async_copy(
                eidx_hbm.at[pl.ds(r0 + (g + 2) * NB, NB)], idx, semself)

    def pair(k, carry):
        g = 2 * k
        phase(g, idx0, scidx0, idx1, scidx1, semi1, sems1, semi0, sems0)
        phase(g + 1, idx1, scidx1, idx0, scidx0, semi0, sems0, semi1, sems1)
        return carry

    lax.fori_loop(0, NG // 2, pair, 0)
    for b in range(NB):
        pltpu.make_async_copy(ones_v, deg_sh.at[scidx0.at[b, 1]],
                              sems0).wait()
    for b in range(NB):
        pltpu.make_async_copy(ones_v, deg_sh.at[scidx1.at[b, 1]],
                              sems1).wait()

    @pl.when(w < NTAIL)
    def _():
        pltpu.sync_copy(eidx_hbm.at[pl.ds(r0 + ROWS_W, 1)],
                        idx0.at[pl.ds(0, 1)])
        pltpu.sync_copy(ones_v, deg_sh.at[idx0.at[0, 1]], add=True)

    plsc.subcore_barrier()
    pltpu.sync_copy(deg_sh.at[pl.ds(s * ROWS_T, ROWS_T)], stg)
    pltpu.sync_copy(stg, out_hbm.at[pl.ds(c * NP + s * ROWS_T, ROWS_T)])


@functools.partial(
    pl.kernel,
    out_type=jax.ShapeDtypeStruct((NCORES, NP, D), jnp.float32),
    mesh=_mesh,
    compiler_params=pltpu.CompilerParams(use_tc_tiling_on_sc=False),
    scratch_types=[
        pltpu.VMEM((NB, 2, CC), jnp.int32),
        pltpu.VMEM((NB, 2, CC), jnp.int32),
        pltpu.VMEM((NB, 2, CC), jnp.int32),
        pltpu.VMEM((NB, 2, CC), jnp.int32),
        pltpu.VMEM((NB, CC, D), jnp.float32),
        pltpu.VMEM((NB, CC, D), jnp.float32),
        pltpu.VMEM((RQ, D), jnp.float32),
        pltpu.VMEM_SHARED((NP, D), jnp.float32),
        pltpu.SemaphoreType.DMA,
        pltpu.SemaphoreType.DMA,
        pltpu.SemaphoreType.DMA,
        pltpu.SemaphoreType.DMA,
        pltpu.SemaphoreType.DMA,
        pltpu.SemaphoreType.DMA,
    ],
)
def _sc_segsum(tbl_hbm, eidx_hbm, zeros_hbm, out_hbm,
               idx0, idx1, scidx0, scidx1, rows0, rows1, stg, acc_sh,
               semi0, semi1, semg0, semg1, sems0, sems1):
    c = lax.axis_index("c")
    s = lax.axis_index("s")
    w = c * NTILES + s
    pltpu.sync_copy(zeros_hbm, stg)

    def zfill(q, carry):
        pltpu.sync_copy(stg, acc_sh.at[pl.ds(s * ROWS_T + q * RQ, RQ)])
        return carry

    lax.fori_loop(0, ROWS_T // RQ, zfill, 0)
    plsc.subcore_barrier()

    r0 = w * ROWS_W + jnp.minimum(w, NTAIL)

    pltpu.sync_copy(eidx_hbm.at[pl.ds(r0, NB)], idx0)
    for b in range(NB):
        _gather(tbl_hbm, idx0.at[b, 0], rows0.at[b], semg0).start()
    pltpu.async_copy(eidx_hbm.at[pl.ds(r0 + NB, NB)], idx1, semi1)

    def phase(g, idx, scidx, rows, oidx, oscidx, orows,
              semio, semgo, semso, semiself, semgself, semsself):
        @pl.when(jnp.logical_and(g >= 1, g + 1 < NG))
        def _():
            for b in range(NB):
                pltpu.make_async_copy(
                    orows.at[b], acc_sh.at[oscidx.at[b, 1]], semso).wait()

        @pl.when(g + 1 < NG)
        def _():
            pltpu.make_async_copy(
                eidx_hbm.at[pl.ds(r0 + (g + 1) * NB, NB)], oidx, semio).wait()
            for b in range(NB):
                _gather(tbl_hbm, oidx.at[b, 0], orows.at[b], semgo).start()

        for b in range(NB):
            _gather(tbl_hbm, idx.at[b, 0], rows.at[b], semgself).wait()
        for b in range(NB):
            for i in range(CC // 16):
                scidx[b, 1, pl.ds(i * 16, 16)] = idx[b, 1, pl.ds(i * 16, 16)]
        for b in range(NB):
            pltpu.async_copy(rows.at[b], acc_sh.at[scidx.at[b, 1]],
                             semsself, add=True)

        @pl.when(g + 2 < NG)
        def _():
            pltpu.async_copy(
                eidx_hbm.at[pl.ds(r0 + (g + 2) * NB, NB)], idx, semiself)

    def pair(k, carry):
        g = 2 * k
        phase(g, idx0, scidx0, rows0, idx1, scidx1, rows1,
              semi1, semg1, sems1, semi0, semg0, sems0)
        phase(g + 1, idx1, scidx1, rows1, idx0, scidx0, rows0,
              semi0, semg0, sems0, semi1, semg1, sems1)
        return carry

    lax.fori_loop(0, NG // 2, pair, 0)
    for b in range(NB):
        pltpu.make_async_copy(
            rows0.at[b], acc_sh.at[scidx0.at[b, 1]], sems0).wait()
    for b in range(NB):
        pltpu.make_async_copy(
            rows1.at[b], acc_sh.at[scidx1.at[b, 1]], sems1).wait()

    @pl.when(w < NTAIL)
    def _():
        pltpu.sync_copy(eidx_hbm.at[pl.ds(r0 + ROWS_W, 1)],
                        idx0.at[pl.ds(0, 1)])
        _gather(tbl_hbm, idx0.at[0, 0], rows0.at[0], semg0).start()
        _gather(tbl_hbm, idx0.at[0, 0], rows0.at[0], semg0).wait()
        pltpu.sync_copy(rows0.at[0], acc_sh.at[idx0.at[0, 1]], add=True)

    plsc.subcore_barrier()

    def rdback(q, carry):
        r = s * ROWS_T + q * RQ
        pltpu.sync_copy(acc_sh.at[pl.ds(r, RQ)], stg)
        pltpu.sync_copy(stg, out_hbm.at[c, pl.ds(r, RQ)])
        return carry

    lax.fori_loop(0, ROWS_T // RQ, rdback, 0)


R = 3584
G = NP // R


def _tc0_body(x_ref, W1_ref, h_ref):
    h_ref[...] = jnp.dot(x_ref[...].astype(jnp.bfloat16),
                         W1_ref[...].astype(jnp.bfloat16),
                         preferred_element_type=jnp.float32)


_tc0 = pl.pallas_call(
    _tc0_body,
    grid=(G,),
    in_specs=[
        pl.BlockSpec((R, 22), lambda i: (i, 0)),
        pl.BlockSpec((22, D), lambda i: (0, 0)),
    ],
    out_specs=pl.BlockSpec((R, D), lambda i: (i, 0)),
    out_shape=jax.ShapeDtypeStruct((NP, D), jnp.float32),
)


def _tc1_body(h_ref, degp_ref, b1_ref, hp_ref, aux_ref):
    deg = degp_ref[0, :] + degp_ref[1, :] + 1.0
    dis = lax.rsqrt(deg)[:, None]
    h = h_ref[...]
    hp_ref[...] = h * dis
    aux_ref[...] = h * (dis * dis) + b1_ref[...]


_tc1 = pl.pallas_call(
    _tc1_body,
    grid=(G,),
    in_specs=[
        pl.BlockSpec((R, D), lambda i: (i, 0)),
        pl.BlockSpec((NCORES, R), lambda i: (0, i)),
        pl.BlockSpec((1, D), lambda i: (0, 0)),
    ],
    out_specs=[
        pl.BlockSpec((R, D), lambda i: (i, 0)),
        pl.BlockSpec((R, D), lambda i: (i, 0)),
    ],
    out_shape=[
        jax.ShapeDtypeStruct((NP, D), jnp.float32),
        jax.ShapeDtypeStruct((NP, D), jnp.float32),
    ],
)


def _tc2_body(accp_ref, aux1_ref, degp_ref, W2_ref, b2_ref, hp2_ref, aux2_ref):
    deg = degp_ref[0, :] + degp_ref[1, :] + 1.0
    dis = lax.rsqrt(deg)[:, None]
    acc = accp_ref[0] + accp_ref[1]
    out1 = jnp.maximum(dis * acc + aux1_ref[...], 0.0)
    h2 = jnp.dot(out1.astype(jnp.bfloat16), W2_ref[...].astype(jnp.bfloat16),
                 preferred_element_type=jnp.float32)
    hp2_ref[...] = h2 * dis
    aux2_ref[...] = h2 * (dis * dis) + b2_ref[...]


_tc2 = pl.pallas_call(
    _tc2_body,
    grid=(G,),
    in_specs=[
        pl.BlockSpec((NCORES, R, D), lambda i: (0, i, 0)),
        pl.BlockSpec((R, D), lambda i: (i, 0)),
        pl.BlockSpec((NCORES, R), lambda i: (0, i)),
        pl.BlockSpec((D, D), lambda i: (0, 0)),
        pl.BlockSpec((1, D), lambda i: (0, 0)),
    ],
    out_specs=[
        pl.BlockSpec((R, D), lambda i: (i, 0)),
        pl.BlockSpec((R, D), lambda i: (i, 0)),
    ],
    out_shape=[
        jax.ShapeDtypeStruct((NP, D), jnp.float32),
        jax.ShapeDtypeStruct((NP, D), jnp.float32),
    ],
)


def _tc3_body(accp_ref, aux2_ref, degp_ref, Wl1_ref, bl1_ref, Wl2_ref,
              bl2_ref, y_ref):
    deg = degp_ref[0, :] + degp_ref[1, :] + 1.0
    dis = lax.rsqrt(deg)[:, None]
    out2 = jnp.maximum(dis * (accp_ref[0] + accp_ref[1]) + aux2_ref[...], 0.0)
    m = jnp.maximum(
        jnp.dot(out2.astype(jnp.bfloat16), Wl1_ref[...].astype(jnp.bfloat16),
                preferred_element_type=jnp.float32)
        + bl1_ref[...], 0.0)
    y_ref[...] = (jnp.dot(m.astype(jnp.bfloat16),
                          Wl2_ref[...].astype(jnp.bfloat16),
                          preferred_element_type=jnp.float32)
                  + bl2_ref[...])


_tc3 = pl.pallas_call(
    _tc3_body,
    grid=(G,),
    in_specs=[
        pl.BlockSpec((NCORES, R, D), lambda i: (0, i, 0)),
        pl.BlockSpec((R, D), lambda i: (i, 0)),
        pl.BlockSpec((NCORES, R), lambda i: (0, i)),
        pl.BlockSpec((D, 10), lambda i: (0, 0)),
        pl.BlockSpec((1, 10), lambda i: (0, 0)),
        pl.BlockSpec((10, 2), lambda i: (0, 0)),
        pl.BlockSpec((1, 2), lambda i: (0, 0)),
    ],
    out_specs=pl.BlockSpec((R, 2), lambda i: (i, 0)),
    out_shape=jax.ShapeDtypeStruct((N, 2), jnp.float32),
)


def kernel(x, edge_index, W1, b1, W2, b2, Wl1, bl1, Wl2, bl2):
    ei = edge_index.astype(jnp.int32)
    eidx = jnp.stack(
        [ei[0].reshape(NROWS_E, CC), ei[1].reshape(NROWS_E, CC)], axis=1)
    zeros_d = jnp.zeros((RQ, D), jnp.float32)
    zeros_1 = jnp.zeros((ROWS_T,), jnp.float32)

    degp = _sc_degree(eidx, zeros_1).reshape(NCORES, NP)
    h1 = _tc0(x, W1)
    hp1, aux1 = _tc1(h1, degp, b1.reshape(1, D))
    acc1 = _sc_segsum(hp1, eidx, zeros_d)
    W2p = jnp.pad(W2, ((0, 0), (0, D - 20)))
    b2p = jnp.pad(b2, (0, D - 20)).reshape(1, D)
    hp2, aux2 = _tc2(acc1, aux1, degp, W2p, b2p)
    acc2 = _sc_segsum(hp2, eidx, zeros_d)
    Wl1p = jnp.pad(Wl1, ((0, D - 20), (0, 0)))
    return _tc3(acc2, aux2, degp, Wl1p, bl1.reshape(1, 10), Wl2,
                bl2.reshape(1, 2))

# --- scband reference (transcript-rebuilt; emitter-appended) ---
"""Pipeline reference for scband-gcn-50388556316688 (READ-ONLY COPY).

The authoritative reference and input builder live on the scoring server;
editing this copy changes nothing except your own understanding.
"""

import jax, jax.numpy as jnp
import numpy as np

N_NODES = 50000
N_EDGES = 1600000

def glorot(key, shape):
    lim = (6.0 / (shape[0] + shape[1])) ** 0.5
    return jax.random.uniform(key, shape, jnp.float32, -lim, lim)

def setup_inputs(seed: int = 0) -> dict:
    key = jax.random.key(seed)
    ks = jax.random.split(key, 10)
    x = jax.random.normal(ks[0], (N_NODES, 22), dtype=jnp.float32)
    edge_index = jax.random.randint(ks[1], (2, N_EDGES), 0, N_NODES, dtype=jnp.int64)
    W1 = glorot(ks[2], (22, 32)); b1 = jnp.zeros((32,), jnp.float32)
    W2 = glorot(ks[3], (32, 20)); b2 = jnp.zeros((20,), jnp.float32)
    Wl1 = glorot(ks[4], (20, 10)); bl1 = jnp.zeros((10,), jnp.float32)
    Wl2 = glorot(ks[5], (10, 2)); bl2 = jnp.zeros((2,), jnp.float32)
    return {"x": x, "edge_index": edge_index, "W1": W1, "b1": b1, "W2": W2, "b2": b2,
            "Wl1": Wl1, "bl1": bl1, "Wl2": Wl2, "bl2": bl2}

def gcn_conv(x, src, dst, W, b, num_nodes):
    # GCNConv: add self-loops, symmetric normalization D^-1/2 (A+I) D^-1/2, then XW + b
    loop = jnp.arange(num_nodes, dtype=src.dtype)
    s = jnp.concatenate([src, loop])
    d = jnp.concatenate([dst, loop])
    deg = jnp.zeros((num_nodes,), jnp.float32).at[d].add(1.0)
    dis = jnp.where(deg > 0, deg ** -0.5, 0.0)
    norm = dis[s] * dis[d]
    h = x @ W
    msg = h[s] * norm[:, None]
    out = jnp.zeros((num_nodes, W.shape[1]), jnp.float32).at[d].add(msg)
    return out + b

def reference(x, edge_index, W1, b1, W2, b2, Wl1, bl1, Wl2, bl2):
    src, dst = edge_index[0], edge_index[1]
    h = gcn_conv(x, src, dst, W1, b1, N_NODES)
    h = jax.nn.relu(h)
    # dropout p=0.5 is identity in eval mode
    h = gcn_conv(h, src, dst, W2, b2, N_NODES)
    h = jax.nn.relu(h)
    h = jax.nn.relu(h @ Wl1 + bl1)
    h = h @ Wl2 + bl2
    return h

if __name__ == "__main__":
    import jax
    _d = setup_inputs()
    print(jax.jit(kernel)(*tuple(_d.values())))

</pallas_src>

<mosaic_0001>
#map = affine_map<(d0, d1) -> (0, 0)>
#map1 = affine_map<(d0, d1) -> (0, 0, 0)>
module attributes {stable_mosaic.version = 14 : i64} {
  func.func @_sc_segsum(%arg0: i32, %arg1: i32, %arg2: memref<50176x32xf32, #tpu.memory_space<hbm>>, %arg3: memref<12500x2x128xi32, #tpu.memory_space<hbm>>, %arg4: memref<49x32xf32, #tpu.memory_space<hbm>>, %arg5: memref<2x50176x32xf32, #tpu.memory_space<hbm>>, %arg6: memref<3x2x128xi32, #tpu.memory_space<vmem>>, %arg7: memref<3x2x128xi32, #tpu.memory_space<vmem>>, %arg8: memref<3x2x128xi32, #tpu.memory_space<vmem>>, %arg9: memref<3x2x128xi32, #tpu.memory_space<vmem>>, %arg10: memref<3x128x32xf32, #tpu.memory_space<vmem>>, %arg11: memref<3x128x32xf32, #tpu.memory_space<vmem>>, %arg12: memref<49x32xf32, #tpu.memory_space<vmem>>, %arg13: memref<50176x32xf32, #tpu.memory_space<vmem_shared>>, %arg14: memref<!tpu.dma_semaphore, #tpu.memory_space<semaphore_mem>>, %arg15: memref<!tpu.dma_semaphore, #tpu.memory_space<semaphore_mem>>, %arg16: memref<!tpu.dma_semaphore, #tpu.memory_space<semaphore_mem>>, %arg17: memref<!tpu.dma_semaphore, #tpu.memory_space<semaphore_mem>>, %arg18: memref<!tpu.dma_semaphore, #tpu.memory_space<semaphore_mem>>, %arg19: memref<!tpu.dma_semaphore, #tpu.memory_space<semaphore_mem>>) attributes {dimension_semantics = [#tpu.dimension_semantics<core_parallel>, #tpu.dimension_semantics<subcore_parallel>], iteration_bounds = array<i64: 2, 16>, scalar_prefetch = 0 : i64, scratch_operands = 14 : i64, tpu.core_type = #tpu.core_type<sc_vector_subcore>, window_params = [{transform_indices = #map}, {transform_indices = #map1}, {transform_indices = #map}, {transform_indices = #map1}]} {
    %mul3A = arith.constant 16 : i32
    %mul3A_0 = arith.muli %arg0, %mul3A : i32
    %add3A = arith.addi %mul3A_0, %arg1 : i32
    "tpu.region"() ({
      %run_scoped3A = tpu.sem_alloc : memref<!tpu.dma_semaphore, #tpu.memory_space<semaphore_mem>>
      tpu.enqueue_dma source(%arg4 : memref<49x32xf32, #tpu.memory_space<hbm>>) target(%arg12 : memref<49x32xf32, #tpu.memory_space<vmem>>) target_semaphore(%run_scoped3A : memref<!tpu.dma_semaphore, #tpu.memory_space<semaphore_mem>>)
      tpu.wait_dma2 semaphore(%run_scoped3A : memref<!tpu.dma_semaphore, #tpu.memory_space<semaphore_mem>>) src(%arg4 : memref<49x32xf32, #tpu.memory_space<hbm>>) dst(%arg12 : memref<49x32xf32, #tpu.memory_space<vmem>>)
      tpu.yield
    }) : () -> ()
    %scan3A = arith.constant 0 : i32
    %scan3A_1 = arith.constant 0 : i32
    %scan3A_2 = arith.constant 64 : i32
    %scan3A_3 = arith.addi %scan3A_1, %scan3A_2 : i32
    %scan3A_4 = arith.constant 1 : i32
    scf.for %scan3A_148 = %scan3A_1 to %scan3A_3 step %scan3A_4  : i32 {
      %mul3A_149 = arith.constant 3136 : i32
      %mul3A_150 = arith.muli %arg1, %mul3A_149 : i32
      %mul3A_151 = arith.constant 49 : i32
      %mul3A_152 = arith.muli %scan3A_148, %mul3A_151 : i32
      %add3A_153 = arith.addi %mul3A_150, %mul3A_152 : i32
      "tpu.region"() ({
        %run_scoped3A = tpu.sem_alloc : memref<!tpu.dma_semaphore, #tpu.memory_space<semaphore_mem>>
        %dma_start3A_154 = arith.constant 0 : i32
        %dma_start3A_155 = tpu.memref_slice %arg13[%add3A_153, %dma_start3A_154] : memref<50176x32xf32, #tpu.memory_space<vmem_shared>> -> memref<49x32xf32, #tpu.memory_space<vmem_shared>>
        %dma_start3A_156 = arith.constant 0 : i32
        %dma_start3A_157 = tpu.memref_slice %arg13[%add3A_153, %dma_start3A_156] : memref<50176x32xf32, #tpu.memory_space<vmem_shared>> -> memref<49x32xf32, #tpu.memory_space<vmem_shared>>
        tpu.enqueue_dma source(%arg12 : memref<49x32xf32, #tpu.memory_space<vmem>>) target(%dma_start3A_157 : memref<49x32xf32, #tpu.memory_space<vmem_shared>>) target_semaphore(%run_scoped3A : memref<!tpu.dma_semaphore, #tpu.memory_space<semaphore_mem>>)
        %dma_wait3A_158 = arith.constant 0 : i32
        %dma_wait3A_159 = tpu.memref_slice %arg13[%add3A_153, %dma_wait3A_158] : memref<50176x32xf32, #tpu.memory_space<vmem_shared>> -> memref<49x32xf32, #tpu.memory_space<vmem_shared>>
        %dma_wait3A_160 = arith.constant 0 : i32
        %dma_wait3A_161 = tpu.memref_slice %arg13[%add3A_153, %dma_wait3A_160] : memref<50176x32xf32, #tpu.memory_space<vmem_shared>> -> memref<49x32xf32, #tpu.memory_space<vmem_shared>>
        tpu.wait_dma2 semaphore(%run_scoped3A : memref<!tpu.dma_semaphore, #tpu.memory_space<semaphore_mem>>) src(%arg12 : memref<49x32xf32, #tpu.memory_space<vmem>>) dst(%dma_wait3A_161 : memref<49x32xf32, #tpu.memory_space<vmem_shared>>)
        tpu.yield
      }) : () -> ()
    }
    %scan3A_5 = arith.constant 64 : i32
    %barrier3A = arith.constant 0 : index
    tpu.barrier barrier_id(%barrier3A)
    %mul3A_6 = arith.constant 390 : i32
    %mul3A_7 = arith.muli %add3A, %mul3A_6 : i32
    %min3A = arith.constant 20 : i32
    %min3A_8 = arith.minsi %add3A, %min3A : i32
    %add3A_9 = arith.addi %mul3A_7, %min3A_8 : i32
    "tpu.region"() ({
      %run_scoped3A = tpu.sem_alloc : memref<!tpu.dma_semaphore, #tpu.memory_space<semaphore_mem>>
      %dma_start3A_148 = arith.constant 0 : i32
      %dma_start3A_149 = arith.constant 0 : i32
      %dma_start3A_150 = tpu.memref_slice %arg3[%add3A_9, %dma_start3A_148, %dma_start3A_149] : memref<12500x2x128xi32, #tpu.memory_space<hbm>> -> memref<3x2x128xi32, #tpu.memory_space<hbm>>
      %dma_start3A_151 = arith.constant 0 : i32
      %dma_start3A_152 = arith.constant 0 : i32
      %dma_start3A_153 = tpu.memref_slice %arg3[%add3A_9, %dma_start3A_151, %dma_start3A_152] : memref<12500x2x128xi32, #tpu.memory_space<hbm>> -> memref<3x2x128xi32, #tpu.memory_space<hbm>>
      tpu.enqueue_dma source(%dma_start3A_153 : memref<3x2x128xi32, #tpu.memory_space<hbm>>) target(%arg6 : memref<3x2x128xi32, #tpu.memory_space<vmem>>) target_semaphore(%run_scoped3A : memref<!tpu.dma_semaphore, #tpu.memory_space<semaphore_mem>>)
      %dma_wait3A_154 = arith.constant 0 : i32
      %dma_wait3A_155 = arith.constant 0 : i32
      %dma_wait3A_156 = tpu.memref_slice %arg3[%add3A_9, %dma_wait3A_154, %dma_wait3A_155] : memref<12500x2x128xi32, #tpu.memory_space<hbm>> -> memref<3x2x128xi32, #tpu.memory_space<hbm>>
      %dma_wait3A_157 = arith.constant 0 : i32
      %dma_wait3A_158 = arith.constant 0 : i32
      %dma_wait3A_159 = tpu.memref_slice %arg3[%add3A_9, %dma_wait3A_157, %dma_wait3A_158] : memref<12500x2x128xi32, #tpu.memory_space<hbm>> -> memref<3x2x128xi32, #tpu.memory_space<hbm>>
      tpu.wait_dma2 semaphore(%run_scoped3A : memref<!tpu.dma_semaphore, #tpu.memory_space<semaphore_mem>>) src(%dma_wait3A_159 : memref<3x2x128xi32, #tpu.memory_space<hbm>>) dst(%arg6 : memref<3x2x128xi32, #tpu.memory_space<vmem>>)
      tpu.yield
    }) : () -> ()
    %dma_start3A = arith.constant 0 : i32
    %dma_start3A_10 = arith.constant 0 : i32
    %dma_start3A_11 = arith.constant 0 : i32
    %dma_start3A_12 = arith.constant 0 : i32
    %dma_start3A_13 = arith.constant 0 : i32
    %dma_start3A_14 = tpu.memref_slice %arg10[%dma_start3A_11, %dma_start3A_12, %dma_start3A_13] : memref<3x128x32xf32, #tpu.memory_space<vmem>> -> memref<1x128x32xf32, #tpu.memory_space<vmem>>
    %dma_start3A_15 = tpu.memref_squeeze %dma_start3A_14 : memref<1x128x32xf32, #tpu.memory_space<vmem>> -> memref<128x32xf32, #tpu.memory_space<vmem>>
    %dma_start3A_16 = arith.constant 0 : i32
    %dma_start3A_17 = tpu.memref_slice %arg6[%dma_start3A, %dma_start3A_10, %dma_start3A_16] : memref<3x2x128xi32, #tpu.memory_space<vmem>> -> memref<1x1x128xi32, #tpu.memory_space<vmem>>
    %dma_start3A_18 = tpu.memref_squeeze %dma_start3A_17 : memref<1x1x128xi32, #tpu.memory_space<vmem>> -> memref<128xi32, #tpu.memory_space<vmem>>
    %dma_start3A_19 = arith.constant 0 : i32
    %dma_start3A_20 = arith.constant 0 : i32
    %dma_start3A_21 = tpu.memref_slice %arg2[%dma_start3A_19, %dma_start3A_20] : memref<50176x32xf32, #tpu.memory_space<hbm>> -> memref<50176x32xf32, #tpu.memory_space<hbm>>
    tpu.enqueue_indirect_dma source(%dma_start3A_21 : memref<50176x32xf32, #tpu.memory_space<hbm>>) target(%dma_start3A_15 : memref<128x32xf32, #tpu.memory_space<vmem>>) offsets(%dma_start3A_18 : memref<128xi32, #tpu.memory_space<vmem>>) semaphore(%arg16 : memref<!tpu.dma_semaphore, #tpu.memory_space<semaphore_mem>>)
    %dma_start3A_22 = arith.constant 1 : i32
    %dma_start3A_23 = arith.constant 0 : i32
    %dma_start3A_24 = arith.constant 1 : i32
    %dma_start3A_25 = arith.constant 0 : i32
    %dma_start3A_26 = arith.constant 0 : i32
    %dma_start3A_27 = tpu.memref_slice %arg10[%dma_start3A_24, %dma_start3A_25, %dma_start3A_26] : memref<3x128x32xf32, #tpu.memory_space<vmem>> -> memref<1x128x32xf32, #tpu.memory_space<vmem>>
    %dma_start3A_28 = tpu.memref_squeeze %dma_start3A_27 : memref<1x128x32xf32, #tpu.memory_space<vmem>> -> memref<128x32xf32, #tpu.memory_space<vmem>>
    %dma_start3A_29 = arith.constant 0 : i32
    %dma_start3A_30 = tpu.memref_slice %arg6[%dma_start3A_22, %dma_start3A_23, %dma_start3A_29] : memref<3x2x128xi32, #tpu.memory_space<vmem>> -> memref<1x1x128xi32, #tpu.memory_space<vmem>>
    %dma_start3A_31 = tpu.memref_squeeze %dma_start3A_30 : memref<1x1x128xi32, #tpu.memory_space<vmem>> -> memref<128xi32, #tpu.memory_space<vmem>>
    %dma_start3A_32 = arith.constant 0 : i32
    %dma_start3A_33 = arith.constant 0 : i32
    %dma_start3A_34 = tpu.memref_slice %arg2[%dma_start3A_32, %dma_start3A_33] : memref<50176x32xf32, #tpu.memory_space<hbm>> -> memref<50176x32xf32, #tpu.memory_space<hbm>>
    tpu.enqueue_indirect_dma source(%dma_start3A_34 : memref<50176x32xf32, #tpu.memory_space<hbm>>) target(%dma_start3A_28 : memref<128x32xf32, #tpu.memory_space<vmem>>) offsets(%dma_start3A_31 : memref<128xi32, #tpu.memory_space<vmem>>) semaphore(%arg16 : memref<!tpu.dma_semaphore, #tpu.memory_space<semaphore_mem>>)
    %dma_start3A_35 = arith.constant 2 : i32
    %dma_start3A_36 = arith.constant 0 : i32
    %dma_start3A_37 = arith.constant 2 : i32
    %dma_start3A_38 = arith.constant 0 : i32
    %dma_start3A_39 = arith.constant 0 : i32
    %dma_start3A_40 = tpu.memref_slice %arg10[%dma_start3A_37, %dma_start3A_38, %dma_start3A_39] : memref<3x128x32xf32, #tpu.memory_space<vmem>> -> memref<1x128x32xf32, #tpu.memory_space<vmem>>
    %dma_start3A_41 = tpu.memref_squeeze %dma_start3A_40 : memref<1x128x32xf32, #tpu.memory_space<vmem>> -> memref<128x32xf32, #tpu.memory_space<vmem>>
    %dma_start3A_42 = arith.constant 0 : i32
    %dma_start3A_43 = tpu.memref_slice %arg6[%dma_start3A_35, %dma_start3A_36, %dma_start3A_42] : memref<3x2x128xi32, #tpu.memory_space<vmem>> -> memref<1x1x128xi32, #tpu.memory_space<vmem>>
    %dma_start3A_44 = tpu.memref_squeeze %dma_start3A_43 : memref<1x1x128xi32, #tpu.memory_space<vmem>> -> memref<128xi32, #tpu.memory_space<vmem>>
    %dma_start3A_45 = arith.constant 0 : i32
    %dma_start3A_46 = arith.constant 0 : i32
    %dma_start3A_47 = tpu.memref_slice %arg2[%dma_start3A_45, %dma_start3A_46] : memref<50176x32xf32, #tpu.memory_space<hbm>> -> memref<50176x32xf32, #tpu.memory_space<hbm>>
    tpu.enqueue_indirect_dma source(%dma_start3A_47 : memref<50176x32xf32, #tpu.memory_space<hbm>>) target(%dma_start3A_41 : memref<128x32xf32, #tpu.memory_space<vmem>>) offsets(%dma_start3A_44 : memref<128xi32, #tpu.memory_space<vmem>>) semaphore(%arg16 : memref<!tpu.dma_semaphore, #tpu.memory_space<semaphore_mem>>)
    %add3A_48 = arith.constant 3 : i32
    %add3A_49 = arith.addi %add3A_9, %add3A_48 : i32
    %dma_start3A_50 = arith.constant 0 : i32
    %dma_start3A_51 = arith.constant 0 : i32
    %dma_start3A_52 = tpu.memref_slice %arg3[%add3A_49, %dma_start3A_50, %dma_start3A_51] : memref<12500x2x128xi32, #tpu.memory_space<hbm>> -> memref<3x2x128xi32, #tpu.memory_space<hbm>>
    %dma_start3A_53 = arith.constant 0 : i32
    %dma_start3A_54 = arith.constant 0 : i32
    %dma_start3A_55 = tpu.memref_slice %arg3[%add3A_49, %dma_start3A_53, %dma_start3A_54] : memref<12500x2x128xi32, #tpu.memory_space<hbm>> -> memref<3x2x128xi32, #tpu.memory_space<hbm>>
    tpu.enqueue_dma source(%dma_start3A_55 : memref<3x2x128xi32, #tpu.memory_space<hbm>>) target(%arg7 : memref<3x2x128xi32, #tpu.memory_space<vmem>>) target_semaphore(%arg15 : memref<!tpu.dma_semaphore, #tpu.memory_space<semaphore_mem>>)
    %scan3A_56 = arith.constant 0 : i32
    %scan3A_57 = arith.constant 0 : i32
    %scan3A_58 = arith.constant 65 : i32
    %scan3A_59 = arith.addi %scan3A_57, %scan3A_58 : i32
    %scan3A_60 = arith.constant 1 : i32
    scf.for %scan3A_148 = %scan3A_57 to %scan3A_59 step %scan3A_60  : i32 {
      %mul3A_149 = arith.constant 2 : i32
      %mul3A_150 = arith.muli %mul3A_149, %scan3A_148 : i32
      %ge3A = arith.constant 1 : i32
      %ge3A_151 = arith.cmpi sge, %mul3A_150, %ge3A : i32
      %add3A_152 = arith.constant 1 : i32
      %add3A_153 = arith.addi %mul3A_150, %add3A_152 : i32
      %lt3A_154 = arith.constant 130 : i32
      %lt3A_155 = arith.cmpi slt, %add3A_153, %lt3A_154 : i32
      %and3A = arith.andi %ge3A_151, %lt3A_155 : i1
      %convert_element_type3A_156 = arith.extui %and3A : i1 to i32
      %cond3A_157 = arith.constant 0 : i32
      %cond3A_158 = arith.cmpi ne, %convert_element_type3A_156, %cond3A_157 : i32
      scf.if %cond3A_158 {
        %dma_wait3A_1073 = arith.constant 0 : i32
        %dma_wait3A_1074 = arith.constant 0 : i32
        %dma_wait3A_1075 = arith.constant 1 : i32
        %dma_wait3A_1076 = arith.constant 0 : i32
        %dma_wait3A_1077 = arith.constant 0 : i32
        %dma_wait3A_1078 = tpu.memref_slice %arg11[%dma_wait3A_1073, %dma_wait3A_1076, %dma_wait3A_1077] : memref<3x128x32xf32, #tpu.memory_space<vmem>> -> memref<1x128x32xf32, #tpu.memory_space<vmem>>
        %dma_wait3A_1079 = tpu.memref_squeeze %dma_wait3A_1078 : memref<1x128x32xf32, #tpu.memory_space<vmem>> -> memref<128x32xf32, #tpu.memory_space<vmem>>
        %dma_wait3A_1080 = arith.constant 0 : i32
        %dma_wait3A_1081 = tpu.memref_slice %arg9[%dma_wait3A_1074, %dma_wait3A_1075, %dma_wait3A_1080] : memref<3x2x128xi32, #tpu.memory_space<vmem>> -> memref<1x1x128xi32, #tpu.memory_space<vmem>>
        %dma_wait3A_1082 = tpu.memref_squeeze %dma_wait3A_1081 : memref<1x1x128xi32, #tpu.memory_space<vmem>> -> memref<128xi32, #tpu.memory_space<vmem>>
        %dma_wait3A_1083 = arith.constant 0 : i32
        %dma_wait3A_1084 = arith.constant 0 : i32
        %dma_wait3A_1085 = tpu.memref_slice %arg13[%dma_wait3A_1083, %dma_wait3A_1084] : memref<50176x32xf32, #tpu.memory_space<vmem_shared>> -> memref<50176x32xf32, #tpu.memory_space<vmem_shared>>
        tpu.wait_indirect_dma semaphore(%arg19 : memref<!tpu.dma_semaphore, #tpu.memory_space<semaphore_mem>>) src(%dma_wait3A_1079 : memref<128x32xf32, #tpu.memory_space<vmem>>) dst(%dma_wait3A_1085 : memref<50176x32xf32, #tpu.memory_space<vmem_shared>>)
        %dma_wait3A_1086 = arith.constant 1 : i32
        %dma_wait3A_1087 = arith.constant 1 : i32
        %dma_wait3A_1088 = arith.constant 1 : i32
        %dma_wait3A_1089 = arith.constant 0 : i32
        %dma_wait3A_1090 = arith.constant 0 : i32
        %dma_wait3A_1091 = tpu.memref_slice %arg11[%dma_wait3A_1086, %dma_wait3A_1089, %dma_wait3A_1090] : memref<3x128x32xf32, #tpu.memory_space<vmem>> -> memref<1x128x32xf32, #tpu.memory_space<vmem>>
        %dma_wait3A_1092 = tpu.memref_squeeze %dma_wait3A_1091 : memref<1x128x32xf32, #tpu.memory_space<vmem>> -> memref<128x32xf32, #tpu.memory_space<vmem>>
        %dma_wait3A_1093 = arith.constant 0 : i32
        %dma_wait3A_1094 = tpu.memref_slice %arg9[%dma_wait3A_1087, %dma_wait3A_1088, %dma_wait3A_1093] : memref<3x2x128xi32, #tpu.memory_space<vmem>> -> memref<1x1x128xi32, #tpu.memory_space<vmem>>
        %dma_wait3A_1095 = tpu.memref_squeeze %dma_wait3A_1094 : memref<1x1x128xi32, #tpu.memory_space<vmem>> -> memref<128xi32, #tpu.memory_space<vmem>>
        %dma_wait3A_1096 = arith.constant 0 : i32
        %dma_wait3A_1097 = arith.constant 0 : i32
        %dma_wait3A_1098 = tpu.memref_slice %arg13[%dma_wait3A_1096, %dma_wait3A_1097] : memref<50176x32xf32, #tpu.memory_space<vmem_shared>> -> memref<50176x32xf32, #tpu.memory_space<vmem_shared>>
        tpu.wait_indirect_dma semaphore(%arg19 : memref<!tpu.dma_semaphore, #tpu.memory_space<semaphore_mem>>) src(%dma_wait3A_1092 : memref<128x32xf32, #tpu.memory_space<vmem>>) dst(%dma_wait3A_1098 : memref<50176x32xf32, #tpu.memory_space<vmem_shared>>)
        %dma_wait3A_1099 = arith.constant 2 : i32
        %dma_wait3A_1100 = arith.constant 2 : i32
        %dma_wait3A_1101 = arith.constant 1 : i32
        %dma_wait3A_1102 = arith.constant 0 : i32
        %dma_wait3A_1103 = arith.constant 0 : i32
        %dma_wait3A_1104 = tpu.memref_slice %arg11[%dma_wait3A_1099, %dma_wait3A_1102, %dma_wait3A_1103] : memref<3x128x32xf32, #tpu.memory_space<vmem>> -> memref<1x128x32xf32, #tpu.memory_space<vmem>>
        %dma_wait3A_1105 = tpu.memref_squeeze %dma_wait3A_1104 : memref<1x128x32xf32, #tpu.memory_space<vmem>> -> memref<128x32xf32, #tpu.memory_space<vmem>>
        %dma_wait3A_1106 = arith.constant 0 : i32
        %dma_wait3A_1107 = tpu.memref_slice %arg9[%dma_wait3A_1100, %dma_wait3A_1101, %dma_wait3A_1106] : memref<3x2x128xi32, #tpu.memory_space<vmem>> -> memref<1x1x128xi32, #tpu.memory_space<vmem>>
        %dma_wait3A_1108 = tpu.memref_squeeze %dma_wait3A_1107 : memref<1x1x128xi32, #tpu.memory_space<vmem>> -> memref<128xi32, #tpu.memory_space<vmem>>
        %dma_wait3A_1109 = arith.constant 0 : i32
        %dma_wait3A_1110 = arith.constant 0 : i32
        %dma_wait3A_1111 = tpu.memref_slice %arg13[%dma_wait3A_1109, %dma_wait3A_1110] : memref<50176x32xf32, #tpu.memory_space<vmem_shared>> -> memref<50176x32xf32, #tpu.memory_space<vmem_shared>>
        tpu.wait_indirect_dma semaphore(%arg19 : memref<!tpu.dma_semaphore, #tpu.memory_space<semaphore_mem>>) src(%dma_wait3A_1105 : memref<128x32xf32, #tpu.memory_space<vmem>>) dst(%dma_wait3A_1111 : memref<50176x32xf32, #tpu.memory_space<vmem_shared>>)
      } else {
      }
      %add3A_159 = arith.constant 1 : i32
      %add3A_160 = arith.addi %mul3A_150, %add3A_159 : i32
      %lt3A_161 = arith.constant 130 : i32
      %lt3A_162 = arith.cmpi slt, %add3A_160, %lt3A_161 : i32
      %convert_element_type3A_163 = arith.extui %lt3A_162 : i1 to i32
      %cond3A_164 = arith.constant 0 : i32
      %cond3A_165 = arith.cmpi ne, %convert_element_type3A_163, %cond3A_164 : i32
      scf.if %cond3A_165 {
        %add3A_1073 = arith.constant 1 : i32
        %add3A_1074 = arith.addi %mul3A_150, %add3A_1073 : i32
        %mul3A_1075 = arith.constant 3 : i32
        %mul3A_1076 = arith.muli %add3A_1074, %mul3A_1075 : i32
        %add3A_1077 = arith.addi %add3A_9, %mul3A_1076 : i32
        %dma_wait3A_1078 = arith.constant 0 : i32
        %dma_wait3A_1079 = arith.constant 0 : i32
        %dma_wait3A_1080 = tpu.memref_slice %arg3[%add3A_1077, %dma_wait3A_1078, %dma_wait3A_1079] : memref<12500x2x128xi32, #tpu.memory_space<hbm>> -> memref<3x2x128xi32, #tpu.memory_space<hbm>>
        %dma_wait3A_1081 = arith.constant 0 : i32
        %dma_wait3A_1082 = arith.constant 0 : i32
        %dma_wait3A_1083 = tpu.memref_slice %arg3[%add3A_1077, %dma_wait3A_1081, %dma_wait3A_1082] : memref<12500x2x128xi32, #tpu.memory_space<hbm>> -> memref<3x2x128xi32, #tpu.memory_space<hbm>>
        tpu.wait_dma2 semaphore(%arg15 : memref<!tpu.dma_semaphore, #tpu.memory_space<semaphore_mem>>) src(%dma_wait3A_1083 : memref<3x2x128xi32, #tpu.memory_space<hbm>>) dst(%arg7 : memref<3x2x128xi32, #tpu.memory_space<vmem>>)
        %dma_start3A_1084 = arith.constant 0 : i32
        %dma_start3A_1085 = arith.constant 0 : i32
        %dma_start3A_1086 = arith.constant 0 : i32
        %dma_start3A_1087 = arith.constant 0 : i32
        %dma_start3A_1088 = arith.constant 0 : i32
        %dma_start3A_1089 = tpu.memref_slice %arg11[%dma_start3A_1086, %dma_start3A_1087, %dma_start3A_1088] : memref<3x128x32xf32, #tpu.memory_space<vmem>> -> memref<1x128x32xf32, #tpu.memory_space<vmem>>
        %dma_start3A_1090 = tpu.memref_squeeze %dma_start3A_1089 : memref<1x128x32xf32, #tpu.memory_space<vmem>> -> memref<128x32xf32, #tpu.memory_space<vmem>>
        %dma_start3A_1091 = arith.constant 0 : i32
        %dma_start3A_1092 = tpu.memref_slice %arg7[%dma_start3A_1084, %dma_start3A_1085, %dma_start3A_1091] : memref<3x2x128xi32, #tpu.memory_space<vmem>> -> memref<1x1x128xi32, #tpu.memory_space<vmem>>
        %dma_start3A_1093 = tpu.memref_squeeze %dma_start3A_1092 : memref<1x1x128xi32, #tpu.memory_space<vmem>> -> memref<128xi32, #tpu.memory_space<vmem>>
        %dma_start3A_1094 = arith.constant 0 : i32
        %dma_start3A_1095 = arith.constant 0 : i32
        %dma_start3A_1096 = tpu.memref_slice %arg2[%dma_start3A_1094, %dma_start3A_1095] : memref<50176x32xf32, #tpu.memory_space<hbm>> -> memref<50176x32xf32, #tpu.memory_space<hbm>>
        tpu.enqueue_indirect_dma source(%dma_start3A_1096 : memref<50176x32xf32, #tpu.memory_space<hbm>>) target(%dma_start3A_1090 : memref<128x32xf32, #tpu.memory_space<vmem>>) offsets(%dma_start3A_1093 : memref<128xi32, #tpu.memory_space<vmem>>) semaphore(%arg17 : memref<!tpu.dma_semaphore, #tpu.memory_space<semaphore_mem>>)
        %dma_start3A_1097 = arith.constant 1 : i32
        %dma_start3A_1098 = arith.constant 0 : i32
        %dma_start3A_1099 = arith.constant 1 : i32
        %dma_start3A_1100 = arith.constant 0 : i32
        %dma_start3A_1101 = arith.constant 0 : i32
        %dma_start3A_1102 = tpu.memref_slice %arg11[%dma_start3A_1099, %dma_start3A_1100, %dma_start3A_1101] : memref<3x128x32xf32, #tpu.memory_space<vmem>> -> memref<1x128x32xf32, #tpu.memory_space<vmem>>
        %dma_start3A_1103 = tpu.memref_squeeze %dma_start3A_1102 : memref<1x128x32xf32, #tpu.memory_space<vmem>> -> memref<128x32xf32, #tpu.memory_space<vmem>>
        %dma_start3A_1104 = arith.constant 0 : i32
        %dma_start3A_1105 = tpu.memref_slice %arg7[%dma_start3A_1097, %dma_start3A_1098, %dma_start3A_1104] : memref<3x2x128xi32, #tpu.memory_space<vmem>> -> memref<1x1x128xi32, #tpu.memory_space<vmem>>
        %dma_start3A_1106 = tpu.memref_squeeze %dma_start3A_1105 : memref<1x1x128xi32, #tpu.memory_space<vmem>> -> memref<128xi32, #tpu.memory_space<vmem>>
        %dma_start3A_1107 = arith.constant 0 : i32
        %dma_start3A_1108 = arith.constant 0 : i32
        %dma_start3A_1109 = tpu.memref_slice %arg2[%dma_start3A_1107, %dma_start3A_1108] : memref<50176x32xf32, #tpu.memory_space<hbm>> -> memref<50176x32xf32, #tpu.memory_space<hbm>>
        tpu.enqueue_indirect_dma source(%dma_start3A_1109 : memref<50176x32xf32, #tpu.memory_space<hbm>>) target(%dma_start3A_1103 : memref<128x32xf32, #tpu.memory_space<vmem>>) offsets(%dma_start3A_1106 : memref<128xi32, #tpu.memory_space<vmem>>) semaphore(%arg17 : memref<!tpu.dma_semaphore, #tpu.memory_space<semaphore_mem>>)
        %dma_start3A_1110 = arith.constant 2 : i32
        %dma_start3A_1111 = arith.constant 0 : i32
        %dma_start3A_1112 = arith.constant 2 : i32
        %dma_start3A_1113 = arith.constant 0 : i32
        %dma_start3A_1114 = arith.constant 0 : i32
        %dma_start3A_1115 = tpu.memref_slice %arg11[%dma_start3A_1112, %dma_start3A_1113, %dma_start3A_1114] : memref<3x128x32xf32, #tpu.memory_space<vmem>> -> memref<1x128x32xf32, #tpu.memory_space<vmem>>
        %dma_start3A_1116 = tpu.memref_squeeze %dma_start3A_1115 : memref<1x128x32xf32, #tpu.memory_space<vmem>> -> memref<128x32xf32, #tpu.memory_space<vmem>>
        %dma_start3A_1117 = arith.constant 0 : i32
        %dma_start3A_1118 = tpu.memref_slice %arg7[%dma_start3A_1110, %dma_start3A_1111, %dma_start3A_1117] : memref<3x2x128xi32, #tpu.memory_space<vmem>> -> memref<1x1x128xi32, #tpu.memory_space<vmem>>
        %dma_start3A_1119 = tpu.memref_squeeze %dma_start3A_1118 : memref<1x1x128xi32, #tpu.memory_space<vmem>> -> memref<128xi32, #tpu.memory_space<vmem>>
        %dma_start3A_1120 = arith.constant 0 : i32
        %dma_start3A_1121 = arith.constant 0 : i32
        %dma_start3A_1122 = tpu.memref_slice %arg2[%dma_start3A_1120, %dma_start3A_1121] : memref<50176x32xf32, #tpu.memory_space<hbm>> -> memref<50176x32xf32, #tpu.memory_space<hbm>>
        tpu.enqueue_indirect_dma source(%dma_start3A_1122 : memref<50176x32xf32, #tpu.memory_space<hbm>>) target(%dma_start3A_1116 : memref<128x32xf32, #tpu.memory_space<vmem>>) offsets(%dma_start3A_1119 : memref<128xi32, #tpu.memory_space<vmem>>) semaphore(%arg17 : memref<!tpu.dma_semaphore, #tpu.memory_space<semaphore_mem>>)
      } else {
      }
      %dma_wait3A_166 = arith.constant 0 : i32
      %dma_wait3A_167 = arith.constant 0 : i32
      %dma_wait3A_168 = arith.constant 0 : i32
      %dma_wait3A_169 = arith.constant 0 : i32
      %dma_wait3A_170 = arith.constant 0 : i32
      %dma_wait3A_171 = tpu.memref_slice %arg10[%dma_wait3A_168, %dma_wait3A_169, %dma_wait3A_170] : memref<3x128x32xf32, #tpu.memory_space<vmem>> -> memref<1x128x32xf32, #tpu.memory_space<vmem>>
      %dma_wait3A_172 = tpu.memref_squeeze %dma_wait3A_171 : memref<1x128x32xf32, #tpu.memory_space<vmem>> -> memref<128x32xf32, #tpu.memory_space<vmem>>
      %dma_wait3A_173 = arith.constant 0 : i32
      %dma_wait3A_174 = tpu.memref_slice %arg6[%dma_wait3A_166, %dma_wait3A_167, %dma_wait3A_173] : memref<3x2x128xi32, #tpu.memory_space<vmem>> -> memref<1x1x128xi32, #tpu.memory_space<vmem>>
      %dma_wait3A_175 = tpu.memref_squeeze %dma_wait3A_174 : memref<1x1x128xi32, #tpu.memory_space<vmem>> -> memref<128xi32, #tpu.memory_space<vmem>>
      %dma_wait3A_176 = arith.constant 0 : i32
      %dma_wait3A_177 = arith.constant 0 : i32
      %dma_wait3A_178 = tpu.memref_slice %arg2[%dma_wait3A_176, %dma_wait3A_177] : memref<50176x32xf32, #tpu.memory_space<hbm>> -> memref<50176x32xf32, #tpu.memory_space<hbm>>
      tpu.wait_indirect_dma semaphore(%arg16 : memref<!tpu.dma_semaphore, #tpu.memory_space<semaphore_mem>>) src(%dma_wait3A_178 : memref<50176x32xf32, #tpu.memory_space<hbm>>) dst(%dma_wait3A_172 : memref<128x32xf32, #tpu.memory_space<vmem>>)
      %dma_wait3A_179 = arith.constant 1 : i32
      %dma_wait3A_180 = arith.constant 0 : i32
      %dma_wait3A_181 = arith.constant 1 : i32
      %dma_wait3A_182 = arith.constant 0 : i32
      %dma_wait3A_183 = arith.constant 0 : i32
      %dma_wait3A_184 = tpu.memref_slice %arg10[%dma_wait3A_181, %dma_wait3A_182, %dma_wait3A_183] : memref<3x128x32xf32, #tpu.memory_space<vmem>> -> memref<1x128x32xf32, #tpu.memory_space<vmem>>
      %dma_wait3A_185 = tpu.memref_squeeze %dma_wait3A_184 : memref<1x128x32xf32, #tpu.memory_space<vmem>> -> memref<128x32xf32, #tpu.memory_space<vmem>>
      %dma_wait3A_186 = arith.constant 0 : i32
      %dma_wait3A_187 = tpu.memref_slice %arg6[%dma_wait3A_179, %dma_wait3A_180, %dma_wait3A_186] : memref<3x2x128xi32, #tpu.memory_space<vmem>> -> memref<1x1x128xi32, #tpu.memory_space<vmem>>
      %dma_wait3A_188 = tpu.memref_squeeze %dma_wait3A_187 : memref<1x1x128xi32, #tpu.memory_space<vmem>> -> memref<128xi32, #tpu.memory_space<vmem>>
      %dma_wait3A_189 = arith.constant 0 : i32
      %dma_wait3A_190 = arith.constant 0 : i32
      %dma_wait3A_191 = tpu.memref_slice %arg2[%dma_wait3A_189, %dma_wait3A_190] : memref<50176x32xf32, #tpu.memory_space<hbm>> -> memref<50176x32xf32, #tpu.memory_space<hbm>>
      tpu.wait_indirect_dma semaphore(%arg16 : memref<!tpu.dma_semaphore, #tpu.memory_space<semaphore_mem>>) src(%dma_wait3A_191 : memref<50176x32xf32, #tpu.memory_space<hbm>>) dst(%dma_wait3A_185 : memref<128x32xf32, #tpu.memory_space<vmem>>)
      %dma_wait3A_192 = arith.constant 2 : i32
      %dma_wait3A_193 = arith.constant 0 : i32
      %dma_wait3A_194 = arith.constant 2 : i32
      %dma_wait3A_195 = arith.constant 0 : i32
      %dma_wait3A_196 = arith.constant 0 : i32
      %dma_wait3A_197 = tpu.memref_slice %arg10[%dma_wait3A_194, %dma_wait3A_195, %dma_wait3A_196] : memref<3x128x32xf32, #tpu.memory_space<vmem>> -> memref<1x128x32xf32, #tpu.memory_space<vmem>>
      %dma_wait3A_198 = tpu.memref_squeeze %dma_wait3A_197 : memref<1x128x32xf32, #tpu.memory_space<vmem>> -> memref<128x32xf32, #tpu.memory_space<vmem>>
      %dma_wait3A_199 = arith.constant 0 : i32
      %dma_wait3A_200 = tpu.memref_slice %arg6[%dma_wait3A_192, %dma_wait3A_193, %dma_wait3A_199] : memref<3x2x128xi32, #tpu.memory_space<vmem>> -> memref<1x1x128xi32, #tpu.memory_space<vmem>>
      %dma_wait3A_201 = tpu.memref_squeeze %dma_wait3A_200 : memref<1x1x128xi32, #tpu.memory_space<vmem>> -> memref<128xi32, #tpu.memory_space<vmem>>
      %dma_wait3A_202 = arith.constant 0 : i32
      %dma_wait3A_203 = arith.constant 0 : i32
      %dma_wait3A_204 = tpu.memref_slice %arg2[%dma_wait3A_202, %dma_wait3A_203] : memref<50176x32xf32, #tpu.memory_space<hbm>> -> memref<50176x32xf32, #tpu.memory_space<hbm>>
      tpu.wait_indirect_dma semaphore(%arg16 : memref<!tpu.dma_semaphore, #tpu.memory_space<semaphore_mem>>) src(%dma_wait3A_204 : memref<50176x32xf32, #tpu.memory_space<hbm>>) dst(%dma_wait3A_198 : memref<128x32xf32, #tpu.memory_space<vmem>>)
      %get3A = arith.constant 0 : i32
      %get3A_205 = arith.constant 1 : i32
      %get3A_206 = arith.index_cast %get3A : i32 to index
      %get3A_207 = arith.index_cast %get3A_205 : i32 to index
      %get3A_208 = arith.constant 0 : index
      %get3A_209 = tpu.vector_load %arg6[%get3A_206, %get3A_207, %get3A_208] {strides = array<i32>} : memref<3x2x128xi32, #tpu.memory_space<vmem>>, vector<1x1x16xi32>,
      %get3A_210 = vector.shape_cast %get3A_209 : vector<1x1x16xi32> to vector<16xi32>
      %swap3A = arith.constant 0 : i32
      %swap3A_211 = arith.constant 1 : i32
      %swap3A_212 = arith.index_cast %swap3A : i32 to index
      %swap3A_213 = arith.index_cast %swap3A_211 : i32 to index
      %swap3A_214 = arith.constant 0 : index
      %swap3A_215 = tpu.vector_load %arg8[%swap3A_212, %swap3A_213, %swap3A_214] {strides = array<i32>} : memref<3x2x128xi32, #tpu.memory_space<vmem>>, vector<1x1x16xi32>,
      %swap3A_216 = vector.shape_cast %swap3A_215 : vector<1x1x16xi32> to vector<16xi32>
      %swap3A_217 = vector.shape_cast %get3A_210 : vector<16xi32> to vector<1x1x16xi32>
      tpu.vector_store %arg8[%swap3A_212, %swap3A_213, %swap3A_214], %swap3A_217 {strides = array<i32>} : memref<3x2x128xi32, #tpu.memory_space<vmem>>, vector<1x1x16xi32>,
      %get3A_218 = arith.constant 0 : i32
      %get3A_219 = arith.constant 1 : i32
      %get3A_220 = arith.index_cast %get3A_218 : i32 to index
      %get3A_221 = arith.index_cast %get3A_219 : i32 to index
      %get3A_222 = arith.constant 16 : index
      %get3A_223 = tpu.vector_load %arg6[%get3A_220, %get3A_221, %get3A_222] {strides = array<i32>} : memref<3x2x128xi32, #tpu.memory_space<vmem>>, vector<1x1x16xi32>,
      %get3A_224 = vector.shape_cast %get3A_223 : vector<1x1x16xi32> to vector<16xi32>
      %swap3A_225 = arith.constant 0 : i32
      %swap3A_226 = arith.constant 1 : i32
      %swap3A_227 = arith.index_cast %swap3A_225 : i32 to index
      %swap3A_228 = arith.index_cast %swap3A_226 : i32 to index
      %swap3A_229 = arith.constant 16 : index
      %swap3A_230 = tpu.vector_load %arg8[%swap3A_227, %swap3A_228, %swap3A_229] {strides = array<i32>} : memref<3x2x128xi32, #tpu.memory_space<vmem>>, vector<1x1x16xi32>,
      %swap3A_231 = vector.shape_cast %swap3A_230 : vector<1x1x16xi32> to vector<16xi32>
      %swap3A_232 = vector.shape_cast %get3A_224 : vector<16xi32> to vector<1x1x16xi32>
      tpu.vector_store %arg8[%swap3A_227, %swap3A_228, %swap3A_229], %swap3A_232 {strides = array<i32>} : memref<3x2x128xi32, #tpu.memory_space<vmem>>, vector<1x1x16xi32>,
      %get3A_233 = arith.constant 0 : i32
      %get3A_234 = arith.constant 1 : i32
      %get3A_235 = arith.index_cast %get3A_233 : i32 to index
      %get3A_236 = arith.index_cast %get3A_234 : i32 to index
      %get3A_237 = arith.constant 32 : index
      %get3A_238 = tpu.vector_load %arg6[%get3A_235, %get3A_236, %get3A_237] {strides = array<i32>} : memref<3x2x128xi32, #tpu.memory_space<vmem>>, vector<1x1x16xi32>,
      %get3A_239 = vector.shape_cast %get3A_238 : vector<1x1x16xi32> to vector<16xi32>
      %swap3A_240 = arith.constant 0 : i32
      %swap3A_241 = arith.constant 1 : i32
      %swap3A_242 = arith.index_cast %swap3A_240 : i32 to index
      %swap3A_243 = arith.index_cast %swap3A_241 : i32 to index
      %swap3A_244 = arith.constant 32 : index
      %swap3A_245 = tpu.vector_load %arg8[%swap3A_242, %swap3A_243, %swap3A_244] {strides = array<i32>} : memref<3x2x128xi32, #tpu.memory_space<vmem>>, vector<1x1x16xi32>,
      %swap3A_246 = vector.shape_cast %swap3A_245 : vector<1x1x16xi32> to vector<16xi32>
      %swap3A_247 = vector.shape_cast %get3A_239 : vector<16xi32> to vector<1x1x16xi32>
      tpu.vector_store %arg8[%swap3A_242, %swap3A_243, %swap3A_244], %swap3A_247 {strides = array<i32>} : memref<3x2x128xi32, #tpu.memory_space<vmem>>, vector<1x1x16xi32>,
      %get3A_248 = arith.constant 0 : i32
      %get3A_249 = arith.constant 1 : i32
      %get3A_250 = arith.index_cast %get3A_248 : i32 to index
      %get3A_251 = arith.index_cast %get3A_249 : i32 to index
      %get3A_252 = arith.constant 48 : index
      %get3A_253 = tpu.vector_load %arg6[%get3A_250, %get3A_251, %get3A_252] {strides = array<i32>} : memref<3x2x128xi32, #tpu.memory_space<vmem>>, vector<1x1x16xi32>,
      %get3A_254 = vector.shape_cast %get3A_253 : vector<1x1x16xi32> to vector<16xi32>
      %swap3A_255 = arith.constant 0 : i32
      %swap3A_256 = arith.constant 1 : i32
      %swap3A_257 = arith.index_cast %swap3A_255 : i32 to index
      %swap3A_258 = arith.index_cast %swap3A_256 : i32 to index
      %swap3A_259 = arith.constant 48 : index
      %swap3A_260 = tpu.vector_load %arg8[%swap3A_257, %swap3A_258, %swap3A_259] {strides = array<i32>} : memref<3x2x128xi32, #tpu.memory_space<vmem>>, vector<1x1x16xi32>,
      %swap3A_261 = vector.shape_cast %swap3A_260 : vector<1x1x16xi32> to vector<16xi32>
      %swap3A_262 = vector.shape_cast %get3A_254 : vector<16xi32> to vector<1x1x16xi32>
      tpu.vector_store %arg8[%swap3A_257, %swap3A_258, %swap3A_259], %swap3A_262 {strides = array<i32>} : memref<3x2x128xi32, #tpu.memory_space<vmem>>, vector<1x1x16xi32>,
      %get3A_263 = arith.constant 0 : i32
      %get3A_264 = arith.constant 1 : i32
      %get3A_265 = arith.index_cast %get3A_263 : i32 to index
      %get3A_266 = arith.index_cast %get3A_264 : i32 to index
      %get3A_267 = arith.constant 64 : index
      %get3A_268 = tpu.vector_load %arg6[%get3A_265, %get3A_266, %get3A_267] {strides = array<i32>} : memref<3x2x128xi32, #tpu.memory_space<vmem>>, vector<1x1x16xi32>,
      %get3A_269 = vector.shape_cast %get3A_268 : vector<1x1x16xi32> to vector<16xi32>
      %swap3A_270 = arith.constant 0 : i32
      %swap3A_271 = arith.constant 1 : i32
      %swap3A_272 = arith.index_cast %swap3A_270 : i32 to index
      %swap3A_273 = arith.index_cast %swap3A_271 : i32 to index
      %swap3A_274 = arith.constant 64 : index
      %swap3A_275 = tpu.vector_load %arg8[%swap3A_272, %swap3A_273, %swap3A_274] {strides = array<i32>} : memref<3x2x128xi32, #tpu.memory_space<vmem>>, vector<1x1x16xi32>,
      %swap3A_276 = vector.shape_cast %swap3A_275 : vector<1x1x16xi32> to vector<16xi32>
      %swap3A_277 = vector.shape_cast %get3A_269 : vector<16xi32> to vector<1x1x16xi32>
      tpu.vector_store %arg8[%swap3A_272, %swap3A_273, %swap3A_274], %swap3A_277 {strides = array<i32>} : memref<3x2x128xi32, #tpu.memory_space<vmem>>, vector<1x1x16xi32>,
      %get3A_278 = arith.constant 0 : i32
      %get3A_279 = arith.constant 1 : i32
      %get3A_280 = arith.index_cast %get3A_278 : i32 to index
      %get3A_281 = arith.index_cast %get3A_279 : i32 to index
      %get3A_282 = arith.constant 80 : index
      %get3A_283 = tpu.vector_load %arg6[%get3A_280, %get3A_281, %get3A_282] {strides = array<i32>} : memref<3x2x128xi32, #tpu.memory_space<vmem>>, vector<1x1x16xi32>,
      %get3A_284 = vector.shape_cast %get3A_283 : vector<1x1x16xi32> to vector<16xi32>
      %swap3A_285 = arith.constant 0 : i32
      %swap3A_286 = arith.constant 1 : i32
      %swap3A_287 = arith.index_cast %swap3A_285 : i32 to index
      %swap3A_288 = arith.index_cast %swap3A_286 : i32 to index
      %swap3A_289 = arith.constant 80 : index
      %swap3A_290 = tpu.vector_load %arg8[%swap3A_287, %swap3A_288, %swap3A_289] {strides = array<i32>} : memref<3x2x128xi32, #tpu.memory_space<vmem>>, vector<1x1x16xi32>,
      %swap3A_291 = vector.shape_cast %swap3A_290 : vector<1x1x16xi32> to vector<16xi32>
      %swap3A_292 = vector.shape_cast %get3A_284 : vector<16xi32> to vector<1x1x16xi32>
      tpu.vector_store %arg8[%swap3A_287, %swap3A_288, %swap3A_289], %swap3A_292 {strides = array<i32>} : memref<3x2x128xi32, #tpu.memory_space<vmem>>, vector<1x1x16xi32>,
      %get3A_293 = arith.constant 0 : i32
      %get3A_294 = arith.constant 1 : i32
      %get3A_295 = arith.index_cast %get3A_293 : i32 to index
      %get3A_296 = arith.index_cast %get3A_294 : i32 to index
      %get3A_297 = arith.constant 96 : index
      %get3A_298 = tpu.vector_load %arg6[%get3A_295, %get3A_296, %get3A_297] {strides = array<i32>} : memref<3x2x128xi32, #tpu.memory_space<vmem>>, vector<1x1x16xi32>,
      %get3A_299 = vector.shape_cast %get3A_298 : vector<1x1x16xi32> to vector<16xi32>
      %swap3A_300 = arith.constant 0 : i32
      %swap3A_301 = arith.constant 1 : i32
      %swap3A_302 = arith.index_cast %swap3A_300 : i32 to index
      %swap3A_303 = arith.index_cast %swap3A_301 : i32 to index
      %swap3A_304 = arith.constant 96 : index
      %swap3A_305 = tpu.vector_load %arg8[%swap3A_302, %swap3A_303, %swap3A_304] {strides = array<i32>} : memref<3x2x128xi32, #tpu.memory_space<vmem>>, vector<1x1x16xi32>,
      %swap3A_306 = vector.shape_cast %swap3A_305 : vector<1x1x16xi32> to vector<16xi32>
      %swap3A_307 = vector.shape_cast %get3A_299 : vector<16xi32> to vector<1x1x16xi32>
      tpu.vector_store %arg8[%swap3A_302, %swap3A_303, %swap3A_304], %swap3A_307 {strides = array<i32>} : memref<3x2x128xi32, #tpu.memory_space<vmem>>, vector<1x1x16xi32>,
      %get3A_308 = arith.constant 0 : i32
      %get3A_309 = arith.constant 1 : i32
      %get3A_310 = arith.index_cast %get3A_308 : i32 to index
      %get3A_311 = arith.index_cast %get3A_309 : i32 to index
      %get3A_312 = arith.constant 112 : index
      %get3A_313 = tpu.vector_load %arg6[%get3A_310, %get3A_311, %get3A_312] {strides = array<i32>} : memref<3x2x128xi32, #tpu.memory_space<vmem>>, vector<1x1x16xi32>,
      %get3A_314 = vector.shape_cast %get3A_313 : vector<1x1x16xi32> to vector<16xi32>
      %swap3A_315 = arith.constant 0 : i32
      %swap3A_316 = arith.constant 1 : i32
      %swap3A_317 = arith.index_cast %swap3A_315 : i32 to index
      %swap3A_318 = arith.index_cast %swap3A_316 : i32 to index
      %swap3A_319 = arith.constant 112 : index
      %swap3A_320 = tpu.vector_load %arg8[%swap3A_317, %swap3A_318, %swap3A_319] {strides = array<i32>} : memref<3x2x128xi32, #tpu.memory_space<vmem>>, vector<1x1x16xi32>,
      %swap3A_321 = vector.shape_cast %swap3A_320 : vector<1x1x16xi32> to vector<16xi32>
      %swap3A_322 = vector.shape_cast %get3A_314 : vector<16xi32> to vector<1x1x16xi32>
      tpu.vector_store %arg8[%swap3A_317, %swap3A_318, %swap3A_319], %swap3A_322 {strides = array<i32>} : memref<3x2x128xi32, #tpu.memory_space<vmem>>, vector<1x1x16xi32>,
      %get3A_323 = arith.constant 1 : i32
      %get3A_324 = arith.constant 1 : i32
      %get3A_325 = arith.index_cast %get3A_323 : i32 to index
      %get3A_326 = arith.index_cast %get3A_324 : i32 to index
      %get3A_327 = arith.constant 0 : index
      %get3A_328 = tpu.vector_load %arg6[%get3A_325, %get3A_326, %get3A_327] {strides = array<i32>} : memref<3x2x128xi32, #tpu.memory_space<vmem>>, vector<1x1x16xi32>,
      %get3A_329 = vector.shape_cast %get3A_328 : vector<1x1x16xi32> to vector<16xi32>
      %swap3A_330 = arith.constant 1 : i32
      %swap3A_331 = arith.constant 1 : i32
      %swap3A_332 = arith.index_cast %swap3A_330 : i32 to index
      %swap3A_333 = arith.index_cast %swap3A_331 : i32 to index
      %swap3A_334 = arith.constant 0 : index
      %swap3A_335 = tpu.vector_load %arg8[%swap3A_332, %swap3A_333, %swap3A_334] {strides = array<i32>} : memref<3x2x128xi32, #tpu.memory_space<vmem>>, vector<1x1x16xi32>,
      %swap3A_336 = vector.shape_cast %swap3A_335 : vector<1x1x16xi32> to vector<16xi32>
      %swap3A_337 = vector.shape_cast %get3A_329 : vector<16xi32> to vector<1x1x16xi32>
      tpu.vector_store %arg8[%swap3A_332, %swap3A_333, %swap3A_334], %swap3A_337 {strides = array<i32>} : memref<3x2x128xi32, #tpu.memory_space<vmem>>, vector<1x1x16xi32>,
      %get3A_338 = arith.constant 1 : i32
      %get3A_339 = arith.constant 1 : i32
      %get3A_340 = arith.index_cast %get3A_338 : i32 to index
      %get3A_341 = arith.index_cast %get3A_339 : i32 to index
      %get3A_342 = arith.constant 16 : index
      %get3A_343 = tpu.vector_load %arg6[%get3A_340, %get3A_341, %get3A_342] {strides = array<i32>} : memref<3x2x128xi32, #tpu.memory_space<vmem>>, vector<1x1x16xi32>,
      %get3A_344 = vector.shape_cast %get3A_343 : vector<1x1x16xi32> to vector<16xi32>
      %swap3A_345 = arith.constant 1 : i32
      %swap3A_346 = arith.constant 1 : i32
      %swap3A_347 = arith.index_cast %swap3A_345 : i32 to index
      %swap3A_348 = arith.index_cast %swap3A_346 : i32 to index
      %swap3A_349 = arith.constant 16 : index
      %swap3A_350 = tpu.vector_load %arg8[%swap3A_347, %swap3A_348, %swap3A_349] {strides = array<i32>} : memref<3x2x128xi32, #tpu.memory_space<vmem>>, vector<1x1x16xi32>,
      %swap3A_351 = vector.shape_cast %swap3A_350 : vector<1x1x16xi32> to vector<16xi32>
      %swap3A_352 = vector.shape_cast %get3A_344 : vector<16xi32> to vector<1x1x16xi32>
      tpu.vector_store %arg8[%swap3A_347, %swap3A_348, %swap3A_349], %swap3A_352 {strides = array<i32>} : memref<3x2x128xi32, #tpu.memory_space<vmem>>, vector<1x1x16xi32>,
      %get3A_353 = arith.constant 1 : i32
      %get3A_354 = arith.constant 1 : i32
      %get3A_355 = arith.index_cast %get3A_353 : i32 to index
      %get3A_356 = arith.index_cast %get3A_354 : i32 to index
      %get3A_357 = arith.constant 32 : index
      %get3A_358 = tpu.vector_load %arg6[%get3A_355, %get3A_356, %get3A_357] {strides = array<i32>} : memref<3x2x128xi32, #tpu.memory_space<vmem>>, vector<1x1x16xi32>,
      %get3A_359 = vector.shape_cast %get3A_358 : vector<1x1x16xi32> to vector<16xi32>
      %swap3A_360 = arith.constant 1 : i32
      %swap3A_361 = arith.constant 1 : i32
      %swap3A_362 = arith.index_cast %swap3A_360 : i32 to index
      %swap3A_363 = arith.index_cast %swap3A_361 : i32 to index
      %swap3A_364 = arith.constant 32 : index
      %swap3A_365 = tpu.vector_load %arg8[%swap3A_362, %swap3A_363, %swap3A_364] {strides = array<i32>} : memref<3x2x128xi32, #tpu.memory_space<vmem>>, vector<1x1x16xi32>,
      %swap3A_366 = vector.shape_cast %swap3A_365 : vector<1x1x16xi32> to vector<16xi32>
      %swap3A_367 = vector.shape_cast %get3A_359 : vector<16xi32> to vector<1x1x16xi32>
      tpu.vector_store %arg8[%swap3A_362, %swap3A_363, %swap3A_364], %swap3A_367 {strides = array<i32>} : memref<3x2x128xi32, #tpu.memory_space<vmem>>, vector<1x1x16xi32>,
      %get3A_368 = arith.constant 1 : i32
      %get3A_369 = arith.constant 1 : i32
      %get3A_370 = arith.index_cast %get3A_368 : i32 to index
      %get3A_371 = arith.index_cast %get3A_369 : i32 to index
      %get3A_372 = arith.constant 48 : index
      %get3A_373 = tpu.vector_load %arg6[%get3A_370, %get3A_371, %get3A_372] {strides = array<i32>} : memref<3x2x128xi32, #tpu.memory_space<vmem>>, vector<1x1x16xi32>,
      %get3A_374 = vector.shape_cast %get3A_373 : vector<1x1x16xi32> to vector<16xi32>
      %swap3A_375 = arith.constant 1 : i32
      %swap3A_376 = arith.constant 1 : i32
      %swap3A_377 = arith.index_cast %swap3A_375 : i32 to index
      %swap3A_378 = arith.index_cast %swap3A_376 : i32 to index
      %swap3A_379 = arith.constant 48 : index
      %swap3A_380 = tpu.vector_load %arg8[%swap3A_377, %swap3A_378, %swap3A_379] {strides = array<i32>} : memref<3x2x128xi32, #tpu.memory_space<vmem>>, vector<1x1x16xi32>,
      %swap3A_381 = vector.shape_cast %swap3A_380 : vector<1x1x16xi32> to vector<16xi32>
      %swap3A_382 = vector.shape_cast %get3A_374 : vector<16xi32> to vector<1x1x16xi32>
      tpu.vector_store %arg8[%swap3A_377, %swap3A_378, %swap3A_379], %swap3A_382 {strides = array<i32>} : memref<3x2x128xi32, #tpu.memory_space<vmem>>, vector<1x1x16xi32>,
      %get3A_383 = arith.constant 1 : i32
      %get3A_384 = arith.constant 1 : i32
      %get3A_385 = arith.index_cast %get3A_383 : i32 to index
      %get3A_386 = arith.index_cast %get3A_384 : i32 to index
      %get3A_387 = arith.constant 64 : index
      %get3A_388 = tpu.vector_load %arg6[%get3A_385, %get3A_386, %get3A_387] {strides = array<i32>} : memref<3x2x128xi32, #tpu.memory_space<vmem>>, vector<1x1x16xi32>,
      %get3A_389 = vector.shape_cast %get3A_388 : vector<1x1x16xi32> to vector<16xi32>
      %swap3A_390 = arith.constant 1 : i32
      %swap3A_391 = arith.constant 1 : i32
      %swap3A_392 = arith.index_cast %swap3A_390 : i32 to index
      %swap3A_393 = arith.index_cast %swap3A_391 : i32 to index
      %swap3A_394 = arith.constant 64 : index
      %swap3A_395 = tpu.vector_load %arg8[%swap3A_392, %swap3A_393, %swap3A_394] {strides = array<i32>} : memref<3x2x128xi32, #tpu.memory_space<vmem>>, vector<1x1x16xi32>,
      %swap3A_396 = vector.shape_cast %swap3A_395 : vector<1x1x16xi32> to vector<16xi32>
      %swap3A_397 = vector.shape_cast %get3A_389 : vector<16xi32> to vector<1x1x16xi32>
      tpu.vector_store %arg8[%swap3A_392, %swap3A_393, %swap3A_394], %swap3A_397 {strides = array<i32>} : memref<3x2x128xi32, #tpu.memory_space<vmem>>, vector<1x1x16xi32>,
      %get3A_398 = arith.constant 1 : i32
      %get3A_399 = arith.constant 1 : i32
      %get3A_400 = arith.index_cast %get3A_398 : i32 to index
      %get3A_401 = arith.index_cast %get3A_399 : i32 to index
      %get3A_402 = arith.constant 80 : index
      %get3A_403 = tpu.vector_load %arg6[%get3A_400, %get3A_401, %get3A_402] {strides = array<i32>} : memref<3x2x128xi32, #tpu.memory_space<vmem>>, vector<1x1x16xi32>,
      %get3A_404 = vector.shape_cast %get3A_403 : vector<1x1x16xi32> to vector<16xi32>
      %swap3A_405 = arith.constant 1 : i32
      %swap3A_406 = arith.constant 1 : i32
      %swap3A_407 = arith.index_cast %swap3A_405 : i32 to index
      %swap3A_408 = arith.index_cast %swap3A_406 : i32 to index
      %swap3A_409 = arith.constant 80 : index
      %swap3A_410 = tpu.vector_load %arg8[%swap3A_407, %swap3A_408, %swap3A_409] {strides = array<i32>} : memref<3x2x128xi32, #tpu.memory_space<vmem>>, vector<1x1x16xi32>,
      %swap3A_411 = vector.shape_cast %swap3A_410 : vector<1x1x16xi32> to vector<16xi32>
      %swap3A_412 = vector.shape_cast %get3A_404 : vector<16xi32> to vector<1x1x16xi32>
      tpu.vector_store %arg8[%swap3A_407, %swap3A_408, %swap3A_409], %swap3A_412 {strides = array<i32>} : memref<3x2x128xi32, #tpu.memory_space<vmem>>, vector<1x1x16xi32>,
      %get3A_413 = arith.constant 1 : i32
      %get3A_414 = arith.constant 1 : i32
      %get3A_415 = arith.index_cast %get3A_413 : i32 to index
      %get3A_416 = arith.index_cast %get3A_414 : i32 to index
      %get3A_417 = arith.constant 96 : index
      %get3A_418 = tpu.vector_load %arg6[%get3A_415, %get3A_416, %get3A_417] {strides = array<i32>} : memref<3x2x128xi32, #tpu.memory_space<vmem>>, vector<1x1x16xi32>,
      %get3A_419 = vector.shape_cast %get3A_418 : vector<1x1x16xi32> to vector<16xi32>
      %swap3A_420 = arith.constant 1 : i32
      %swap3A_421 = arith.constant 1 : i32
      %swap3A_422 = arith.index_cast %swap3A_420 : i32 to index
      %swap3A_423 = arith.index_cast %swap3A_421 : i32 to index
      %swap3A_424 = arith.constant 96 : index
      %swap3A_425 = tpu.vector_load %arg8[%swap3A_422, %swap3A_423, %swap3A_424] {strides = array<i32>} : memref<3x2x128xi32, #tpu.memory_space<vmem>>, vector<1x1x16xi32>,
      %swap3A_426 = vector.shape_cast %swap3A_425 : vector<1x1x16xi32> to vector<16xi32>
      %swap3A_427 = vector.shape_cast %get3A_419 : vector<16xi32> to vector<1x1x16xi32>
      tpu.vector_store %arg8[%swap3A_422, %swap3A_423, %swap3A_424], %swap3A_427 {strides = array<i32>} : memref<3x2x128xi32, #tpu.memory_space<vmem>>, vector<1x1x16xi32>,
      %get3A_428 = arith.constant 1 : i32
      %get3A_429 = arith.constant 1 : i32
      %get3A_430 = arith.index_cast %get3A_428 : i32 to index
      %get3A_431 = arith.index_cast %get3A_429 : i32 to index
      %get3A_432 = arith.constant 112 : index
      %get3A_433 = tpu.vector_load %arg6[%get3A_430, %get3A_431, %get3A_432] {strides = array<i32>} : memref<3x2x128xi32, #tpu.memory_space<vmem>>, vector<1x1x16xi32>,
      %get3A_434 = vector.shape_cast %get3A_433 : vector<1x1x16xi32> to vector<16xi32>
      %swap3A_435 = arith.constant 1 : i32
      %swap3A_436 = arith.constant 1 : i32
      %swap3A_437 = arith.index_cast %swap3A_435 : i32 to index
      %swap3A_438 = arith.index_cast %swap3A_436 : i32 to index
      %swap3A_439 = arith.constant 112 : index
      %swap3A_440 = tpu.vector_load %arg8[%swap3A_437, %swap3A_438, %swap3A_439] {strides = array<i32>} : memref<3x2x128xi32, #tpu.memory_space<vmem>>, vector<1x1x16xi32>,
      %swap3A_441 = vector.shape_cast %swap3A_440 : vector<1x1x16xi32> to vector<16xi32>
      %swap3A_442 = vector.shape_cast %get3A_434 : vector<16xi32> to vector<1x1x16xi32>
      tpu.vector_store %arg8[%swap3A_437, %swap3A_438, %swap3A_439], %swap3A_442 {strides = array<i32>} : memref<3x2x128xi32, #tpu.memory_space<vmem>>, vector<1x1x16xi32>,
      %get3A_443 = arith.constant 2 : i32
      %get3A_444 = arith.constant 1 : i32
      %get3A_445 = arith.index_cast %get3A_443 : i32 to index
      %get3A_446 = arith.index_cast %get3A_444 : i32 to index
      %get3A_447 = arith.constant 0 : index
      %get3A_448 = tpu.vector_load %arg6[%get3A_445, %get3A_446, %get3A_447] {strides = array<i32>} : memref<3x2x128xi32, #tpu.memory_space<vmem>>, vector<1x1x16xi32>,
      %get3A_449 = vector.shape_cast %get3A_448 : vector<1x1x16xi32> to vector<16xi32>
      %swap3A_450 = arith.constant 2 : i32
      %swap3A_451 = arith.constant 1 : i32
      %swap3A_452 = arith.index_cast %swap3A_450 : i32 to index
      %swap3A_453 = arith.index_cast %swap3A_451 : i32 to index
      %swap3A_454 = arith.constant 0 : index
      %swap3A_455 = tpu.vector_load %arg8[%swap3A_452, %swap3A_453, %swap3A_454] {strides = array<i32>} : memref<3x2x128xi32, #tpu.memory_space<vmem>>, vector<1x1x16xi32>,
      %swap3A_456 = vector.shape_cast %swap3A_455 : vector<1x1x16xi32> to vector<16xi32>
      %swap3A_457 = vector.shape_cast %get3A_449 : vector<16xi32> to vector<1x1x16xi32>
      tpu.vector_store %arg8[%swap3A_452, %swap3A_453, %swap3A_454], %swap3A_457 {strides = array<i32>} : memref<3x2x128xi32, #tpu.memory_space<vmem>>, vector<1x1x16xi32>,
      %get3A_458 = arith.constant 2 : i32
      %get3A_459 = arith.constant 1 : i32
      %get3A_460 = arith.index_cast %get3A_458 : i32 to index
      %get3A_461 = arith.index_cast %get3A_459 : i32 to index
      %get3A_462 = arith.constant 16 : index
      %get3A_463 = tpu.vector_load %arg6[%get3A_460, %get3A_461, %get3A_462] {strides = array<i32>} : memref<3x2x128xi32, #tpu.memory_space<vmem>>, vector<1x1x16xi32>,
      %get3A_464 = vector.shape_cast %get3A_463 : vector<1x1x16xi32> to vector<16xi32>
      %swap3A_465 = arith.constant 2 : i32
      %swap3A_466 = arith.constant 1 : i32
      %swap3A_467 = arith.index_cast %swap3A_465 : i32 to index
      %swap3A_468 = arith.index_cast %swap3A_466 : i32 to index
      %swap3A_469 = arith.constant 16 : index
      %swap3A_470 = tpu.vector_load %arg8[%swap3A_467, %swap3A_468, %swap3A_469] {strides = array<i32>} : memref<3x2x128xi32, #tpu.memory_space<vmem>>, vector<1x1x16xi32>,
      %swap3A_471 = vector.shape_cast %swap3A_470 : vector<1x1x16xi32> to vector<16xi32>
      %swap3A_472 = vector.shape_cast %get3A_464 : vector<16xi32> to vector<1x1x16xi32>
      tpu.vector_store %arg8[%swap3A_467, %swap3A_468, %swap3A_469], %swap3A_472 {strides = array<i32>} : memref<3x2x128xi32, #tpu.memory_space<vmem>>, vector<1x1x16xi32>,
      %get3A_473 = arith.constant 2 : i32
      %get3A_474 = arith.constant 1 : i32
      %get3A_475 = arith.index_cast %get3A_473 : i32 to index
      %get3A_476 = arith.index_cast %get3A_474 : i32 to index
      %get3A_477 = arith.constant 32 : index
      %get3A_478 = tpu.vector_load %arg6[%get3A_475, %get3A_476, %get3A_477] {strides = array<i32>} : memref<3x2x128xi32, #tpu.memory_space<vmem>>, vector<1x1x16xi32>,
      %get3A_479 = vector.shape_cast %get3A_478 : vector<1x1x16xi32> to vector<16xi32>
      %swap3A_480 = arith.constant 2 : i32
      %swap3A_481 = arith.constant 1 : i32
      %swap3A_482 = arith.index_cast %swap3A_480 : i32 to index
      %swap3A_483 = arith.index_cast %swap3A_481 : i32 to index
      %swap3A_484 = arith.constant 32 : index
      %swap3A_485 = tpu.vector_load %arg8[%swap3A_482, %swap3A_483, %swap3A_484] {strides = array<i32>} : memref<3x2x128xi32, #tpu.memory_space<vmem>>, vector<1x1x16xi32>,
      %swap3A_486 = vector.shape_cast %swap3A_485 : vector<1x1x16xi32> to vector<16xi32>
      %swap3A_487 = vector.shape_cast %get3A_479 : vector<16xi32> to vector<1x1x16xi32>
      tpu.vector_store %arg8[%swap3A_482, %swap3A_483, %swap3A_484], %swap3A_487 {strides = array<i32>} : memref<3x2x128xi32, #tpu.memory_space<vmem>>, vector<1x1x16xi32>,
      %get3A_488 = arith.constant 2 : i32
      %get3A_489 = arith.constant 1 : i32
      %get3A_490 = arith.index_cast %get3A_488 : i32 to index
      %get3A_491 = arith.index_cast %get3A_489 : i32 to index
      %get3A_492 = arith.constant 48 : index
      %get3A_493 = tpu.vector_load %arg6[%get3A_490, %get3A_491, %get3A_492] {strides = array<i32>} : memref<3x2x128xi32, #tpu.memory_space<vmem>>, vector<1x1x16xi32>,
      %get3A_494 = vector.shape_cast %get3A_493 : vector<1x1x16xi32> to vector<16xi32>
      %swap3A_495 = arith.constant 2 : i32
      %swap3A_496 = arith.constant 1 : i32
      %swap3A_497 = arith.index_cast %swap3A_495 : i32 to index
      %swap3A_498 = arith.index_cast %swap3A_496 : i32 to index
      %swap3A_499 = arith.constant 48 : index
      %swap3A_500 = tpu.vector_load %arg8[%swap3A_497, %swap3A_498, %swap3A_499] {strides = array<i32>} : memref<3x2x128xi32, #tpu.memory_space<vmem>>, vector<1x1x16xi32>,
      %swap3A_501 = vector.shape_cast %swap3A_500 : vector<1x1x16xi32> to vector<16xi32>
      %swap3A_502 = vector.shape_cast %get3A_494 : vector<16xi32> to vector<1x1x16xi32>
      tpu.vector_store %arg8[%swap3A_497, %swap3A_498, %swap3A_499], %swap3A_502 {strides = array<i32>} : memref<3x2x128xi32, #tpu.memory_space<vmem>>, vector<1x1x16xi32>,
      %get3A_503 = arith.constant 2 : i32
      %get3A_504 = arith.constant 1 : i32
      %get3A_505 = arith.index_cast %get3A_503 : i32 to index
      %get3A_506 = arith.index_cast %get3A_504 : i32 to index
      %get3A_507 = arith.constant 64 : index
      %get3A_508 = tpu.vector_load %arg6[%get3A_505, %get3A_506, %get3A_507] {strides = array<i32>} : memref<3x2x128xi32, #tpu.memory_space<vmem>>, vector<1x1x16xi32>,
      %get3A_509 = vector.shape_cast %get3A_508 : vector<1x1x16xi32> to vector<16xi32>
      %swap3A_510 = arith.constant 2 : i32
      %swap3A_511 = arith.constant 1 : i32
      %swap3A_512 = arith.index_cast %swap3A_510 : i32 to index
      %swap3A_513 = arith.index_cast %swap3A_511 : i32 to index
      %swap3A_514 = arith.constant 64 : index
      %swap3A_515 = tpu.vector_load %arg8[%swap3A_512, %swap3A_513, %swap3A_514] {strides = array<i32>} : memref<3x2x128xi32, #tpu.memory_space<vmem>>, vector<1x1x16xi32>,
      %swap3A_516 = vector.shape_cast %swap3A_515 : vector<1x1x16xi32> to vector<16xi32>
      %swap3A_517 = vector.shape_cast %get3A_509 : vector<16xi32> to vector<1x1x16xi32>
      tpu.vector_store %arg8[%swap3A_512, %swap3A_513, %swap3A_514], %swap3A_517 {strides = array<i32>} : memref<3x2x128xi32, #tpu.memory_space<vmem>>, vector<1x1x16xi32>,
      %get3A_518 = arith.constant 2 : i32
      %get3A_519 = arith.constant 1 : i32
      %get3A_520 = arith.index_cast %get3A_518 : i32 to index
      %get3A_521 = arith.index_cast %get3A_519 : i32 to index
      %get3A_522 = arith.constant 80 : index
      %get3A_523 = tpu.vector_load %arg6[%get3A_520, %get3A_521, %get3A_522] {strides = array<i32>} : memref<3x2x128xi32, #tpu.memory_space<vmem>>, vector<1x1x16xi32>,
      %get3A_524 = vector.shape_cast %get3A_523 : vector<1x1x16xi32> to vector<16xi32>
      %swap3A_525 = arith.constant 2 : i32
      %swap3A_526 = arith.constant 1 : i32
      %swap3A_527 = arith.index_cast %swap3A_525 : i32 to index
      %swap3A_528 = arith.index_cast %swap3A_526 : i32 to index
      %swap3A_529 = arith.constant 80 : index
      %swap3A_530 = tpu.vector_load %arg8[%swap3A_527, %swap3A_528, %swap3A_529] {strides = array<i32>} : memref<3x2x128xi32, #tpu.memory_space<vmem>>, vector<1x1x16xi32>,
      %swap3A_531 = vector.shape_cast %swap3A_530 : vector<1x1x16xi32> to vector<16xi32>
      %swap3A_532 = vector.shape_cast %get3A_524 : vector<16xi32> to vector<1x1x16xi32>
      tpu.vector_store %arg8[%swap3A_527, %swap3A_528, %swap3A_529], %swap3A_532 {strides = array<i32>} : memref<3x2x128xi32, #tpu.memory_space<vmem>>, vector<1x1x16xi32>,
      %get3A_533 = arith.constant 2 : i32
      %get3A_534 = arith.constant 1 : i32
      %get3A_535 = arith.index_cast %get3A_533 : i32 to index
      %get3A_536 = arith.index_cast %get3A_534 : i32 to index
      %get3A_537 = arith.constant 96 : index
      %get3A_538 = tpu.vector_load %arg6[%get3A_535, %get3A_536, %get3A_537] {strides = array<i32>} : memref<3x2x128xi32, #tpu.memory_space<vmem>>, vector<1x1x16xi32>,
      %get3A_539 = vector.shape_cast %get3A_538 : vector<1x1x16xi32> to vector<16xi32>
      %swap3A_540 = arith.constant 2 : i32
      %swap3A_541 = arith.constant 1 : i32
      %swap3A_542 = arith.index_cast %swap3A_540 : i32 to index
      %swap3A_543 = arith.index_cast %swap3A_541 : i32 to index
      %swap3A_544 = arith.constant 96 : index
      %swap3A_545 = tpu.vector_load %arg8[%swap3A_542, %swap3A_543, %swap3A_544] {strides = array<i32>} : memref<3x2x128xi32, #tpu.memory_space<vmem>>, vector<1x1x16xi32>,
      %swap3A_546 = vector.shape_cast %swap3A_545 : vector<1x1x16xi32> to vector<16xi32>
      %swap3A_547 = vector.shape_cast %get3A_539 : vector<16xi32> to vector<1x1x16xi32>
      tpu.vector_store %arg8[%swap3A_542, %swap3A_543, %swap3A_544], %swap3A_547 {strides = array<i32>} : memref<3x2x128xi32, #tpu.memory_space<vmem>>, vector<1x1x16xi32>,
      %get3A_548 = arith.constant 2 : i32
      %get3A_549 = arith.constant 1 : i32
      %get3A_550 = arith.index_cast %get3A_548 : i32 to index
      %get3A_551 = arith.index_cast %get3A_549 : i32 to index
      %get3A_552 = arith.constant 112 : index
      %get3A_553 = tpu.vector_load %arg6[%get3A_550, %get3A_551, %get3A_552] {strides = array<i32>} : memref<3x2x128xi32, #tpu.memory_space<vmem>>, vector<1x1x16xi32>,
      %get3A_554 = vector.shape_cast %get3A_553 : vector<1x1x16xi32> to vector<16xi32>
      %swap3A_555 = arith.constant 2 : i32
      %swap3A_556 = arith.constant 1 : i32
      %swap3A_557 = arith.index_cast %swap3A_555 : i32 to index
      %swap3A_558 = arith.index_cast %swap3A_556 : i32 to index
      %swap3A_559 = arith.constant 112 : index
      %swap3A_560 = tpu.vector_load %arg8[%swap3A_557, %swap3A_558, %swap3A_559] {strides = array<i32>} : memref<3x2x128xi32, #tpu.memory_space<vmem>>, vector<1x1x16xi32>,
      %swap3A_561 = vector.shape_cast %swap3A_560 : vector<1x1x16xi32> to vector<16xi32>
      %swap3A_562 = vector.shape_cast %get3A_554 : vector<16xi32> to vector<1x1x16xi32>
      tpu.vector_store %arg8[%swap3A_557, %swap3A_558, %swap3A_559], %swap3A_562 {strides = array<i32>} : memref<3x2x128xi32, #tpu.memory_space<vmem>>, vector<1x1x16xi32>,
      %dma_start3A_563 = arith.constant 0 : i32
      %dma_start3A_564 = arith.constant 0 : i32
      %dma_start3A_565 = arith.constant 1 : i32
      %dma_start3A_566 = arith.constant 0 : i32
      %dma_start3A_567 = arith.constant 0 : i32
      %dma_start3A_568 = tpu.memref_slice %arg10[%dma_start3A_563, %dma_start3A_566, %dma_start3A_567] : memref<3x128x32xf32, #tpu.memory_space<vmem>> -> memref<1x128x32xf32, #tpu.memory_space<vmem>>
      %dma_start3A_569 = tpu.memref_squeeze %dma_start3A_568 : memref<1x128x32xf32, #tpu.memory_space<vmem>> -> memref<128x32xf32, #tpu.memory_space<vmem>>
      %dma_start3A_570 = arith.constant 0 : i32
      %dma_start3A_571 = tpu.memref_slice %arg8[%dma_start3A_564, %dma_start3A_565, %dma_start3A_570] : memref<3x2x128xi32, #tpu.memory_space<vmem>> -> memref<1x1x128xi32, #tpu.memory_space<vmem>>
      %dma_start3A_572 = tpu.memref_squeeze %dma_start3A_571 : memref<1x1x128xi32, #tpu.memory_space<vmem>> -> memref<128xi32, #tpu.memory_space<vmem>>
      %dma_start3A_573 = arith.constant 0 : i32
      %dma_start3A_574 = arith.constant 0 : i32
      %dma_start3A_575 = tpu.memref_slice %arg13[%dma_start3A_573, %dma_start3A_574] : memref<50176x32xf32, #tpu.memory_space<vmem_shared>> -> memref<50176x32xf32, #tpu.memory_space<vmem_shared>>
      tpu.enqueue_indirect_dma source(%dma_start3A_569 : memref<128x32xf32, #tpu.memory_space<vmem>>) target(%dma_start3A_575 : memref<50176x32xf32, #tpu.memory_space<vmem_shared>>) offsets(%dma_start3A_572 : memref<128xi32, #tpu.memory_space<vmem>>) semaphore(%arg18 : memref<!tpu.dma_semaphore, #tpu.memory_space<semaphore_mem>>) {add = true}
      %dma_start3A_576 = arith.constant 1 : i32
      %dma_start3A_577 = arith.constant 1 : i32
      %dma_start3A_578 = arith.constant 1 : i32
      %dma_start3A_579 = arith.constant 0 : i32
      %dma_start3A_580 = arith.constant 0 : i32
      %dma_start3A_581 = tpu.memref_slice %arg10[%dma_start3A_576, %dma_start3A_579, %dma_start3A_580] : memref<3x128x32xf32, #tpu.memory_space<vmem>> -> memref<1x128x32xf32, #tpu.memory_space<vmem>>
      %dma_start3A_582 = tpu.memref_squeeze %dma_start3A_581 : memref<1x128x32xf32, #tpu.memory_space<vmem>> -> memref<128x32xf32, #tpu.memory_space<vmem>>
      %dma_start3A_583 = arith.constant 0 : i32
      %dma_start3A_584 = tpu.memref_slice %arg8[%dma_start3A_577, %dma_start3A_578, %dma_start3A_583] : memref<3x2x128xi32, #tpu.memory_space<vmem>> -> memref<1x1x128xi32, #tpu.memory_space<vmem>>
      %dma_start3A_585 = tpu.memref_squeeze %dma_start3A_584 : memref<1x1x128xi32, #tpu.memory_space<vmem>> -> memref<128xi32, #tpu.memory_space<vmem>>
      %dma_start3A_586 = arith.constant 0 : i32
      %dma_start3A_587 = arith.constant 0 : i32
      %dma_start3A_588 = tpu.memref_slice %arg13[%dma_start3A_586, %dma_start3A_587] : memref<50176x32xf32, #tpu.memory_space<vmem_shared>> -> memref<50176x32xf32, #tpu.memory_space<vmem_shared>>
      tpu.enqueue_indirect_dma source(%dma_start3A_582 : memref<128x32xf32, #tpu.memory_space<vmem>>) target(%dma_start3A_588 : memref<50176x32xf32, #tpu.memory_space<vmem_shared>>) offsets(%dma_start3A_585 : memref<128xi32, #tpu.memory_space<vmem>>) semaphore(%arg18 : memref<!tpu.dma_semaphore, #tpu.memory_space<semaphore_mem>>) {add = true}
      %dma_start3A_589 = arith.constant 2 : i32
      %dma_start3A_590 = arith.constant 2 : i32
      %dma_start3A_591 = arith.constant 1 : i32
      %dma_start3A_592 = arith.constant 0 : i32
      %dma_start3A_593 = arith.constant 0 : i32
      %dma_start3A_594 = tpu.memref_slice %arg10[%dma_start3A_589, %dma_start3A_592, %dma_start3A_593] : memref<3x128x32xf32, #tpu.memory_space<vmem>> -> memref<1x128x32xf32, #tpu.memory_space<vmem>>
      %dma_start3A_595 = tpu.memref_squeeze %dma_start3A_594 : memref<1x128x32xf32, #tpu.memory_space<vmem>> -> memref<128x32xf32, #tpu.memory_space<vmem>>
      %dma_start3A_596 = arith.constant 0 : i32
      %dma_start3A_597 = tpu.memref_slice %arg8[%dma_start3A_590, %dma_start3A_591, %dma_start3A_596] : memref<3x2x128xi32, #tpu.memory_space<vmem>> -> memref<1x1x128xi32, #tpu.memory_space<vmem>>
      %dma_start3A_598 = tpu.memref_squeeze %dma_start3A_597 : memref<1x1x128xi32, #tpu.memory_space<vmem>> -> memref<128xi32, #tpu.memory_space<vmem>>
      %dma_start3A_599 = arith.constant 0 : i32
      %dma_start3A_600 = arith.constant 0 : i32
      %dma_start3A_601 = tpu.memref_slice %arg13[%dma_start3A_599, %dma_start3A_600] : memref<50176x32xf32, #tpu.memory_space<vmem_shared>> -> memref<50176x32xf32, #tpu.memory_space<vmem_shared>>
      tpu.enqueue_indirect_dma source(%dma_start3A_595 : memref<128x32xf32, #tpu.memory_space<vmem>>) target(%dma_start3A_601 : memref<50176x32xf32, #tpu.memory_space<vmem_shared>>) offsets(%dma_start3A_598 : memref<128xi32, #tpu.memory_space<vmem>>) semaphore(%arg18 : memref<!tpu.dma_semaphore, #tpu.memory_space<semaphore_mem>>) {add = true}
      %add3A_602 = arith.constant 2 : i32
      %add3A_603 = arith.addi %mul3A_150, %add3A_602 : i32
      %lt3A_604 = arith.constant 130 : i32
      %lt3A_605 = arith.cmpi slt, %add3A_603, %lt3A_604 : i32
      %convert_element_type3A_606 = arith.extui %lt3A_605 : i1 to i32
      %cond3A_607 = arith.constant 0 : i32
      %cond3A_608 = arith.cmpi ne, %convert_element_type3A_606, %cond3A_607 : i32
      scf.if %cond3A_608 {
        %add3A_1073 = arith.constant 2 : i32
        %add3A_1074 = arith.addi %mul3A_150, %add3A_1073 : i32
        %mul3A_1075 = arith.constant 3 : i32
        %mul3A_1076 = arith.muli %add3A_1074, %mul3A_1075 : i32
        %add3A_1077 = arith.addi %add3A_9, %mul3A_1076 : i32
        %dma_start3A_1078 = arith.constant 0 : i32
        %dma_start3A_1079 = arith.constant 0 : i32
        %dma_start3A_1080 = tpu.memref_slice %arg3[%add3A_1077, %dma_start3A_1078, %dma_start3A_1079] : memref<12500x2x128xi32, #tpu.memory_space<hbm>> -> memref<3x2x128xi32, #tpu.memory_space<hbm>>
        %dma_start3A_1081 = arith.constant 0 : i32
        %dma_start3A_1082 = arith.constant 0 : i32
        %dma_start3A_1083 = tpu.memref_slice %arg3[%add3A_1077, %dma_start3A_1081, %dma_start3A_1082] : memref<12500x2x128xi32, #tpu.memory_space<hbm>> -> memref<3x2x128xi32, #tpu.memory_space<hbm>>
        tpu.enqueue_dma source(%dma_start3A_1083 : memref<3x2x128xi32, #tpu.memory_space<hbm>>) target(%arg6 : memref<3x2x128xi32, #tpu.memory_space<vmem>>) target_semaphore(%arg14 : memref<!tpu.dma_semaphore, #tpu.memory_space<semaphore_mem>>)
      } else {
      }
      %add3A_609 = arith.constant 1 : i32
      %add3A_610 = arith.addi %mul3A_150, %add3A_609 : i32
      %ge3A_611 = arith.constant 1 : i32
      %ge3A_612 = arith.cmpi sge, %add3A_610, %ge3A_611 : i32
      %add3A_613 = arith.constant 1 : i32
      %add3A_614 = arith.addi %add3A_610, %add3A_613 : i32
      %lt3A_615 = arith.constant 130 : i32
      %lt3A_616 = arith.cmpi slt, %add3A_614, %lt3A_615 : i32
      %and3A_617 = arith.andi %ge3A_612, %lt3A_616 : i1
      %convert_element_type3A_618 = arith.extui %and3A_617 : i1 to i32
      %cond3A_619 = arith.constant 0 : i32
      %cond3A_620 = arith.cmpi ne, %convert_element_type3A_618, %cond3A_619 : i32
      scf.if %cond3A_620 {
        %dma_wait3A_1073 = arith.constant 0 : i32
        %dma_wait3A_1074 = arith.constant 0 : i32
        %dma_wait3A_1075 = arith.constant 1 : i32
        %dma_wait3A_1076 = arith.constant 0 : i32
        %dma_wait3A_1077 = arith.constant 0 : i32
        %dma_wait3A_1078 = tpu.memref_slice %arg10[%dma_wait3A_1073, %dma_wait3A_1076, %dma_wait3A_1077] : memref<3x128x32xf32, #tpu.memory_space<vmem>> -> memref<1x128x32xf32, #tpu.memory_space<vmem>>
        %dma_wait3A_1079 = tpu.memref_squeeze %dma_wait3A_1078 : memref<1x128x32xf32, #tpu.memory_space<vmem>> -> memref<128x32xf32, #tpu.memory_space<vmem>>
        %dma_wait3A_1080 = arith.constant 0 : i32
        %dma_wait3A_1081 = tpu.memref_slice %arg8[%dma_wait3A_1074, %dma_wait3A_1075, %dma_wait3A_1080] : memref<3x2x128xi32, #tpu.memory_space<vmem>> -> memref<1x1x128xi32, #tpu.memory_space<vmem>>
        %dma_wait3A_1082 = tpu.memref_squeeze %dma_wait3A_1081 : memref<1x1x128xi32, #tpu.memory_space<vmem>> -> memref<128xi32, #tpu.memory_space<vmem>>
        %dma_wait3A_1083 = arith.constant 0 : i32
        %dma_wait3A_1084 = arith.constant 0 : i32
        %dma_wait3A_1085 = tpu.memref_slice %arg13[%dma_wait3A_1083, %dma_wait3A_1084] : memref<50176x32xf32, #tpu.memory_space<vmem_shared>> -> memref<50176x32xf32, #tpu.memory_space<vmem_shared>>
        tpu.wait_indirect_dma semaphore(%arg18 : memref<!tpu.dma_semaphore, #tpu.memory_space<semaphore_mem>>) src(%dma_wait3A_1079 : memref<128x32xf32, #tpu.memory_space<vmem>>) dst(%dma_wait3A_1085 : memref<50176x32xf32, #tpu.memory_space<vmem_shared>>)
        %dma_wait3A_1086 = arith.constant 1 : i32
        %dma_wait3A_1087 = arith.constant 1 : i32
        %dma_wait3A_1088 = arith.constant 1 : i32
        %dma_wait3A_1089 = arith.constant 0 : i32
        %dma_wait3A_1090 = arith.constant 0 : i32
        %dma_wait3A_1091 = tpu.memref_slice %arg10[%dma_wait3A_1086, %dma_wait3A_1089, %dma_wait3A_1090] : memref<3x128x32xf32, #tpu.memory_space<vmem>> -> memref<1x128x32xf32, #tpu.memory_space<vmem>>
        %dma_wait3A_1092 = tpu.memref_squeeze %dma_wait3A_1091 : memref<1x128x32xf32, #tpu.memory_space<vmem>> -> memref<128x32xf32, #tpu.memory_space<vmem>>
        %dma_wait3A_1093 = arith.constant 0 : i32
        %dma_wait3A_1094 = tpu.memref_slice %arg8[%dma_wait3A_1087, %dma_wait3A_1088, %dma_wait3A_1093] : memref<3x2x128xi32, #tpu.memory_space<vmem>> -> memref<1x1x128xi32, #tpu.memory_space<vmem>>
        %dma_wait3A_1095 = tpu.memref_squeeze %dma_wait3A_1094 : memref<1x1x128xi32, #tpu.memory_space<vmem>> -> memref<128xi32, #tpu.memory_space<vmem>>
        %dma_wait3A_1096 = arith.constant 0 : i32
        %dma_wait3A_1097 = arith.constant 0 : i32
        %dma_wait3A_1098 = tpu.memref_slice %arg13[%dma_wait3A_1096, %dma_wait3A_1097] : memref<50176x32xf32, #tpu.memory_space<vmem_shared>> -> memref<50176x32xf32, #tpu.memory_space<vmem_shared>>
        tpu.wait_indirect_dma semaphore(%arg18 : memref<!tpu.dma_semaphore, #tpu.memory_space<semaphore_mem>>) src(%dma_wait3A_1092 : memref<128x32xf32, #tpu.memory_space<vmem>>) dst(%dma_wait3A_1098 : memref<50176x32xf32, #tpu.memory_space<vmem_shared>>)
        %dma_wait3A_1099 = arith.constant 2 : i32
        %dma_wait3A_1100 = arith.constant 2 : i32
        %dma_wait3A_1101 = arith.constant 1 : i32
        %dma_wait3A_1102 = arith.constant 0 : i32
        %dma_wait3A_1103 = arith.constant 0 : i32
        %dma_wait3A_1104 = tpu.memref_slice %arg10[%dma_wait3A_1099, %dma_wait3A_1102, %dma_wait3A_1103] : memref<3x128x32xf32, #tpu.memory_space<vmem>> -> memref<1x128x32xf32, #tpu.memory_space<vmem>>
        %dma_wait3A_1105 = tpu.memref_squeeze %dma_wait3A_1104 : memref<1x128x32xf32, #tpu.memory_space<vmem>> -> memref<128x32xf32, #tpu.memory_space<vmem>>
        %dma_wait3A_1106 = arith.constant 0 : i32
        %dma_wait3A_1107 = tpu.memref_slice %arg8[%dma_wait3A_1100, %dma_wait3A_1101, %dma_wait3A_1106] : memref<3x2x128xi32, #tpu.memory_space<vmem>> -> memref<1x1x128xi32, #tpu.memory_space<vmem>>
        %dma_wait3A_1108 = tpu.memref_squeeze %dma_wait3A_1107 : memref<1x1x128xi32, #tpu.memory_space<vmem>> -> memref<128xi32, #tpu.memory_space<vmem>>
        %dma_wait3A_1109 = arith.constant 0 : i32
        %dma_wait3A_1110 = arith.constant 0 : i32
        %dma_wait3A_1111 = tpu.memref_slice %arg13[%dma_wait3A_1109, %dma_wait3A_1110] : memref<50176x32xf32, #tpu.memory_space<vmem_shared>> -> memref<50176x32xf32, #tpu.memory_space<vmem_shared>>
        tpu.wait_indirect_dma semaphore(%arg18 : memref<!tpu.dma_semaphore, #tpu.memory_space<semaphore_mem>>) src(%dma_wait3A_1105 : memref<128x32xf32, #tpu.memory_space<vmem>>) dst(%dma_wait3A_1111 : memref<50176x32xf32, #tpu.memory_space<vmem_shared>>)
      } else {
      }
      %add3A_621 = arith.constant 1 : i32
      %add3A_622 = arith.addi %add3A_610, %add3A_621 : i32
      %lt3A_623 = arith.constant 130 : i32
      %lt3A_624 = arith.cmpi slt, %add3A_622, %lt3A_623 : i32
      %convert_element_type3A_625 = arith.extui %lt3A_624 : i1 to i32
      %cond3A_626 = arith.constant 0 : i32
      %cond3A_627 = arith.cmpi ne, %convert_element_type3A_625, %cond3A_626 : i32
      scf.if %cond3A_627 {
        %add3A_1073 = arith.constant 1 : i32
        %add3A_1074 = arith.addi %add3A_610, %add3A_1073 : i32
        %mul3A_1075 = arith.constant 3 : i32
        %mul3A_1076 = arith.muli %add3A_1074, %mul3A_1075 : i32
        %add3A_1077 = arith.addi %add3A_9, %mul3A_1076 : i32
        %dma_wait3A_1078 = arith.constant 0 : i32
        %dma_wait3A_1079 = arith.constant 0 : i32
        %dma_wait3A_1080 = tpu.memref_slice %arg3[%add3A_1077, %dma_wait3A_1078, %dma_wait3A_1079] : memref<12500x2x128xi32, #tpu.memory_space<hbm>> -> memref<3x2x128xi32, #tpu.memory_space<hbm>>
        %dma_wait3A_1081 = arith.constant 0 : i32
        %dma_wait3A_1082 = arith.constant 0 : i32
        %dma_wait3A_1083 = tpu.memref_slice %arg3[%add3A_1077, %dma_wait3A_1081, %dma_wait3A_1082] : memref<12500x2x128xi32, #tpu.memory_space<hbm>> -> memref<3x2x128xi32, #tpu.memory_space<hbm>>
        tpu.wait_dma2 semaphore(%arg14 : memref<!tpu.dma_semaphore, #tpu.memory_space<semaphore_mem>>) src(%dma_wait3A_1083 : memref<3x2x128xi32, #tpu.memory_space<hbm>>) dst(%arg6 : memref<3x2x128xi32, #tpu.memory_space<vmem>>)
        %dma_start3A_1084 = arith.constant 0 : i32
        %dma_start3A_1085 = arith.constant 0 : i32
        %dma_start3A_1086 = arith.constant 0 : i32
        %dma_start3A_1087 = arith.constant 0 : i32
        %dma_start3A_1088 = arith.constant 0 : i32
        %dma_start3A_1089 = tpu.memref_slice %arg10[%dma_start3A_1086, %dma_start3A_1087, %dma_start3A_1088] : memref<3x128x32xf32, #tpu.memory_space<vmem>> -> memref<1x128x32xf32, #tpu.memory_space<vmem>>
        %dma_start3A_1090 = tpu.memref_squeeze %dma_start3A_1089 : memref<1x128x32xf32, #tpu.memory_space<vmem>> -> memref<128x32xf32, #tpu.memory_space<vmem>>
        %dma_start3A_1091 = arith.constant 0 : i32
        %dma_start3A_1092 = tpu.memref_slice %arg6[%dma_start3A_1084, %dma_start3A_1085, %dma_start3A_1091] : memref<3x2x128xi32, #tpu.memory_space<vmem>> -> memref<1x1x128xi32, #tpu.memory_space<vmem>>
        %dma_start3A_1093 = tpu.memref_squeeze %dma_start3A_1092 : memref<1x1x128xi32, #tpu.memory_space<vmem>> -> memref<128xi32, #tpu.memory_space<vmem>>
        %dma_start3A_1094 = arith.constant 0 : i32
        %dma_start3A_1095 = arith.constant 0 : i32
        %dma_start3A_1096 = tpu.memref_slice %arg2[%dma_start3A_1094, %dma_start3A_1095] : memref<50176x32xf32, #tpu.memory_space<hbm>> -> memref<50176x32xf32, #tpu.memory_space<hbm>>
        tpu.enqueue_indirect_dma source(%dma_start3A_1096 : memref<50176x32xf32, #tpu.memory_space<hbm>>) target(%dma_start3A_1090 : memref<128x32xf32, #tpu.memory_space<vmem>>) offsets(%dma_start3A_1093 : memref<128xi32, #tpu.memory_space<vmem>>) semaphore(%arg16 : memref<!tpu.dma_semaphore, #tpu.memory_space<semaphore_mem>>)
        %dma_start3A_1097 = arith.constant 1 : i32
        %dma_start3A_1098 = arith.constant 0 : i32
        %dma_start3A_1099 = arith.constant 1 : i32
        %dma_start3A_1100 = arith.constant 0 : i32
        %dma_start3A_1101 = arith.constant 0 : i32
        %dma_start3A_1102 = tpu.memref_slice %arg10[%dma_start3A_1099, %dma_start3A_1100, %dma_start3A_1101] : memref<3x128x32xf32, #tpu.memory_space<vmem>> -> memref<1x128x32xf32, #tpu.memory_space<vmem>>
        %dma_start3A_1103 = tpu.memref_squeeze %dma_start3A_1102 : memref<1x128x32xf32, #tpu.memory_space<vmem>> -> memref<128x32xf32, #tpu.memory_space<vmem>>
        %dma_start3A_1104 = arith.constant 0 : i32
        %dma_start3A_1105 = tpu.memref_slice %arg6[%dma_start3A_1097, %dma_start3A_1098, %dma_start3A_1104] : memref<3x2x128xi32, #tpu.memory_space<vmem>> -> memref<1x1x128xi32, #tpu.memory_space<vmem>>
        %dma_start3A_1106 = tpu.memref_squeeze %dma_start3A_1105 : memref<1x1x128xi32, #tpu.memory_space<vmem>> -> memref<128xi32, #tpu.memory_space<vmem>>
        %dma_start3A_1107 = arith.constant 0 : i32
        %dma_start3A_1108 = arith.constant 0 : i32
        %dma_start3A_1109 = tpu.memref_slice %arg2[%dma_start3A_1107, %dma_start3A_1108] : memref<50176x32xf32, #tpu.memory_space<hbm>> -> memref<50176x32xf32, #tpu.memory_space<hbm>>
        tpu.enqueue_indirect_dma source(%dma_start3A_1109 : memref<50176x32xf32, #tpu.memory_space<hbm>>) target(%dma_start3A_1103 : memref<128x32xf32, #tpu.memory_space<vmem>>) offsets(%dma_start3A_1106 : memref<128xi32, #tpu.memory_space<vmem>>) semaphore(%arg16 : memref<!tpu.dma_semaphore, #tpu.memory_space<semaphore_mem>>)
        %dma_start3A_1110 = arith.constant 2 : i32
        %dma_start3A_1111 = arith.constant 0 : i32
        %dma_start3A_1112 = arith.constant 2 : i32
        %dma_start3A_1113 = arith.constant 0 : i32
        %dma_start3A_1114 = arith.constant 0 : i32
        %dma_start3A_1115 = tpu.memref_slice %arg10[%dma_start3A_1112, %dma_start3A_1113, %dma_start3A_1114] : memref<3x128x32xf32, #tpu.memory_space<vmem>> -> memref<1x128x32xf32, #tpu.memory_space<vmem>>
        %dma_start3A_1116 = tpu.memref_squeeze %dma_start3A_1115 : memref<1x128x32xf32, #tpu.memory_space<vmem>> -> memref<128x32xf32, #tpu.memory_space<vmem>>
        %dma_start3A_1117 = arith.constant 0 : i32
        %dma_start3A_1118 = tpu.memref_slice %arg6[%dma_start3A_1110, %dma_start3A_1111, %dma_start3A_1117] : memref<3x2x128xi32, #tpu.memory_space<vmem>> -> memref<1x1x128xi32, #tpu.memory_space<vmem>>
        %dma_start3A_1119 = tpu.memref_squeeze %dma_start3A_1118 : memref<1x1x128xi32, #tpu.memory_space<vmem>> -> memref<128xi32, #tpu.memory_space<vmem>>
        %dma_start3A_1120 = arith.constant 0 : i32
        %dma_start3A_1121 = arith.constant 0 : i32
        %dma_start3A_1122 = tpu.memref_slice %arg2[%dma_start3A_1120, %dma_start3A_1121] : memref<50176x32xf32, #tpu.memory_space<hbm>> -> memref<50176x32xf32, #tpu.memory_space<hbm>>
        tpu.enqueue_indirect_dma source(%dma_start3A_1122 : memref<50176x32xf32, #tpu.memory_space<hbm>>) target(%dma_start3A_1116 : memref<128x32xf32, #tpu.memory_space<vmem>>) offsets(%dma_start3A_1119 : memref<128xi32, #tpu.memory_space<vmem>>) semaphore(%arg16 : memref<!tpu.dma_semaphore, #tpu.memory_space<semaphore_mem>>)
      } else {
      }
      %dma_wait3A_628 = arith.constant 0 : i32
      %dma_wait3A_629 = arith.constant 0 : i32
      %dma_wait3A_630 = arith.constant 0 : i32
      %dma_wait3A_631 = arith.constant 0 : i32
      %dma_wait3A_632 = arith.constant 0 : i32
      %dma_wait3A_633 = tpu.memref_slice %arg11[%dma_wait3A_630, %dma_wait3A_631, %dma_wait3A_632] : memref<3x128x32xf32, #tpu.memory_space<vmem>> -> memref<1x128x32xf32, #tpu.memory_space<vmem>>
      %dma_wait3A_634 = tpu.memref_squeeze %dma_wait3A_633 : memref<1x128x32xf32, #tpu.memory_space<vmem>> -> memref<128x32xf32, #tpu.memory_space<vmem>>
      %dma_wait3A_635 = arith.constant 0 : i32
      %dma_wait3A_636 = tpu.memref_slice %arg7[%dma_wait3A_628, %dma_wait3A_629, %dma_wait3A_635] : memref<3x2x128xi32, #tpu.memory_space<vmem>> -> memref<1x1x128xi32, #tpu.memory_space<vmem>>
      %dma_wait3A_637 = tpu.memref_squeeze %dma_wait3A_636 : memref<1x1x128xi32, #tpu.memory_space<vmem>> -> memref<128xi32, #tpu.memory_space<vmem>>
      %dma_wait3A_638 = arith.constant 0 : i32
      %dma_wait3A_639 = arith.constant 0 : i32
      %dma_wait3A_640 = tpu.memref_slice %arg2[%dma_wait3A_638, %dma_wait3A_639] : memref<50176x32xf32, #tpu.memory_space<hbm>> -> memref<50176x32xf32, #tpu.memory_space<hbm>>
      tpu.wait_indirect_dma semaphore(%arg17 : memref<!tpu.dma_semaphore, #tpu.memory_space<semaphore_mem>>) src(%dma_wait3A_640 : memref<50176x32xf32, #tpu.memory_space<hbm>>) dst(%dma_wait3A_634 : memref<128x32xf32, #tpu.memory_space<vmem>>)
      %dma_wait3A_641 = arith.constant 1 : i32
      %dma_wait3A_642 = arith.constant 0 : i32
      %dma_wait3A_643 = arith.constant 1 : i32
      %dma_wait3A_644 = arith.constant 0 : i32
      %dma_wait3A_645 = arith.constant 0 : i32
      %dma_wait3A_646 = tpu.memref_slice %arg11[%dma_wait3A_643, %dma_wait3A_644, %dma_wait3A_645] : memref<3x128x32xf32, #tpu.memory_space<vmem>> -> memref<1x128x32xf32, #tpu.memory_space<vmem>>
      %dma_wait3A_647 = tpu.memref_squeeze %dma_wait3A_646 : memref<1x128x32xf32, #tpu.memory_space<vmem>> -> memref<128x32xf32, #tpu.memory_space<vmem>>
      %dma_wait3A_648 = arith.constant 0 : i32
      %dma_wait3A_649 = tpu.memref_slice %arg7[%dma_wait3A_641, %dma_wait3A_642, %dma_wait3A_648] : memref<3x2x128xi32, #tpu.memory_space<vmem>> -> memref<1x1x128xi32, #tpu.memory_space<vmem>>
      %dma_wait3A_650 = tpu.memref_squeeze %dma_wait3A_649 : memref<1x1x128xi32, #tpu.memory_space<vmem>> -> memref<128xi32, #tpu.memory_space<vmem>>
      %dma_wait3A_651 = arith.constant 0 : i32
      %dma_wait3A_652 = arith.constant 0 : i32
      %dma_wait3A_653 = tpu.memref_slice %arg2[%dma_wait3A_651, %dma_wait3A_652] : memref<50176x32xf32, #tpu.memory_space<hbm>> -> memref<50176x32xf32, #tpu.memory_space<hbm>>
      tpu.wait_indirect_dma semaphore(%arg17 : memref<!tpu.dma_semaphore, #tpu.memory_space<semaphore_mem>>) src(%dma_wait3A_653 : memref<50176x32xf32, #tpu.memory_space<hbm>>) dst(%dma_wait3A_647 : memref<128x32xf32, #tpu.memory_space<vmem>>)
      %dma_wait3A_654 = arith.constant 2 : i32
      %dma_wait3A_655 = arith.constant 0 : i32
      %dma_wait3A_656 = arith.constant 2 : i32
      %dma_wait3A_657 = arith.constant 0 : i32
      %dma_wait3A_658 = arith.constant 0 : i32
      %dma_wait3A_659 = tpu.memref_slice %arg11[%dma_wait3A_656, %dma_wait3A_657, %dma_wait3A_658] : memref<3x128x32xf32, #tpu.memory_space<vmem>> -> memref<1x128x32xf32, #tpu.memory_space<vmem>>
      %dma_wait3A_660 = tpu.memref_squeeze %dma_wait3A_659 : memref<1x128x32xf32, #tpu.memory_space<vmem>> -> memref<128x32xf32, #tpu.memory_space<vmem>>
      %dma_wait3A_661 = arith.constant 0 : i32
      %dma_wait3A_662 = tpu.memref_slice %arg7[%dma_wait3A_654, %dma_wait3A_655, %dma_wait3A_661] : memref<3x2x128xi32, #tpu.memory_space<vmem>> -> memref<1x1x128xi32, #tpu.memory_space<vmem>>
      %dma_wait3A_663 = tpu.memref_squeeze %dma_wait3A_662 : memref<1x1x128xi32, #tpu.memory_space<vmem>> -> memref<128xi32, #tpu.memory_space<vmem>>
      %dma_wait3A_664 = arith.constant 0 : i32
      %dma_wait3A_665 = arith.constant 0 : i32
      %dma_wait3A_666 = tpu.memref_slice %arg2[%dma_wait3A_664, %dma_wait3A_665] : memref<50176x32xf32, #tpu.memory_space<hbm>> -> memref<50176x32xf32, #tpu.memory_space<hbm>>
      tpu.wait_indirect_dma semaphore(%arg17 : memref<!tpu.dma_semaphore, #tpu.memory_space<semaphore_mem>>) src(%dma_wait3A_666 : memref<50176x32xf32, #tpu.memory_space<hbm>>) dst(%dma_wait3A_660 : memref<128x32xf32, #tpu.memory_space<vmem>>)
      %get3A_667 = arith.constant 0 : i32
      %get3A_668 = arith.constant 1 : i32
      %get3A_669 = arith.index_cast %get3A_667 : i32 to index
      %get3A_670 = arith.index_cast %get3A_668 : i32 to index
      %get3A_671 = arith.constant 0 : index
      %get3A_672 = tpu.vector_load %arg7[%get3A_669, %get3A_670, %get3A_671] {strides = array<i32>} : memref<3x2x128xi32, #tpu.memory_space<vmem>>, vector<1x1x16xi32>,
      %get3A_673 = vector.shape_cast %get3A_672 : vector<1x1x16xi32> to vector<16xi32>
      %swap3A_674 = arith.constant 0 : i32
      %swap3A_675 = arith.constant 1 : i32
      %swap3A_676 = arith.index_cast %swap3A_674 : i32 to index
      %swap3A_677 = arith.index_cast %swap3A_675 : i32 to index
      %swap3A_678 = arith.constant 0 : index
      %swap3A_679 = tpu.vector_load %arg9[%swap3A_676, %swap3A_677, %swap3A_678] {strides = array<i32>} : memref<3x2x128xi32, #tpu.memory_space<vmem>>, vector<1x1x16xi32>,
      %swap3A_680 = vector.shape_cast %swap3A_679 : vector<1x1x16xi32> to vector<16xi32>
      %swap3A_681 = vector.shape_cast %get3A_673 : vector<16xi32> to vector<1x1x16xi32>
      tpu.vector_store %arg9[%swap3A_676, %swap3A_677, %swap3A_678], %swap3A_681 {strides = array<i32>} : memref<3x2x128xi32, #tpu.memory_space<vmem>>, vector<1x1x16xi32>,
      %get3A_682 = arith.constant 0 : i32
      %get3A_683 = arith.constant 1 : i32
      %get3A_684 = arith.index_cast %get3A_682 : i32 to index
      %get3A_685 = arith.index_cast %get3A_683 : i32 to index
      %get3A_686 = arith.constant 16 : index
      %get3A_687 = tpu.vector_load %arg7[%get3A_684, %get3A_685, %get3A_686] {strides = array<i32>} : memref<3x2x128xi32, #tpu.memory_space<vmem>>, vector<1x1x16xi32>,
      %get3A_688 = vector.shape_cast %get3A_687 : vector<1x1x16xi32> to vector<16xi32>
      %swap3A_689 = arith.constant 0 : i32
      %swap3A_690 = arith.constant 1 : i32
      %swap3A_691 = arith.index_cast %swap3A_689 : i32 to index
      %swap3A_692 = arith.index_cast %swap3A_690 : i32 to index
      %swap3A_693 = arith.constant 16 : index
      %swap3A_694 = tpu.vector_load %arg9[%swap3A_691, %swap3A_692, %swap3A_693] {strides = array<i32>} : memref<3x2x128xi32, #tpu.memory_space<vmem>>, vector<1x1x16xi32>,
      %swap3A_695 = vector.shape_cast %swap3A_694 : vector<1x1x16xi32> to vector<16xi32>
      %swap3A_696 = vector.shape_cast %get3A_688 : vector<16xi32> to vector<1x1x16xi32>
      tpu.vector_store %arg9[%swap3A_691, %swap3A_692, %swap3A_693], %swap3A_696 {strides = array<i32>} : memref<3x2x128xi32, #tpu.memory_space<vmem>>, vector<1x1x16xi32>,
      %get3A_697 = arith.constant 0 : i32
      %get3A_698 = arith.constant 1 : i32
      %get3A_699 = arith.index_cast %get3A_697 : i32 to index
      %get3A_700 = arith.index_cast %get3A_698 : i32 to index
      %get3A_701 = arith.constant 32 : index
      %get3A_702 = tpu.vector_load %arg7[%get3A_699, %get3A_700, %get3A_701] {strides = array<i32>} : memref<3x2x128xi32, #tpu.memory_space<vmem>>, vector<1x1x16xi32>,
      %get3A_703 = vector.shape_cast %get3A_702 : vector<1x1x16xi32> to vector<16xi32>
      %swap3A_704 = arith.constant 0 : i32
      %swap3A_705 = arith.constant 1 : i32
      %swap3A_706 = arith.index_cast %swap3A_704 : i32 to index
      %swap3A_707 = arith.index_cast %swap3A_705 : i32 to index
      %swap3A_708 = arith.constant 32 : index
      %swap3A_709 = tpu.vector_load %arg9[%swap3A_706, %swap3A_707, %swap3A_708] {strides = array<i32>} : memref<3x2x128xi32, #tpu.memory_space<vmem>>, vector<1x1x16xi32>,
      %swap3A_710 = vector.shape_cast %swap3A_709 : vector<1x1x16xi32> to vector<16xi32>
      %swap3A_711 = vector.shape_cast %get3A_703 : vector<16xi32> to vector<1x1x16xi32>
      tpu.vector_store %arg9[%swap3A_706, %swap3A_707, %swap3A_708], %swap3A_711 {strides = array<i32>} : memref<3x2x128xi32, #tpu.memory_space<vmem>>, vector<1x1x16xi32>,
      %get3A_712 = arith.constant 0 : i32
      %get3A_713 = arith.constant 1 : i32
      %get3A_714 = arith.index_cast %get3A_712 : i32 to index
      %get3A_715 = arith.index_cast %get3A_713 : i32 to index
      %get3A_716 = arith.constant 48 : index
      %get3A_717 = tpu.vector_load %arg7[%get3A_714, %get3A_715, %get3A_716] {strides = array<i32>} : memref<3x2x128xi32, #tpu.memory_space<vmem>>, vector<1x1x16xi32>,
      %get3A_718 = vector.shape_cast %get3A_717 : vector<1x1x16xi32> to vector<16xi32>
      %swap3A_719 = arith.constant 0 : i32
      %swap3A_720 = arith.constant 1 : i32
      %swap3A_721 = arith.index_cast %swap3A_719 : i32 to index
      %swap3A_722 = arith.index_cast %swap3A_720 : i32 to index
      %swap3A_723 = arith.constant 48 : index
      %swap3A_724 = tpu.vector_load %arg9[%swap3A_721, %swap3A_722, %swap3A_723] {strides = array<i32>} : memref<3x2x128xi32, #tpu.memory_space<vmem>>, vector<1x1x16xi32>,
      %swap3A_725 = vector.shape_cast %swap3A_724 : vector<1x1x16xi32> to vector<16xi32>
      %swap3A_726 = vector.shape_cast %get3A_718 : vector<16xi32> to vector<1x1x16xi32>
      tpu.vector_store %arg9[%swap3A_721, %swap3A_722, %swap3A_723], %swap3A_726 {strides = array<i32>} : memref<3x2x128xi32, #tpu.memory_space<vmem>>, vector<1x1x16xi32>,
      %get3A_727 = arith.constant 0 : i32
      %get3A_728 = arith.constant 1 : i32
      %get3A_729 = arith.index_cast %get3A_727 : i32 to index
      %get3A_730 = arith.index_cast %get3A_728 : i32 to index
      %get3A_731 = arith.constant 64 : index
      %get3A_732 = tpu.vector_load %arg7[%get3A_729, %get3A_730, %get3A_731] {strides = array<i32>} : memref<3x2x128xi32, #tpu.memory_space<vmem>>, vector<1x1x16xi32>,
      %get3A_733 = vector.shape_cast %get3A_732 : vector<1x1x16xi32> to vector<16xi32>
      %swap3A_734 = arith.constant 0 : i32
      %swap3A_735 = arith.constant 1 : i32
      %swap3A_736 = arith.index_cast %swap3A_734 : i32 to index
      %swap3A_737 = arith.index_cast %swap3A_735 : i32 to index
      %swap3A_738 = arith.constant 64 : index
      %swap3A_739 = tpu.vector_load %arg9[%swap3A_736, %swap3A_737, %swap3A_738] {strides = array<i32>} : memref<3x2x128xi32, #tpu.memory_space<vmem>>, vector<1x1x16xi32>,
      %swap3A_740 = vector.shape_cast %swap3A_739 : vector<1x1x16xi32> to vector<16xi32>
      %swap3A_741 = vector.shape_cast %get3A_733 : vector<16xi32> to vector<1x1x16xi32>
      tpu.vector_store %arg9[%swap3A_736, %swap3A_737, %swap3A_738], %swap3A_741 {strides = array<i32>} : memref<3x2x128xi32, #tpu.memory_space<vmem>>, vector<1x1x16xi32>,
      %get3A_742 = arith.constant 0 : i32
      %get3A_743 = arith.constant 1 : i32
      %get3A_744 = arith.index_cast %get3A_742 : i32 to index
      %get3A_745 = arith.index_cast %get3A_743 : i32 to index
      %get3A_746 = arith.constant 80 : index
      %get3A_747 = tpu.vector_load %arg7[%get3A_744, %get3A_745, %get3A_746] {strides = array<i32>} : memref<3x2x128xi32, #tpu.memory_space<vmem>>, vector<1x1x16xi32>,
      %get3A_748 = vector.shape_cast %get3A_747 : vector<1x1x16xi32> to vector<16xi32>
      %swap3A_749 = arith.constant 0 : i32
      %swap3A_750 = arith.constant 1 : i32
      %swap3A_751 = arith.index_cast %swap3A_749 : i32 to index
      %swap3A_752 = arith.index_cast %swap3A_750 : i32 to index
      %swap3A_753 = arith.constant 80 : index
      %swap3A_754 = tpu.vector_load %arg9[%swap3A_751, %swap3A_752, %swap3A_753] {strides = array<i32>} : memref<3x2x128xi32, #tpu.memory_space<vmem>>, vector<1x1x16xi32>,
      %swap3A_755 = vector.shape_cast %swap3A_754 : vector<1x1x16xi32> to vector<16xi32>
      %swap3A_756 = vector.shape_cast %get3A_748 : vector<16xi32> to vector<1x1x16xi32>
      tpu.vector_store %arg9[%swap3A_751, %swap3A_752, %swap3A_753], %swap3A_756 {strides = array<i32>} : memref<3x2x128xi32, #tpu.memory_space<vmem>>, vector<1x1x16xi32>,
      %get3A_757 = arith.constant 0 : i32
      %get3A_758 = arith.constant 1 : i32
      %get3A_759 = arith.index_cast %get3A_757 : i32 to index
      %get3A_760 = arith.index_cast %get3A_758 : i32 to index
      %get3A_761 = arith.constant 96 : index
      %get3A_762 = tpu.vector_load %arg7[%get3A_759, %get3A_760, %get3A_761] {strides = array<i32>} : memref<3x2x128xi32, #tpu.memory_space<vmem>>, vector<1x1x16xi32>,
      %get3A_763 = vector.shape_cast %get3A_762 : vector<1x1x16xi32> to vector<16xi32>
      %swap3A_764 = arith.constant 0 : i32
      %swap3A_765 = arith.constant 1 : i32
      %swap3A_766 = arith.index_cast %swap3A_764 : i32 to index
      %swap3A_767 = arith.index_cast %swap3A_765 : i32 to index
      %swap3A_768 = arith.constant 96 : index
      %swap3A_769 = tpu.vector_load %arg9[%swap3A_766, %swap3A_767, %swap3A_768] {strides = array<i32>} : memref<3x2x128xi32, #tpu.memory_space<vmem>>, vector<1x1x16xi32>,
      %swap3A_770 = vector.shape_cast %swap3A_769 : vector<1x1x16xi32> to vector<16xi32>
      %swap3A_771 = vector.shape_cast %get3A_763 : vector<16xi32> to vector<1x1x16xi32>
      tpu.vector_store %arg9[%swap3A_766, %swap3A_767, %swap3A_768], %swap3A_771 {strides = array<i32>} : memref<3x2x128xi32, #tpu.memory_space<vmem>>, vector<1x1x16xi32>,
      %get3A_772 = arith.constant 0 : i32
      %get3A_773 = arith.constant 1 : i32
      %get3A_774 = arith.index_cast %get3A_772 : i32 to index
      %get3A_775 = arith.index_cast %get3A_773 : i32 to index
      %get3A_776 = arith.constant 112 : index
      %get3A_777 = tpu.vector_load %arg7[%get3A_774, %get3A_775, %get3A_776] {strides = array<i32>} : memref<3x2x128xi32, #tpu.memory_space<vmem>>, vector<1x1x16xi32>,
      %get3A_778 = vector.shape_cast %get3A_777 : vector<1x1x16xi32> to vector<16xi32>
      %swap3A_779 = arith.constant 0 : i32
      %swap3A_780 = arith.constant 1 : i32
      %swap3A_781 = arith.index_cast %swap3A_779 : i32 to index
      %swap3A_782 = arith.index_cast %swap3A_780 : i32 to index
      %swap3A_783 = arith.constant 112 : index
      %swap3A_784 = tpu.vector_load %arg9[%swap3A_781, %swap3A_782, %swap3A_783] {strides = array<i32>} : memref<3x2x128xi32, #tpu.memory_space<vmem>>, vector<1x1x16xi32>,
      %swap3A_785 = vector.shape_cast %swap3A_784 : vector<1x1x16xi32> to vector<16xi32>
      %swap3A_786 = vector.shape_cast %get3A_778 : vector<16xi32> to vector<1x1x16xi32>
      tpu.vector_store %arg9[%swap3A_781, %swap3A_782, %swap3A_783], %swap3A_786 {strides = array<i32>} : memref<3x2x128xi32, #tpu.memory_space<vmem>>, vector<1x1x16xi32>,
      %get3A_787 = arith.constant 1 : i32
      %get3A_788 = arith.constant 1 : i32
      %get3A_789 = arith.index_cast %get3A_787 : i32 to index
      %get3A_790 = arith.index_cast %get3A_788 : i32 to index
      %get3A_791 = arith.constant 0 : index
      %get3A_792 = tpu.vector_load %arg7[%get3A_789, %get3A_790, %get3A_791] {strides = array<i32>} : memref<3x2x128xi32, #tpu.memory_space<vmem>>, vector<1x1x16xi32>,
      %get3A_793 = vector.shape_cast %get3A_792 : vector<1x1x16xi32> to vector<16xi32>
      %swap3A_794 = arith.constant 1 : i32
      %swap3A_795 = arith.constant 1 : i32
      %swap3A_796 = arith.index_cast %swap3A_794 : i32 to index
      %swap3A_797 = arith.index_cast %swap3A_795 : i32 to index
      %swap3A_798 = arith.constant 0 : index
      %swap3A_799 = tpu.vector_load %arg9[%swap3A_796, %swap3A_797, %swap3A_798] {strides = array<i32>} : memref<3x2x128xi32, #tpu.memory_space<vmem>>, vector<1x1x16xi32>,
      %swap3A_800 = vector.shape_cast %swap3A_799 : vector<1x1x16xi32> to vector<16xi32>
      %swap3A_801 = vector.shape_cast %get3A_793 : vector<16xi32> to vector<1x1x16xi32>
      tpu.vector_store %arg9[%swap3A_796, %swap3A_797, %swap3A_798], %swap3A_801 {strides = array<i32>} : memref<3x2x128xi32, #tpu.memory_space<vmem>>, vector<1x1x16xi32>,
      %get3A_802 = arith.constant 1 : i32
      %get3A_803 = arith.constant 1 : i32
      %get3A_804 = arith.index_cast %get3A_802 : i32 to index
      %get3A_805 = arith.index_cast %get3A_803 : i32 to index
      %get3A_806 = arith.constant 16 : index
      %get3A_807 = tpu.vector_load %arg7[%get3A_804, %get3A_805, %get3A_806] {strides = array<i32>} : memref<3x2x128xi32, #tpu.memory_space<vmem>>, vector<1x1x16xi32>,
      %get3A_808 = vector.shape_cast %get3A_807 : vector<1x1x16xi32> to vector<16xi32>
      %swap3A_809 = arith.constant 1 : i32
      %swap3A_810 = arith.constant 1 : i32
      %swap3A_811 = arith.index_cast %swap3A_809 : i32 to index
      %swap3A_812 = arith.index_cast %swap3A_810 : i32 to index
      %swap3A_813 = arith.constant 16 : index
      %swap3A_814 = tpu.vector_load %arg9[%swap3A_811, %swap3A_812, %swap3A_813] {strides = array<i32>} : memref<3x2x128xi32, #tpu.memory_space<vmem>>, vector<1x1x16xi32>,
      %swap3A_815 = vector.shape_cast %swap3A_814 : vector<1x1x16xi32> to vector<16xi32>
      %swap3A_816 = vector.shape_cast %get3A_808 : vector<16xi32> to vector<1x1x16xi32>
      tpu.vector_store %arg9[%swap3A_811, %swap3A_812, %swap3A_813], %swap3A_816 {strides = array<i32>} : memref<3x2x128xi32, #tpu.memory_space<vmem>>, vector<1x1x16xi32>,
      %get3A_817 = arith.constant 1 : i32
      %get3A_818 = arith.constant 1 : i32
      %get3A_819 = arith.index_cast %get3A_817 : i32 to index
      %get3A_820 = arith.index_cast %get3A_818 : i32 to index
      %get3A_821 = arith.constant 32 : index
      %get3A_822 = tpu.vector_load %arg7[%get3A_819, %get3A_820, %get3A_821] {strides = array<i32>} : memref<3x2x128xi32, #tpu.memory_space<vmem>>, vector<1x1x16xi32>,
      %get3A_823 = vector.shape_cast %get3A_822 : vector<1x1x16xi32> to vector<16xi32>
      %swap3A_824 = arith.constant 1 : i32
      %swap3A_825 = arith.constant 1 : i32
      %swap3A_826 = arith.index_cast %swap3A_824 : i32 to index
      %swap3A_827 = arith.index_cast %swap3A_825 : i32 to index
      %swap3A_828 = arith.constant 32 : index
      %swap3A_829 = tpu.vector_load %arg9[%swap3A_826, %swap3A_827, %swap3A_828] {strides = array<i32>} : memref<3x2x128xi32, #tpu.memory_space<vmem>>, vector<1x1x16xi32>,
      %swap3A_830 = vector.shape_cast %swap3A_829 : vector<1x1x16xi32> to vector<16xi32>
      %swap3A_831 = vector.shape_cast %get3A_823 : vector<16xi32> to vector<1x1x16xi32>
      tpu.vector_store %arg9[%swap3A_826, %swap3A_827, %swap3A_828], %swap3A_831 {strides = array<i32>} : memref<3x2x128xi32, #tpu.memory_space<vmem>>, vector<1x1x16xi32>,
      %get3A_832 = arith.constant 1 : i32
      %get3A_833 = arith.constant 1 : i32
      %get3A_834 = arith.index_cast %get3A_832 : i32 to index
      %get3A_835 = arith.index_cast %get3A_833 : i32 to index
      %get3A_836 = arith.constant 48 : index
      %get3A_837 = tpu.vector_load %arg7[%get3A_834, %get3A_835, %get3A_836] {strides = array<i32>} : memref<3x2x128xi32, #tpu.memory_space<vmem>>, vector<1x1x16xi32>,
      %get3A_838 = vector.shape_cast %get3A_837 : vector<1x1x16xi32> to vector<16xi32>
      %swap3A_839 = arith.constant 1 : i32
      %swap3A_840 = arith.constant 1 : i32
      %swap3A_841 = arith.index_cast %swap3A_839 : i32 to index
      %swap3A_842 = arith.index_cast %swap3A_840 : i32 to index
      %swap3A_843 = arith.constant 48 : index
      %swap3A_844 = tpu.vector_load %arg9[%swap3A_841, %swap3A_842, %swap3A_843] {strides = array<i32>} : memref<3x2x128xi32, #tpu.memory_space<vmem>>, vector<1x1x16xi32>,
      %swap3A_845 = vector.shape_cast %swap3A_844 : vector<1x1x16xi32> to vector<16xi32>
      %swap3A_846 = vector.shape_cast %get3A_838 : vector<16xi32> to vector<1x1x16xi32>
      tpu.vector_store %arg9[%swap3A_841, %swap3A_842, %swap3A_843], %swap3A_846 {strides = array<i32>} : memref<3x2x128xi32, #tpu.memory_space<vmem>>, vector<1x1x16xi32>,
      %get3A_847 = arith.constant 1 : i32
      %get3A_848 = arith.constant 1 : i32
      %get3A_849 = arith.index_cast %get3A_847 : i32 to index
      %get3A_850 = arith.index_cast %get3A_848 : i32 to index
      %get3A_851 = arith.constant 64 : index
      %get3A_852 = tpu.vector_load %arg7[%get3A_849, %get3A_850, %get3A_851] {strides = array<i32>} : memref<3x2x128xi32, #tpu.memory_space<vmem>>, vector<1x1x16xi32>,
      %get3A_853 = vector.shape_cast %get3A_852 : vector<1x1x16xi32> to vector<16xi32>
      %swap3A_854 = arith.constant 1 : i32
      %swap3A_855 = arith.constant 1 : i32
      %swap3A_856 = arith.index_cast %swap3A_854 : i32 to index
      %swap3A_857 = arith.index_cast %swap3A_855 : i32 to index
      %swap3A_858 = arith.constant 64 : index
      %swap3A_859 = tpu.vector_load %arg9[%swap3A_856, %swap3A_857, %swap3A_858] {strides = array<i32>} : memref<3x2x128xi32, #tpu.memory_space<vmem>>, vector<1x1x16xi32>,
      %swap3A_860 = vector.shape_cast %swap3A_859 : vector<1x1x16xi32> to vector<16xi32>
      %swap3A_861 = vector.shape_cast %get3A_853 : vector<16xi32> to vector<1x1x16xi32>
      tpu.vector_store %arg9[%swap3A_856, %swap3A_857, %swap3A_858], %swap3A_861 {strides = array<i32>} : memref<3x2x128xi32, #tpu.memory_space<vmem>>, vector<1x1x16xi32>,
      %get3A_862 = arith.constant 1 : i32
      %get3A_863 = arith.constant 1 : i32
      %get3A_864 = arith.index_cast %get3A_862 : i32 to index
      %get3A_865 = arith.index_cast %get3A_863 : i32 to index
      %get3A_866 = arith.constant 80 : index
      %get3A_867 = tpu.vector_load %arg7[%get3A_864, %get3A_865, %get3A_866] {strides = array<i32>} : memref<3x2x128xi32, #tpu.memory_space<vmem>>, vector<1x1x16xi32>,
      %get3A_868 = vector.shape_cast %get3A_867 : vector<1x1x16xi32> to vector<16xi32>
      %swap3A_869 = arith.constant 1 : i32
      %swap3A_870 = arith.constant 1 : i32
      %swap3A_871 = arith.index_cast %swap3A_869 : i32 to index
      %swap3A_872 = arith.index_cast %swap3A_870 : i32 to index
      %swap3A_873 = arith.constant 80 : index
      %swap3A_874 = tpu.vector_load %arg9[%swap3A_871, %swap3A_872, %swap3A_873] {strides = array<i32>} : memref<3x2x128xi32, #tpu.memory_space<vmem>>, vector<1x1x16xi32>,
      %swap3A_875 = vector.shape_cast %swap3A_874 : vector<1x1x16xi32> to vector<16xi32>
      %swap3A_876 = vector.shape_cast %get3A_868 : vector<16xi32> to vector<1x1x16xi32>
      tpu.vector_store %arg9[%swap3A_871, %swap3A_872, %swap3A_873], %swap3A_876 {strides = array<i32>} : memref<3x2x128xi32, #tpu.memory_space<vmem>>, vector<1x1x16xi32>,
      %get3A_877 = arith.constant 1 : i32
      %get3A_878 = arith.constant 1 : i32
      %get3A_879 = arith.index_cast %get3A_877 : i32 to index
      %get3A_880 = arith.index_cast %get3A_878 : i32 to index
      %get3A_881 = arith.constant 96 : index
      %get3A_882 = tpu.vector_load %arg7[%get3A_879, %get3A_880, %get3A_881] {strides = array<i32>} : memref<3x2x128xi32, #tpu.memory_space<vmem>>, vector<1x1x16xi32>,
      %get3A_883 = vector.shape_cast %get3A_882 : vector<1x1x16xi32> to vector<16xi32>
      %swap3A_884 = arith.constant 1 : i32
      %swap3A_885 = arith.constant 1 : i32
      %swap3A_886 = arith.index_cast %swap3A_884 : i32 to index
      %swap3A_887 = arith.index_cast %swap3A_885 : i32 to index
      %swap3A_888 = arith.constant 96 : index
      %swap3A_889 = tpu.vector_load %arg9[%swap3A_886, %swap3A_887, %swap3A_888] {strides = array<i32>} : memref<3x2x128xi32, #tpu.memory_space<vmem>>, vector<1x1x16xi32>,
      %swap3A_890 = vector.shape_cast %swap3A_889 : vector<1x1x16xi32> to vector<16xi32>
      %swap3A_891 = vector.shape_cast %get3A_883 : vector<16xi32> to vector<1x1x16xi32>
      tpu.vector_store %arg9[%swap3A_886, %swap3A_887, %swap3A_888], %swap3A_891 {strides = array<i32>} : memref<3x2x128xi32, #tpu.memory_space<vmem>>, vector<1x1x16xi32>,
      %get3A_892 = arith.constant 1 : i32
      %get3A_893 = arith.constant 1 : i32
      %get3A_894 = arith.index_cast %get3A_892 : i32 to index
      %get3A_895 = arith.index_cast %get3A_893 : i32 to index
      %get3A_896 = arith.constant 112 : index
      %get3A_897 = tpu.vector_load %arg7[%get3A_894, %get3A_895, %get3A_896] {strides = array<i32>} : memref<3x2x128xi32, #tpu.memory_space<vmem>>, vector<1x1x16xi32>,
      %get3A_898 = vector.shape_cast %get3A_897 : vector<1x1x16xi32> to vector<16xi32>
      %swap3A_899 = arith.constant 1 : i32
      %swap3A_900 = arith.constant 1 : i32
      %swap3A_901 = arith.index_cast %swap3A_899 : i32 to index
      %swap3A_902 = arith.index_cast %swap3A_900 : i32 to index
      %swap3A_903 = arith.constant 112 : index
      %swap3A_904 = tpu.vector_load %arg9[%swap3A_901, %swap3A_902, %swap3A_903] {strides = array<i32>} : memref<3x2x128xi32, #tpu.memory_space<vmem>>, vector<1x1x16xi32>,
      %swap3A_905 = vector.shape_cast %swap3A_904 : vector<1x1x16xi32> to vector<16xi32>
      %swap3A_906 = vector.shape_cast %get3A_898 : vector<16xi32> to vector<1x1x16xi32>
      tpu.vector_store %arg9[%swap3A_901, %swap3A_902, %swap3A_903], %swap3A_906 {strides = array<i32>} : memref<3x2x128xi32, #tpu.memory_space<vmem>>, vector<1x1x16xi32>,
      %get3A_907 = arith.constant 2 : i32
      %get3A_908 = arith.constant 1 : i32
      %get3A_909 = arith.index_cast %get3A_907 : i32 to index
      %get3A_910 = arith.index_cast %get3A_908 : i32 to index
      %get3A_911 = arith.constant 0 : index
      %get3A_912 = tpu.vector_load %arg7[%get3A_909, %get3A_910, %get3A_911] {strides = array<i32>} : memref<3x2x128xi32, #tpu.memory_space<vmem>>, vector<1x1x16xi32>,
      %get3A_913 = vector.shape_cast %get3A_912 : vector<1x1x16xi32> to vector<16xi32>
      %swap3A_914 = arith.constant 2 : i32
      %swap3A_915 = arith.constant 1 : i32
      %swap3A_916 = arith.index_cast %swap3A_914 : i32 to index
      %swap3A_917 = arith.index_cast %swap3A_915 : i32 to index
      %swap3A_918 = arith.constant 0 : index
      %swap3A_919 = tpu.vector_load %arg9[%swap3A_916, %swap3A_917, %swap3A_918] {strides = array<i32>} : memref<3x2x128xi32, #tpu.memory_space<vmem>>, vector<1x1x16xi32>,
      %swap3A_920 = vector.shape_cast %swap3A_919 : vector<1x1x16xi32> to vector<16xi32>
      %swap3A_921 = vector.shape_cast %get3A_913 : vector<16xi32> to vector<1x1x16xi32>
      tpu.vector_store %arg9[%swap3A_916, %swap3A_917, %swap3A_918], %swap3A_921 {strides = array<i32>} : memref<3x2x128xi32, #tpu.memory_space<vmem>>, vector<1x1x16xi32>,
      %get3A_922 = arith.constant 2 : i32
      %get3A_923 = arith.constant 1 : i32
      %get3A_924 = arith.index_cast %get3A_922 : i32 to index
      %get3A_925 = arith.index_cast %get3A_923 : i32 to index
      %get3A_926 = arith.constant 16 : index
      %get3A_927 = tpu.vector_load %arg7[%get3A_924, %get3A_925, %get3A_926] {strides = array<i32>} : memref<3x2x128xi32, #tpu.memory_space<vmem>>, vector<1x1x16xi32>,
      %get3A_928 = vector.shape_cast %get3A_927 : vector<1x1x16xi32> to vector<16xi32>
      %swap3A_929 = arith.constant 2 : i32
      %swap3A_930 = arith.constant 1 : i32
      %swap3A_931 = arith.index_cast %swap3A_929 : i32 to index
      %swap3A_932 = arith.index_cast %swap3A_930 : i32 to index
      %swap3A_933 = arith.constant 16 : index
      %swap3A_934 = tpu.vector_load %arg9[%swap3A_931, %swap3A_932, %swap3A_933] {strides = array<i32>} : memref<3x2x128xi32, #tpu.memory_space<vmem>>, vector<1x1x16xi32>,
      %swap3A_935 = vector.shape_cast %swap3A_934 : vector<1x1x16xi32> to vector<16xi32>
      %swap3A_936 = vector.shape_cast %get3A_928 : vector<16xi32> to vector<1x1x16xi32>
      tpu.vector_store %arg9[%swap3A_931, %swap3A_932, %swap3A_933], %swap3A_936 {strides = array<i32>} : memref<3x2x128xi32, #tpu.memory_space<vmem>>, vector<1x1x16xi32>,
      %get3A_937 = arith.constant 2 : i32
      %get3A_938 = arith.constant 1 : i32
      %get3A_939 = arith.index_cast %get3A_937 : i32 to index
      %get3A_940 = arith.index_cast %get3A_938 : i32 to index
      %get3A_941 = arith.constant 32 : index
      %get3A_942 = tpu.vector_load %arg7[%get3A_939, %get3A_940, %get3A_941] {strides = array<i32>} : memref<3x2x128xi32, #tpu.memory_space<vmem>>, vector<1x1x16xi32>,
      %get3A_943 = vector.shape_cast %get3A_942 : vector<1x1x16xi32> to vector<16xi32>
      %swap3A_944 = arith.constant 2 : i32
      %swap3A_945 = arith.constant 1 : i32
      %swap3A_946 = arith.index_cast %swap3A_944 : i32 to index
      %swap3A_947 = arith.index_cast %swap3A_945 : i32 to index
      %swap3A_948 = arith.constant 32 : index
      %swap3A_949 = tpu.vector_load %arg9[%swap3A_946, %swap3A_947, %swap3A_948] {strides = array<i32>} : memref<3x2x128xi32, #tpu.memory_space<vmem>>, vector<1x1x16xi32>,
      %swap3A_950 = vector.shape_cast %swap3A_949 : vector<1x1x16xi32> to vector<16xi32>
      %swap3A_951 = vector.shape_cast %get3A_943 : vector<16xi32> to vector<1x1x16xi32>
      tpu.vector_store %arg9[%swap3A_946, %swap3A_947, %swap3A_948], %swap3A_951 {strides = array<i32>} : memref<3x2x128xi32, #tpu.memory_space<vmem>>, vector<1x1x16xi32>,
      %get3A_952 = arith.constant 2 : i32
      %get3A_953 = arith.constant 1 : i32
      %get3A_954 = arith.index_cast %get3A_952 : i32 to index
      %get3A_955 = arith.index_cast %get3A_953 : i32 to index
      %get3A_956 = arith.constant 48 : index
      %get3A_957 = tpu.vector_load %arg7[%get3A_954, %get3A_955, %get3A_956] {strides = array<i32>} : memref<3x2x128xi32, #tpu.memory_space<vmem>>, vector<1x1x16xi32>,
      %get3A_958 = vector.shape_cast %get3A_957 : vector<1x1x16xi32> to vector<16xi32>
      %swap3A_959 = arith.constant 2 : i32
      %swap3A_960 = arith.constant 1 : i32
      %swap3A_961 = arith.index_cast %swap3A_959 : i32 to index
      %swap3A_962 = arith.index_cast %swap3A_960 : i32 to index
      %swap3A_963 = arith.constant 48 : index
      %swap3A_964 = tpu.vector_load %arg9[%swap3A_961, %swap3A_962, %swap3A_963] {strides = array<i32>} : memref<3x2x128xi32, #tpu.memory_space<vmem>>, vector<1x1x16xi32>,
      %swap3A_965 = vector.shape_cast %swap3A_964 : vector<1x1x16xi32> to vector<16xi32>
      %swap3A_966 = vector.shape_cast %get3A_958 : vector<16xi32> to vector<1x1x16xi32>
      tpu.vector_store %arg9[%swap3A_961, %swap3A_962, %swap3A_963], %swap3A_966 {strides = array<i32>} : memref<3x2x128xi32, #tpu.memory_space<vmem>>, vector<1x1x16xi32>,
      %get3A_967 = arith.constant 2 : i32
      %get3A_968 = arith.constant 1 : i32
      %get3A_969 = arith.index_cast %get3A_967 : i32 to index
      %get3A_970 = arith.index_cast %get3A_968 : i32 to index
      %get3A_971 = arith.constant 64 : index
      %get3A_972 = tpu.vector_load %arg7[%get3A_969, %get3A_970, %get3A_971] {strides = array<i32>} : memref<3x2x128xi32, #tpu.memory_space<vmem>>, vector<1x1x16xi32>,
      %get3A_973 = vector.shape_cast %get3A_972 : vector<1x1x16xi32> to vector<16xi32>
      %swap3A_974 = arith.constant 2 : i32
      %swap3A_975 = arith.constant 1 : i32
      %swap3A_976 = arith.index_cast %swap3A_974 : i32 to index
      %swap3A_977 = arith.index_cast %swap3A_975 : i32 to index
      %swap3A_978 = arith.constant 64 : index
      %swap3A_979 = tpu.vector_load %arg9[%swap3A_976, %swap3A_977, %swap3A_978] {strides = array<i32>} : memref<3x2x128xi32, #tpu.memory_space<vmem>>, vector<1x1x16xi32>,
      %swap3A_980 = vector.shape_cast %swap3A_979 : vector<1x1x16xi32> to vector<16xi32>
      %swap3A_981 = vector.shape_cast %get3A_973 : vector<16xi32> to vector<1x1x16xi32>
      tpu.vector_store %arg9[%swap3A_976, %swap3A_977, %swap3A_978], %swap3A_981 {strides = array<i32>} : memref<3x2x128xi32, #tpu.memory_space<vmem>>, vector<1x1x16xi32>,
      %get3A_982 = arith.constant 2 : i32
      %get3A_983 = arith.constant 1 : i32
      %get3A_984 = arith.index_cast %get3A_982 : i32 to index
      %get3A_985 = arith.index_cast %get3A_983 : i32 to index
      %get3A_986 = arith.constant 80 : index
      %get3A_987 = tpu.vector_load %arg7[%get3A_984, %get3A_985, %get3A_986] {strides = array<i32>} : memref<3x2x128xi32, #tpu.memory_space<vmem>>, vector<1x1x16xi32>,
      %get3A_988 = vector.shape_cast %get3A_987 : vector<1x1x16xi32> to vector<16xi32>
      %swap3A_989 = arith.constant 2 : i32
      %swap3A_990 = arith.constant 1 : i32
      %swap3A_991 = arith.index_cast %swap3A_989 : i32 to index
      %swap3A_992 = arith.index_cast %swap3A_990 : i32 to index
      %swap3A_993 = arith.constant 80 : index
      %swap3A_994 = tpu.vector_load %arg9[%swap3A_991, %swap3A_992, %swap3A_993] {strides = array<i32>} : memref<3x2x128xi32, #tpu.memory_space<vmem>>, vector<1x1x16xi32>,
      %swap3A_995 = vector.shape_cast %swap3A_994 : vector<1x1x16xi32> to vector<16xi32>
      %swap3A_996 = vector.shape_cast %get3A_988 : vector<16xi32> to vector<1x1x16xi32>
      tpu.vector_store %arg9[%swap3A_991, %swap3A_992, %swap3A_993], %swap3A_996 {strides = array<i32>} : memref<3x2x128xi32, #tpu.memory_space<vmem>>, vector<1x1x16xi32>,
      %get3A_997 = arith.constant 2 : i32
      %get3A_998 = arith.constant 1 : i32
      %get3A_999 = arith.index_cast %get3A_997 : i32 to index
      %get3A_1000 = arith.index_cast %get3A_998 : i32 to index
      %get3A_1001 = arith.constant 96 : index
      %get3A_1002 = tpu.vector_load %arg7[%get3A_999, %get3A_1000, %get3A_1001] {strides = array<i32>} : memref<3x2x128xi32, #tpu.memory_space<vmem>>, vector<1x1x16xi32>,
      %get3A_1003 = vector.shape_cast %get3A_1002 : vector<1x1x16xi32> to vector<16xi32>
      %swap3A_1004 = arith.constant 2 : i32
      %swap3A_1005 = arith.constant 1 : i32
      %swap3A_1006 = arith.index_cast %swap3A_1004 : i32 to index
      %swap3A_1007 = arith.index_cast %swap3A_1005 : i32 to index
      %swap3A_1008 = arith.constant 96 : index
      %swap3A_1009 = tpu.vector_load %arg9[%swap3A_1006, %swap3A_1007, %swap3A_1008] {strides = array<i32>} : memref<3x2x128xi32, #tpu.memory_space<vmem>>, vector<1x1x16xi32>,
      %swap3A_1010 = vector.shape_cast %swap3A_1009 : vector<1x1x16xi32> to vector<16xi32>
      %swap3A_1011 = vector.shape_cast %get3A_1003 : vector<16xi32> to vector<1x1x16xi32>
      tpu.vector_store %arg9[%swap3A_1006, %swap3A_1007, %swap3A_1008], %swap3A_1011 {strides = array<i32>} : memref<3x2x128xi32, #tpu.memory_space<vmem>>, vector<1x1x16xi32>,
      %get3A_1012 = arith.constant 2 : i32
      %get3A_1013 = arith.constant 1 : i32
      %get3A_1014 = arith.index_cast %get3A_1012 : i32 to index
      %get3A_1015 = arith.index_cast %get3A_1013 : i32 to index
      %get3A_1016 = arith.constant 112 : index
      %get3A_1017 = tpu.vector_load %arg7[%get3A_1014, %get3A_1015, %get3A_1016] {strides = array<i32>} : memref<3x2x128xi32, #tpu.memory_space<vmem>>, vector<1x1x16xi32>,
      %get3A_1018 = vector.shape_cast %get3A_1017 : vector<1x1x16xi32> to vector<16xi32>
      %swap3A_1019 = arith.constant 2 : i32
      %swap3A_1020 = arith.constant 1 : i32
      %swap3A_1021 = arith.index_cast %swap3A_1019 : i32 to index
      %swap3A_1022 = arith.index_cast %swap3A_1020 : i32 to index
      %swap3A_1023 = arith.constant 112 : index
      %swap3A_1024 = tpu.vector_load %arg9[%swap3A_1021, %swap3A_1022, %swap3A_1023] {strides = array<i32>} : memref<3x2x128xi32, #tpu.memory_space<vmem>>, vector<1x1x16xi32>,
      %swap3A_1025 = vector.shape_cast %swap3A_1024 : vector<1x1x16xi32> to vector<16xi32>
      %swap3A_1026 = vector.shape_cast %get3A_1018 : vector<16xi32> to vector<1x1x16xi32>
      tpu.vector_store %arg9[%swap3A_1021, %swap3A_1022, %swap3A_1023], %swap3A_1026 {strides = array<i32>} : memref<3x2x128xi32, #tpu.memory_space<vmem>>, vector<1x1x16xi32>,
      %dma_start3A_1027 = arith.constant 0 : i32
      %dma_start3A_1028 = arith.constant 0 : i32
      %dma_start3A_1029 = arith.constant 1 : i32
      %dma_start3A_1030 = arith.constant 0 : i32
      %dma_start3A_1031 = arith.constant 0 : i32
      %dma_start3A_1032 = tpu.memref_slice %arg11[%dma_start3A_1027, %dma_start3A_1030, %dma_start3A_1031] : memref<3x128x32xf32, #tpu.memory_space<vmem>> -> memref<1x128x32xf32, #tpu.memory_space<vmem>>
      %dma_start3A_1033 = tpu.memref_squeeze %dma_start3A_1032 : memref<1x128x32xf32, #tpu.memory_space<vmem>> -> memref<128x32xf32, #tpu.memory_space<vmem>>
      %dma_start3A_1034 = arith.constant 0 : i32
      %dma_start3A_1035 = tpu.memref_slice %arg9[%dma_start3A_1028, %dma_start3A_1029, %dma_start3A_1034] : memref<3x2x128xi32, #tpu.memory_space<vmem>> -> memref<1x1x128xi32, #tpu.memory_space<vmem>>
      %dma_start3A_1036 = tpu.memref_squeeze %dma_start3A_1035 : memref<1x1x128xi32, #tpu.memory_space<vmem>> -> memref<128xi32, #tpu.memory_space<vmem>>
      %dma_start3A_1037 = arith.constant 0 : i32
      %dma_start3A_1038 = arith.constant 0 : i32
      %dma_start3A_1039 = tpu.memref_slice %arg13[%dma_start3A_1037, %dma_start3A_1038] : memref<50176x32xf32, #tpu.memory_space<vmem_shared>> -> memref<50176x32xf32, #tpu.memory_space<vmem_shared>>
      tpu.enqueue_indirect_dma source(%dma_start3A_1033 : memref<128x32xf32, #tpu.memory_space<vmem>>) target(%dma_start3A_1039 : memref<50176x32xf32, #tpu.memory_space<vmem_shared>>) offsets(%dma_start3A_1036 : memref<128xi32, #tpu.memory_space<vmem>>) semaphore(%arg19 : memref<!tpu.dma_semaphore, #tpu.memory_space<semaphore_mem>>) {add = true}
      %dma_start3A_1040 = arith.constant 1 : i32
      %dma_start3A_1041 = arith.constant 1 : i32
      %dma_start3A_1042 = arith.constant 1 : i32
      %dma_start3A_1043 = arith.constant 0 : i32
      %dma_start3A_1044 = arith.constant 0 : i32
      %dma_start3A_1045 = tpu.memref_slice %arg11[%dma_start3A_1040, %dma_start3A_1043, %dma_start3A_1044] : memref<3x128x32xf32, #tpu.memory_space<vmem>> -> memref<1x128x32xf32, #tpu.memory_space<vmem>>
      %dma_start3A_1046 = tpu.memref_squeeze %dma_start3A_1045 : memref<1x128x32xf32, #tpu.memory_space<vmem>> -> memref<128x32xf32, #tpu.memory_space<vmem>>
      %dma_start3A_1047 = arith.constant 0 : i32
      %dma_start3A_1048 = tpu.memref_slice %arg9[%dma_start3A_1041, %dma_start3A_1042, %dma_start3A_1047] : memref<3x2x128xi32, #tpu.memory_space<vmem>> -> memref<1x1x128xi32, #tpu.memory_space<vmem>>
      %dma_start3A_1049 = tpu.memref_squeeze %dma_start3A_1048 : memref<1x1x128xi32, #tpu.memory_space<vmem>> -> memref<128xi32, #tpu.memory_space<vmem>>
      %dma_start3A_1050 = arith.constant 0 : i32
      %dma_start3A_1051 = arith.constant 0 : i32
      %dma_start3A_1052 = tpu.memref_slice %arg13[%dma_start3A_1050, %dma_start3A_1051] : memref<50176x32xf32, #tpu.memory_space<vmem_shared>> -> memref<50176x32xf32, #tpu.memory_space<vmem_shared>>
      tpu.enqueue_indirect_dma source(%dma_start3A_1046 : memref<128x32xf32, #tpu.memory_space<vmem>>) target(%dma_start3A_1052 : memref<50176x32xf32, #tpu.memory_space<vmem_shared>>) offsets(%dma_start3A_1049 : memref<128xi32, #tpu.memory_space<vmem>>) semaphore(%arg19 : memref<!tpu.dma_semaphore, #tpu.memory_space<semaphore_mem>>) {add = true}
      %dma_start3A_1053 = arith.constant 2 : i32
      %dma_start3A_1054 = arith.constant 2 : i32
      %dma_start3A_1055 = arith.constant 1 : i32
      %dma_start3A_1056 = arith.constant 0 : i32
      %dma_start3A_1057 = arith.constant 0 : i32
      %dma_start3A_1058 = tpu.memref_slice %arg11[%dma_start3A_1053, %dma_start3A_1056, %dma_start3A_1057] : memref<3x128x32xf32, #tpu.memory_space<vmem>> -> memref<1x128x32xf32, #tpu.memory_space<vmem>>
      %dma_start3A_1059 = tpu.memref_squeeze %dma_start3A_1058 : memref<1x128x32xf32, #tpu.memory_space<vmem>> -> memref<128x32xf32, #tpu.memory_space<vmem>>
      %dma_start3A_1060 = arith.constant 0 : i32
      %dma_start3A_1061 = tpu.memref_slice %arg9[%dma_start3A_1054, %dma_start3A_1055, %dma_start3A_1060] : memref<3x2x128xi32, #tpu.memory_space<vmem>> -> memref<1x1x128xi32, #tpu.memory_space<vmem>>
      %dma_start3A_1062 = tpu.memref_squeeze %dma_start3A_1061 : memref<1x1x128xi32, #tpu.memory_space<vmem>> -> memref<128xi32, #tpu.memory_space<vmem>>
      %dma_start3A_1063 = arith.constant 0 : i32
      %dma_start3A_1064 = arith.constant 0 : i32
      %dma_start3A_1065 = tpu.memref_slice %arg13[%dma_start3A_1063, %dma_start3A_1064] : memref<50176x32xf32, #tpu.memory_space<vmem_shared>> -> memref<50176x32xf32, #tpu.memory_space<vmem_shared>>
      tpu.enqueue_indirect_dma source(%dma_start3A_1059 : memref<128x32xf32, #tpu.memory_space<vmem>>) target(%dma_start3A_1065 : memref<50176x32xf32, #tpu.memory_space<vmem_shared>>) offsets(%dma_start3A_1062 : memref<128xi32, #tpu.memory_space<vmem>>) semaphore(%arg19 : memref<!tpu.dma_semaphore, #tpu.memory_space<semaphore_mem>>) {add = true}
      %add3A_1066 = arith.constant 2 : i32
      %add3A_1067 = arith.addi %add3A_610, %add3A_1066 : i32
      %lt3A_1068 = arith.constant 130 : i32
      %lt3A_1069 = arith.cmpi slt, %add3A_1067, %lt3A_1068 : i32
      %convert_element_type3A_1070 = arith.extui %lt3A_1069 : i1 to i32
      %cond3A_1071 = arith.constant 0 : i32
      %cond3A_1072 = arith.cmpi ne, %convert_element_type3A_1070, %cond3A_1071 : i32
      scf.if %cond3A_1072 {
        %add3A_1073 = arith.constant 2 : i32
        %add3A_1074 = arith.addi %add3A_610, %add3A_1073 : i32
        %mul3A_1075 = arith.constant 3 : i32
        %mul3A_1076 = arith.muli %add3A_1074, %mul3A_1075 : i32
        %add3A_1077 = arith.addi %add3A_9, %mul3A_1076 : i32
        %dma_start3A_1078 = arith.constant 0 : i32
        %dma_start3A_1079 = arith.constant 0 : i32
        %dma_start3A_1080 = tpu.memref_slice %arg3[%add3A_1077, %dma_start3A_1078, %dma_start3A_1079] : memref<12500x2x128xi32, #tpu.memory_space<hbm>> -> memref<3x2x128xi32, #tpu.memory_space<hbm>>
        %dma_start3A_1081 = arith.constant 0 : i32
        %dma_start3A_1082 = arith.constant 0 : i32
        %dma_start3A_1083 = tpu.memref_slice %arg3[%add3A_1077, %dma_start3A_1081, %dma_start3A_1082] : memref<12500x2x128xi32, #tpu.memory_space<hbm>> -> memref<3x2x128xi32, #tpu.memory_space<hbm>>
        tpu.enqueue_dma source(%dma_start3A_1083 : memref<3x2x128xi32, #tpu.memory_space<hbm>>) target(%arg7 : memref<3x2x128xi32, #tpu.memory_space<vmem>>) target_semaphore(%arg15 : memref<!tpu.dma_semaphore, #tpu.memory_space<semaphore_mem>>)
      } else {
      }
    }
    %scan3A_61 = arith.constant 65 : i32
    %dma_wait3A = arith.constant 0 : i32
    %dma_wait3A_62 = arith.constant 0 : i32
    %dma_wait3A_63 = arith.constant 1 : i32
    %dma_wait3A_64 = arith.constant 0 : i32
    %dma_wait3A_65 = arith.constant 0 : i32
    %dma_wait3A_66 = tpu.memref_slice %arg10[%dma_wait3A, %dma_wait3A_64, %dma_wait3A_65] : memref<3x128x32xf32, #tpu.memory_space<vmem>> -> memref<1x128x32xf32, #tpu.memory_space<vmem>>
    %dma_wait3A_67 = tpu.memref_squeeze %dma_wait3A_66 : memref<1x128x32xf32, #tpu.memory_space<vmem>> -> memref<128x32xf32, #tpu.memory_space<vmem>>
    %dma_wait3A_68 = arith.constant 0 : i32
    %dma_wait3A_69 = tpu.memref_slice %arg8[%dma_wait3A_62, %dma_wait3A_63, %dma_wait3A_68] : memref<3x2x128xi32, #tpu.memory_space<vmem>> -> memref<1x1x128xi32, #tpu.memory_space<vmem>>
    %dma_wait3A_70 = tpu.memref_squeeze %dma_wait3A_69 : memref<1x1x128xi32, #tpu.memory_space<vmem>> -> memref<128xi32, #tpu.memory_space<vmem>>
    %dma_wait3A_71 = arith.constant 0 : i32
    %dma_wait3A_72 = arith.constant 0 : i32
    %dma_wait3A_73 = tpu.memref_slice %arg13[%dma_wait3A_71, %dma_wait3A_72] : memref<50176x32xf32, #tpu.memory_space<vmem_shared>> -> memref<50176x32xf32, #tpu.memory_space<vmem_shared>>
    tpu.wait_indirect_dma semaphore(%arg18 : memref<!tpu.dma_semaphore, #tpu.memory_space<semaphore_mem>>) src(%dma_wait3A_67 : memref<128x32xf32, #tpu.memory_space<vmem>>) dst(%dma_wait3A_73 : memref<50176x32xf32, #tpu.memory_space<vmem_shared>>)
    %dma_wait3A_74 = arith.constant 1 : i32
    %dma_wait3A_75 = arith.constant 1 : i32
    %dma_wait3A_76 = arith.constant 1 : i32
    %dma_wait3A_77 = arith.constant 0 : i32
    %dma_wait3A_78 = arith.constant 0 : i32
    %dma_wait3A_79 = tpu.memref_slice %arg10[%dma_wait3A_74, %dma_wait3A_77, %dma_wait3A_78] : memref<3x128x32xf32, #tpu.memory_space<vmem>> -> memref<1x128x32xf32, #tpu.memory_space<vmem>>
    %dma_wait3A_80 = tpu.memref_squeeze %dma_wait3A_79 : memref<1x128x32xf32, #tpu.memory_space<vmem>> -> memref<128x32xf32, #tpu.memory_space<vmem>>
    %dma_wait3A_81 = arith.constant 0 : i32
    %dma_wait3A_82 = tpu.memref_slice %arg8[%dma_wait3A_75, %dma_wait3A_76, %dma_wait3A_81] : memref<3x2x128xi32, #tpu.memory_space<vmem>> -> memref<1x1x128xi32, #tpu.memory_space<vmem>>
    %dma_wait3A_83 = tpu.memref_squeeze %dma_wait3A_82 : memref<1x1x128xi32, #tpu.memory_space<vmem>> -> memref<128xi32, #tpu.memory_space<vmem>>
    %dma_wait3A_84 = arith.constant 0 : i32
    %dma_wait3A_85 = arith.constant 0 : i32
    %dma_wait3A_86 = tpu.memref_slice %arg13[%dma_wait3A_84, %dma_wait3A_85] : memref<50176x32xf32, #tpu.memory_space<vmem_shared>> -> memref<50176x32xf32, #tpu.memory_space<vmem_shared>>
    tpu.wait_indirect_dma semaphore(%arg18 : memref<!tpu.dma_semaphore, #tpu.memory_space<semaphore_mem>>) src(%dma_wait3A_80 : memref<128x32xf32, #tpu.memory_space<vmem>>) dst(%dma_wait3A_86 : memref<50176x32xf32, #tpu.memory_space<vmem_shared>>)
    %dma_wait3A_87 = arith.constant 2 : i32
    %dma_wait3A_88 = arith.constant 2 : i32
    %dma_wait3A_89 = arith.constant 1 : i32
    %dma_wait3A_90 = arith.constant 0 : i32
    %dma_wait3A_91 = arith.constant 0 : i32
    %dma_wait3A_92 = tpu.memref_slice %arg10[%dma_wait3A_87, %dma_wait3A_90, %dma_wait3A_91] : memref<3x128x32xf32, #tpu.memory_space<vmem>> -> memref<1x128x32xf32, #tpu.memory_space<vmem>>
    %dma_wait3A_93 = tpu.memref_squeeze %dma_wait3A_92 : memref<1x128x32xf32, #tpu.memory_space<vmem>> -> memref<128x32xf32, #tpu.memory_space<vmem>>
    %dma_wait3A_94 = arith.constant 0 : i32
    %dma_wait3A_95 = tpu.memref_slice %arg8[%dma_wait3A_88, %dma_wait3A_89, %dma_wait3A_94] : memref<3x2x128xi32, #tpu.memory_space<vmem>> -> memref<1x1x128xi32, #tpu.memory_space<vmem>>
    %dma_wait3A_96 = tpu.memref_squeeze %dma_wait3A_95 : memref<1x1x128xi32, #tpu.memory_space<vmem>> -> memref<128xi32, #tpu.memory_space<vmem>>
    %dma_wait3A_97 = arith.constant 0 : i32
    %dma_wait3A_98 = arith.constant 0 : i32
    %dma_wait3A_99 = tpu.memref_slice %arg13[%dma_wait3A_97, %dma_wait3A_98] : memref<50176x32xf32, #tpu.memory_space<vmem_shared>> -> memref<50176x32xf32, #tpu.memory_space<vmem_shared>>
    tpu.wait_indirect_dma semaphore(%arg18 : memref<!tpu.dma_semaphore, #tpu.memory_space<semaphore_mem>>) src(%dma_wait3A_93 : memref<128x32xf32, #tpu.memory_space<vmem>>) dst(%dma_wait3A_99 : memref<50176x32xf32, #tpu.memory_space<vmem_shared>>)
    %dma_wait3A_100 = arith.constant 0 : i32
    %dma_wait3A_101 = arith.constant 0 : i32
    %dma_wait3A_102 = arith.constant 1 : i32
    %dma_wait3A_103 = arith.constant 0 : i32
    %dma_wait3A_104 = arith.constant 0 : i32
    %dma_wait3A_105 = tpu.memref_slice %arg11[%dma_wait3A_100, %dma_wait3A_103, %dma_wait3A_104] : memref<3x128x32xf32, #tpu.memory_space<vmem>> -> memref<1x128x32xf32, #tpu.memory_space<vmem>>
    %dma_wait3A_106 = tpu.memref_squeeze %dma_wait3A_105 : memref<1x128x32xf32, #tpu.memory_space<vmem>> -> memref<128x32xf32, #tpu.memory_space<vmem>>
    %dma_wait3A_107 = arith.constant 0 : i32
    %dma_wait3A_108 = tpu.memref_slice %arg9[%dma_wait3A_101, %dma_wait3A_102, %dma_wait3A_107] : memref<3x2x128xi32, #tpu.memory_space<vmem>> -> memref<1x1x128xi32, #tpu.memory_space<vmem>>
    %dma_wait3A_109 = tpu.memref_squeeze %dma_wait3A_108 : memref<1x1x128xi32, #tpu.memory_space<vmem>> -> memref<128xi32, #tpu.memory_space<vmem>>
    %dma_wait3A_110 = arith.constant 0 : i32
    %dma_wait3A_111 = arith.constant 0 : i32
    %dma_wait3A_112 = tpu.memref_slice %arg13[%dma_wait3A_110, %dma_wait3A_111] : memref<50176x32xf32, #tpu.memory_space<vmem_shared>> -> memref<50176x32xf32, #tpu.memory_space<vmem_shared>>
    tpu.wait_indirect_dma semaphore(%arg19 : memref<!tpu.dma_semaphore, #tpu.memory_space<semaphore_mem>>) src(%dma_wait3A_106 : memref<128x32xf32, #tpu.memory_space<vmem>>) dst(%dma_wait3A_112 : memref<50176x32xf32, #tpu.memory_space<vmem_shared>>)
    %dma_wait3A_113 = arith.constant 1 : i32
    %dma_wait3A_114 = arith.constant 1 : i32
    %dma_wait3A_115 = arith.constant 1 : i32
    %dma_wait3A_116 = arith.constant 0 : i32
    %dma_wait3A_117 = arith.constant 0 : i32
    %dma_wait3A_118 = tpu.memref_slice %arg11[%dma_wait3A_113, %dma_wait3A_116, %dma_wait3A_117] : memref<3x128x32xf32, #tpu.memory_space<vmem>> -> memref<1x128x32xf32, #tpu.memory_space<vmem>>
    %dma_wait3A_119 = tpu.memref_squeeze %dma_wait3A_118 : memref<1x128x32xf32, #tpu.memory_space<vmem>> -> memref<128x32xf32, #tpu.memory_space<vmem>>
    %dma_wait3A_120 = arith.constant 0 : i32
    %dma_wait3A_121 = tpu.memref_slice %arg9[%dma_wait3A_114, %dma_wait3A_115, %dma_wait3A_120] : memref<3x2x128xi32, #tpu.memory_space<vmem>> -> memref<1x1x128xi32, #tpu.memory_space<vmem>>
    %dma_wait3A_122 = tpu.memref_squeeze %dma_wait3A_121 : memref<1x1x128xi32, #tpu.memory_space<vmem>> -> memref<128xi32, #tpu.memory_space<vmem>>
    %dma_wait3A_123 = arith.constant 0 : i32
    %dma_wait3A_124 = arith.constant 0 : i32
    %dma_wait3A_125 = tpu.memref_slice %arg13[%dma_wait3A_123, %dma_wait3A_124] : memref<50176x32xf32, #tpu.memory_space<vmem_shared>> -> memref<50176x32xf32, #tpu.memory_space<vmem_shared>>
    tpu.wait_indirect_dma semaphore(%arg19 : memref<!tpu.dma_semaphore, #tpu.memory_space<semaphore_mem>>) src(%dma_wait3A_119 : memref<128x32xf32, #tpu.memory_space<vmem>>) dst(%dma_wait3A_125 : memref<50176x32xf32, #tpu.memory_space<vmem_shared>>)
    %dma_wait3A_126 = arith.constant 2 : i32
    %dma_wait3A_127 = arith.constant 2 : i32
    %dma_wait3A_128 = arith.constant 1 : i32
    %dma_wait3A_129 = arith.constant 0 : i32
    %dma_wait3A_130 = arith.constant 0 : i32
    %dma_wait3A_131 = tpu.memref_slice %arg11[%dma_wait3A_126, %dma_wait3A_129, %dma_wait3A_130] : memref<3x128x32xf32, #tpu.memory_space<vmem>> -> memref<1x128x32xf32, #tpu.memory_space<vmem>>
    %dma_wait3A_132 = tpu.memref_squeeze %dma_wait3A_131 : memref<1x128x32xf32, #tpu.memory_space<vmem>> -> memref<128x32xf32, #tpu.memory_space<vmem>>
    %dma_wait3A_133 = arith.constant 0 : i32
    %dma_wait3A_134 = tpu.memref_slice %arg9[%dma_wait3A_127, %dma_wait3A_128, %dma_wait3A_133] : memref<3x2x128xi32, #tpu.memory_space<vmem>> -> memref<1x1x128xi32, #tpu.memory_space<vmem>>
    %dma_wait3A_135 = tpu.memref_squeeze %dma_wait3A_134 : memref<1x1x128xi32, #tpu.memory_space<vmem>> -> memref<128xi32, #tpu.memory_space<vmem>>
    %dma_wait3A_136 = arith.constant 0 : i32
    %dma_wait3A_137 = arith.constant 0 : i32
    %dma_wait3A_138 = tpu.memref_slice %arg13[%dma_wait3A_136, %dma_wait3A_137] : memref<50176x32xf32, #tpu.memory_space<vmem_shared>> -> memref<50176x32xf32, #tpu.memory_space<vmem_shared>>
    tpu.wait_indirect_dma semaphore(%arg19 : memref<!tpu.dma_semaphore, #tpu.memory_space<semaphore_mem>>) src(%dma_wait3A_132 : memref<128x32xf32, #tpu.memory_space<vmem>>) dst(%dma_wait3A_138 : memref<50176x32xf32, #tpu.memory_space<vmem_shared>>)
    %lt3A = arith.constant 20 : i32
    %lt3A_139 = arith.cmpi slt, %add3A, %lt3A : i32
    %convert_element_type3A = arith.extui %lt3A_139 : i1 to i32
    %cond3A = arith.constant 0 : i32
    %cond3A_140 = arith.cmpi ne, %convert_element_type3A, %cond3A : i32
    scf.if %cond3A_140 {
      %add3A_148 = arith.constant 390 : i32
      %add3A_149 = arith.addi %add3A_9, %add3A_148 : i32
      "tpu.region"() ({
        %run_scoped3A_178 = tpu.sem_alloc : memref<!tpu.dma_semaphore, #tpu.memory_space<semaphore_mem>>
        %dma_start3A_179 = arith.constant 0 : i32
        %dma_start3A_180 = arith.constant 0 : i32
        %dma_start3A_181 = arith.constant 0 : i32
        %dma_start3A_182 = tpu.memref_slice %arg6[%dma_start3A_179, %dma_start3A_180, %dma_start3A_181] : memref<3x2x128xi32, #tpu.memory_space<vmem>> -> memref<1x2x128xi32, #tpu.memory_space<vmem>>
        %dma_start3A_183 = arith.constant 0 : i32
        %dma_start3A_184 = arith.constant 0 : i32
        %dma_start3A_185 = tpu.memref_slice %arg3[%add3A_149, %dma_start3A_183, %dma_start3A_184] : memref<12500x2x128xi32, #tpu.memory_space<hbm>> -> memref<1x2x128xi32, #tpu.memory_space<hbm>>
        %dma_start3A_186 = arith.constant 0 : i32
        %dma_start3A_187 = arith.constant 0 : i32
        %dma_start3A_188 = arith.constant 0 : i32
        %dma_start3A_189 = tpu.memref_slice %arg6[%dma_start3A_186, %dma_start3A_187, %dma_start3A_188] : memref<3x2x128xi32, #tpu.memory_space<vmem>> -> memref<1x2x128xi32, #tpu.memory_space<vmem>>
        %dma_start3A_190 = arith.constant 0 : i32
        %dma_start3A_191 = arith.constant 0 : i32
        %dma_start3A_192 = tpu.memref_slice %arg3[%add3A_149, %dma_start3A_190, %dma_start3A_191] : memref<12500x2x128xi32, #tpu.memory_space<hbm>> -> memref<1x2x128xi32, #tpu.memory_space<hbm>>
        tpu.enqueue_dma source(%dma_start3A_192 : memref<1x2x128xi32, #tpu.memory_space<hbm>>) target(%dma_start3A_189 : memref<1x2x128xi32, #tpu.memory_space<vmem>>) target_semaphore(%run_scoped3A_178 : memref<!tpu.dma_semaphore, #tpu.memory_space<semaphore_mem>>)
        %dma_wait3A_193 = arith.constant 0 : i32
        %dma_wait3A_194 = arith.constant 0 : i32
        %dma_wait3A_195 = arith.constant 0 : i32
        %dma_wait3A_196 = tpu.memref_slice %arg6[%dma_wait3A_193, %dma_wait3A_194, %dma_wait3A_195] : memref<3x2x128xi32, #tpu.memory_space<vmem>> -> memref<1x2x128xi32, #tpu.memory_space<vmem>>
        %dma_wait3A_197 = arith.constant 0 : i32
        %dma_wait3A_198 = arith.constant 0 : i32
        %dma_wait3A_199 = tpu.memref_slice %arg3[%add3A_149, %dma_wait3A_197, %dma_wait3A_198] : memref<12500x2x128xi32, #tpu.memory_space<hbm>> -> memref<1x2x128xi32, #tpu.memory_space<hbm>>
        %dma_wait3A_200 = arith.constant 0 : i32
        %dma_wait3A_201 = arith.constant 0 : i32
        %dma_wait3A_202 = arith.constant 0 : i32
        %dma_wait3A_203 = tpu.memref_slice %arg6[%dma_wait3A_200, %dma_wait3A_201, %dma_wait3A_202] : memref<3x2x128xi32, #tpu.memory_space<vmem>> -> memref<1x2x128xi32, #tpu.memory_space<vmem>>
        %dma_wait3A_204 = arith.constant 0 : i32
        %dma_wait3A_205 = arith.constant 0 : i32
        %dma_wait3A_206 = tpu.memref_slice %arg3[%add3A_149, %dma_wait3A_204, %dma_wait3A_205] : memref<12500x2x128xi32, #tpu.memory_space<hbm>> -> memref<1x2x128xi32, #tpu.memory_space<hbm>>
        tpu.wait_dma2 semaphore(%run_scoped3A_178 : memref<!tpu.dma_semaphore, #tpu.memory_space<semaphore_mem>>) src(%dma_wait3A_206 : memref<1x2x128xi32, #tpu.memory_space<hbm>>) dst(%dma_wait3A_203 : memref<1x2x128xi32, #tpu.memory_space<vmem>>)
        tpu.yield
      }) : () -> ()
      %dma_start3A_150 = arith.constant 0 : i32
      %dma_start3A_151 = arith.constant 0 : i32
      %dma_start3A_152 = arith.constant 0 : i32
      %dma_start3A_153 = arith.constant 0 : i32
      %dma_start3A_154 = arith.constant 0 : i32
      %dma_start3A_155 = tpu.memref_slice %arg10[%dma_start3A_152, %dma_start3A_153, %dma_start3A_154] : memref<3x128x32xf32, #tpu.memory_space<vmem>> -> memref<1x128x32xf32, #tpu.memory_space<vmem>>
      %dma_start3A_156 = tpu.memref_squeeze %dma_start3A_155 : memref<1x128x32xf32, #tpu.memory_space<vmem>> -> memref<128x32xf32, #tpu.memory_space<vmem>>
      %dma_start3A_157 = arith.constant 0 : i32
      %dma_start3A_158 = tpu.memref_slice %arg6[%dma_start3A_150, %dma_start3A_151, %dma_start3A_157] : memref<3x2x128xi32, #tpu.memory_space<vmem>> -> memref<1x1x128xi32, #tpu.memory_space<vmem>>
      %dma_start3A_159 = tpu.memref_squeeze %dma_start3A_158 : memref<1x1x128xi32, #tpu.memory_space<vmem>> -> memref<128xi32, #tpu.memory_space<vmem>>
      %dma_start3A_160 = arith.constant 0 : i32
      %dma_start3A_161 = arith.constant 0 : i32
      %dma_start3A_162 = tpu.memref_slice %arg2[%dma_start3A_160, %dma_start3A_161] : memref<50176x32xf32, #tpu.memory_space<hbm>> -> memref<50176x32xf32, #tpu.memory_space<hbm>>
      tpu.enqueue_indirect_dma source(%dma_start3A_162 : memref<50176x32xf32, #tpu.memory_space<hbm>>) target(%dma_start3A_156 : memref<128x32xf32, #tpu.memory_space<vmem>>) offsets(%dma_start3A_159 : memref<128xi32, #tpu.memory_space<vmem>>) semaphore(%arg16 : memref<!tpu.dma_semaphore, #tpu.memory_space<semaphore_mem>>)
      %dma_wait3A_163 = arith.constant 0 : i32
      %dma_wait3A_164 = arith.constant 0 : i32
      %dma_wait3A_165 = arith.constant 0 : i32
      %dma_wait3A_166 = arith.constant 0 : i32
      %dma_wait3A_167 = arith.constant 0 : i32
      %dma_wait3A_168 = tpu.memref_slice %arg10[%dma_wait3A_165, %dma_wait3A_166, %dma_wait3A_167] : memref<3x128x32xf32, #tpu.memory_space<vmem>> -> memref<1x128x32xf32, #tpu.memory_space<vmem>>
      %dma_wait3A_169 = tpu.memref_squeeze %dma_wait3A_168 : memref<1x128x32xf32, #tpu.memory_space<vmem>> -> memref<128x32xf32, #tpu.memory_space<vmem>>
      %dma_wait3A_170 = arith.constant 0 : i32
      %dma_wait3A_171 = tpu.memref_slice %arg6[%dma_wait3A_163, %dma_wait3A_164, %dma_wait3A_170] : memref<3x2x128xi32, #tpu.memory_space<vmem>> -> memref<1x1x128xi32, #tpu.memory_space<vmem>>
      %dma_wait3A_172 = tpu.memref_squeeze %dma_wait3A_171 : memref<1x1x128xi32, #tpu.memory_space<vmem>> -> memref<128xi32, #tpu.memory_space<vmem>>
      %dma_wait3A_173 = arith.constant 0 : i32
      %dma_wait3A_174 = arith.constant 0 : i32
      %dma_wait3A_175 = tpu.memref_slice %arg2[%dma_wait3A_173, %dma_wait3A_174] : memref<50176x32xf32, #tpu.memory_space<hbm>> -> memref<50176x32xf32, #tpu.memory_space<hbm>>
      tpu.wait_indirect_dma semaphore(%arg16 : memref<!tpu.dma_semaphore, #tpu.memory_space<semaphore_mem>>) src(%dma_wait3A_175 : memref<50176x32xf32, #tpu.memory_space<hbm>>) dst(%dma_wait3A_169 : memref<128x32xf32, #tpu.memory_space<vmem>>)
      %run_scoped3A = arith.constant 0 : i32
      %run_scoped3A_176 = arith.constant 0 : i32
      %run_scoped3A_177 = arith.constant 1 : i32
      "tpu.region"() ({
        %run_scoped3A_178 = tpu.sem_alloc : memref<!tpu.dma_semaphore, #tpu.memory_space<semaphore_mem>>
        %dma_start3A_179 = arith.constant 0 : i32
        %dma_start3A_180 = arith.constant 0 : i32
        %dma_start3A_181 = tpu.memref_slice %arg10[%run_scoped3A, %dma_start3A_179, %dma_start3A_180] : memref<3x128x32xf32, #tpu.memory_space<vmem>> -> memref<1x128x32xf32, #tpu.memory_space<vmem>>
        %dma_start3A_182 = tpu.memref_squeeze %dma_start3A_181 : memref<1x128x32xf32, #tpu.memory_space<vmem>> -> memref<128x32xf32, #tpu.memory_space<vmem>>
        %dma_start3A_183 = arith.constant 0 : i32
        %dma_start3A_184 = tpu.memref_slice %arg6[%run_scoped3A_176, %run_scoped3A_177, %dma_start3A_183] : memref<3x2x128xi32, #tpu.memory_space<vmem>> -> memref<1x1x128xi32, #tpu.memory_space<vmem>>
        %dma_start3A_185 = tpu.memref_squeeze %dma_start3A_184 : memref<1x1x128xi32, #tpu.memory_space<vmem>> -> memref<128xi32, #tpu.memory_space<vmem>>
        %dma_start3A_186 = arith.constant 0 : i32
        %dma_start3A_187 = arith.constant 0 : i32
        %dma_start3A_188 = tpu.memref_slice %arg13[%dma_start3A_186, %dma_start3A_187] : memref<50176x32xf32, #tpu.memory_space<vmem_shared>> -> memref<50176x32xf32, #tpu.memory_space<vmem_shared>>
        tpu.enqueue_indirect_dma source(%dma_start3A_182 : memref<128x32xf32, #tpu.memory_space<vmem>>) target(%dma_start3A_188 : memref<50176x32xf32, #tpu.memory_space<vmem_shared>>) offsets(%dma_start3A_185 : memref<128xi32, #tpu.memory_space<vmem>>) semaphore(%run_scoped3A_178 : memref<!tpu.dma_semaphore, #tpu.memory_space<semaphore_mem>>) {add = true}
        %dma_wait3A_189 = arith.constant 0 : i32
        %dma_wait3A_190 = arith.constant 0 : i32
        %dma_wait3A_191 = tpu.memref_slice %arg10[%run_scoped3A, %dma_wait3A_189, %dma_wait3A_190] : memref<3x128x32xf32, #tpu.memory_space<vmem>> -> memref<1x128x32xf32, #tpu.memory_space<vmem>>
        %dma_wait3A_192 = tpu.memref_squeeze %dma_wait3A_191 : memref<1x128x32xf32, #tpu.memory_space<vmem>> -> memref<128x32xf32, #tpu.memory_space<vmem>>
        %dma_wait3A_193 = arith.constant 0 : i32
        %dma_wait3A_194 = tpu.memref_slice %arg6[%run_scoped3A_176, %run_scoped3A_177, %dma_wait3A_193] : memref<3x2x128xi32, #tpu.memory_space<vmem>> -> memref<1x1x128xi32, #tpu.memory_space<vmem>>
        %dma_wait3A_195 = tpu.memref_squeeze %dma_wait3A_194 : memref<1x1x128xi32, #tpu.memory_space<vmem>> -> memref<128xi32, #tpu.memory_space<vmem>>
        %dma_wait3A_196 = arith.constant 0 : i32
        %dma_wait3A_197 = arith.constant 0 : i32
        %dma_wait3A_198 = tpu.memref_slice %arg13[%dma_wait3A_196, %dma_wait3A_197] : memref<50176x32xf32, #tpu.memory_space<vmem_shared>> -> memref<50176x32xf32, #tpu.memory_space<vmem_shared>>
        tpu.wait_indirect_dma semaphore(%run_scoped3A_178 : memref<!tpu.dma_semaphore, #tpu.memory_space<semaphore_mem>>) src(%dma_wait3A_192 : memref<128x32xf32, #tpu.memory_space<vmem>>) dst(%dma_wait3A_198 : memref<50176x32xf32, #tpu.memory_space<vmem_shared>>)
        tpu.yield
      }) : () -> ()
    } else {
    }
    %barrier3A_141 = arith.constant 0 : index
    tpu.barrier barrier_id(%barrier3A_141)
    %scan3A_142 = arith.constant 0 : i32
    %scan3A_143 = arith.constant 0 : i32
    %scan3A_144 = arith.constant 64 : i32
    %scan3A_145 = arith.addi %scan3A_143, %scan3A_144 : i32
    %scan3A_146 = arith.constant 1 : i32
    scf.for %scan3A_148 = %scan3A_143 to %scan3A_145 step %scan3A_146  : i32 {
      %mul3A_149 = arith.constant 3136 : i32
      %mul3A_150 = arith.muli %arg1, %mul3A_149 : i32
      %mul3A_151 = arith.constant 49 : i32
      %mul3A_152 = arith.muli %scan3A_148, %mul3A_151 : i32
      %add3A_153 = arith.addi %mul3A_150, %mul3A_152 : i32
      "tpu.region"() ({
        %run_scoped3A = tpu.sem_alloc : memref<!tpu.dma_semaphore, #tpu.memory_space<semaphore_mem>>
        %dma_start3A_154 = arith.constant 0 : i32
        %dma_start3A_155 = tpu.memref_slice %arg13[%add3A_153, %dma_start3A_154] : memref<50176x32xf32, #tpu.memory_space<vmem_shared>> -> memref<49x32xf32, #tpu.memory_space<vmem_shared>>
        %dma_start3A_156 = arith.constant 0 : i32
        %dma_start3A_157 = tpu.memref_slice %arg13[%add3A_153, %dma_start3A_156] : memref<50176x32xf32, #tpu.memory_space<vmem_shared>> -> memref<49x32xf32, #tpu.memory_space<vmem_shared>>
        tpu.enqueue_dma source(%dma_start3A_157 : memref<49x32xf32, #tpu.memory_space<vmem_shared>>) target(%arg12 : memref<49x32xf32, #tpu.memory_space<vmem>>) target_semaphore(%run_scoped3A : memref<!tpu.dma_semaphore, #tpu.memory_space<semaphore_mem>>)
        %dma_wait3A_158 = arith.constant 0 : i32
        %dma_wait3A_159 = tpu.memref_slice %arg13[%add3A_153, %dma_wait3A_158] : memref<50176x32xf32, #tpu.memory_space<vmem_shared>> -> memref<49x32xf32, #tpu.memory_space<vmem_shared>>
        %dma_wait3A_160 = arith.constant 0 : i32
        %dma_wait3A_161 = tpu.memref_slice %arg13[%add3A_153, %dma_wait3A_160] : memref<50176x32xf32, #tpu.memory_space<vmem_shared>> -> memref<49x32xf32, #tpu.memory_space<vmem_shared>>
        tpu.wait_dma2 semaphore(%run_scoped3A : memref<!tpu.dma_semaphore, #tpu.memory_space<semaphore_mem>>) src(%dma_wait3A_161 : memref<49x32xf32, #tpu.memory_space<vmem_shared>>) dst(%arg12 : memref<49x32xf32, #tpu.memory_space<vmem>>)
        tpu.yield
      }) : () -> ()
      "tpu.region"() ({
        %run_scoped3A = tpu.sem_alloc : memref<!tpu.dma_semaphore, #tpu.memory_space<semaphore_mem>>
        %dma_start3A_154 = arith.constant 0 : i32
        %dma_start3A_155 = tpu.memref_slice %arg5[%arg0, %add3A_153, %dma_start3A_154] : memref<2x50176x32xf32, #tpu.memory_space<hbm>> -> memref<1x49x32xf32, #tpu.memory_space<hbm>>
        %dma_start3A_156 = tpu.memref_squeeze %dma_start3A_155 : memref<1x49x32xf32, #tpu.memory_space<hbm>> -> memref<49x32xf32, #tpu.memory_space<hbm>>
        %dma_start3A_157 = arith.constant 0 : i32
        %dma_start3A_158 = tpu.memref_slice %arg5[%arg0, %add3A_153, %dma_start3A_157] : memref<2x50176x32xf32, #tpu.memory_space<hbm>> -> memref<1x49x32xf32, #tpu.memory_space<hbm>>
        %dma_start3A_159 = tpu.memref_squeeze %dma_start3A_158 : memref<1x49x32xf32, #tpu.memory_space<hbm>> -> memref<49x32xf32, #tpu.memory_space<hbm>>
        tpu.enqueue_dma source(%arg12 : memref<49x32xf32, #tpu.memory_space<vmem>>) target(%dma_start3A_159 : memref<49x32xf32, #tpu.memory_space<hbm>>) target_semaphore(%run_scoped3A : memref<!tpu.dma_semaphore, #tpu.memory_space<semaphore_mem>>)
        %dma_wait3A_160 = arith.constant 0 : i32
        %dma_wait3A_161 = tpu.memref_slice %arg5[%arg0, %add3A_153, %dma_wait3A_160] : memref<2x50176x32xf32, #tpu.memory_space<hbm>> -> memref<1x49x32xf32, #tpu.memory_space<hbm>>
        %dma_wait3A_162 = tpu.memref_squeeze %dma_wait3A_161 : memref<1x49x32xf32, #tpu.memory_space<hbm>> -> memref<49x32xf32, #tpu.memory_space<hbm>>
        %dma_wait3A_163 = arith.constant 0 : i32
        %dma_wait3A_164 = tpu.memref_slice %arg5[%arg0, %add3A_153, %dma_wait3A_163] : memref<2x50176x32xf32, #tpu.memory_space<hbm>> -> memref<1x49x32xf32, #tpu.memory_space<hbm>>
        %dma_wait3A_165 = tpu.memref_squeeze %dma_wait3A_164 : memref<1x49x32xf32, #tpu.memory_space<hbm>> -> memref<49x32xf32, #tpu.memory_space<hbm>>
        tpu.wait_dma2 semaphore(%run_scoped3A : memref<!tpu.dma_semaphore, #tpu.memory_space<semaphore_mem>>) src(%arg12 : memref<49x32xf32, #tpu.memory_space<vmem>>) dst(%dma_wait3A_165 : memref<49x32xf32, #tpu.memory_space<hbm>>)
        tpu.yield
      }) : () -> ()
    }
    %scan3A_147 = arith.constant 64 : i32
    return
  }
}

#map = affine_map<(d0, d1) -> (0, 0)>
#map1 = affine_map<(d0, d1) -> (0, 0, 0)>
module attributes {stable_mosaic.version = 14 : i64} {
  func.func @_sc_segsum(%arg0: i32, %arg1: i32, %arg2: memref<50176x32xf32, #tpu.memory_space<hbm>>, %arg3: memref<12500x2x128xi32, #tpu.memory_space<hbm>>, %arg4: memref<49x32xf32, #tpu.memory_space<hbm>>, %arg5: memref<2x50176x32xf32, #tpu.memory_space<hbm>>, %arg6: memref<3x2x128xi32, #tpu.memory_space<vmem>>, %arg7: memref<3x2x128xi32, #tpu.memory_space<vmem>>, %arg8: memref<3x2x128xi32, #tpu.memory_space<vmem>>, %arg9: memref<3x2x128xi32, #tpu.memory_space<vmem>>, %arg10: memref<3x128x32xf32, #tpu.memory_space<vmem>>, %arg11: memref<3x128x32xf32, #tpu.memory_space<vmem>>, %arg12: memref<49x32xf32, #tpu.memory_space<vmem>>, %arg13: memref<50176x32xf32, #tpu.memory_space<vmem_shared>>, %arg14: memref<!tpu.dma_semaphore, #tpu.memory_space<semaphore_mem>>, %arg15: memref<!tpu.dma_semaphore, #tpu.memory_space<semaphore_mem>>, %arg16: memref<!tpu.dma_semaphore, #tpu.memory_space<semaphore_mem>>, %arg17: memref<!tpu.dma_semaphore, #tpu.memory_space<semaphore_mem>>, %arg18: memref<!tpu.dma_semaphore, #tpu.memory_space<semaphore_mem>>, %arg19: memref<!tpu.dma_semaphore, #tpu.memory_space<semaphore_mem>>) attributes {dimension_semantics = [#tpu.dimension_semantics<core_parallel>, #tpu.dimension_semantics<subcore_parallel>], iteration_bounds = array<i64: 2, 16>, scalar_prefetch = 0 : i64, scratch_operands = 14 : i64, tpu.core_type = #tpu.core_type<sc_vector_subcore>, window_params = [{transform_indices = #map}, {transform_indices = #map1}, {transform_indices = #map}, {transform_indices = #map1}]} {
    %mul3A = arith.constant 16 : i32
    %mul3A_0 = arith.muli %arg0, %mul3A : i32
    %add3A = arith.addi %mul3A_0, %arg1 : i32
    "tpu.region"() ({
      %run_scoped3A = tpu.sem_alloc : memref<!tpu.dma_semaphore, #tpu.memory_space<semaphore_mem>>
      tpu.enqueue_dma source(%arg4 : memref<49x32xf32, #tpu.memory_space<hbm>>) target(%arg12 : memref<49x32xf32, #tpu.memory_space<vmem>>) target_semaphore(%run_scoped3A : memref<!tpu.dma_semaphore, #tpu.memory_space<semaphore_mem>>)
      tpu.wait_dma2 semaphore(%run_scoped3A : memref<!tpu.dma_semaphore, #tpu.memory_space<semaphore_mem>>) src(%arg4 : memref<49x32xf32, #tpu.memory_space<hbm>>) dst(%arg12 : memref<49x32xf32, #tpu.memory_space<vmem>>)
      tpu.yield
    }) : () -> ()
    %scan3A = arith.constant 0 : i32
    %scan3A_1 = arith.constant 0 : i32
    %scan3A_2 = arith.constant 64 : i32
    %scan3A_3 = arith.addi %scan3A_1, %scan3A_2 : i32
    %scan3A_4 = arith.constant 1 : i32
    scf.for %scan3A_148 = %scan3A_1 to %scan3A_3 step %scan3A_4  : i32 {
      %mul3A_149 = arith.constant 3136 : i32
      %mul3A_150 = arith.muli %arg1, %mul3A_149 : i32
      %mul3A_151 = arith.constant 49 : i32
      %mul3A_152 = arith.muli %scan3A_148, %mul3A_151 : i32
      %add3A_153 = arith.addi %mul3A_150, %mul3A_152 : i32
      "tpu.region"() ({
        %run_scoped3A = tpu.sem_alloc : memref<!tpu.dma_semaphore, #tpu.memory_space<semaphore_mem>>
        %dma_start3A_154 = arith.constant 0 : i32
        %dma_start3A_155 = tpu.memref_slice %arg13[%add3A_153, %dma_start3A_154] : memref<50176x32xf32, #tpu.memory_space<vmem_shared>> -> memref<49x32xf32, #tpu.memory_space<vmem_shared>>
        %dma_start3A_156 = arith.constant 0 : i32
        %dma_start3A_157 = tpu.memref_slice %arg13[%add3A_153, %dma_start3A_156] : memref<50176x32xf32, #tpu.memory_space<vmem_shared>> -> memref<49x32xf32, #tpu.memory_space<vmem_shared>>
        tpu.enqueue_dma source(%arg12 : memref<49x32xf32, #tpu.memory_space<vmem>>) target(%dma_start3A_157 : memref<49x32xf32, #tpu.memory_space<vmem_shared>>) target_semaphore(%run_scoped3A : memref<!tpu.dma_semaphore, #tpu.memory_space<semaphore_mem>>)
        %dma_wait3A_158 = arith.constant 0 : i32
        %dma_wait3A_159 = tpu.memref_slice %arg13[%add3A_153, %dma_wait3A_158] : memref<50176x32xf32, #tpu.memory_space<vmem_shared>> -> memref<49x32xf32, #tpu.memory_space<vmem_shared>>
        %dma_wait3A_160 = arith.constant 0 : i32
        %dma_wait3A_161 = tpu.memref_slice %arg13[%add3A_153, %dma_wait3A_160] : memref<50176x32xf32, #tpu.memory_space<vmem_shared>> -> memref<49x32xf32, #tpu.memory_space<vmem_shared>>
        tpu.wait_dma2 semaphore(%run_scoped3A : memref<!tpu.dma_semaphore, #tpu.memory_space<semaphore_mem>>) src(%arg12 : memref<49x32xf32, #tpu.memory_space<vmem>>) dst(%dma_wait3A_161 : memref<49x32xf32, #tpu.memory_space<vmem_shared>>)
        tpu.yield
      }) : () -> ()
    }
    %scan3A_5 = arith.constant 64 : i32
    %barrier3A = arith.constant 0 : index
    tpu.barrier barrier_id(%barrier3A)
    %mul3A_6 = arith.constant 390 : i32
    %mul3A_7 = arith.muli %add3A, %mul3A_6 : i32
    %min3A = arith.constant 20 : i32
    %min3A_8 = arith.minsi %add3A, %min3A : i32
    %add3A_9 = arith.addi %mul3A_7, %min3A_8 : i32
    "tpu.region"() ({
      %run_scoped3A = tpu.sem_alloc : memref<!tpu.dma_semaphore, #tpu.memory_space<semaphore_mem>>
      %dma_start3A_148 = arith.constant 0 : i32
      %dma_start3A_149 = arith.constant 0 : i32
      %dma_start3A_150 = tpu.memref_slice %arg3[%add3A_9, %dma_start3A_148, %dma_start3A_149] : memref<12500x2x128xi32, #tpu.memory_space<hbm>> -> memref<3x2x128xi32, #tpu.memory_space<hbm>>
      %dma_start3A_151 = arith.constant 0 : i32
      %dma_start3A_152 = arith.constant 0 : i32
      %dma_start3A_153 = tpu.memref_slice %arg3[%add3A_9, %dma_start3A_151, %dma_start3A_152] : memref<12500x2x128xi32, #tpu.memory_space<hbm>> -> memref<3x2x128xi32, #tpu.memory_space<hbm>>
      tpu.enqueue_dma source(%dma_start3A_153 : memref<3x2x128xi32, #tpu.memory_space<hbm>>) target(%arg6 : memref<3x2x128xi32, #tpu.memory_space<vmem>>) target_semaphore(%run_scoped3A : memref<!tpu.dma_semaphore, #tpu.memory_space<semaphore_mem>>)
      %dma_wait3A_154 = arith.constant 0 : i32
      %dma_wait3A_155 = arith.constant 0 : i32
      %dma_wait3A_156 = tpu.memref_slice %arg3[%add3A_9, %dma_wait3A_154, %dma_wait3A_155] : memref<12500x2x128xi32, #tpu.memory_space<hbm>> -> memref<3x2x128xi32, #tpu.memory_space<hbm>>
      %dma_wait3A_157 = arith.constant 0 : i32
      %dma_wait3A_158 = arith.constant 0 : i32
      %dma_wait3A_159 = tpu.memref_slice %arg3[%add3A_9, %dma_wait3A_157, %dma_wait3A_158] : memref<12500x2x128xi32, #tpu.memory_space<hbm>> -> memref<3x2x128xi32, #tpu.memory_space<hbm>>
      tpu.wait_dma2 semaphore(%run_scoped3A : memref<!tpu.dma_semaphore, #tpu.memory_space<semaphore_mem>>) src(%dma_wait3A_159 : memref<3x2x128xi32, #tpu.memory_space<hbm>>) dst(%arg6 : memref<3x2x128xi32, #tpu.memory_space<vmem>>)
      tpu.yield
    }) : () -> ()
    %dma_start3A = arith.constant 0 : i32
    %dma_start3A_10 = arith.constant 0 : i32
    %dma_start3A_11 = arith.constant 0 : i32
    %dma_start3A_12 = arith.constant 0 : i32
    %dma_start3A_13 = arith.constant 0 : i32
    %dma_start3A_14 = tpu.memref_slice %arg10[%dma_start3A_11, %dma_start3A_12, %dma_start3A_13] : memref<3x128x32xf32, #tpu.memory_space<vmem>> -> memref<1x128x32xf32, #tpu.memory_space<vmem>>
    %dma_start3A_15 = tpu.memref_squeeze %dma_start3A_14 : memref<1x128x32xf32, #tpu.memory_space<vmem>> -> memref<128x32xf32, #tpu.memory_space<vmem>>
    %dma_start3A_16 = arith.constant 0 : i32
    %dma_start3A_17 = tpu.memref_slice %arg6[%dma_start3A, %dma_start3A_10, %dma_start3A_16] : memref<3x2x128xi32, #tpu.memory_space<vmem>> -> memref<1x1x128xi32, #tpu.memory_space<vmem>>
    %dma_start3A_18 = tpu.memref_squeeze %dma_start3A_17 : memref<1x1x128xi32, #tpu.memory_space<vmem>> -> memref<128xi32, #tpu.memory_space<vmem>>
    %dma_start3A_19 = arith.constant 0 : i32
    %dma_start3A_20 = arith.constant 0 : i32
    %dma_start3A_21 = tpu.memref_slice %arg2[%dma_start3A_19, %dma_start3A_20] : memref<50176x32xf32, #tpu.memory_space<hbm>> -> memref<50176x32xf32, #tpu.memory_space<hbm>>
    tpu.enqueue_indirect_dma source(%dma_start3A_21 : memref<50176x32xf32, #tpu.memory_space<hbm>>) target(%dma_start3A_15 : memref<128x32xf32, #tpu.memory_space<vmem>>) offsets(%dma_start3A_18 : memref<128xi32, #tpu.memory_space<vmem>>) semaphore(%arg16 : memref<!tpu.dma_semaphore, #tpu.memory_space<semaphore_mem>>)
    %dma_start3A_22 = arith.constant 1 : i32
    %dma_start3A_23 = arith.constant 0 : i32
    %dma_start3A_24 = arith.constant 1 : i32
    %dma_start3A_25 = arith.constant 0 : i32
    %dma_start3A_26 = arith.constant 0 : i32
    %dma_start3A_27 = tpu.memref_slice %arg10[%dma_start3A_24, %dma_start3A_25, %dma_start3A_26] : memref<3x128x32xf32, #tpu.memory_space<vmem>> -> memref<1x128x32xf32, #tpu.memory_space<vmem>>
    %dma_start3A_28 = tpu.memref_squeeze %dma_start3A_27 : memref<1x128x32xf32, #tpu.memory_space<vmem>> -> memref<128x32xf32, #tpu.memory_space<vmem>>
    %dma_start3A_29 = arith.constant 0 : i32
    %dma_start3A_30 = tpu.memref_slice %arg6[%dma_start3A_22, %dma_start3A_23, %dma_start3A_29] : memref<3x2x128xi32, #tpu.memory_space<vmem>> -> memref<1x1x128xi32, #tpu.memory_space<vmem>>
    %dma_start3A_31 = tpu.memref_squeeze %dma_start3A_30 : memref<1x1x128xi32, #tpu.memory_space<vmem>> -> memref<128xi32, #tpu.memory_space<vmem>>
    %dma_start3A_32 = arith.constant 0 : i32
    %dma_start3A_33 = arith.constant 0 : i32
    %dma_start3A_34 = tpu.memref_slice %arg2[%dma_start3A_32, %dma_start3A_33] : memref<50176x32xf32, #tpu.memory_space<hbm>> -> memref<50176x32xf32, #tpu.memory_space<hbm>>
    tpu.enqueue_indirect_dma source(%dma_start3A_34 : memref<50176x32xf32, #tpu.memory_space<hbm>>) target(%dma_start3A_28 : memref<128x32xf32, #tpu.memory_space<vmem>>) offsets(%dma_start3A_31 : memref<128xi32, #tpu.memory_space<vmem>>) semaphore(%arg16 : memref<!tpu.dma_semaphore, #tpu.memory_space<semaphore_mem>>)
    %dma_start3A_35 = arith.constant 2 : i32
    %dma_start3A_36 = arith.constant 0 : i32
    %dma_start3A_37 = arith.constant 2 : i32
    %dma_start3A_38 = arith.constant 0 : i32
    %dma_start3A_39 = arith.constant 0 : i32
    %dma_start3A_40 = tpu.memref_slice %arg10[%dma_start3A_37, %dma_start3A_38, %dma_start3A_39] : memref<3x128x32xf32, #tpu.memory_space<vmem>> -> memref<1x128x32xf32, #tpu.memory_space<vmem>>
    %dma_start3A_41 = tpu.memref_squeeze %dma_start3A_40 : memref<1x128x32xf32, #tpu.memory_space<vmem>> -> memref<128x32xf32, #tpu.memory_space<vmem>>
    %dma_start3A_42 = arith.constant 0 : i32
    %dma_start3A_43 = tpu.memref_slice %arg6[%dma_start3A_35, %dma_start3A_36, %dma_start3A_42] : memref<3x2x128xi32, #tpu.memory_space<vmem>> -> memref<1x1x128xi32, #tpu.memory_space<vmem>>
    %dma_start3A_44 = tpu.memref_squeeze %dma_start3A_43 : memref<1x1x128xi32, #tpu.memory_space<vmem>> -> memref<128xi32, #tpu.memory_space<vmem>>
    %dma_start3A_45 = arith.constant 0 : i32
    %dma_start3A_46 = arith.constant 0 : i32
    %dma_start3A_47 = tpu.memref_slice %arg2[%dma_start3A_45, %dma_start3A_46] : memref<50176x32xf32, #tpu.memory_space<hbm>> -> memref<50176x32xf32, #tpu.memory_space<hbm>>
    tpu.enqueue_indirect_dma source(%dma_start3A_47 : memref<50176x32xf32, #tpu.memory_space<hbm>>) target(%dma_start3A_41 : memref<128x32xf32, #tpu.memory_space<vmem>>) offsets(%dma_start3A_44 : memref<128xi32, #tpu.memory_space<vmem>>) semaphore(%arg16 : memref<!tpu.dma_semaphore, #tpu.memory_space<semaphore_mem>>)
    %add3A_48 = arith.constant 3 : i32
    %add3A_49 = arith.addi %add3A_9, %add3A_48 : i32
    %dma_start3A_50 = arith.constant 0 : i32
    %dma_start3A_51 = arith.constant 0 : i32
    %dma_start3A_52 = tpu.memref_slice %arg3[%add3A_49, %dma_start3A_50, %dma_start3A_51] : memref<12500x2x128xi32, #tpu.memory_space<hbm>> -> memref<3x2x128xi32, #tpu.memory_space<hbm>>
    %dma_start3A_53 = arith.constant 0 : i32
    %dma_start3A_54 = arith.constant 0 : i32
    %dma_start3A_55 = tpu.memref_slice %arg3[%add3A_49, %dma_start3A_53, %dma_start3A_54] : memref<12500x2x128xi32, #tpu.memory_space<hbm>> -> memref<3x2x128xi32, #tpu.memory_space<hbm>>
    tpu.enqueue_dma source(%dma_start3A_55 : memref<3x2x128xi32, #tpu.memory_space<hbm>>) target(%arg7 : memref<3x2x128xi32, #tpu.memory_space<vmem>>) target_semaphore(%arg15 : memref<!tpu.dma_semaphore, #tpu.memory_space<semaphore_mem>>)
    %scan3A_56 = arith.constant 0 : i32
    %scan3A_57 = arith.constant 0 : i32
    %scan3A_58 = arith.constant 65 : i32
    %scan3A_59 = arith.addi %scan3A_57, %scan3A_58 : i32
    %scan3A_60 = arith.constant 1 : i32
    scf.for %scan3A_148 = %scan3A_57 to %scan3A_59 step %scan3A_60  : i32 {
      %mul3A_149 = arith.constant 2 : i32
      %mul3A_150 = arith.muli %mul3A_149, %scan3A_148 : i32
      %ge3A = arith.constant 1 : i32
      %ge3A_151 = arith.cmpi sge, %mul3A_150, %ge3A : i32
      %add3A_152 = arith.constant 1 : i32
      %add3A_153 = arith.addi %mul3A_150, %add3A_152 : i32
      %lt3A_154 = arith.constant 130 : i32
      %lt3A_155 = arith.cmpi slt, %add3A_153, %lt3A_154 : i32
      %and3A = arith.andi %ge3A_151, %lt3A_155 : i1
      %convert_element_type3A_156 = arith.extui %and3A : i1 to i32
      %cond3A_157 = arith.constant 0 : i32
      %cond3A_158 = arith.cmpi ne, %convert_element_type3A_156, %cond3A_157 : i32
      scf.if %cond3A_158 {
        %dma_wait3A_1073 = arith.constant 0 : i32
        %dma_wait3A_1074 = arith.constant 0 : i32
        %dma_wait3A_1075 = arith.constant 1 : i32
        %dma_wait3A_1076 = arith.constant 0 : i32
        %dma_wait3A_1077 = arith.constant 0 : i32
        %dma_wait3A_1078 = tpu.memref_slice %arg11[%dma_wait3A_1073, %dma_wait3A_1076, %dma_wait3A_1077] : memref<3x128x32xf32, #tpu.memory_space<vmem>> -> memref<1x128x32xf32, #tpu.memory_space<vmem>>
        %dma_wait3A_1079 = tpu.memref_squeeze %dma_wait3A_1078 : memref<1x128x32xf32, #tpu.memory_space<vmem>> -> memref<128x32xf32, #tpu.memory_space<vmem>>
        %dma_wait3A_1080 = arith.constant 0 : i32
        %dma_wait3A_1081 = tpu.memref_slice %arg9[%dma_wait3A_1074, %dma_wait3A_1075, %dma_wait3A_1080] : memref<3x2x128xi32, #tpu.memory_space<vmem>> -> memref<1x1x128xi32, #tpu.memory_space<vmem>>
        %dma_wait3A_1082 = tpu.memref_squeeze %dma_wait3A_1081 : memref<1x1x128xi32, #tpu.memory_space<vmem>> -> memref<128xi32, #tpu.memory_space<vmem>>
        %dma_wait3A_1083 = arith.constant 0 : i32
        %dma_wait3A_1084 = arith.constant 0 : i32
        %dma_wait3A_1085 = tpu.memref_slice %arg13[%dma_wait3A_1083, %dma_wait3A_1084] : memref<50176x32xf32, #tpu.memory_space<vmem_shared>> -> memref<50176x32xf32, #tpu.memory_space<vmem_shared>>
        tpu.wait_indirect_dma semaphore(%arg19 : memref<!tpu.dma_semaphore, #tpu.memory_space<semaphore_mem>>) src(%dma_wait3A_1079 : memref<128x32xf32, #tpu.memory_space<vmem>>) dst(%dma_wait3A_1085 : memref<50176x32xf32, #tpu.memory_space<vmem_shared>>)
        %dma_wait3A_1086 = arith.constant 1 : i32
        %dma_wait3A_1087 = arith.constant 1 : i32
        %dma_wait3A_1088 = arith.constant 1 : i32
        %dma_wait3A_1089 = arith.constant 0 : i32
        %dma_wait3A_1090 = arith.constant 0 : i32
        %dma_wait3A_1091 = tpu.memref_slice %arg11[%dma_wait3A_1086, %dma_wait3A_1089, %dma_wait3A_1090] : memref<3x128x32xf32, #tpu.memory_space<vmem>> -> memref<1x128x32xf32, #tpu.memory_space<vmem>>
        %dma_wait3A_1092 = tpu.memref_squeeze %dma_wait3A_1091 : memref<1x128x32xf32, #tpu.memory_space<vmem>> -> memref<128x32xf32, #tpu.memory_space<vmem>>
        %dma_wait3A_1093 = arith.constant 0 : i32
        %dma_wait3A_1094 = tpu.memref_slice %arg9[%dma_wait3A_1087, %dma_wait3A_1088, %dma_wait3A_1093] : memref<3x2x128xi32, #tpu.memory_space<vmem>> -> memref<1x1x128xi32, #tpu.memory_space<vmem>>
        %dma_wait3A_1095 = tpu.memref_squeeze %dma_wait3A_1094 : memref<1x1x128xi32, #tpu.memory_space<vmem>> -> memref<128xi32, #tpu.memory_space<vmem>>
        %dma_wait3A_1096 = arith.constant 0 : i32
        %dma_wait3A_1097 = arith.constant 0 : i32
        %dma_wait3A_1098 = tpu.memref_slice %arg13[%dma_wait3A_1096, %dma_wait3A_1097] : memref<50176x32xf32, #tpu.memory_space<vmem_shared>> -> memref<50176x32xf32, #tpu.memory_space<vmem_shared>>
        tpu.wait_indirect_dma semaphore(%arg19 : memref<!tpu.dma_semaphore, #tpu.memory_space<semaphore_mem>>) src(%dma_wait3A_1092 : memref<128x32xf32, #tpu.memory_space<vmem>>) dst(%dma_wait3A_1098 : memref<50176x32xf32, #tpu.memory_space<vmem_shared>>)
        %dma_wait3A_1099 = arith.constant 2 : i32
        %dma_wait3A_1100 = arith.constant 2 : i32
        %dma_wait3A_1101 = arith.constant 1 : i32
        %dma_wait3A_1102 = arith.constant 0 : i32
        %dma_wait3A_1103 = arith.constant 0 : i32
        %dma_wait3A_1104 = tpu.memref_slice %arg11[%dma_wait3A_1099, %dma_wait3A_1102, %dma_wait3A_1103] : memref<3x128x32xf32, #tpu.memory_space<vmem>> -> memref<1x128x32xf32, #tpu.memory_space<vmem>>
        %dma_wait3A_1105 = tpu.memref_squeeze %dma_wait3A_1104 : memref<1x128x32xf32, #tpu.memory_space<vmem>> -> memref<128x32xf32, #tpu.memory_space<vmem>>
        %dma_wait3A_1106 = arith.constant 0 : i32
        %dma_wait3A_1107 = tpu.memref_slice %arg9[%dma_wait3A_1100, %dma_wait3A_1101, %dma_wait3A_1106] : memref<3x2x128xi32, #tpu.memory_space<vmem>> -> memref<1x1x128xi32, #tpu.memory_space<vmem>>
        %dma_wait3A_1108 = tpu.memref_squeeze %dma_wait3A_1107 : memref<1x1x128xi32, #tpu.memory_space<vmem>> -> memref<128xi32, #tpu.memory_space<vmem>>
        %dma_wait3A_1109 = arith.constant 0 : i32
        %dma_wait3A_1110 = arith.constant 0 : i32
        %dma_wait3A_1111 = tpu.memref_slice %arg13[%dma_wait3A_1109, %dma_wait3A_1110] : memref<50176x32xf32, #tpu.memory_space<vmem_shared>> -> memref<50176x32xf32, #tpu.memory_space<vmem_shared>>
        tpu.wait_indirect_dma semaphore(%arg19 : memref<!tpu.dma_semaphore, #tpu.memory_space<semaphore_mem>>) src(%dma_wait3A_1105 : memref<128x32xf32, #tpu.memory_space<vmem>>) dst(%dma_wait3A_1111 : memref<50176x32xf32, #tpu.memory_space<vmem_shared>>)
      } else {
      }
      %add3A_159 = arith.constant 1 : i32
      %add3A_160 = arith.addi %mul3A_150, %add3A_159 : i32
      %lt3A_161 = arith.constant 130 : i32
      %lt3A_162 = arith.cmpi slt, %add3A_160, %lt3A_161 : i32
      %convert_element_type3A_163 = arith.extui %lt3A_162 : i1 to i32
      %cond3A_164 = arith.constant 0 : i32
      %cond3A_165 = arith.cmpi ne, %convert_element_type3A_163, %cond3A_164 : i32
      scf.if %cond3A_165 {
        %add3A_1073 = arith.constant 1 : i32
        %add3A_1074 = arith.addi %mul3A_150, %add3A_1073 : i32
        %mul3A_1075 = arith.constant 3 : i32
        %mul3A_1076 = arith.muli %add3A_1074, %mul3A_1075 : i32
        %add3A_1077 = arith.addi %add3A_9, %mul3A_1076 : i32
        %dma_wait3A_1078 = arith.constant 0 : i32
        %dma_wait3A_1079 = arith.constant 0 : i32
        %dma_wait3A_1080 = tpu.memref_slice %arg3[%add3A_1077, %dma_wait3A_1078, %dma_wait3A_1079] : memref<12500x2x128xi32, #tpu.memory_space<hbm>> -> memref<3x2x128xi32, #tpu.memory_space<hbm>>
        %dma_wait3A_1081 = arith.constant 0 : i32
        %dma_wait3A_1082 = arith.constant 0 : i32
        %dma_wait3A_1083 = tpu.memref_slice %arg3[%add3A_1077, %dma_wait3A_1081, %dma_wait3A_1082] : memref<12500x2x128xi32, #tpu.memory_space<hbm>> -> memref<3x2x128xi32, #tpu.memory_space<hbm>>
        tpu.wait_dma2 semaphore(%arg15 : memref<!tpu.dma_semaphore, #tpu.memory_space<semaphore_mem>>) src(%dma_wait3A_1083 : memref<3x2x128xi32, #tpu.memory_space<hbm>>) dst(%arg7 : memref<3x2x128xi32, #tpu.memory_space<vmem>>)
        %dma_start3A_1084 = arith.constant 0 : i32
        %dma_start3A_1085 = arith.constant 0 : i32
        %dma_start3A_1086 = arith.constant 0 : i32
        %dma_start3A_1087 = arith.constant 0 : i32
        %dma_start3A_1088 = arith.constant 0 : i32
        %dma_start3A_1089 = tpu.memref_slice %arg11[%dma_start3A_1086, %dma_start3A_1087, %dma_start3A_1088] : memref<3x128x32xf32, #tpu.memory_space<vmem>> -> memref<1x128x32xf32, #tpu.memory_space<vmem>>
        %dma_start3A_1090 = tpu.memref_squeeze %dma_start3A_1089 : memref<1x128x32xf32, #tpu.memory_space<vmem>> -> memref<128x32xf32, #tpu.memory_space<vmem>>
        %dma_start3A_1091 = arith.constant 0 : i32
        %dma_start3A_1092 = tpu.memref_slice %arg7[%dma_start3A_1084, %dma_start3A_1085, %dma_start3A_1091] : memref<3x2x128xi32, #tpu.memory_space<vmem>> -> memref<1x1x128xi32, #tpu.memory_space<vmem>>
        %dma_start3A_1093 = tpu.memref_squeeze %dma_start3A_1092 : memref<1x1x128xi32, #tpu.memory_space<vmem>> -> memref<128xi32, #tpu.memory_space<vmem>>
        %dma_start3A_1094 = arith.constant 0 : i32
        %dma_start3A_1095 = arith.constant 0 : i32
        %dma_start3A_1096 = tpu.memref_slice %arg2[%dma_start3A_1094, %dma_start3A_1095] : memref<50176x32xf32, #tpu.memory_space<hbm>> -> memref<50176x32xf32, #tpu.memory_space<hbm>>
        tpu.enqueue_indirect_dma source(%dma_start3A_1096 : memref<50176x32xf32, #tpu.memory_space<hbm>>) target(%dma_start3A_1090 : memref<128x32xf32, #tpu.memory_space<vmem>>) offsets(%dma_start3A_1093 : memref<128xi32, #tpu.memory_space<vmem>>) semaphore(%arg17 : memref<!tpu.dma_semaphore, #tpu.memory_space<semaphore_mem>>)
        %dma_start3A_1097 = arith.constant 1 : i32
        %dma_start3A_1098 = arith.constant 0 : i32
        %dma_start3A_1099 = arith.constant 1 : i32
        %dma_start3A_1100 = arith.constant 0 : i32
        %dma_start3A_1101 = arith.constant 0 : i32
        %dma_start3A_1102 = tpu.memref_slice %arg11[%dma_start3A_1099, %dma_start3A_1100, %dma_start3A_1101] : memref<3x128x32xf32, #tpu.memory_space<vmem>> -> memref<1x128x32xf32, #tpu.memory_space<vmem>>
        %dma_start3A_1103 = tpu.memref_squeeze %dma_start3A_1102 : memref<1x128x32xf32, #tpu.memory_space<vmem>> -> memref<128x32xf32, #tpu.memory_space<vmem>>
        %dma_start3A_1104 = arith.constant 0 : i32
        %dma_start3A_1105 = tpu.memref_slice %arg7[%dma_start3A_1097, %dma_start3A_1098, %dma_start3A_1104] : memref<3x2x128xi32, #tpu.memory_space<vmem>> -> memref<1x1x128xi32, #tpu.memory_space<vmem>>
        %dma_start3A_1106 = tpu.memref_squeeze %dma_start3A_1105 : memref<1x1x128xi32, #tpu.memory_space<vmem>> -> memref<128xi32, #tpu.memory_space<vmem>>
        %dma_start3A_1107 = arith.constant 0 : i32
        %dma_start3A_1108 = arith.constant 0 : i32
        %dma_start3A_1109 = tpu.memref_slice %arg2[%dma_start3A_1107, %dma_start3A_1108] : memref<50176x32xf32, #tpu.memory_space<hbm>> -> memref<50176x32xf32, #tpu.memory_space<hbm>>
        tpu.enqueue_indirect_dma source(%dma_start3A_1109 : memref<50176x32xf32, #tpu.memory_space<hbm>>) target(%dma_start3A_1103 : memref<128x32xf32, #tpu.memory_space<vmem>>) offsets(%dma_start3A_1106 : memref<128xi32, #tpu.memory_space<vmem>>) semaphore(%arg17 : memref<!tpu.dma_semaphore, #tpu.memory_space<semaphore_mem>>)
        %dma_start3A_1110 = arith.constant 2 : i32
        %dma_start3A_1111 = arith.constant 0 : i32
        %dma_start3A_1112 = arith.constant 2 : i32
        %dma_start3A_1113 = arith.constant 0 : i32
        %dma_start3A_1114 = arith.constant 0 : i32
        %dma_start3A_1115 = tpu.memref_slice %arg11[%dma_start3A_1112, %dma_start3A_1113, %dma_start3A_1114] : memref<3x128x32xf32, #tpu.memory_space<vmem>> -> memref<1x128x32xf32, #tpu.memory_space<vmem>>
        %dma_start3A_1116 = tpu.memref_squeeze %dma_start3A_1115 : memref<1x128x32xf32, #tpu.memory_space<vmem>> -> memref<128x32xf32, #tpu.memory_space<vmem>>
        %dma_start3A_1117 = arith.constant 0 : i32
        %dma_start3A_1118 = tpu.memref_slice %arg7[%dma_start3A_1110, %dma_start3A_1111, %dma_start3A_1117] : memref<3x2x128xi32, #tpu.memory_space<vmem>> -> memref<1x1x128xi32, #tpu.memory_space<vmem>>
        %dma_start3A_1119 = tpu.memref_squeeze %dma_start3A_1118 : memref<1x1x128xi32, #tpu.memory_space<vmem>> -> memref<128xi32, #tpu.memory_space<vmem>>
        %dma_start3A_1120 = arith.constant 0 : i32
        %dma_start3A_1121 = arith.constant 0 : i32
        %dma_start3A_1122 = tpu.memref_slice %arg2[%dma_start3A_1120, %dma_start3A_1121] : memref<50176x32xf32, #tpu.memory_space<hbm>> -> memref<50176x32xf32, #tpu.memory_space<hbm>>
        tpu.enqueue_indirect_dma source(%dma_start3A_1122 : memref<50176x32xf32, #tpu.memory_space<hbm>>) target(%dma_start3A_1116 : memref<128x32xf32, #tpu.memory_space<vmem>>) offsets(%dma_start3A_1119 : memref<128xi32, #tpu.memory_space<vmem>>) semaphore(%arg17 : memref<!tpu.dma_semaphore, #tpu.memory_space<semaphore_mem>>)
      } else {
      }
      %dma_wait3A_166 = arith.constant 0 : i32
      %dma_wait3A_167 = arith.constant 0 : i32
      %dma_wait3A_168 = arith.constant 0 : i32
      %dma_wait3A_169 = arith.constant 0 : i32
      %dma_wait3A_170 = arith.constant 0 : i32
      %dma_wait3A_171 = tpu.memref_slice %arg10[%dma_wait3A_168, %dma_wait3A_169, %dma_wait3A_170] : memref<3x128x32xf32, #tpu.memory_space<vmem>> -> memref<1x128x32xf32, #tpu.memory_space<vmem>>
      %dma_wait3A_172 = tpu.memref_squeeze %dma_wait3A_171 : memref<1x128x32xf32, #tpu.memory_space<vmem>> -> memref<128x32xf32, #tpu.memory_space<vmem>>
      %dma_wait3A_173 = arith.constant 0 : i32
      %dma_wait3A_174 = tpu.memref_slice %arg6[%dma_wait3A_166, %dma_wait3A_167, %dma_wait3A_173] : memref<3x2x128xi32, #tpu.memory_space<vmem>> -> memref<1x1x128xi32, #tpu.memory_space<vmem>>
      %dma_wait3A_175 = tpu.memref_squeeze %dma_wait3A_174 : memref<1x1x128xi32, #tpu.memory_space<vmem>> -> memref<128xi32, #tpu.memory_space<vmem>>
      %dma_wait3A_176 = arith.constant 0 : i32
      %dma_wait3A_177 = arith.constant 0 : i32
      %dma_wait3A_178 = tpu.memref_slice %arg2[%dma_wait3A_176, %dma_wait3A_177] : memref<50176x32xf32, #tpu.memory_space<hbm>> -> memref<50176x32xf32, #tpu.memory_space<hbm>>
      tpu.wait_indirect_dma semaphore(%arg16 : memref<!tpu.dma_semaphore, #tpu.memory_space<semaphore_mem>>) src(%dma_wait3A_178 : memref<50176x32xf32, #tpu.memory_space<hbm>>) dst(%dma_wait3A_172 : memref<128x32xf32, #tpu.memory_space<vmem>>)
      %dma_wait3A_179 = arith.constant 1 : i32
      %dma_wait3A_180 = arith.constant 0 : i32
      %dma_wait3A_181 = arith.constant 1 : i32
      %dma_wait3A_182 = arith.constant 0 : i32
      %dma_wait3A_183 = arith.constant 0 : i32
      %dma_wait3A_184 = tpu.memref_slice %arg10[%dma_wait3A_181, %dma_wait3A_182, %dma_wait3A_183] : memref<3x128x32xf32, #tpu.memory_space<vmem>> -> memref<1x128x32xf32, #tpu.memory_space<vmem>>
      %dma_wait3A_185 = tpu.memref_squeeze %dma_wait3A_184 : memref<1x128x32xf32, #tpu.memory_space<vmem>> -> memref<128x32xf32, #tpu.memory_space<vmem>>
      %dma_wait3A_186 = arith.constant 0 : i32
      %dma_wait3A_187 = tpu.memref_slice %arg6[%dma_wait3A_179, %dma_wait3A_180, %dma_wait3A_186] : memref<3x2x128xi32, #tpu.memory_space<vmem>> -> memref<1x1x128xi32, #tpu.memory_space<vmem>>
      %dma_wait3A_188 = tpu.memref_squeeze %dma_wait3A_187 : memref<1x1x128xi32, #tpu.memory_space<vmem>> -> memref<128xi32, #tpu.memory_space<vmem>>
      %dma_wait3A_189 = arith.constant 0 : i32
      %dma_wait3A_190 = arith.constant 0 : i32
      %dma_wait3A_191 = tpu.memref_slice %arg2[%dma_wait3A_189, %dma_wait3A_190] : memref<50176x32xf32, #tpu.memory_space<hbm>> -> memref<50176x32xf32, #tpu.memory_space<hbm>>
      tpu.wait_indirect_dma semaphore(%arg16 : memref<!tpu.dma_semaphore, #tpu.memory_space<semaphore_mem>>) src(%dma_wait3A_191 : memref<50176x32xf32, #tpu.memory_space<hbm>>) dst(%dma_wait3A_185 : memref<128x32xf32, #tpu.memory_space<vmem>>)
      %dma_wait3A_192 = arith.constant 2 : i32
      %dma_wait3A_193 = arith.constant 0 : i32
      %dma_wait3A_194 = arith.constant 2 : i32
      %dma_wait3A_195 = arith.constant 0 : i32
      %dma_wait3A_196 = arith.constant 0 : i32
      %dma_wait3A_197 = tpu.memref_slice %arg10[%dma_wait3A_194, %dma_wait3A_195, %dma_wait3A_196] : memref<3x128x32xf32, #tpu.memory_space<vmem>> -> memref<1x128x32xf32, #tpu.memory_space<vmem>>
      %dma_wait3A_198 = tpu.memref_squeeze %dma_wait3A_197 : memref<1x128x32xf32, #tpu.memory_space<vmem>> -> memref<128x32xf32, #tpu.memory_space<vmem>>
      %dma_wait3A_199 = arith.constant 0 : i32
      %dma_wait3A_200 = tpu.memref_slice %arg6[%dma_wait3A_192, %dma_wait3A_193, %dma_wait3A_199] : memref<3x2x128xi32, #tpu.memory_space<vmem>> -> memref<1x1x128xi32, #tpu.memory_space<vmem>>
      %dma_wait3A_201 = tpu.memref_squeeze %dma_wait3A_200 : memref<1x1x128xi32, #tpu.memory_space<vmem>> -> memref<128xi32, #tpu.memory_space<vmem>>
      %dma_wait3A_202 = arith.constant 0 : i32
      %dma_wait3A_203 = arith.constant 0 : i32
      %dma_wait3A_204 = tpu.memref_slice %arg2[%dma_wait3A_202, %dma_wait3A_203] : memref<50176x32xf32, #tpu.memory_space<hbm>> -> memref<50176x32xf32, #tpu.memory_space<hbm>>
      tpu.wait_indirect_dma semaphore(%arg16 : memref<!tpu.dma_semaphore, #tpu.memory_space<semaphore_mem>>) src(%dma_wait3A_204 : memref<50176x32xf32, #tpu.memory_space<hbm>>) dst(%dma_wait3A_198 : memref<128x32xf32, #tpu.memory_space<vmem>>)
      %get3A = arith.constant 0 : i32
      %get3A_205 = arith.constant 1 : i32
      %get3A_206 = arith.index_cast %get3A : i32 to index
      %get3A_207 = arith.index_cast %get3A_205 : i32 to index
      %get3A_208 = arith.constant 0 : index
      %get3A_209 = tpu.vector_load %arg6[%get3A_206, %get3A_207, %get3A_208] {strides = array<i32>} : memref<3x2x128xi32, #tpu.memory_space<vmem>>, vector<1x1x16xi32>,
      %get3A_210 = vector.shape_cast %get3A_209 : vector<1x1x16xi32> to vector<16xi32>
      %swap3A = arith.constant 0 : i32
      %swap3A_211 = arith.constant 1 : i32
      %swap3A_212 = arith.index_cast %swap3A : i32 to index
      %swap3A_213 = arith.index_cast %swap3A_211 : i32 to index
      %swap3A_214 = arith.constant 0 : index
      %swap3A_215 = tpu.vector_load %arg8[%swap3A_212, %swap3A_213, %swap3A_214] {strides = array<i32>} : memref<3x2x128xi32, #tpu.memory_space<vmem>>, vector<1x1x16xi32>,
      %swap3A_216 = vector.shape_cast %swap3A_215 : vector<1x1x16xi32> to vector<16xi32>
      %swap3A_217 = vector.shape_cast %get3A_210 : vector<16xi32> to vector<1x1x16xi32>
      tpu.vector_store %arg8[%swap3A_212, %swap3A_213, %swap3A_214], %swap3A_217 {strides = array<i32>} : memref<3x2x128xi32, #tpu.memory_space<vmem>>, vector<1x1x16xi32>,
      %get3A_218 = arith.constant 0 : i32
      %get3A_219 = arith.constant 1 : i32
      %get3A_220 = arith.index_cast %get3A_218 : i32 to index
      %get3A_221 = arith.index_cast %get3A_219 : i32 to index
      %get3A_222 = arith.constant 16 : index
      %get3A_223 = tpu.vector_load %arg6[%get3A_220, %get3A_221, %get3A_222] {strides = array<i32>} : memref<3x2x128xi32, #tpu.memory_space<vmem>>, vector<1x1x16xi32>,
      %get3A_224 = vector.shape_cast %get3A_223 : vector<1x1x16xi32> to vector<16xi32>
      %swap3A_225 = arith.constant 0 : i32
      %swap3A_226 = arith.constant 1 : i32
      %swap3A_227 = arith.index_cast %swap3A_225 : i32 to index
      %swap3A_228 = arith.index_cast %swap3A_226 : i32 to index
      %swap3A_229 = arith.constant 16 : index
      %swap3A_230 = tpu.vector_load %arg8[%swap3A_227, %swap3A_228, %swap3A_229] {strides = array<i32>} : memref<3x2x128xi32, #tpu.memory_space<vmem>>, vector<1x1x16xi32>,
      %swap3A_231 = vector.shape_cast %swap3A_230 : vector<1x1x16xi32> to vector<16xi32>
      %swap3A_232 = vector.shape_cast %get3A_224 : vector<16xi32> to vector<1x1x16xi32>
      tpu.vector_store %arg8[%swap3A_227, %swap3A_228, %swap3A_229], %swap3A_232 {strides = array<i32>} : memref<3x2x128xi32, #tpu.memory_space<vmem>>, vector<1x1x16xi32>,
      %get3A_233 = arith.constant 0 : i32
      %get3A_234 = arith.constant 1 : i32
      %get3A_235 = arith.index_cast %get3A_233 : i32 to index
      %get3A_236 = arith.index_cast %get3A_234 : i32 to index
      %get3A_237 = arith.constant 32 : index
      %get3A_238 = tpu.vector_load %arg6[%get3A_235, %get3A_236, %get3A_237] {strides = array<i32>} : memref<3x2x128xi32, #tpu.memory_space<vmem>>, vector<1x1x16xi32>,
      %get3A_239 = vector.shape_cast %get3A_238 : vector<1x1x16xi32> to vector<16xi32>
      %swap3A_240 = arith.constant 0 : i32
      %swap3A_241 = arith.constant 1 : i32
      %swap3A_242 = arith.index_cast %swap3A_240 : i32 to index
      %swap3A_243 = arith.index_cast %swap3A_241 : i32 to index
      %swap3A_244 = arith.constant 32 : index
      %swap3A_245 = tpu.vector_load %arg8[%swap3A_242, %swap3A_243, %swap3A_244] {strides = array<i32>} : memref<3x2x128xi32, #tpu.memory_space<vmem>>, vector<1x1x16xi32>,
      %swap3A_246 = vector.shape_cast %swap3A_245 : vector<1x1x16xi32> to vector<16xi32>
      %swap3A_247 = vector.shape_cast %get3A_239 : vector<16xi32> to vector<1x1x16xi32>
      tpu.vector_store %arg8[%swap3A_242, %swap3A_243, %swap3A_244], %swap3A_247 {strides = array<i32>} : memref<3x2x128xi32, #tpu.memory_space<vmem>>, vector<1x1x16xi32>,
      %get3A_248 = arith.constant 0 : i32
      %get3A_249 = arith.constant 1 : i32
      %get3A_250 = arith.index_cast %get3A_248 : i32 to index
      %get3A_251 = arith.index_cast %get3A_249 : i32 to index
      %get3A_252 = arith.constant 48 : index
      %get3A_253 = tpu.vector_load %arg6[%get3A_250, %get3A_251, %get3A_252] {strides = array<i32>} : memref<3x2x128xi32, #tpu.memory_space<vmem>>, vector<1x1x16xi32>,
      %get3A_254 = vector.shape_cast %get3A_253 : vector<1x1x16xi32> to vector<16xi32>
      %swap3A_255 = arith.constant 0 : i32
      %swap3A_256 = arith.constant 1 : i32
      %swap3A_257 = arith.index_cast %swap3A_255 : i32 to index
      %swap3A_258 = arith.index_cast %swap3A_256 : i32 to index
      %swap3A_259 = arith.constant 48 : index
      %swap3A_260 = tpu.vector_load %arg8[%swap3A_257, %swap3A_258, %swap3A_259] {strides = array<i32>} : memref<3x2x128xi32, #tpu.memory_space<vmem>>, vector<1x1x16xi32>,
      %swap3A_261 = vector.shape_cast %swap3A_260 : vector<1x1x16xi32> to vector<16xi32>
      %swap3A_262 = vector.shape_cast %get3A_254 : vector<16xi32> to vector<1x1x16xi32>
      tpu.vector_store %arg8[%swap3A_257, %swap3A_258, %swap3A_259], %swap3A_262 {strides = array<i32>} : memref<3x2x128xi32, #tpu.memory_space<vmem>>, vector<1x1x16xi32>,
      %get3A_263 = arith.constant 0 : i32
      %get3A_264 = arith.constant 1 : i32
      %get3A_265 = arith.index_cast %get3A_263 : i32 to index
      %get3A_266 = arith.index_cast %get3A_264 : i32 to index
      %get3A_267 = arith.constant 64 : index
      %get3A_268 = tpu.vector_load %arg6[%get3A_265, %get3A_266, %get3A_267] {strides = array<i32>} : memref<3x2x128xi32, #tpu.memory_space<vmem>>, vector<1x1x16xi32>,
      %get3A_269 = vector.shape_cast %get3A_268 : vector<1x1x16xi32> to vector<16xi32>
      %swap3A_270 = arith.constant 0 : i32
      %swap3A_271 = arith.constant 1 : i32
      %swap3A_272 = arith.index_cast %swap3A_270 : i32 to index
      %swap3A_273 = arith.index_cast %swap3A_271 : i32 to index
      %swap3A_274 = arith.constant 64 : index
      %swap3A_275 = tpu.vector_load %arg8[%swap3A_272, %swap3A_273, %swap3A_274] {strides = array<i32>} : memref<3x2x128xi32, #tpu.memory_space<vmem>>, vector<1x1x16xi32>,
      %swap3A_276 = vector.shape_cast %swap3A_275 : vector<1x1x16xi32> to vector<16xi32>
      %swap3A_277 = vector.shape_cast %get3A_269 : vector<16xi32> to vector<1x1x16xi32>
      tpu.vector_store %arg8[%swap3A_272, %swap3A_273, %swap3A_274], %swap3A_277 {strides = array<i32>} : memref<3x2x128xi32, #tpu.memory_space<vmem>>, vector<1x1x16xi32>,
      %get3A_278 = arith.constant 0 : i32
      %get3A_279 = arith.constant 1 : i32
      %get3A_280 = arith.index_cast %get3A_278 : i32 to index
      %get3A_281 = arith.index_cast %get3A_279 : i32 to index
      %get3A_282 = arith.constant 80 : index
      %get3A_283 = tpu.vector_load %arg6[%get3A_280, %get3A_281, %get3A_282] {strides = array<i32>} : memref<3x2x128xi32, #tpu.memory_space<vmem>>, vector<1x1x16xi32>,
      %get3A_284 = vector.shape_cast %get3A_283 : vector<1x1x16xi32> to vector<16xi32>
      %swap3A_285 = arith.constant 0 : i32
      %swap3A_286 = arith.constant 1 : i32
      %swap3A_287 = arith.index_cast %swap3A_285 : i32 to index
      %swap3A_288 = arith.index_cast %swap3A_286 : i32 to index
      %swap3A_289 = arith.constant 80 : index
      %swap3A_290 = tpu.vector_load %arg8[%swap3A_287, %swap3A_288, %swap3A_289] {strides = array<i32>} : memref<3x2x128xi32, #tpu.memory_space<vmem>>, vector<1x1x16xi32>,
      %swap3A_291 = vector.shape_cast %swap3A_290 : vector<1x1x16xi32> to vector<16xi32>
      %swap3A_292 = vector.shape_cast %get3A_284 : vector<16xi32> to vector<1x1x16xi32>
      tpu.vector_store %arg8[%swap3A_287, %swap3A_288, %swap3A_289], %swap3A_292 {strides = array<i32>} : memref<3x2x128xi32, #tpu.memory_space<vmem>>, vector<1x1x16xi32>,
      %get3A_293 = arith.constant 0 : i32
      %get3A_294 = arith.constant 1 : i32
      %get3A_295 = arith.index_cast %get3A_293 : i32 to index
      %get3A_296 = arith.index_cast %get3A_294 : i32 to index
      %get3A_297 = arith.constant 96 : index
      %get3A_298 = tpu.vector_load %arg6[%get3A_295, %get3A_296, %get3A_297] {strides = array<i32>} : memref<3x2x128xi32, #tpu.memory_space<vmem>>, vector<1x1x16xi32>,
      %get3A_299 = vector.shape_cast %get3A_298 : vector<1x1x16xi32> to vector<16xi32>
      %swap3A_300 = arith.constant 0 : i32
      %swap3A_301 = arith.constant 1 : i32
      %swap3A_302 = arith.index_cast %swap3A_300 : i32 to index
      %swap3A_303 = arith.index_cast %swap3A_301 : i32 to index
      %swap3A_304 = arith.constant 96 : index
      %swap3A_305 = tpu.vector_load %arg8[%swap3A_302, %swap3A_303, %swap3A_304] {strides = array<i32>} : memref<3x2x128xi32, #tpu.memory_space<vmem>>, vector<1x1x16xi32>,
      %swap3A_306 = vector.shape_cast %swap3A_305 : vector<1x1x16xi32> to vector<16xi32>
      %swap3A_307 = vector.shape_cast %get3A_299 : vector<16xi32> to vector<1x1x16xi32>
      tpu.vector_store %arg8[%swap3A_302, %swap3A_303, %swap3A_304], %swap3A_307 {strides = array<i32>} : memref<3x2x128xi32, #tpu.memory_space<vmem>>, vector<1x1x16xi32>,
      %get3A_308 = arith.constant 0 : i32
      %get3A_309 = arith.constant 1 : i32
      %get3A_310 = arith.index_cast %get3A_308 : i32 to index
      %get3A_311 = arith.index_cast %get3A_309 : i32 to index
      %get3A_312 = arith.constant 112 : index
      %get3A_313 = tpu.vector_load %arg6[%get3A_310, %get3A_311, %get3A_312] {strides = array<i32>} : memref<3x2x128xi32, #tpu.memory_space<vmem>>, vector<1x1x16xi32>,
      %get3A_314 = vector.shape_cast %get3A_313 : vector<1x1x16xi32> to vector<16xi32>
      %swap3A_315 = arith.constant 0 : i32
      %swap3A_316 = arith.constant 1 : i32
      %swap3A_317 = arith.index_cast %swap3A_315 : i32 to index
      %swap3A_318 = arith.index_cast %swap3A_316 : i32 to index
      %swap3A_319 = arith.constant 112 : index
      %swap3A_320 = tpu.vector_load %arg8[%swap3A_317, %swap3A_318, %swap3A_319] {strides = array<i32>} : memref<3x2x128xi32, #tpu.memory_space<vmem>>, vector<1x1x16xi32>,
      %swap3A_321 = vector.shape_cast %swap3A_320 : vector<1x1x16xi32> to vector<16xi32>
      %swap3A_322 = vector.shape_cast %get3A_314 : vector<16xi32> to vector<1x1x16xi32>
      tpu.vector_store %arg8[%swap3A_317, %swap3A_318, %swap3A_319], %swap3A_322 {strides = array<i32>} : memref<3x2x128xi32, #tpu.memory_space<vmem>>, vector<1x1x16xi32>,
      %get3A_323 = arith.constant 1 : i32
      %get3A_324 = arith.constant 1 : i32
      %get3A_325 = arith.index_cast %get3A_323 : i32 to index
      %get3A_326 = arith.index_cast %get3A_324 : i32 to index
      %get3A_327 = arith.constant 0 : index
      %get3A_328 = tpu.vector_load %arg6[%get3A_325, %get3A_326, %get3A_327] {strides = array<i32>} : memref<3x2x128xi32, #tpu.memory_space<vmem>>, vector<1x1x16xi32>,
      %get3A_329 = vector.shape_cast %get3A_328 : vector<1x1x16xi32> to vector<16xi32>
      %swap3A_330 = arith.constant 1 : i32
      %swap3A_331 = arith.constant 1 : i32
      %swap3A_332 = arith.index_cast %swap3A_330 : i32 to index
      %swap3A_333 = arith.index_cast %swap3A_331 : i32 to index
      %swap3A_334 = arith.constant 0 : index
      %swap3A_335 = tpu.vector_load %arg8[%swap3A_332, %swap3A_333, %swap3A_334] {strides = array<i32>} : memref<3x2x128xi32, #tpu.memory_space<vmem>>, vector<1x1x16xi32>,
      %swap3A_336 = vector.shape_cast %swap3A_335 : vector<1x1x16xi32> to vector<16xi32>
      %swap3A_337 = vector.shape_cast %get3A_329 : vector<16xi32> to vector<1x1x16xi32>
      tpu.vector_store %arg8[%swap3A_332, %swap3A_333, %swap3A_334], %swap3A_337 {strides = array<i32>} : memref<3x2x128xi32, #tpu.memory_space<vmem>>, vector<1x1x16xi32>,
      %get3A_338 = arith.constant 1 : i32
      %get3A_339 = arith.constant 1 : i32
      %get3A_340 = arith.index_cast %get3A_338 : i32 to index
      %get3A_341 = arith.index_cast %get3A_339 : i32 to index
      %get3A_342 = arith.constant 16 : index
      %get3A_343 = tpu.vector_load %arg6[%get3A_340, %get3A_341, %get3A_342] {strides = array<i32>} : memref<3x2x128xi32, #tpu.memory_space<vmem>>, vector<1x1x16xi32>,
      %get3A_344 = vector.shape_cast %get3A_343 : vector<1x1x16xi32> to vector<16xi32>
      %swap3A_345 = arith.constant 1 : i32
      %swap3A_346 = arith.constant 1 : i32
      %swap3A_347 = arith.index_cast %swap3A_345 : i32 to index
      %swap3A_348 = arith.index_cast %swap3A_346 : i32 to index
      %swap3A_349 = arith.constant 16 : index
      %swap3A_350 = tpu.vector_load %arg8[%swap3A_347, %swap3A_348, %swap3A_349] {strides = array<i32>} : memref<3x2x128xi32, #tpu.memory_space<vmem>>, vector<1x1x16xi32>,
      %swap3A_351 = vector.shape_cast %swap3A_350 : vector<1x1x16xi32> to vector<16xi32>
      %swap3A_352 = vector.shape_cast %get3A_344 : vector<16xi32> to vector<1x1x16xi32>
      tpu.vector_store %arg8[%swap3A_347, %swap3A_348, %swap3A_349], %swap3A_352 {strides = array<i32>} : memref<3x2x128xi32, #tpu.memory_space<vmem>>, vector<1x1x16xi32>,
      %get3A_353 = arith.constant 1 : i32
      %get3A_354 = arith.constant 1 : i32
      %get3A_355 = arith.index_cast %get3A_353 : i32 to index
      %get3A_356 = arith.index_cast %get3A_354 : i32 to index
      %get3A_357 = arith.constant 32 : index
      %get3A_358 = tpu.vector_load %arg6[%get3A_355, %get3A_356, %get3A_357] {strides = array<i32>} : memref<3x2x128xi32, #tpu.memory_space<vmem>>, vector<1x1x16xi32>,
      %get3A_359 = vector.shape_cast %get3A_358 : vector<1x1x16xi32> to vector<16xi32>
      %swap3A_360 = arith.constant 1 : i32
      %swap3A_361 = arith.constant 1 : i32
      %swap3A_362 = arith.index_cast %swap3A_360 : i32 to index
      %swap3A_363 = arith.index_cast %swap3A_361 : i32 to index
      %swap3A_364 = arith.constant 32 : index
      %swap3A_365 = tpu.vector_load %arg8[%swap3A_362, %swap3A_363, %swap3A_364] {strides = array<i32>} : memref<3x2x128xi32, #tpu.memory_space<vmem>>, vector<1x1x16xi32>,
      %swap3A_366 = vector.shape_cast %swap3A_365 : vector<1x1x16xi32> to vector<16xi32>
      %swap3A_367 = vector.shape_cast %get3A_359 : vector<16xi32> to vector<1x1x16xi32>
      tpu.vector_store %arg8[%swap3A_362, %swap3A_363, %swap3A_364], %swap3A_367 {strides = array<i32>} : memref<3x2x128xi32, #tpu.memory_space<vmem>>, vector<1x1x16xi32>,
      %get3A_368 = arith.constant 1 : i32
      %get3A_369 = arith.constant 1 : i32
      %get3A_370 = arith.index_cast %get3A_368 : i32 to index
      %get3A_371 = arith.index_cast %get3A_369 : i32 to index
      %get3A_372 = arith.constant 48 : index
      %get3A_373 = tpu.vector_load %arg6[%get3A_370, %get3A_371, %get3A_372] {strides = array<i32>} : memref<3x2x128xi32, #tpu.memory_space<vmem>>, vector<1x1x16xi32>,
      %get3A_374 = vector.shape_cast %get3A_373 : vector<1x1x16xi32> to vector<16xi32>
      %swap3A_375 = arith.constant 1 : i32
      %swap3A_376 = arith.constant 1 : i32
      %swap3A_377 = arith.index_cast %swap3A_375 : i32 to index
      %swap3A_378 = arith.index_cast %swap3A_376 : i32 to index
      %swap3A_379 = arith.constant 48 : index
      %swap3A_380 = tpu.vector_load %arg8[%swap3A_377, %swap3A_378, %swap3A_379] {strides = array<i32>} : memref<3x2x128xi32, #tpu.memory_space<vmem>>, vector<1x1x16xi32>,
      %swap3A_381 = vector.shape_cast %swap3A_380 : vector<1x1x16xi32> to vector<16xi32>
      %swap3A_382 = vector.shape_cast %get3A_374 : vector<16xi32> to vector<1x1x16xi32>
      tpu.vector_store %arg8[%swap3A_377, %swap3A_378, %swap3A_379], %swap3A_382 {strides = array<i32>} : memref<3x2x128xi32, #tpu.memory_space<vmem>>, vector<1x1x16xi32>,
      %get3A_383 = arith.constant 1 : i32
      %get3A_384 = arith.constant 1 : i32
      %get3A_385 = arith.index_cast %get3A_383 : i32 to index
      %get3A_386 = arith.index_cast %get3A_384 : i32 to index
      %get3A_387 = arith.constant 64 : index
      %get3A_388 = tpu.vector_load %arg6[%get3A_385, %get3A_386, %get3A_387] {strides = array<i32>} : memref<3x2x128xi32, #tpu.memory_space<vmem>>, vector<1x1x16xi32>,
      %get3A_389 = vector.shape_cast %get3A_388 : vector<1x1x16xi32> to vector<16xi32>
      %swap3A_390 = arith.constant 1 : i32
      %swap3A_391 = arith.constant 1 : i32
      %swap3A_392 = arith.index_cast %swap3A_390 : i32 to index
      %swap3A_393 = arith.index_cast %swap3A_391 : i32 to index
      %swap3A_394 = arith.constant 64 : index
      %swap3A_395 = tpu.vector_load %arg8[%swap3A_392, %swap3A_393, %swap3A_394] {strides = array<i32>} : memref<3x2x128xi32, #tpu.memory_space<vmem>>, vector<1x1x16xi32>,
      %swap3A_396 = vector.shape_cast %swap3A_395 : vector<1x1x16xi32> to vector<16xi32>
      %swap3A_397 = vector.shape_cast %get3A_389 : vector<16xi32> to vector<1x1x16xi32>
      tpu.vector_store %arg8[%swap3A_392, %swap3A_393, %swap3A_394], %swap3A_397 {strides = array<i32>} : memref<3x2x128xi32, #tpu.memory_space<vmem>>, vector<1x1x16xi32>,
      %get3A_398 = arith.constant 1 : i32
      %get3A_399 = arith.constant 1 : i32
      %get3A_400 = arith.index_cast %get3A_398 : i32 to index
      %get3A_401 = arith.index_cast %get3A_399 : i32 to index
      %get3A_402 = arith.constant 80 : index
      %get3A_403 = tpu.vector_load %arg6[%get3A_400, %get3A_401, %get3A_402] {strides = array<i32>} : memref<3x2x128xi32, #tpu.memory_space<vmem>>, vector<1x1x16xi32>,
      %get3A_404 = vector.shape_cast %get3A_403 : vector<1x1x16xi32> to vector<16xi32>
      %swap3A_405 = arith.constant 1 : i32
      %swap3A_406 = arith.constant 1 : i32
      %swap3A_407 = arith.index_cast %swap3A_405 : i32 to index
      %swap3A_408 = arith.index_cast %swap3A_406 : i32 to index
      %swap3A_409 = arith.constant 80 : index
      %swap3A_410 = tpu.vector_load %arg8[%swap3A_407, %swap3A_408, %swap3A_409] {strides = array<i32>} : memref<3x2x128xi32, #tpu.memory_space<vmem>>, vector<1x1x16xi32>,
      %swap3A_411 = vector.shape_cast %swap3A_410 : vector<1x1x16xi32> to vector<16xi32>
      %swap3A_412 = vector.shape_cast %get3A_404 : vector<16xi32> to vector<1x1x16xi32>
      tpu.vector_store %arg8[%swap3A_407, %swap3A_408, %swap3A_409], %swap3A_412 {strides = array<i32>} : memref<3x2x128xi32, #tpu.memory_space<vmem>>, vector<1x1x16xi32>,
      %get3A_413 = arith.constant 1 : i32
      %get3A_414 = arith.constant 1 : i32
      %get3A_415 = arith.index_cast %get3A_413 : i32 to index
      %get3A_416 = arith.index_cast %get3A_414 : i32 to index
      %get3A_417 = arith.constant 96 : index
      %get3A_418 = tpu.vector_load %arg6[%get3A_415, %get3A_416, %get3A_417] {strides = array<i32>} : memref<3x2x128xi32, #tpu.memory_space<vmem>>, vector<1x1x16xi32>,
      %get3A_419 = vector.shape_cast %get3A_418 : vector<1x1x16xi32> to vector<16xi32>
      %swap3A_420 = arith.constant 1 : i32
      %swap3A_421 = arith.constant 1 : i32
      %swap3A_422 = arith.index_cast %swap3A_420 : i32 to index
      %swap3A_423 = arith.index_cast %swap3A_421 : i32 to index
      %swap3A_424 = arith.constant 96 : index
      %swap3A_425 = tpu.vector_load %arg8[%swap3A_422, %swap3A_423, %swap3A_424] {strides = array<i32>} : memref<3x2x128xi32, #tpu.memory_space<vmem>>, vector<1x1x16xi32>,
      %swap3A_426 = vector.shape_cast %swap3A_425 : vector<1x1x16xi32> to vector<16xi32>
      %swap3A_427 = vector.shape_cast %get3A_419 : vector<16xi32> to vector<1x1x16xi32>
      tpu.vector_store %arg8[%swap3A_422, %swap3A_423, %swap3A_424], %swap3A_427 {strides = array<i32>} : memref<3x2x128xi32, #tpu.memory_space<vmem>>, vector<1x1x16xi32>,
      %get3A_428 = arith.constant 1 : i32
      %get3A_429 = arith.constant 1 : i32
      %get3A_430 = arith.index_cast %get3A_428 : i32 to index
      %get3A_431 = arith.index_cast %get3A_429 : i32 to index
      %get3A_432 = arith.constant 112 : index
      %get3A_433 = tpu.vector_load %arg6[%get3A_430, %get3A_431, %get3A_432] {strides = array<i32>} : memref<3x2x128xi32, #tpu.memory_space<vmem>>, vector<1x1x16xi32>,
      %get3A_434 = vector.shape_cast %get3A_433 : vector<1x1x16xi32> to vector<16xi32>
      %swap3A_435 = arith.constant 1 : i32
      %swap3A_436 = arith.constant 1 : i32
      %swap3A_437 = arith.index_cast %swap3A_435 : i32 to index
      %swap3A_438 = arith.index_cast %swap3A_436 : i32 to index
      %swap3A_439 = arith.constant 112 : index
      %swap3A_440 = tpu.vector_load %arg8[%swap3A_437, %swap3A_438, %swap3A_439] {strides = array<i32>} : memref<3x2x128xi32, #tpu.memory_space<vmem>>, vector<1x1x16xi32>,
      %swap3A_441 = vector.shape_cast %swap3A_440 : vector<1x1x16xi32> to vector<16xi32>
      %swap3A_442 = vector.shape_cast %get3A_434 : vector<16xi32> to vector<1x1x16xi32>
      tpu.vector_store %arg8[%swap3A_437, %swap3A_438, %swap3A_439], %swap3A_442 {strides = array<i32>} : memref<3x2x128xi32, #tpu.memory_space<vmem>>, vector<1x1x16xi32>,
      %get3A_443 = arith.constant 2 : i32
      %get3A_444 = arith.constant 1 : i32
      %get3A_445 = arith.index_cast %get3A_443 : i32 to index
      %get3A_446 = arith.index_cast %get3A_444 : i32 to index
      %get3A_447 = arith.constant 0 : index
      %get3A_448 = tpu.vector_load %arg6[%get3A_445, %get3A_446, %get3A_447] {strides = array<i32>} : memref<3x2x128xi32, #tpu.memory_space<vmem>>, vector<1x1x16xi32>,
      %get3A_449 = vector.shape_cast %get3A_448 : vector<1x1x16xi32> to vector<16xi32>
      %swap3A_450 = arith.constant 2 : i32
      %swap3A_451 = arith.constant 1 : i32
      %swap3A_452 = arith.index_cast %swap3A_450 : i32 to index
      %swap3A_453 = arith.index_cast %swap3A_451 : i32 to index
      %swap3A_454 = arith.constant 0 : index
      %swap3A_455 = tpu.vector_load %arg8[%swap3A_452, %swap3A_453, %swap3A_454] {strides = array<i32>} : memref<3x2x128xi32, #tpu.memory_space<vmem>>, vector<1x1x16xi32>,
      %swap3A_456 = vector.shape_cast %swap3A_455 : vector<1x1x16xi32> to vector<16xi32>
      %swap3A_457 = vector.shape_cast %get3A_449 : vector<16xi32> to vector<1x1x16xi32>
      tpu.vector_store %arg8[%swap3A_452, %swap3A_453, %swap3A_454], %swap3A_457 {strides = array<i32>} : memref<3x2x128xi32, #tpu.memory_space<vmem>>, vector<1x1x16xi32>,
      %get3A_458 = arith.constant 2 : i32
      %get3A_459 = arith.constant 1 : i32
      %get3A_460 = arith.index_cast %get3A_458 : i32 to index
      %get3A_461 = arith.index_cast %get3A_459 : i32 to index
      %get3A_462 = arith.constant 16 : index
      %get3A_463 = tpu.vector_load %arg6[%get3A_460, %get3A_461, %get3A_462] {strides = array<i32>} : memref<3x2x128xi32, #tpu.memory_space<vmem>>, vector<1x1x16xi32>,
      %get3A_464 = vector.shape_cast %get3A_463 : vector<1x1x16xi32> to vector<16xi32>
      %swap3A_465 = arith.constant 2 : i32
      %swap3A_466 = arith.constant 1 : i32
      %swap3A_467 = arith.index_cast %swap3A_465 : i32 to index
      %swap3A_468 = arith.index_cast %swap3A_466 : i32 to index
      %swap3A_469 = arith.constant 16 : index
      %swap3A_470 = tpu.vector_load %arg8[%swap3A_467, %swap3A_468, %swap3A_469] {strides = array<i32>} : memref<3x2x128xi32, #tpu.memory_space<vmem>>, vector<1x1x16xi32>,
      %swap3A_471 = vector.shape_cast %swap3A_470 : vector<1x1x16xi32> to vector<16xi32>
      %swap3A_472 = vector.shape_cast %get3A_464 : vector<16xi32> to vector<1x1x16xi32>
      tpu.vector_store %arg8[%swap3A_467, %swap3A_468, %swap3A_469], %swap3A_472 {strides = array<i32>} : memref<3x2x128xi32, #tpu.memory_space<vmem>>, vector<1x1x16xi32>,
      %get3A_473 = arith.constant 2 : i32
      %get3A_474 = arith.constant 1 : i32
      %get3A_475 = arith.index_cast %get3A_473 : i32 to index
      %get3A_476 = arith.index_cast %get3A_474 : i32 to index
      %get3A_477 = arith.constant 32 : index
      %get3A_478 = tpu.vector_load %arg6[%get3A_475, %get3A_476, %get3A_477] {strides = array<i32>} : memref<3x2x128xi32, #tpu.memory_space<vmem>>, vector<1x1x16xi32>,
      %get3A_479 = vector.shape_cast %get3A_478 : vector<1x1x16xi32> to vector<16xi32>
      %swap3A_480 = arith.constant 2 : i32
      %swap3A_481 = arith.constant 1 : i32
      %swap3A_482 = arith.index_cast %swap3A_480 : i32 to index
      %swap3A_483 = arith.index_cast %swap3A_481 : i32 to index
      %swap3A_484 = arith.constant 32 : index
      %swap3A_485 = tpu.vector_load %arg8[%swap3A_482, %swap3A_483, %swap3A_484] {strides = array<i32>} : memref<3x2x128xi32, #tpu.memory_space<vmem>>, vector<1x1x16xi32>,
      %swap3A_486 = vector.shape_cast %swap3A_485 : vector<1x1x16xi32> to vector<16xi32>
      %swap3A_487 = vector.shape_cast %get3A_479 : vector<16xi32> to vector<1x1x16xi32>
      tpu.vector_store %arg8[%swap3A_482, %swap3A_483, %swap3A_484], %swap3A_487 {strides = array<i32>} : memref<3x2x128xi32, #tpu.memory_space<vmem>>, vector<1x1x16xi32>,
      %get3A_488 = arith.constant 2 : i32
      %get3A_489 = arith.constant 1 : i32
      %get3A_490 = arith.index_cast %get3A_488 : i32 to index
      %get3A_491 = arith.index_cast %get3A_489 : i32 to index
      %get3A_492 = arith.constant 48 : index
      %get3A_493 = tpu.vector_load %arg6[%get3A_490, %get3A_491, %get3A_492] {strides = array<i32>} : memref<3x2x128xi32, #tpu.memory_space<vmem>>, vector<1x1x16xi32>,
      %get3A_494 = vector.shape_cast %get3A_493 : vector<1x1x16xi32> to vector<16xi32>
      %swap3A_495 = arith.constant 2 : i32
      %swap3A_496 = arith.constant 1 : i32
      %swap3A_497 = arith.index_cast %swap3A_495 : i32 to index
      %swap3A_498 = arith.index_cast %swap3A_496 : i32 to index
      %swap3A_499 = arith.constant 48 : index
      %swap3A_500 = tpu.vector_load %arg8[%swap3A_497, %swap3A_498, %swap3A_499] {strides = array<i32>} : memref<3x2x128xi32, #tpu.memory_space<vmem>>, vector<1x1x16xi32>,
      %swap3A_501 = vector.shape_cast %swap3A_500 : vector<1x1x16xi32> to vector<16xi32>
      %swap3A_502 = vector.shape_cast %get3A_494 : vector<16xi32> to vector<1x1x16xi32>
      tpu.vector_store %arg8[%swap3A_497, %swap3A_498, %swap3A_499], %swap3A_502 {strides = array<i32>} : memref<3x2x128xi32, #tpu.memory_space<vmem>>, vector<1x1x16xi32>,
      %get3A_503 = arith.constant 2 : i32
      %get3A_504 = arith.constant 1 : i32
      %get3A_505 = arith.index_cast %get3A_503 : i32 to index
      %get3A_506 = arith.index_cast %get3A_504 : i32 to index
      %get3A_507 = arith.constant 64 : index
      %get3A_508 = tpu.vector_load %arg6[%get3A_505, %get3A_506, %get3A_507] {strides = array<i32>} : memref<3x2x128xi32, #tpu.memory_space<vmem>>, vector<1x1x16xi32>,
      %get3A_509 = vector.shape_cast %get3A_508 : vector<1x1x16xi32> to vector<16xi32>
      %swap3A_510 = arith.constant 2 : i32
      %swap3A_511 = arith.constant 1 : i32
      %swap3A_512 = arith.index_cast %swap3A_510 : i32 to index
      %swap3A_513 = arith.index_cast %swap3A_511 : i32 to index
      %swap3A_514 = arith.constant 64 : index
      %swap3A_515 = tpu.vector_load %arg8[%swap3A_512, %swap3A_513, %swap3A_514] {strides = array<i32>} : memref<3x2x128xi32, #tpu.memory_space<vmem>>, vector<1x1x16xi32>,
      %swap3A_516 = vector.shape_cast %swap3A_515 : vector<1x1x16xi32> to vector<16xi32>
      %swap3A_517 = vector.shape_cast %get3A_509 : vector<16xi32> to vector<1x1x16xi32>
      tpu.vector_store %arg8[%swap3A_512, %swap3A_513, %swap3A_514], %swap3A_517 {strides = array<i32>} : memref<3x2x128xi32, #tpu.memory_space<vmem>>, vector<1x1x16xi32>,
      %get3A_518 = arith.constant 2 : i32
      %get3A_519 = arith.constant 1 : i32
      %get3A_520 = arith.index_cast %get3A_518 : i32 to index
      %get3A_521 = arith.index_cast %get3A_519 : i32 to index
      %get3A_522 = arith.constant 80 : index
      %get3A_523 = tpu.vector_load %arg6[%get3A_520, %get3A_521, %get3A_522] {strides = array<i32>} : memref<3x2x128xi32, #tpu.memory_space<vmem>>, vector<1x1x16xi32>,
      %get3A_524 = vector.shape_cast %get3A_523 : vector<1x1x16xi32> to vector<16xi32>
      %swap3A_525 = arith.constant 2 : i32
      %swap3A_526 = arith.constant 1 : i32
      %swap3A_527 = arith.index_cast %swap3A_525 : i32 to index
      %swap3A_528 = arith.index_cast %swap3A_526 : i32 to index
      %swap3A_529 = arith.constant 80 : index
      %swap3A_530 = tpu.vector_load %arg8[%swap3A_527, %swap3A_528, %swap3A_529] {strides = array<i32>} : memref<3x2x128xi32, #tpu.memory_space<vmem>>, vector<1x1x16xi32>,
      %swap3A_531 = vector.shape_cast %swap3A_530 : vector<1x1x16xi32> to vector<16xi32>
      %swap3A_532 = vector.shape_cast %get3A_524 : vector<16xi32> to vector<1x1x16xi32>
      tpu.vector_store %arg8[%swap3A_527, %swap3A_528, %swap3A_529], %swap3A_532 {strides = array<i32>} : memref<3x2x128xi32, #tpu.memory_space<vmem>>, vector<1x1x16xi32>,
      %get3A_533 = arith.constant 2 : i32
      %get3A_534 = arith.constant 1 : i32
      %get3A_535 = arith.index_cast %get3A_533 : i32 to index
      %get3A_536 = arith.index_cast %get3A_534 : i32 to index
      %get3A_537 = arith.constant 96 : index
      %get3A_538 = tpu.vector_load %arg6[%get3A_535, %get3A_536, %get3A_537] {strides = array<i32>} : memref<3x2x128xi32, #tpu.memory_space<vmem>>, vector<1x1x16xi32>,
      %get3A_539 = vector.shape_cast %get3A_538 : vector<1x1x16xi32> to vector<16xi32>
      %swap3A_540 = arith.constant 2 : i32
      %swap3A_541 = arith.constant 1 : i32
      %swap3A_542 = arith.index_cast %swap3A_540 : i32 to index
      %swap3A_543 = arith.index_cast %swap3A_541 : i32 to index
      %swap3A_544 = arith.constant 96 : index
      %swap3A_545 = tpu.vector_load %arg8[%swap3A_542, %swap3A_543, %swap3A_544] {strides = array<i32>} : memref<3x2x128xi32, #tpu.memory_space<vmem>>, vector<1x1x16xi32>,
      %swap3A_546 = vector.shape_cast %swap3A_545 : vector<1x1x16xi32> to vector<16xi32>
      %swap3A_547 = vector.shape_cast %get3A_539 : vector<16xi32> to vector<1x1x16xi32>
      tpu.vector_store %arg8[%swap3A_542, %swap3A_543, %swap3A_544], %swap3A_547 {strides = array<i32>} : memref<3x2x128xi32, #tpu.memory_space<vmem>>, vector<1x1x16xi32>,
      %get3A_548 = arith.constant 2 : i32
      %get3A_549 = arith.constant 1 : i32
      %get3A_550 = arith.index_cast %get3A_548 : i32 to index
      %get3A_551 = arith.index_cast %get3A_549 : i32 to index
      %get3A_552 = arith.constant 112 : index
      %get3A_553 = tpu.vector_load %arg6[%get3A_550, %get3A_551, %get3A_552] {strides = array<i32>} : memref<3x2x128xi32, #tpu.memory_space<vmem>>, vector<1x1x16xi32>,
      %get3A_554 = vector.shape_cast %get3A_553 : vector<1x1x16xi32> to vector<16xi32>
      %swap3A_555 = arith.constant 2 : i32
      %swap3A_556 = arith.constant 1 : i32
      %swap3A_557 = arith.index_cast %swap3A_555 : i32 to index
      %swap3A_558 = arith.index_cast %swap3A_556 : i32 to index
      %swap3A_559 = arith.constant 112 : index
      %swap3A_560 = tpu.vector_load %arg8[%swap3A_557, %swap3A_558, %swap3A_559] {strides = array<i32>} : memref<3x2x128xi32, #tpu.memory_space<vmem>>, vector<1x1x16xi32>,
      %swap3A_561 = vector.shape_cast %swap3A_560 : vector<1x1x16xi32> to vector<16xi32>
      %swap3A_562 = vector.shape_cast %get3A_554 : vector<16xi32> to vector<1x1x16xi32>
      tpu.vector_store %arg8[%swap3A_557, %swap3A_558, %swap3A_559], %swap3A_562 {strides = array<i32>} : memref<3x2x128xi32, #tpu.memory_space<vmem>>, vector<1x1x16xi32>,
      %dma_start3A_563 = arith.constant 0 : i32
      %dma_start3A_564 = arith.constant 0 : i32
      %dma_start3A_565 = arith.constant 1 : i32
      %dma_start3A_566 = arith.constant 0 : i32
      %dma_start3A_567 = arith.constant 0 : i32
      %dma_start3A_568 = tpu.memref_slice %arg10[%dma_start3A_563, %dma_start3A_566, %dma_start3A_567] : memref<3x128x32xf32, #tpu.memory_space<vmem>> -> memref<1x128x32xf32, #tpu.memory_space<vmem>>
      %dma_start3A_569 = tpu.memref_squeeze %dma_start3A_568 : memref<1x128x32xf32, #tpu.memory_space<vmem>> -> memref<128x32xf32, #tpu.memory_space<vmem>>
      %dma_start3A_570 = arith.constant 0 : i32
      %dma_start3A_571 = tpu.memref_slice %arg8[%dma_start3A_564, %dma_start3A_565, %dma_start3A_570] : memref<3x2x128xi32, #tpu.memory_space<vmem>> -> memref<1x1x128xi32, #tpu.memory_space<vmem>>
      %dma_start3A_572 = tpu.memref_squeeze %dma_start3A_571 : memref<1x1x128xi32, #tpu.memory_space<vmem>> -> memref<128xi32, #tpu.memory_space<vmem>>
      %dma_start3A_573 = arith.constant 0 : i32
      %dma_start3A_574 = arith.constant 0 : i32
      %dma_start3A_575 = tpu.memref_slice %arg13[%dma_start3A_573, %dma_start3A_574] : memref<50176x32xf32, #tpu.memory_space<vmem_shared>> -> memref<50176x32xf32, #tpu.memory_space<vmem_shared>>
      tpu.enqueue_indirect_dma source(%dma_start3A_569 : memref<128x32xf32, #tpu.memory_space<vmem>>) target(%dma_start3A_575 : memref<50176x32xf32, #tpu.memory_space<vmem_shared>>) offsets(%dma_start3A_572 : memref<128xi32, #tpu.memory_space<vmem>>) semaphore(%arg18 : memref<!tpu.dma_semaphore, #tpu.memory_space<semaphore_mem>>) {add = true}
      %dma_start3A_576 = arith.constant 1 : i32
      %dma_start3A_577 = arith.constant 1 : i32
      %dma_start3A_578 = arith.constant 1 : i32
      %dma_start3A_579 = arith.constant 0 : i32
      %dma_start3A_580 = arith.constant 0 : i32
      %dma_start3A_581 = tpu.memref_slice %arg10[%dma_start3A_576, %dma_start3A_579, %dma_start3A_580] : memref<3x128x32xf32, #tpu.memory_space<vmem>> -> memref<1x128x32xf32, #tpu.memory_space<vmem>>
      %dma_start3A_582 = tpu.memref_squeeze %dma_start3A_581 : memref<1x128x32xf32, #tpu.memory_space<vmem>> -> memref<128x32xf32, #tpu.memory_space<vmem>>
      %dma_start3A_583 = arith.constant 0 : i32
      %dma_start3A_584 = tpu.memref_slice %arg8[%dma_start3A_577, %dma_start3A_578, %dma_start3A_583] : memref<3x2x128xi32, #tpu.memory_space<vmem>> -> memref<1x1x128xi32, #tpu.memory_space<vmem>>
      %dma_start3A_585 = tpu.memref_squeeze %dma_start3A_584 : memref<1x1x128xi32, #tpu.memory_space<vmem>> -> memref<128xi32, #tpu.memory_space<vmem>>
      %dma_start3A_586 = arith.constant 0 : i32
      %dma_start3A_587 = arith.constant 0 : i32
      %dma_start3A_588 = tpu.memref_slice %arg13[%dma_start3A_586, %dma_start3A_587] : memref<50176x32xf32, #tpu.memory_space<vmem_shared>> -> memref<50176x32xf32, #tpu.memory_space<vmem_shared>>
      tpu.enqueue_indirect_dma source(%dma_start3A_582 : memref<128x32xf32, #tpu.memory_space<vmem>>) target(%dma_start3A_588 : memref<50176x32xf32, #tpu.memory_space<vmem_shared>>) offsets(%dma_start3A_585 : memref<128xi32, #tpu.memory_space<vmem>>) semaphore(%arg18 : memref<!tpu.dma_semaphore, #tpu.memory_space<semaphore_mem>>) {add = true}
      %dma_start3A_589 = arith.constant 2 : i32
      %dma_start3A_590 = arith.constant 2 : i32
      %dma_start3A_591 = arith.constant 1 : i32
      %dma_start3A_592 = arith.constant 0 : i32
      %dma_start3A_593 = arith.constant 0 : i32
      %dma_start3A_594 = tpu.memref_slice %arg10[%dma_start3A_589, %dma_start3A_592, %dma_start3A_593] : memref<3x128x32xf32, #tpu.memory_space<vmem>> -> memref<1x128x32xf32, #tpu.memory_space<vmem>>
      %dma_start3A_595 = tpu.memref_squeeze %dma_start3A_594 : memref<1x128x32xf32, #tpu.memory_space<vmem>> -> memref<128x32xf32, #tpu.memory_space<vmem>>
      %dma_start3A_596 = arith.constant 0 : i32
      %dma_start3A_597 = tpu.memref_slice %arg8[%dma_start3A_590, %dma_start3A_591, %dma_start3A_596] : memref<3x2x128xi32, #tpu.memory_space<vmem>> -> memref<1x1x128xi32, #tpu.memory_space<vmem>>
      %dma_start3A_598 = tpu.memref_squeeze %dma_start3A_597 : memref<1x1x128xi32, #tpu.memory_space<vmem>> -> memref<128xi32, #tpu.memory_space<vmem>>
      %dma_start3A_599 = arith.constant 0 : i32
      %dma_start3A_600 = arith.constant 0 : i32
      %dma_start3A_601 = tpu.memref_slice %arg13[%dma_start3A_599, %dma_start3A_600] : memref<50176x32xf32, #tpu.memory_space<vmem_shared>> -> memref<50176x32xf32, #tpu.memory_space<vmem_shared>>
      tpu.enqueue_indirect_dma source(%dma_start3A_595 : memref<128x32xf32, #tpu.memory_space<vmem>>) target(%dma_start3A_601 : memref<50176x32xf32, #tpu.memory_space<vmem_shared>>) offsets(%dma_start3A_598 : memref<128xi32, #tpu.memory_space<vmem>>) semaphore(%arg18 : memref<!tpu.dma_semaphore, #tpu.memory_space<semaphore_mem>>) {add = true}
      %add3A_602 = arith.constant 2 : i32
      %add3A_603 = arith.addi %mul3A_150, %add3A_602 : i32
      %lt3A_604 = arith.constant 130 : i32
      %lt3A_605 = arith.cmpi slt, %add3A_603, %lt3A_604 : i32
      %convert_element_type3A_606 = arith.extui %lt3A_605 : i1 to i32
      %cond3A_607 = arith.constant 0 : i32
      %cond3A_608 = arith.cmpi ne, %convert_element_type3A_606, %cond3A_607 : i32
      scf.if %cond3A_608 {
        %add3A_1073 = arith.constant 2 : i32
        %add3A_1074 = arith.addi %mul3A_150, %add3A_1073 : i32
        %mul3A_1075 = arith.constant 3 : i32
        %mul3A_1076 = arith.muli %add3A_1074, %mul3A_1075 : i32
        %add3A_1077 = arith.addi %add3A_9, %mul3A_1076 : i32
        %dma_start3A_1078 = arith.constant 0 : i32
        %dma_start3A_1079 = arith.constant 0 : i32
        %dma_start3A_1080 = tpu.memref_slice %arg3[%add3A_1077, %dma_start3A_1078, %dma_start3A_1079] : memref<12500x2x128xi32, #tpu.memory_space<hbm>> -> memref<3x2x128xi32, #tpu.memory_space<hbm>>
        %dma_start3A_1081 = arith.constant 0 : i32
        %dma_start3A_1082 = arith.constant 0 : i32
        %dma_start3A_1083 = tpu.memref_slice %arg3[%add3A_1077, %dma_start3A_1081, %dma_start3A_1082] : memref<12500x2x128xi32, #tpu.memory_space<hbm>> -> memref<3x2x128xi32, #tpu.memory_space<hbm>>
        tpu.enqueue_dma source(%dma_start3A_1083 : memref<3x2x128xi32, #tpu.memory_space<hbm>>) target(%arg6 : memref<3x2x128xi32, #tpu.memory_space<vmem>>) target_semaphore(%arg14 : memref<!tpu.dma_semaphore, #tpu.memory_space<semaphore_mem>>)
      } else {
      }
      %add3A_609 = arith.constant 1 : i32
      %add3A_610 = arith.addi %mul3A_150, %add3A_609 : i32
      %ge3A_611 = arith.constant 1 : i32
      %ge3A_612 = arith.cmpi sge, %add3A_610, %ge3A_611 : i32
      %add3A_613 = arith.constant 1 : i32
      %add3A_614 = arith.addi %add3A_610, %add3A_613 : i32
      %lt3A_615 = arith.constant 130 : i32
      %lt3A_616 = arith.cmpi slt, %add3A_614, %lt3A_615 : i32
      %and3A_617 = arith.andi %ge3A_612, %lt3A_616 : i1
      %convert_element_type3A_618 = arith.extui %and3A_617 : i1 to i32
      %cond3A_619 = arith.constant 0 : i32
      %cond3A_620 = arith.cmpi ne, %convert_element_type3A_618, %cond3A_619 : i32
      scf.if %cond3A_620 {
        %dma_wait3A_1073 = arith.constant 0 : i32
        %dma_wait3A_1074 = arith.constant 0 : i32
        %dma_wait3A_1075 = arith.constant 1 : i32
        %dma_wait3A_1076 = arith.constant 0 : i32
        %dma_wait3A_1077 = arith.constant 0 : i32
        %dma_wait3A_1078 = tpu.memref_slice %arg10[%dma_wait3A_1073, %dma_wait3A_1076, %dma_wait3A_1077] : memref<3x128x32xf32, #tpu.memory_space<vmem>> -> memref<1x128x32xf32, #tpu.memory_space<vmem>>
        %dma_wait3A_1079 = tpu.memref_squeeze %dma_wait3A_1078 : memref<1x128x32xf32, #tpu.memory_space<vmem>> -> memref<128x32xf32, #tpu.memory_space<vmem>>
        %dma_wait3A_1080 = arith.constant 0 : i32
        %dma_wait3A_1081 = tpu.memref_slice %arg8[%dma_wait3A_1074, %dma_wait3A_1075, %dma_wait3A_1080] : memref<3x2x128xi32, #tpu.memory_space<vmem>> -> memref<1x1x128xi32, #tpu.memory_space<vmem>>
        %dma_wait3A_1082 = tpu.memref_squeeze %dma_wait3A_1081 : memref<1x1x128xi32, #tpu.memory_space<vmem>> -> memref<128xi32, #tpu.memory_space<vmem>>
        %dma_wait3A_1083 = arith.constant 0 : i32
        %dma_wait3A_1084 = arith.constant 0 : i32
        %dma_wait3A_1085 = tpu.memref_slice %arg13[%dma_wait3A_1083, %dma_wait3A_1084] : memref<50176x32xf32, #tpu.memory_space<vmem_shared>> -> memref<50176x32xf32, #tpu.memory_space<vmem_shared>>
        tpu.wait_indirect_dma semaphore(%arg18 : memref<!tpu.dma_semaphore, #tpu.memory_space<semaphore_mem>>) src(%dma_wait3A_1079 : memref<128x32xf32, #tpu.memory_space<vmem>>) dst(%dma_wait3A_1085 : memref<50176x32xf32, #tpu.memory_space<vmem_shared>>)
        %dma_wait3A_1086 = arith.constant 1 : i32
        %dma_wait3A_1087 = arith.constant 1 : i32
        %dma_wait3A_1088 = arith.constant 1 : i32
        %dma_wait3A_1089 = arith.constant 0 : i32
        %dma_wait3A_1090 = arith.constant 0 : i32
        %dma_wait3A_1091 = tpu.memref_slice %arg10[%dma_wait3A_1086, %dma_wait3A_1089, %dma_wait3A_1090] : memref<3x128x32xf32, #tpu.memory_space<vmem>> -> memref<1x128x32xf32, #tpu.memory_space<vmem>>
        %dma_wait3A_1092 = tpu.memref_squeeze %dma_wait3A_1091 : memref<1x128x32xf32, #tpu.memory_space<vmem>> -> memref<128x32xf32, #tpu.memory_space<vmem>>
        %dma_wait3A_1093 = arith.constant 0 : i32
        %dma_wait3A_1094 = tpu.memref_slice %arg8[%dma_wait3A_1087, %dma_wait3A_1088, %dma_wait3A_1093] : memref<3x2x128xi32, #tpu.memory_space<vmem>> -> memref<1x1x128xi32, #tpu.memory_space<vmem>>
        %dma_wait3A_1095 = tpu.memref_squeeze %dma_wait3A_1094 : memref<1x1x128xi32, #tpu.memory_space<vmem>> -> memref<128xi32, #tpu.memory_space<vmem>>
        %dma_wait3A_1096 = arith.constant 0 : i32
        %dma_wait3A_1097 = arith.constant 0 : i32
        %dma_wait3A_1098 = tpu.memref_slice %arg13[%dma_wait3A_1096, %dma_wait3A_1097] : memref<50176x32xf32, #tpu.memory_space<vmem_shared>> -> memref<50176x32xf32, #tpu.memory_space<vmem_shared>>
        tpu.wait_indirect_dma semaphore(%arg18 : memref<!tpu.dma_semaphore, #tpu.memory_space<semaphore_mem>>) src(%dma_wait3A_1092 : memref<128x32xf32, #tpu.memory_space<vmem>>) dst(%dma_wait3A_1098 : memref<50176x32xf32, #tpu.memory_space<vmem_shared>>)
        %dma_wait3A_1099 = arith.constant 2 : i32
        %dma_wait3A_1100 = arith.constant 2 : i32
        %dma_wait3A_1101 = arith.constant 1 : i32
        %dma_wait3A_1102 = arith.constant 0 : i32
        %dma_wait3A_1103 = arith.constant 0 : i32
        %dma_wait3A_1104 = tpu.memref_slice %arg10[%dma_wait3A_1099, %dma_wait3A_1102, %dma_wait3A_1103] : memref<3x128x32xf32, #tpu.memory_space<vmem>> -> memref<1x128x32xf32, #tpu.memory_space<vmem>>
        %dma_wait3A_1105 = tpu.memref_squeeze %dma_wait3A_1104 : memref<1x128x32xf32, #tpu.memory_space<vmem>> -> memref<128x32xf32, #tpu.memory_space<vmem>>
        %dma_wait3A_1106 = arith.constant 0 : i32
        %dma_wait3A_1107 = tpu.memref_slice %arg8[%dma_wait3A_1100, %dma_wait3A_1101, %dma_wait3A_1106] : memref<3x2x128xi32, #tpu.memory_space<vmem>> -> memref<1x1x128xi32, #tpu.memory_space<vmem>>
        %dma_wait3A_1108 = tpu.memref_squeeze %dma_wait3A_1107 : memref<1x1x128xi32, #tpu.memory_space<vmem>> -> memref<128xi32, #tpu.memory_space<vmem>>
        %dma_wait3A_1109 = arith.constant 0 : i32
        %dma_wait3A_1110 = arith.constant 0 : i32
        %dma_wait3A_1111 = tpu.memref_slice %arg13[%dma_wait3A_1109, %dma_wait3A_1110] : memref<50176x32xf32, #tpu.memory_space<vmem_shared>> -> memref<50176x32xf32, #tpu.memory_space<vmem_shared>>
        tpu.wait_indirect_dma semaphore(%arg18 : memref<!tpu.dma_semaphore, #tpu.memory_space<semaphore_mem>>) src(%dma_wait3A_1105 : memref<128x32xf32, #tpu.memory_space<vmem>>) dst(%dma_wait3A_1111 : memref<50176x32xf32, #tpu.memory_space<vmem_shared>>)
      } else {
      }
      %add3A_621 = arith.constant 1 : i32
      %add3A_622 = arith.addi %add3A_610, %add3A_621 : i32
      %lt3A_623 = arith.constant 130 : i32
      %lt3A_624 = arith.cmpi slt, %add3A_622, %lt3A_623 : i32
      %convert_element_type3A_625 = arith.extui %lt3A_624 : i1 to i32
      %cond3A_626 = arith.constant 0 : i32
      %cond3A_627 = arith.cmpi ne, %convert_element_type3A_625, %cond3A_626 : i32
      scf.if %cond3A_627 {
        %add3A_1073 = arith.constant 1 : i32
        %add3A_1074 = arith.addi %add3A_610, %add3A_1073 : i32
        %mul3A_1075 = arith.constant 3 : i32
        %mul3A_1076 = arith.muli %add3A_1074, %mul3A_1075 : i32
        %add3A_1077 = arith.addi %add3A_9, %mul3A_1076 : i32
        %dma_wait3A_1078 = arith.constant 0 : i32
        %dma_wait3A_1079 = arith.constant 0 : i32
        %dma_wait3A_1080 = tpu.memref_slice %arg3[%add3A_1077, %dma_wait3A_1078, %dma_wait3A_1079] : memref<12500x2x128xi32, #tpu.memory_space<hbm>> -> memref<3x2x128xi32, #tpu.memory_space<hbm>>
        %dma_wait3A_1081 = arith.constant 0 : i32
        %dma_wait3A_1082 = arith.constant 0 : i32
        %dma_wait3A_1083 = tpu.memref_slice %arg3[%add3A_1077, %dma_wait3A_1081, %dma_wait3A_1082] : memref<12500x2x128xi32, #tpu.memory_space<hbm>> -> memref<3x2x128xi32, #tpu.memory_space<hbm>>
        tpu.wait_dma2 semaphore(%arg14 : memref<!tpu.dma_semaphore, #tpu.memory_space<semaphore_mem>>) src(%dma_wait3A_1083 : memref<3x2x128xi32, #tpu.memory_space<hbm>>) dst(%arg6 : memref<3x2x128xi32, #tpu.memory_space<vmem>>)
        %dma_start3A_1084 = arith.constant 0 : i32
        %dma_start3A_1085 = arith.constant 0 : i32
        %dma_start3A_1086 = arith.constant 0 : i32
        %dma_start3A_1087 = arith.constant 0 : i32
        %dma_start3A_1088 = arith.constant 0 : i32
        %dma_start3A_1089 = tpu.memref_slice %arg10[%dma_start3A_1086, %dma_start3A_1087, %dma_start3A_1088] : memref<3x128x32xf32, #tpu.memory_space<vmem>> -> memref<1x128x32xf32, #tpu.memory_space<vmem>>
        %dma_start3A_1090 = tpu.memref_squeeze %dma_start3A_1089 : memref<1x128x32xf32, #tpu.memory_space<vmem>> -> memref<128x32xf32, #tpu.memory_space<vmem>>
        %dma_start3A_1091 = arith.constant 0 : i32
        %dma_start3A_1092 = tpu.memref_slice %arg6[%dma_start3A_1084, %dma_start3A_1085, %dma_start3A_1091] : memref<3x2x128xi32, #tpu.memory_space<vmem>> -> memref<1x1x128xi32, #tpu.memory_space<vmem>>
        %dma_start3A_1093 = tpu.memref_squeeze %dma_start3A_1092 : memref<1x1x128xi32, #tpu.memory_space<vmem>> -> memref<128xi32, #tpu.memory_space<vmem>>
        %dma_start3A_1094 = arith.constant 0 : i32
        %dma_start3A_1095 = arith.constant 0 : i32
        %dma_start3A_1096 = tpu.memref_slice %arg2[%dma_start3A_1094, %dma_start3A_1095] : memref<50176x32xf32, #tpu.memory_space<hbm>> -> memref<50176x32xf32, #tpu.memory_space<hbm>>
        tpu.enqueue_indirect_dma source(%dma_start3A_1096 : memref<50176x32xf32, #tpu.memory_space<hbm>>) target(%dma_start3A_1090 : memref<128x32xf32, #tpu.memory_space<vmem>>) offsets(%dma_start3A_1093 : memref<128xi32, #tpu.memory_space<vmem>>) semaphore(%arg16 : memref<!tpu.dma_semaphore, #tpu.memory_space<semaphore_mem>>)
        %dma_start3A_1097 = arith.constant 1 : i32
        %dma_start3A_1098 = arith.constant 0 : i32
        %dma_start3A_1099 = arith.constant 1 : i32
        %dma_start3A_1100 = arith.constant 0 : i32
        %dma_start3A_1101 = arith.constant 0 : i32
        %dma_start3A_1102 = tpu.memref_slice %arg10[%dma_start3A_1099, %dma_start3A_1100, %dma_start3A_1101] : memref<3x128x32xf32, #tpu.memory_space<vmem>> -> memref<1x128x32xf32, #tpu.memory_space<vmem>>
        %dma_start3A_1103 = tpu.memref_squeeze %dma_start3A_1102 : memref<1x128x32xf32, #tpu.memory_space<vmem>> -> memref<128x32xf32, #tpu.memory_space<vmem>>
        %dma_start3A_1104 = arith.constant 0 : i32
        %dma_start3A_1105 = tpu.memref_slice %arg6[%dma_start3A_1097, %dma_start3A_1098, %dma_start3A_1104] : memref<3x2x128xi32, #tpu.memory_space<vmem>> -> memref<1x1x128xi32, #tpu.memory_space<vmem>>
        %dma_start3A_1106 = tpu.memref_squeeze %dma_start3A_1105 : memref<1x1x128xi32, #tpu.memory_space<vmem>> -> memref<128xi32, #tpu.memory_space<vmem>>
        %dma_start3A_1107 = arith.constant 0 : i32
        %dma_start3A_1108 = arith.constant 0 : i32
        %dma_start3A_1109 = tpu.memref_slice %arg2[%dma_start3A_1107, %dma_start3A_1108] : memref<50176x32xf32, #tpu.memory_space<hbm>> -> memref<50176x32xf32, #tpu.memory_space<hbm>>
        tpu.enqueue_indirect_dma source(%dma_start3A_1109 : memref<50176x32xf32, #tpu.memory_space<hbm>>) target(%dma_start3A_1103 : memref<128x32xf32, #tpu.memory_space<vmem>>) offsets(%dma_start3A_1106 : memref<128xi32, #tpu.memory_space<vmem>>) semaphore(%arg16 : memref<!tpu.dma_semaphore, #tpu.memory_space<semaphore_mem>>)
        %dma_start3A_1110 = arith.constant 2 : i32
        %dma_start3A_1111 = arith.constant 0 : i32
        %dma_start3A_1112 = arith.constant 2 : i32
        %dma_start3A_1113 = arith.constant 0 : i32
        %dma_start3A_1114 = arith.constant 0 : i32
        %dma_start3A_1115 = tpu.memref_slice %arg10[%dma_start3A_1112, %dma_start3A_1113, %dma_start3A_1114] : memref<3x128x32xf32, #tpu.memory_space<vmem>> -> memref<1x128x32xf32, #tpu.memory_space<vmem>>
        %dma_start3A_1116 = tpu.memref_squeeze %dma_start3A_1115 : memref<1x128x32xf32, #tpu.memory_space<vmem>> -> memref<128x32xf32, #tpu.memory_space<vmem>>
        %dma_start3A_1117 = arith.constant 0 : i32
        %dma_start3A_1118 = tpu.memref_slice %arg6[%dma_start3A_1110, %dma_start3A_1111, %dma_start3A_1117] : memref<3x2x128xi32, #tpu.memory_space<vmem>> -> memref<1x1x128xi32, #tpu.memory_space<vmem>>
        %dma_start3A_1119 = tpu.memref_squeeze %dma_start3A_1118 : memref<1x1x128xi32, #tpu.memory_space<vmem>> -> memref<128xi32, #tpu.memory_space<vmem>>
        %dma_start3A_1120 = arith.constant 0 : i32
        %dma_start3A_1121 = arith.constant 0 : i32
        %dma_start3A_1122 = tpu.memref_slice %arg2[%dma_start3A_1120, %dma_start3A_1121] : memref<50176x32xf32, #tpu.memory_space<hbm>> -> memref<50176x32xf32, #tpu.memory_space<hbm>>
        tpu.enqueue_indirect_dma source(%dma_start3A_1122 : memref<50176x32xf32, #tpu.memory_space<hbm>>) target(%dma_start3A_1116 : memref<128x32xf32, #tpu.memory_space<vmem>>) offsets(%dma_start3A_1119 : memref<128xi32, #tpu.memory_space<vmem>>) semaphore(%arg16 : memref<!tpu.dma_semaphore, #tpu.memory_space<semaphore_mem>>)
      } else {
      }
      %dma_wait3A_628 = arith.constant 0 : i32
      %dma_wait3A_629 = arith.constant 0 : i32
      %dma_wait3A_630 = arith.constant 0 : i32
      %dma_wait3A_631 = arith.constant 0 : i32
      %dma_wait3A_632 = arith.constant 0 : i32
      %dma_wait3A_633 = tpu.memref_slice %arg11[%dma_wait3A_630, %dma_wait3A_631, %dma_wait3A_632] : memref<3x128x32xf32, #tpu.memory_space<vmem>> -> memref<1x128x32xf32, #tpu.memory_space<vmem>>
      %dma_wait3A_634 = tpu.memref_squeeze %dma_wait3A_633 : memref<1x128x32xf32, #tpu.memory_space<vmem>> -> memref<128x32xf32, #tpu.memory_space<vmem>>
      %dma_wait3A_635 = arith.constant 0 : i32
      %dma_wait3A_636 = tpu.memref_slice %arg7[%dma_wait3A_628, %dma_wait3A_629, %dma_wait3A_635] : memref<3x2x128xi32, #tpu.memory_space<vmem>> -> memref<1x1x128xi32, #tpu.memory_space<vmem>>
      %dma_wait3A_637 = tpu.memref_squeeze %dma_wait3A_636 : memref<1x1x128xi32, #tpu.memory_space<vmem>> -> memref<128xi32, #tpu.memory_space<vmem>>
      %dma_wait3A_638 = arith.constant 0 : i32
      %dma_wait3A_639 = arith.constant 0 : i32
      %dma_wait3A_640 = tpu.memref_slice %arg2[%dma_wait3A_638, %dma_wait3A_639] : memref<50176x32xf32, #tpu.memory_space<hbm>> -> memref<50176x32xf32, #tpu.memory_space<hbm>>
      tpu.wait_indirect_dma semaphore(%arg17 : memref<!tpu.dma_semaphore, #tpu.memory_space<semaphore_mem>>) src(%dma_wait3A_640 : memref<50176x32xf32, #tpu.memory_space<hbm>>) dst(%dma_wait3A_634 : memref<128x32xf32, #tpu.memory_space<vmem>>)
      %dma_wait3A_641 = arith.constant 1 : i32
      %dma_wait3A_642 = arith.constant 0 : i32
      %dma_wait3A_643 = arith.constant 1 : i32
      %dma_wait3A_644 = arith.constant 0 : i32
      %dma_wait3A_645 = arith.constant 0 : i32
      %dma_wait3A_646 = tpu.memref_slice %arg11[%dma_wait3A_643, %dma_wait3A_644, %dma_wait3A_645] : memref<3x128x32xf32, #tpu.memory_space<vmem>> -> memref<1x128x32xf32, #tpu.memory_space<vmem>>
      %dma_wait3A_647 = tpu.memref_squeeze %dma_wait3A_646 : memref<1x128x32xf32, #tpu.memory_space<vmem>> -> memref<128x32xf32, #tpu.memory_space<vmem>>
      %dma_wait3A_648 = arith.constant 0 : i32
      %dma_wait3A_649 = tpu.memref_slice %arg7[%dma_wait3A_641, %dma_wait3A_642, %dma_wait3A_648] : memref<3x2x128xi32, #tpu.memory_space<vmem>> -> memref<1x1x128xi32, #tpu.memory_space<vmem>>
      %dma_wait3A_650 = tpu.memref_squeeze %dma_wait3A_649 : memref<1x1x128xi32, #tpu.memory_space<vmem>> -> memref<128xi32, #tpu.memory_space<vmem>>
      %dma_wait3A_651 = arith.constant 0 : i32
      %dma_wait3A_652 = arith.constant 0 : i32
      %dma_wait3A_653 = tpu.memref_slice %arg2[%dma_wait3A_651, %dma_wait3A_652] : memref<50176x32xf32, #tpu.memory_space<hbm>> -> memref<50176x32xf32, #tpu.memory_space<hbm>>
      tpu.wait_indirect_dma semaphore(%arg17 : memref<!tpu.dma_semaphore, #tpu.memory_space<semaphore_mem>>) src(%dma_wait3A_653 : memref<50176x32xf32, #tpu.memory_space<hbm>>) dst(%dma_wait3A_647 : memref<128x32xf32, #tpu.memory_space<vmem>>)
      %dma_wait3A_654 = arith.constant 2 : i32
      %dma_wait3A_655 = arith.constant 0 : i32
      %dma_wait3A_656 = arith.constant 2 : i32
      %dma_wait3A_657 = arith.constant 0 : i32
      %dma_wait3A_658 = arith.constant 0 : i32
      %dma_wait3A_659 = tpu.memref_slice %arg11[%dma_wait3A_656, %dma_wait3A_657, %dma_wait3A_658] : memref<3x128x32xf32, #tpu.memory_space<vmem>> -> memref<1x128x32xf32, #tpu.memory_space<vmem>>
      %dma_wait3A_660 = tpu.memref_squeeze %dma_wait3A_659 : memref<1x128x32xf32, #tpu.memory_space<vmem>> -> memref<128x32xf32, #tpu.memory_space<vmem>>
      %dma_wait3A_661 = arith.constant 0 : i32
      %dma_wait3A_662 = tpu.memref_slice %arg7[%dma_wait3A_654, %dma_wait3A_655, %dma_wait3A_661] : memref<3x2x128xi32, #tpu.memory_space<vmem>> -> memref<1x1x128xi32, #tpu.memory_space<vmem>>
      %dma_wait3A_663 = tpu.memref_squeeze %dma_wait3A_662 : memref<1x1x128xi32, #tpu.memory_space<vmem>> -> memref<128xi32, #tpu.memory_space<vmem>>
      %dma_wait3A_664 = arith.constant 0 : i32
      %dma_wait3A_665 = arith.constant 0 : i32
      %dma_wait3A_666 = tpu.memref_slice %arg2[%dma_wait3A_664, %dma_wait3A_665] : memref<50176x32xf32, #tpu.memory_space<hbm>> -> memref<50176x32xf32, #tpu.memory_space<hbm>>
      tpu.wait_indirect_dma semaphore(%arg17 : memref<!tpu.dma_semaphore, #tpu.memory_space<semaphore_mem>>) src(%dma_wait3A_666 : memref<50176x32xf32, #tpu.memory_space<hbm>>) dst(%dma_wait3A_660 : memref<128x32xf32, #tpu.memory_space<vmem>>)
      %get3A_667 = arith.constant 0 : i32
      %get3A_668 = arith.constant 1 : i32
      %get3A_669 = arith.index_cast %get3A_667 : i32 to index
      %get3A_670 = arith.index_cast %get3A_668 : i32 to index
      %get3A_671 = arith.constant 0 : index
      %get3A_672 = tpu.vector_load %arg7[%get3A_669, %get3A_670, %get3A_671] {strides = array<i32>} : memref<3x2x128xi32, #tpu.memory_space<vmem>>, vector<1x1x16xi32>,
      %get3A_673 = vector.shape_cast %get3A_672 : vector<1x1x16xi32> to vector<16xi32>
      %swap3A_674 = arith.constant 0 : i32
      %swap3A_675 = arith.constant 1 : i32
      %swap3A_676 = arith.index_cast %swap3A_674 : i32 to index
      %swap3A_677 = arith.index_cast %swap3A_675 : i32 to index
      %swap3A_678 = arith.constant 0 : index
      %swap3A_679 = tpu.vector_load %arg9[%swap3A_676, %swap3A_677, %swap3A_678] {strides = array<i32>} : memref<3x2x128xi32, #tpu.memory_space<vmem>>, vector<1x1x16xi32>,
      %swap3A_680 = vector.shape_cast %swap3A_679 : vector<1x1x16xi32> to vector<16xi32>
      %swap3A_681 = vector.shape_cast %get3A_673 : vector<16xi32> to vector<1x1x16xi32>
      tpu.vector_store %arg9[%swap3A_676, %swap3A_677, %swap3A_678], %swap3A_681 {strides = array<i32>} : memref<3x2x128xi32, #tpu.memory_space<vmem>>, vector<1x1x16xi32>,
      %get3A_682 = arith.constant 0 : i32
      %get3A_683 = arith.constant 1 : i32
      %get3A_684 = arith.index_cast %get3A_682 : i32 to index
      %get3A_685 = arith.index_cast %get3A_683 : i32 to index
      %get3A_686 = arith.constant 16 : index
      %get3A_687 = tpu.vector_load %arg7[%get3A_684, %get3A_685, %get3A_686] {strides = array<i32>} : memref<3x2x128xi32, #tpu.memory_space<vmem>>, vector<1x1x16xi32>,
      %get3A_688 = vector.shape_cast %get3A_687 : vector<1x1x16xi32> to vector<16xi32>
      %swap3A_689 = arith.constant 0 : i32
      %swap3A_690 = arith.constant 1 : i32
      %swap3A_691 = arith.index_cast %swap3A_689 : i32 to index
      %swap3A_692 = arith.index_cast %swap3A_690 : i32 to index
      %swap3A_693 = arith.constant 16 : index
      %swap3A_694 = tpu.vector_load %arg9[%swap3A_691, %swap3A_692, %swap3A_693] {strides = array<i32>} : memref<3x2x128xi32, #tpu.memory_space<vmem>>, vector<1x1x16xi32>,
      %swap3A_695 = vector.shape_cast %swap3A_694 : vector<1x1x16xi32> to vector<16xi32>
      %swap3A_696 = vector.shape_cast %get3A_688 : vector<16xi32> to vector<1x1x16xi32>
      tpu.vector_store %arg9[%swap3A_691, %swap3A_692, %swap3A_693], %swap3A_696 {strides = array<i32>} : memref<3x2x128xi32, #tpu.memory_space<vmem>>, vector<1x1x16xi32>,
      %get3A_697 = arith.constant 0 : i32
      %get3A_698 = arith.constant 1 : i32
      %get3A_699 = arith.index_cast %get3A_697 : i32 to index
      %get3A_700 = arith.index_cast %get3A_698 : i32 to index
      %get3A_701 = arith.constant 32 : index
      %get3A_702 = tpu.vector_load %arg7[%get3A_699, %get3A_700, %get3A_701] {strides = array<i32>} : memref<3x2x128xi32, #tpu.memory_space<vmem>>, vector<1x1x16xi32>,
      %get3A_703 = vector.shape_cast %get3A_702 : vector<1x1x16xi32> to vector<16xi32>
      %swap3A_704 = arith.constant 0 : i32
      %swap3A_705 = arith.constant 1 : i32
      %swap3A_706 = arith.index_cast %swap3A_704 : i32 to index
      %swap3A_707 = arith.index_cast %swap3A_705 : i32 to index
      %swap3A_708 = arith.constant 32 : index
      %swap3A_709 = tpu.vector_load %arg9[%swap3A_706, %swap3A_707, %swap3A_708] {strides = array<i32>} : memref<3x2x128xi32, #tpu.memory_space<vmem>>, vector<1x1x16xi32>,
      %swap3A_710 = vector.shape_cast %swap3A_709 : vector<1x1x16xi32> to vector<16xi32>
      %swap3A_711 = vector.shape_cast %get3A_703 : vector<16xi32> to vector<1x1x16xi32>
      tpu.vector_store %arg9[%swap3A_706, %swap3A_707, %swap3A_708], %swap3A_711 {strides = array<i32>} : memref<3x2x128xi32, #tpu.memory_space<vmem>>, vector<1x1x16xi32>,
      %get3A_712 = arith.constant 0 : i32
      %get3A_713 = arith.constant 1 : i32
      %get3A_714 = arith.index_cast %get3A_712 : i32 to index
      %get3A_715 = arith.index_cast %get3A_713 : i32 to index
      %get3A_716 = arith.constant 48 : index
      %get3A_717 = tpu.vector_load %arg7[%get3A_714, %get3A_715, %get3A_716] {strides = array<i32>} : memref<3x2x128xi32, #tpu.memory_space<vmem>>, vector<1x1x16xi32>,
      %get3A_718 = vector.shape_cast %get3A_717 : vector<1x1x16xi32> to vector<16xi32>
      %swap3A_719 = arith.constant 0 : i32
      %swap3A_720 = arith.constant 1 : i32
      %swap3A_721 = arith.index_cast %swap3A_719 : i32 to index
      %swap3A_722 = arith.index_cast %swap3A_720 : i32 to index
      %swap3A_723 = arith.constant 48 : index
      %swap3A_724 = tpu.vector_load %arg9[%swap3A_721, %swap3A_722, %swap3A_723] {strides = array<i32>} : memref<3x2x128xi32, #tpu.memory_space<vmem>>, vector<1x1x16xi32>,
      %swap3A_725 = vector.shape_cast %swap3A_724 : vector<1x1x16xi32> to vector<16xi32>
      %swap3A_726 = vector.shape_cast %get3A_718 : vector<16xi32> to vector<1x1x16xi32>
      tpu.vector_store %arg9[%swap3A_721, %swap3A_722, %swap3A_723], %swap3A_726 {strides = array<i32>} : memref<3x2x128xi32, #tpu.memory_space<vmem>>, vector<1x1x16xi32>,
      %get3A_727 = arith.constant 0 : i32
      %get3A_728 = arith.constant 1 : i32
      %get3A_729 = arith.index_cast %get3A_727 : i32 to index
      %get3A_730 = arith.index_cast %get3A_728 : i32 to index
      %get3A_731 = arith.constant 64 : index
      %get3A_732 = tpu.vector_load %arg7[%get3A_729, %get3A_730, %get3A_731] {strides = array<i32>} : memref<3x2x128xi32, #tpu.memory_space<vmem>>, vector<1x1x16xi32>,
      %get3A_733 = vector.shape_cast %get3A_732 : vector<1x1x16xi32> to vector<16xi32>
      %swap3A_734 = arith.constant 0 : i32
      %swap3A_735 = arith.constant 1 : i32
      %swap3A_736 = arith.index_cast %swap3A_734 : i32 to index
      %swap3A_737 = arith.index_cast %swap3A_735 : i32 to index
      %swap3A_738 = arith.constant 64 : index
      %swap3A_739 = tpu.vector_load %arg9[%swap3A_736, %swap3A_737, %swap3A_738] {strides = array<i32>} : memref<3x2x128xi32, #tpu.memory_space<vmem>>, vector<1x1x16xi32>,
      %swap3A_740 = vector.shape_cast %swap3A_739 : vector<1x1x16xi32> to vector<16xi32>
      %swap3A_741 = vector.shape_cast %get3A_733 : vector<16xi32> to vector<1x1x16xi32>
      tpu.vector_store %arg9[%swap3A_736, %swap3A_737, %swap3A_738], %swap3A_741 {strides = array<i32>} : memref<3x2x128xi32, #tpu.memory_space<vmem>>, vector<1x1x16xi32>,
      %get3A_742 = arith.constant 0 : i32
      %get3A_743 = arith.constant 1 : i32
      %get3A_744 = arith.index_cast %get3A_742 : i32 to index
      %get3A_745 = arith.index_cast %get3A_743 : i32 to index
      %get3A_746 = arith.constant 80 : index
      %get3A_747 = tpu.vector_load %arg7[%get3A_744, %get3A_745, %get3A_746] {strides = array<i32>} : memref<3x2x128xi32, #tpu.memory_space<vmem>>, vector<1x1x16xi32>,
      %get3A_748 = vector.shape_cast %get3A_747 : vector<1x1x16xi32> to vector<16xi32>
      %swap3A_749 = arith.constant 0 : i32
      %swap3A_750 = arith.constant 1 : i32
      %swap3A_751 = arith.index_cast %swap3A_749 : i32 to index
      %swap3A_752 = arith.index_cast %swap3A_750 : i32 to index
      %swap3A_753 = arith.constant 80 : index
      %swap3A_754 = tpu.vector_load %arg9[%swap3A_751, %swap3A_752, %swap3A_753] {strides = array<i32>} : memref<3x2x128xi32, #tpu.memory_space<vmem>>, vector<1x1x16xi32>,
      %swap3A_755 = vector.shape_cast %swap3A_754 : vector<1x1x16xi32> to vector<16xi32>
      %swap3A_756 = vector.shape_cast %get3A_748 : vector<16xi32> to vector<1x1x16xi32>
      tpu.vector_store %arg9[%swap3A_751, %swap3A_752, %swap3A_753], %swap3A_756 {strides = array<i32>} : memref<3x2x128xi32, #tpu.memory_space<vmem>>, vector<1x1x16xi32>,
      %get3A_757 = arith.constant 0 : i32
      %get3A_758 = arith.constant 1 : i32
      %get3A_759 = arith.index_cast %get3A_757 : i32 to index
      %get3A_760 = arith.index_cast %get3A_758 : i32 to index
      %get3A_761 = arith.constant 96 : index
      %get3A_762 = tpu.vector_load %arg7[%get3A_759, %get3A_760, %get3A_761] {strides = array<i32>} : memref<3x2x128xi32, #tpu.memory_space<vmem>>, vector<1x1x16xi32>,
      %get3A_763 = vector.shape_cast %get3A_762 : vector<1x1x16xi32> to vector<16xi32>
      %swap3A_764 = arith.constant 0 : i32
      %swap3A_765 = arith.constant 1 : i32
      %swap3A_766 = arith.index_cast %swap3A_764 : i32 to index
      %swap3A_767 = arith.index_cast %swap3A_765 : i32 to index
      %swap3A_768 = arith.constant 96 : index
      %swap3A_769 = tpu.vector_load %arg9[%swap3A_766, %swap3A_767, %swap3A_768] {strides = array<i32>} : memref<3x2x128xi32, #tpu.memory_space<vmem>>, vector<1x1x16xi32>,
      %swap3A_770 = vector.shape_cast %swap3A_769 : vector<1x1x16xi32> to vector<16xi32>
      %swap3A_771 = vector.shape_cast %get3A_763 : vector<16xi32> to vector<1x1x16xi32>
      tpu.vector_store %arg9[%swap3A_766, %swap3A_767, %swap3A_768], %swap3A_771 {strides = array<i32>} : memref<3x2x128xi32, #tpu.memory_space<vmem>>, vector<1x1x16xi32>,
      %get3A_772 = arith.constant 0 : i32
      %get3A_773 = arith.constant 1 : i32
      %get3A_774 = arith.index_cast %get3A_772 : i32 to index
      %get3A_775 = arith.index_cast %get3A_773 : i32 to index
      %get3A_776 = arith.constant 112 : index
      %get3A_777 = tpu.vector_load %arg7[%get3A_774, %get3A_775, %get3A_776] {strides = array<i32>} : memref<3x2x128xi32, #tpu.memory_space<vmem>>, vector<1x1x16xi32>,
      %get3A_778 = vector.shape_cast %get3A_777 : vector<1x1x16xi32> to vector<16xi32>
      %swap3A_779 = arith.constant 0 : i32
      %swap3A_780 = arith.constant 1 : i32
      %swap3A_781 = arith.index_cast %swap3A_779 : i32 to index
      %swap3A_782 = arith.index_cast %swap3A_780 : i32 to index
      %swap3A_783 = arith.constant 112 : index
      %swap3A_784 = tpu.vector_load %arg9[%swap3A_781, %swap3A_782, %swap3A_783] {strides = array<i32>} : memref<3x2x128xi32, #tpu.memory_space<vmem>>, vector<1x1x16xi32>,
      %swap3A_785 = vector.shape_cast %swap3A_784 : vector<1x1x16xi32> to vector<16xi32>
      %swap3A_786 = vector.shape_cast %get3A_778 : vector<16xi32> to vector<1x1x16xi32>
      tpu.vector_store %arg9[%swap3A_781, %swap3A_782, %swap3A_783], %swap3A_786 {strides = array<i32>} : memref<3x2x128xi32, #tpu.memory_space<vmem>>, vector<1x1x16xi32>,
      %get3A_787 = arith.constant 1 : i32
      %get3A_788 = arith.constant 1 : i32
      %get3A_789 = arith.index_cast %get3A_787 : i32 to index
      %get3A_790 = arith.index_cast %get3A_788 : i32 to index
      %get3A_791 = arith.constant 0 : index
      %get3A_792 = tpu.vector_load %arg7[%get3A_789, %get3A_790, %get3A_791] {strides = array<i32>} : memref<3x2x128xi32, #tpu.memory_space<vmem>>, vector<1x1x16xi32>,
      %get3A_793 = vector.shape_cast %get3A_792 : vector<1x1x16xi32> to vector<16xi32>
      %swap3A_794 = arith.constant 1 : i32
      %swap3A_795 = arith.constant 1 : i32
      %swap3A_796 = arith.index_cast %swap3A_794 : i32 to index
      %swap3A_797 = arith.index_cast %swap3A_795 : i32 to index
      %swap3A_798 = arith.constant 0 : index
      %swap3A_799 = tpu.vector_load %arg9[%swap3A_796, %swap3A_797, %swap3A_798] {strides = array<i32>} : memref<3x2x128xi32, #tpu.memory_space<vmem>>, vector<1x1x16xi32>,
      %swap3A_800 = vector.shape_cast %swap3A_799 : vector<1x1x16xi32> to vector<16xi32>
      %swap3A_801 = vector.shape_cast %get3A_793 : vector<16xi32> to vector<1x1x16xi32>
      tpu.vector_store %arg9[%swap3A_796, %swap3A_797, %swap3A_798], %swap3A_801 {strides = array<i32>} : memref<3x2x128xi32, #tpu.memory_space<vmem>>, vector<1x1x16xi32>,
      %get3A_802 = arith.constant 1 : i32
      %get3A_803 = arith.constant 1 : i32
      %get3A_804 = arith.index_cast %get3A_802 : i32 to index
      %get3A_805 = arith.index_cast %get3A_803 : i32 to index
      %get3A_806 = arith.constant 16 : index
      %get3A_807 = tpu.vector_load %arg7[%get3A_804, %get3A_805, %get3A_806] {strides = array<i32>} : memref<3x2x128xi32, #tpu.memory_space<vmem>>, vector<1x1x16xi32>,
      %get3A_808 = vector.shape_cast %get3A_807 : vector<1x1x16xi32> to vector<16xi32>
      %swap3A_809 = arith.constant 1 : i32
      %swap3A_810 = arith.constant 1 : i32
      %swap3A_811 = arith.index_cast %swap3A_809 : i32 to index
      %swap3A_812 = arith.index_cast %swap3A_810 : i32 to index
      %swap3A_813 = arith.constant 16 : index
      %swap3A_814 = tpu.vector_load %arg9[%swap3A_811, %swap3A_812, %swap3A_813] {strides = array<i32>} : memref<3x2x128xi32, #tpu.memory_space<vmem>>, vector<1x1x16xi32>,
      %swap3A_815 = vector.shape_cast %swap3A_814 : vector<1x1x16xi32> to vector<16xi32>
      %swap3A_816 = vector.shape_cast %get3A_808 : vector<16xi32> to vector<1x1x16xi32>
      tpu.vector_store %arg9[%swap3A_811, %swap3A_812, %swap3A_813], %swap3A_816 {strides = array<i32>} : memref<3x2x128xi32, #tpu.memory_space<vmem>>, vector<1x1x16xi32>,
      %get3A_817 = arith.constant 1 : i32
      %get3A_818 = arith.constant 1 : i32
      %get3A_819 = arith.index_cast %get3A_817 : i32 to index
      %get3A_820 = arith.index_cast %get3A_818 : i32 to index
      %get3A_821 = arith.constant 32 : index
      %get3A_822 = tpu.vector_load %arg7[%get3A_819, %get3A_820, %get3A_821] {strides = array<i32>} : memref<3x2x128xi32, #tpu.memory_space<vmem>>, vector<1x1x16xi32>,
      %get3A_823 = vector.shape_cast %get3A_822 : vector<1x1x16xi32> to vector<16xi32>
      %swap3A_824 = arith.constant 1 : i32
      %swap3A_825 = arith.constant 1 : i32
      %swap3A_826 = arith.index_cast %swap3A_824 : i32 to index
      %swap3A_827 = arith.index_cast %swap3A_825 : i32 to index
      %swap3A_828 = arith.constant 32 : index
      %swap3A_829 = tpu.vector_load %arg9[%swap3A_826, %swap3A_827, %swap3A_828] {strides = array<i32>} : memref<3x2x128xi32, #tpu.memory_space<vmem>>, vector<1x1x16xi32>,
      %swap3A_830 = vector.shape_cast %swap3A_829 : vector<1x1x16xi32> to vector<16xi32>
      %swap3A_831 = vector.shape_cast %get3A_823 : vector<16xi32> to vector<1x1x16xi32>
      tpu.vector_store %arg9[%swap3A_826, %swap3A_827, %swap3A_828], %swap3A_831 {strides = array<i32>} : memref<3x2x128xi32, #tpu.memory_space<vmem>>, vector<1x1x16xi32>,
      %get3A_832 = arith.constant 1 : i32
      %get3A_833 = arith.constant 1 : i32
      %get3A_834 = arith.index_cast %get3A_832 : i32 to index
      %get3A_835 = arith.index_cast %get3A_833 : i32 to index
      %get3A_836 = arith.constant 48 : index
      %get3A_837 = tpu.vector_load %arg7[%get3A_834, %get3A_835, %get3A_836] {strides = array<i32>} : memref<3x2x128xi32, #tpu.memory_space<vmem>>, vector<1x1x16xi32>,
      %get3A_838 = vector.shape_cast %get3A_837 : vector<1x1x16xi32> to vector<16xi32>
      %swap3A_839 = arith.constant 1 : i32
      %swap3A_840 = arith.constant 1 : i32
      %swap3A_841 = arith.index_cast %swap3A_839 : i32 to index
      %swap3A_842 = arith.index_cast %swap3A_840 : i32 to index
      %swap3A_843 = arith.constant 48 : index
      %swap3A_844 = tpu.vector_load %arg9[%swap3A_841, %swap3A_842, %swap3A_843] {strides = array<i32>} : memref<3x2x128xi32, #tpu.memory_space<vmem>>, vector<1x1x16xi32>,
      %swap3A_845 = vector.shape_cast %swap3A_844 : vector<1x1x16xi32> to vector<16xi32>
      %swap3A_846 = vector.shape_cast %get3A_838 : vector<16xi32> to vector<1x1x16xi32>
      tpu.vector_store %arg9[%swap3A_841, %swap3A_842, %swap3A_843], %swap3A_846 {strides = array<i32>} : memref<3x2x128xi32, #tpu.memory_space<vmem>>, vector<1x1x16xi32>,
      %get3A_847 = arith.constant 1 : i32
      %get3A_848 = arith.constant 1 : i32
      %get3A_849 = arith.index_cast %get3A_847 : i32 to index
      %get3A_850 = arith.index_cast %get3A_848 : i32 to index
      %get3A_851 = arith.constant 64 : index
      %get3A_852 = tpu.vector_load %arg7[%get3A_849, %get3A_850, %get3A_851] {strides = array<i32>} : memref<3x2x128xi32, #tpu.memory_space<vmem>>, vector<1x1x16xi32>,
      %get3A_853 = vector.shape_cast %get3A_852 : vector<1x1x16xi32> to vector<16xi32>
      %swap3A_854 = arith.constant 1 : i32
      %swap3A_855 = arith.constant 1 : i32
      %swap3A_856 = arith.index_cast %swap3A_854 : i32 to index
      %swap3A_857 = arith.index_cast %swap3A_855 : i32 to index
      %swap3A_858 = arith.constant 64 : index
      %swap3A_859 = tpu.vector_load %arg9[%swap3A_856, %swap3A_857, %swap3A_858] {strides = array<i32>} : memref<3x2x128xi32, #tpu.memory_space<vmem>>, vector<1x1x16xi32>,
      %swap3A_860 = vector.shape_cast %swap3A_859 : vector<1x1x16xi32> to vector<16xi32>
      %swap3A_861 = vector.shape_cast %get3A_853 : vector<16xi32> to vector<1x1x16xi32>
      tpu.vector_store %arg9[%swap3A_856, %swap3A_857, %swap3A_858], %swap3A_861 {strides = array<i32>} : memref<3x2x128xi32, #tpu.memory_space<vmem>>, vector<1x1x16xi32>,
      %get3A_862 = arith.constant 1 : i32
      %get3A_863 = arith.constant 1 : i32
      %get3A_864 = arith.index_cast %get3A_862 : i32 to index
      %get3A_865 = arith.index_cast %get3A_863 : i32 to index
      %get3A_866 = arith.constant 80 : index
      %get3A_867 = tpu.vector_load %arg7[%get3A_864, %get3A_865, %get3A_866] {strides = array<i32>} : memref<3x2x128xi32, #tpu.memory_space<vmem>>, vector<1x1x16xi32>,
      %get3A_868 = vector.shape_cast %get3A_867 : vector<1x1x16xi32> to vector<16xi32>
      %swap3A_869 = arith.constant 1 : i32
      %swap3A_870 = arith.constant 1 : i32
      %swap3A_871 = arith.index_cast %swap3A_869 : i32 to index
      %swap3A_872 = arith.index_cast %swap3A_870 : i32 to index
      %swap3A_873 = arith.constant 80 : index
      %swap3A_874 = tpu.vector_load %arg9[%swap3A_871, %swap3A_872, %swap3A_873] {strides = array<i32>} : memref<3x2x128xi32, #tpu.memory_space<vmem>>, vector<1x1x16xi32>,
      %swap3A_875 = vector.shape_cast %swap3A_874 : vector<1x1x16xi32> to vector<16xi32>
      %swap3A_876 = vector.shape_cast %get3A_868 : vector<16xi32> to vector<1x1x16xi32>
      tpu.vector_store %arg9[%swap3A_871, %swap3A_872, %swap3A_873], %swap3A_876 {strides = array<i32>} : memref<3x2x128xi32, #tpu.memory_space<vmem>>, vector<1x1x16xi32>,
      %get3A_877 = arith.constant 1 : i32
      %get3A_878 = arith.constant 1 : i32
      %get3A_879 = arith.index_cast %get3A_877 : i32 to index
      %get3A_880 = arith.index_cast %get3A_878 : i32 to index
      %get3A_881 = arith.constant 96 : index
      %get3A_882 = tpu.vector_load %arg7[%get3A_879, %get3A_880, %get3A_881] {strides = array<i32>} : memref<3x2x128xi32, #tpu.memory_space<vmem>>, vector<1x1x16xi32>,
      %get3A_883 = vector.shape_cast %get3A_882 : vector<1x1x16xi32> to vector<16xi32>
      %swap3A_884 = arith.constant 1 : i32
      %swap3A_885 = arith.constant 1 : i32
      %swap3A_886 = arith.index_cast %swap3A_884 : i32 to index
      %swap3A_887 = arith.index_cast %swap3A_885 : i32 to index
      %swap3A_888 = arith.constant 96 : index
      %swap3A_889 = tpu.vector_load %arg9[%swap3A_886, %swap3A_887, %swap3A_888] {strides = array<i32>} : memref<3x2x128xi32, #tpu.memory_space<vmem>>, vector<1x1x16xi32>,
      %swap3A_890 = vector.shape_cast %swap3A_889 : vector<1x1x16xi32> to vector<16xi32>
      %swap3A_891 = vector.shape_cast %get3A_883 : vector<16xi32> to vector<1x1x16xi32>
      tpu.vector_store %arg9[%swap3A_886, %swap3A_887, %swap3A_888], %swap3A_891 {strides = array<i32>} : memref<3x2x128xi32, #tpu.memory_space<vmem>>, vector<1x1x16xi32>,
      %get3A_892 = arith.constant 1 : i32
      %get3A_893 = arith.constant 1 : i32
      %get3A_894 = arith.index_cast %get3A_892 : i32 to index
      %get3A_895 = arith.index_cast %get3A_893 : i32 to index
      %get3A_896 = arith.constant 112 : index
      %get3A_897 = tpu.vector_load %arg7[%get3A_894, %get3A_895, %get3A_896] {strides = array<i32>} : memref<3x2x128xi32, #tpu.memory_space<vmem>>, vector<1x1x16xi32>,
      %get3A_898 = vector.shape_cast %get3A_897 : vector<1x1x16xi32> to vector<16xi32>
      %swap3A_899 = arith.constant 1 : i32
      %swap3A_900 = arith.constant 1 : i32
      %swap3A_901 = arith.index_cast %swap3A_899 : i32 to index
      %swap3A_902 = arith.index_cast %swap3A_900 : i32 to index
      %swap3A_903 = arith.constant 112 : index
      %swap3A_904 = tpu.vector_load %arg9[%swap3A_901, %swap3A_902, %swap3A_903] {strides = array<i32>} : memref<3x2x128xi32, #tpu.memory_space<vmem>>, vector<1x1x16xi32>,
      %swap3A_905 = vector.shape_cast %swap3A_904 : vector<1x1x16xi32> to vector<16xi32>
      %swap3A_906 = vector.shape_cast %get3A_898 : vector<16xi32> to vector<1x1x16xi32>
      tpu.vector_store %arg9[%swap3A_901, %swap3A_902, %swap3A_903], %swap3A_906 {strides = array<i32>} : memref<3x2x128xi32, #tpu.memory_space<vmem>>, vector<1x1x16xi32>,
      %get3A_907 = arith.constant 2 : i32
      %get3A_908 = arith.constant 1 : i32
      %get3A_909 = arith.index_cast %get3A_907 : i32 to index
      %get3A_910 = arith.index_cast %get3A_908 : i32 to index
      %get3A_911 = arith.constant 0 : index
      %get3A_912 = tpu.vector_load %arg7[%get3A_909, %get3A_910, %get3A_911] {strides = array<i32>} : memref<3x2x128xi32, #tpu.memory_space<vmem>>, vector<1x1x16xi32>,
      %get3A_913 = vector.shape_cast %get3A_912 : vector<1x1x16xi32> to vector<16xi32>
      %swap3A_914 = arith.constant 2 : i32
      %swap3A_915 = arith.constant 1 : i32
      %swap3A_916 = arith.index_cast %swap3A_914 : i32 to index
      %swap3A_917 = arith.index_cast %swap3A_915 : i32 to index
      %swap3A_918 = arith.constant 0 : index
      %swap3A_919 = tpu.vector_load %arg9[%swap3A_916, %swap3A_917, %swap3A_918] {strides = array<i32>} : memref<3x2x128xi32, #tpu.memory_space<vmem>>, vector<1x1x16xi32>,
      %swap3A_920 = vector.shape_cast %swap3A_919 : vector<1x1x16xi32> to vector<16xi32>
      %swap3A_921 = vector.shape_cast %get3A_913 : vector<16xi32> to vector<1x1x16xi32>
      tpu.vector_store %arg9[%swap3A_916, %swap3A_917, %swap3A_918], %swap3A_921 {strides = array<i32>} : memref<3x2x128xi32, #tpu.memory_space<vmem>>, vector<1x1x16xi32>,
      %get3A_922 = arith.constant 2 : i32
      %get3A_923 = arith.constant 1 : i32
      %get3A_924 = arith.index_cast %get3A_922 : i32 to index
      %get3A_925 = arith.index_cast %get3A_923 : i32 to index
      %get3A_926 = arith.constant 16 : index
      %get3A_927 = tpu.vector_load %arg7[%get3A_924, %get3A_925, %get3A_926] {strides = array<i32>} : memref<3x2x128xi32, #tpu.memory_space<vmem>>, vector<1x1x16xi32>,
      %get3A_928 = vector.shape_cast %get3A_927 : vector<1x1x16xi32> to vector<16xi32>
      %swap3A_929 = arith.constant 2 : i32
      %swap3A_930 = arith.constant 1 : i32
      %swap3A_931 = arith.index_cast %swap3A_929 : i32 to index
      %swap3A_932 = arith.index_cast %swap3A_930 : i32 to index
      %swap3A_933 = arith.constant 16 : index
      %swap3A_934 = tpu.vector_load %arg9[%swap3A_931, %swap3A_932, %swap3A_933] {strides = array<i32>} : memref<3x2x128xi32, #tpu.memory_space<vmem>>, vector<1x1x16xi32>,
      %swap3A_935 = vector.shape_cast %swap3A_934 : vector<1x1x16xi32> to vector<16xi32>
      %swap3A_936 = vector.shape_cast %get3A_928 : vector<16xi32> to vector<1x1x16xi32>
      tpu.vector_store %arg9[%swap3A_931, %swap3A_932, %swap3A_933], %swap3A_936 {strides = array<i32>} : memref<3x2x128xi32, #tpu.memory_space<vmem>>, vector<1x1x16xi32>,
      %get3A_937 = arith.constant 2 : i32
      %get3A_938 = arith.constant 1 : i32
      %get3A_939 = arith.index_cast %get3A_937 : i32 to index
      %get3A_940 = arith.index_cast %get3A_938 : i32 to index
      %get3A_941 = arith.constant 32 : index
      %get3A_942 = tpu.vector_load %arg7[%get3A_939, %get3A_940, %get3A_941] {strides = array<i32>} : memref<3x2x128xi32, #tpu.memory_space<vmem>>, vector<1x1x16xi32>,
      %get3A_943 = vector.shape_cast %get3A_942 : vector<1x1x16xi32> to vector<16xi32>
      %swap3A_944 = arith.constant 2 : i32
      %swap3A_945 = arith.constant 1 : i32
      %swap3A_946 = arith.index_cast %swap3A_944 : i32 to index
      %swap3A_947 = arith.index_cast %swap3A_945 : i32 to index
      %swap3A_948 = arith.constant 32 : index
      %swap3A_949 = tpu.vector_load %arg9[%swap3A_946, %swap3A_947, %swap3A_948] {strides = array<i32>} : memref<3x2x128xi32, #tpu.memory_space<vmem>>, vector<1x1x16xi32>,
      %swap3A_950 = vector.shape_cast %swap3A_949 : vector<1x1x16xi32> to vector<16xi32>
      %swap3A_951 = vector.shape_cast %get3A_943 : vector<16xi32> to vector<1x1x16xi32>
      tpu.vector_store %arg9[%swap3A_946, %swap3A_947, %swap3A_948], %swap3A_951 {strides = array<i32>} : memref<3x2x128xi32, #tpu.memory_space<vmem>>, vector<1x1x16xi32>,
      %get3A_952 = arith.constant 2 : i32
      %get3A_953 = arith.constant 1 : i32
      %get3A_954 = arith.index_cast %get3A_952 : i32 to index
      %get3A_955 = arith.index_cast %get3A_953 : i32 to index
      %get3A_956 = arith.constant 48 : index
      %get3A_957 = tpu.vector_load %arg7[%get3A_954, %get3A_955, %get3A_956] {strides = array<i32>} : memref<3x2x128xi32, #tpu.memory_space<vmem>>, vector<1x1x16xi32>,
      %get3A_958 = vector.shape_cast %get3A_957 : vector<1x1x16xi32> to vector<16xi32>
      %swap3A_959 = arith.constant 2 : i32
      %swap3A_960 = arith.constant 1 : i32
      %swap3A_961 = arith.index_cast %swap3A_959 : i32 to index
      %swap3A_962 = arith.index_cast %swap3A_960 : i32 to index
      %swap3A_963 = arith.constant 48 : index
      %swap3A_964 = tpu.vector_load %arg9[%swap3A_961, %swap3A_962, %swap3A_963] {strides = array<i32>} : memref<3x2x128xi32, #tpu.memory_space<vmem>>, vector<1x1x16xi32>,
      %swap3A_965 = vector.shape_cast %swap3A_964 : vector<1x1x16xi32> to vector<16xi32>
      %swap3A_966 = vector.shape_cast %get3A_958 : vector<16xi32> to vector<1x1x16xi32>
      tpu.vector_store %arg9[%swap3A_961, %swap3A_962, %swap3A_963], %swap3A_966 {strides = array<i32>} : memref<3x2x128xi32, #tpu.memory_space<vmem>>, vector<1x1x16xi32>,
      %get3A_967 = arith.constant 2 : i32
      %get3A_968 = arith.constant 1 : i32
      %get3A_969 = arith.index_cast %get3A_967 : i32 to index
      %get3A_970 = arith.index_cast %get3A_968 : i32 to index
      %get3A_971 = arith.constant 64 : index
      %get3A_972 = tpu.vector_load %arg7[%get3A_969, %get3A_970, %get3A_971] {strides = array<i32>} : memref<3x2x128xi32, #tpu.memory_space<vmem>>, vector<1x1x16xi32>,
      %get3A_973 = vector.shape_cast %get3A_972 : vector<1x1x16xi32> to vector<16xi32>
      %swap3A_974 = arith.constant 2 : i32
      %swap3A_975 = arith.constant 1 : i32
      %swap3A_976 = arith.index_cast %swap3A_974 : i32 to index
      %swap3A_977 = arith.index_cast %swap3A_975 : i32 to index
      %swap3A_978 = arith.constant 64 : index
      %swap3A_979 = tpu.vector_load %arg9[%swap3A_976, %swap3A_977, %swap3A_978] {strides = array<i32>} : memref<3x2x128xi32, #tpu.memory_space<vmem>>, vector<1x1x16xi32>,
      %swap3A_980 = vector.shape_cast %swap3A_979 : vector<1x1x16xi32> to vector<16xi32>
      %swap3A_981 = vector.shape_cast %get3A_973 : vector<16xi32> to vector<1x1x16xi32>
      tpu.vector_store %arg9[%swap3A_976, %swap3A_977, %swap3A_978], %swap3A_981 {strides = array<i32>} : memref<3x2x128xi32, #tpu.memory_space<vmem>>, vector<1x1x16xi32>,
      %get3A_982 = arith.constant 2 : i32
      %get3A_983 = arith.constant 1 : i32
      %get3A_984 = arith.index_cast %get3A_982 : i32 to index
      %get3A_985 = arith.index_cast %get3A_983 : i32 to index
      %get3A_986 = arith.constant 80 : index
      %get3A_987 = tpu.vector_load %arg7[%get3A_984, %get3A_985, %get3A_986] {strides = array<i32>} : memref<3x2x128xi32, #tpu.memory_space<vmem>>, vector<1x1x16xi32>,
      %get3A_988 = vector.shape_cast %get3A_987 : vector<1x1x16xi32> to vector<16xi32>
      %swap3A_989 = arith.constant 2 : i32
      %swap3A_990 = arith.constant 1 : i32
      %swap3A_991 = arith.index_cast %swap3A_989 : i32 to index
      %swap3A_992 = arith.index_cast %swap3A_990 : i32 to index
      %swap3A_993 = arith.constant 80 : index
      %swap3A_994 = tpu.vector_load %arg9[%swap3A_991, %swap3A_992, %swap3A_993] {strides = array<i32>} : memref<3x2x128xi32, #tpu.memory_space<vmem>>, vector<1x1x16xi32>,
      %swap3A_995 = vector.shape_cast %swap3A_994 : vector<1x1x16xi32> to vector<16xi32>
      %swap3A_996 = vector.shape_cast %get3A_988 : vector<16xi32> to vector<1x1x16xi32>
      tpu.vector_store %arg9[%swap3A_991, %swap3A_992, %swap3A_993], %swap3A_996 {strides = array<i32>} : memref<3x2x128xi32, #tpu.memory_space<vmem>>, vector<1x1x16xi32>,
      %get3A_997 = arith.constant 2 : i32
      %get3A_998 = arith.constant 1 : i32
      %get3A_999 = arith.index_cast %get3A_997 : i32 to index
      %get3A_1000 = arith.index_cast %get3A_998 : i32 to index
      %get3A_1001 = arith.constant 96 : index
      %get3A_1002 = tpu.vector_load %arg7[%get3A_999, %get3A_1000, %get3A_1001] {strides = array<i32>} : memref<3x2x128xi32, #tpu.memory_space<vmem>>, vector<1x1x16xi32>,
      %get3A_1003 = vector.shape_cast %get3A_1002 : vector<1x1x16xi32> to vector<16xi32>
      %swap3A_1004 = arith.constant 2 : i32
      %swap3A_1005 = arith.constant 1 : i32
      %swap3A_1006 = arith.index_cast %swap3A_1004 : i32 to index
      %swap3A_1007 = arith.index_cast %swap3A_1005 : i32 to index
      %swap3A_1008 = arith.constant 96 : index
      %swap3A_1009 = tpu.vector_load %arg9[%swap3A_1006, %swap3A_1007, %swap3A_1008] {strides = array<i32>} : memref<3x2x128xi32, #tpu.memory_space<vmem>>, vector<1x1x16xi32>,
      %swap3A_1010 = vector.shape_cast %swap3A_1009 : vector<1x1x16xi32> to vector<16xi32>
      %swap3A_1011 = vector.shape_cast %get3A_1003 : vector<16xi32> to vector<1x1x16xi32>
      tpu.vector_store %arg9[%swap3A_1006, %swap3A_1007, %swap3A_1008], %swap3A_1011 {strides = array<i32>} : memref<3x2x128xi32, #tpu.memory_space<vmem>>, vector<1x1x16xi32>,
      %get3A_1012 = arith.constant 2 : i32
      %get3A_1013 = arith.constant 1 : i32
      %get3A_1014 = arith.index_cast %get3A_1012 : i32 to index
      %get3A_1015 = arith.index_cast %get3A_1013 : i32 to index
      %get3A_1016 = arith.constant 112 : index
      %get3A_1017 = tpu.vector_load %arg7[%get3A_1014, %get3A_1015, %get3A_1016] {strides = array<i32>} : memref<3x2x128xi32, #tpu.memory_space<vmem>>, vector<1x1x16xi32>,
      %get3A_1018 = vector.shape_cast %get3A_1017 : vector<1x1x16xi32> to vector<16xi32>
      %swap3A_1019 = arith.constant 2 : i32
      %swap3A_1020 = arith.constant 1 : i32
      %swap3A_1021 = arith.index_cast %swap3A_1019 : i32 to index
      %swap3A_1022 = arith.index_cast %swap3A_1020 : i32 to index
      %swap3A_1023 = arith.constant 112 : index
      %swap3A_1024 = tpu.vector_load %arg9[%swap3A_1021, %swap3A_1022, %swap3A_1023] {strides = array<i32>} : memref<3x2x128xi32, #tpu.memory_space<vmem>>, vector<1x1x16xi32>,
      %swap3A_1025 = vector.shape_cast %swap3A_1024 : vector<1x1x16xi32> to vector<16xi32>
      %swap3A_1026 = vector.shape_cast %get3A_1018 : vector<16xi32> to vector<1x1x16xi32>
      tpu.vector_store %arg9[%swap3A_1021, %swap3A_1022, %swap3A_1023], %swap3A_1026 {strides = array<i32>} : memref<3x2x128xi32, #tpu.memory_space<vmem>>, vector<1x1x16xi32>,
      %dma_start3A_1027 = arith.constant 0 : i32
      %dma_start3A_1028 = arith.constant 0 : i32
      %dma_start3A_1029 = arith.constant 1 : i32
      %dma_start3A_1030 = arith.constant 0 : i32
      %dma_start3A_1031 = arith.constant 0 : i32
      %dma_start3A_1032 = tpu.memref_slice %arg11[%dma_start3A_1027, %dma_start3A_1030, %dma_start3A_1031] : memref<3x128x32xf32, #tpu.memory_space<vmem>> -> memref<1x128x32xf32, #tpu.memory_space<vmem>>
      %dma_start3A_1033 = tpu.memref_squeeze %dma_start3A_1032 : memref<1x128x32xf32, #tpu.memory_space<vmem>> -> memref<128x32xf32, #tpu.memory_space<vmem>>
      %dma_start3A_1034 = arith.constant 0 : i32
      %dma_start3A_1035 = tpu.memref_slice %arg9[%dma_start3A_1028, %dma_start3A_1029, %dma_start3A_1034] : memref<3x2x128xi32, #tpu.memory_space<vmem>> -> memref<1x1x128xi32, #tpu.memory_space<vmem>>
      %dma_start3A_1036 = tpu.memref_squeeze %dma_start3A_1035 : memref<1x1x128xi32, #tpu.memory_space<vmem>> -> memref<128xi32, #tpu.memory_space<vmem>>
      %dma_start3A_1037 = arith.constant 0 : i32
      %dma_start3A_1038 = arith.constant 0 : i32
      %dma_start3A_1039 = tpu.memref_slice %arg13[%dma_start3A_1037, %dma_start3A_1038] : memref<50176x32xf32, #tpu.memory_space<vmem_shared>> -> memref<50176x32xf32, #tpu.memory_space<vmem_shared>>
      tpu.enqueue_indirect_dma source(%dma_start3A_1033 : memref<128x32xf32, #tpu.memory_space<vmem>>) target(%dma_start3A_1039 : memref<50176x32xf32, #tpu.memory_space<vmem_shared>>) offsets(%dma_start3A_1036 : memref<128xi32, #tpu.memory_space<vmem>>) semaphore(%arg19 : memref<!tpu.dma_semaphore, #tpu.memory_space<semaphore_mem>>) {add = true}
      %dma_start3A_1040 = arith.constant 1 : i32
      %dma_start3A_1041 = arith.constant 1 : i32
      %dma_start3A_1042 = arith.constant 1 : i32
      %dma_start3A_1043 = arith.constant 0 : i32
      %dma_start3A_1044 = arith.constant 0 : i32
      %dma_start3A_1045 = tpu.memref_slice %arg11[%dma_start3A_1040, %dma_start3A_1043, %dma_start3A_1044] : memref<3x128x32xf32, #tpu.memory_space<vmem>> -> memref<1x128x32xf32, #tpu.memory_space<vmem>>
      %dma_start3A_1046 = tpu.memref_squeeze %dma_start3A_1045 : memref<1x128x32xf32, #tpu.memory_space<vmem>> -> memref<128x32xf32, #tpu.memory_space<vmem>>
      %dma_start3A_1047 = arith.constant 0 : i32
      %dma_start3A_1048 = tpu.memref_slice %arg9[%dma_start3A_1041, %dma_start3A_1042, %dma_start3A_1047] : memref<3x2x128xi32, #tpu.memory_space<vmem>> -> memref<1x1x128xi32, #tpu.memory_space<vmem>>
      %dma_start3A_1049 = tpu.memref_squeeze %dma_start3A_1048 : memref<1x1x128xi32, #tpu.memory_space<vmem>> -> memref<128xi32, #tpu.memory_space<vmem>>
      %dma_start3A_1050 = arith.constant 0 : i32
      %dma_start3A_1051 = arith.constant 0 : i32
      %dma_start3A_1052 = tpu.memref_slice %arg13[%dma_start3A_1050, %dma_start3A_1051] : memref<50176x32xf32, #tpu.memory_space<vmem_shared>> -> memref<50176x32xf32, #tpu.memory_space<vmem_shared>>
      tpu.enqueue_indirect_dma source(%dma_start3A_1046 : memref<128x32xf32, #tpu.memory_space<vmem>>) target(%dma_start3A_1052 : memref<50176x32xf32, #tpu.memory_space<vmem_shared>>) offsets(%dma_start3A_1049 : memref<128xi32, #tpu.memory_space<vmem>>) semaphore(%arg19 : memref<!tpu.dma_semaphore, #tpu.memory_space<semaphore_mem>>) {add = true}
      %dma_start3A_1053 = arith.constant 2 : i32
      %dma_start3A_1054 = arith.constant 2 : i32
      %dma_start3A_1055 = arith.constant 1 : i32
      %dma_start3A_1056 = arith.constant 0 : i32
      %dma_start3A_1057 = arith.constant 0 : i32
      %dma_start3A_1058 = tpu.memref_slice %arg11[%dma_start3A_1053, %dma_start3A_1056, %dma_start3A_1057] : memref<3x128x32xf32, #tpu.memory_space<vmem>> -> memref<1x128x32xf32, #tpu.memory_space<vmem>>
      %dma_start3A_1059 = tpu.memref_squeeze %dma_start3A_1058 : memref<1x128x32xf32, #tpu.memory_space<vmem>> -> memref<128x32xf32, #tpu.memory_space<vmem>>
      %dma_start3A_1060 = arith.constant 0 : i32
      %dma_start3A_1061 = tpu.memref_slice %arg9[%dma_start3A_1054, %dma_start3A_1055, %dma_start3A_1060] : memref<3x2x128xi32, #tpu.memory_space<vmem>> -> memref<1x1x128xi32, #tpu.memory_space<vmem>>
      %dma_start3A_1062 = tpu.memref_squeeze %dma_start3A_1061 : memref<1x1x128xi32, #tpu.memory_space<vmem>> -> memref<128xi32, #tpu.memory_space<vmem>>
      %dma_start3A_1063 = arith.constant 0 : i32
      %dma_start3A_1064 = arith.constant 0 : i32
      %dma_start3A_1065 = tpu.memref_slice %arg13[%dma_start3A_1063, %dma_start3A_1064] : memref<50176x32xf32, #tpu.memory_space<vmem_shared>> -> memref<50176x32xf32, #tpu.memory_space<vmem_shared>>
      tpu.enqueue_indirect_dma source(%dma_start3A_1059 : memref<128x32xf32, #tpu.memory_space<vmem>>) target(%dma_start3A_1065 : memref<50176x32xf32, #tpu.memory_space<vmem_shared>>) offsets(%dma_start3A_1062 : memref<128xi32, #tpu.memory_space<vmem>>) semaphore(%arg19 : memref<!tpu.dma_semaphore, #tpu.memory_space<semaphore_mem>>) {add = true}
      %add3A_1066 = arith.constant 2 : i32
      %add3A_1067 = arith.addi %add3A_610, %add3A_1066 : i32
      %lt3A_1068 = arith.constant 130 : i32
      %lt3A_1069 = arith.cmpi slt, %add3A_1067, %lt3A_1068 : i32
      %convert_element_type3A_1070 = arith.extui %lt3A_1069 : i1 to i32
      %cond3A_1071 = arith.constant 0 : i32
      %cond3A_1072 = arith.cmpi ne, %convert_element_type3A_1070, %cond3A_1071 : i32
      scf.if %cond3A_1072 {
        %add3A_1073 = arith.constant 2 : i32
        %add3A_1074 = arith.addi %add3A_610, %add3A_1073 : i32
        %mul3A_1075 = arith.constant 3 : i32
        %mul3A_1076 = arith.muli %add3A_1074, %mul3A_1075 : i32
        %add3A_1077 = arith.addi %add3A_9, %mul3A_1076 : i32
        %dma_start3A_1078 = arith.constant 0 : i32
        %dma_start3A_1079 = arith.constant 0 : i32
        %dma_start3A_1080 = tpu.memref_slice %arg3[%add3A_1077, %dma_start3A_1078, %dma_start3A_1079] : memref<12500x2x128xi32, #tpu.memory_space<hbm>> -> memref<3x2x128xi32, #tpu.memory_space<hbm>>
        %dma_start3A_1081 = arith.constant 0 : i32
        %dma_start3A_1082 = arith.constant 0 : i32
        %dma_start3A_1083 = tpu.memref_slice %arg3[%add3A_1077, %dma_start3A_1081, %dma_start3A_1082] : memref<12500x2x128xi32, #tpu.memory_space<hbm>> -> memref<3x2x128xi32, #tpu.memory_space<hbm>>
        tpu.enqueue_dma source(%dma_start3A_1083 : memref<3x2x128xi32, #tpu.memory_space<hbm>>) target(%arg7 : memref<3x2x128xi32, #tpu.memory_space<vmem>>) target_semaphore(%arg15 : memref<!tpu.dma_semaphore, #tpu.memory_space<semaphore_mem>>)
      } else {
      }
    }
    %scan3A_61 = arith.constant 65 : i32
    %dma_wait3A = arith.constant 0 : i32
    %dma_wait3A_62 = arith.constant 0 : i32
    %dma_wait3A_63 = arith.constant 1 : i32
    %dma_wait3A_64 = arith.constant 0 : i32
    %dma_wait3A_65 = arith.constant 0 : i32
    %dma_wait3A_66 = tpu.memref_slice %arg10[%dma_wait3A, %dma_wait3A_64, %dma_wait3A_65] : memref<3x128x32xf32, #tpu.memory_space<vmem>> -> memref<1x128x32xf32, #tpu.memory_space<vmem>>
    %dma_wait3A_67 = tpu.memref_squeeze %dma_wait3A_66 : memref<1x128x32xf32, #tpu.memory_space<vmem>> -> memref<128x32xf32, #tpu.memory_space<vmem>>
    %dma_wait3A_68 = arith.constant 0 : i32
    %dma_wait3A_69 = tpu.memref_slice %arg8[%dma_wait3A_62, %dma_wait3A_63, %dma_wait3A_68] : memref<3x2x128xi32, #tpu.memory_space<vmem>> -> memref<1x1x128xi32, #tpu.memory_space<vmem>>
    %dma_wait3A_70 = tpu.memref_squeeze %dma_wait3A_69 : memref<1x1x128xi32, #tpu.memory_space<vmem>> -> memref<128xi32, #tpu.memory_space<vmem>>
    %dma_wait3A_71 = arith.constant 0 : i32
    %dma_wait3A_72 = arith.constant 0 : i32
    %dma_wait3A_73 = tpu.memref_slice %arg13[%dma_wait3A_71, %dma_wait3A_72] : memref<50176x32xf32, #tpu.memory_space<vmem_shared>> -> memref<50176x32xf32, #tpu.memory_space<vmem_shared>>
    tpu.wait_indirect_dma semaphore(%arg18 : memref<!tpu.dma_semaphore, #tpu.memory_space<semaphore_mem>>) src(%dma_wait3A_67 : memref<128x32xf32, #tpu.memory_space<vmem>>) dst(%dma_wait3A_73 : memref<50176x32xf32, #tpu.memory_space<vmem_shared>>)
    %dma_wait3A_74 = arith.constant 1 : i32
    %dma_wait3A_75 = arith.constant 1 : i32
    %dma_wait3A_76 = arith.constant 1 : i32
    %dma_wait3A_77 = arith.constant 0 : i32
    %dma_wait3A_78 = arith.constant 0 : i32
    %dma_wait3A_79 = tpu.memref_slice %arg10[%dma_wait3A_74, %dma_wait3A_77, %dma_wait3A_78] : memref<3x128x32xf32, #tpu.memory_space<vmem>> -> memref<1x128x32xf32, #tpu.memory_space<vmem>>
    %dma_wait3A_80 = tpu.memref_squeeze %dma_wait3A_79 : memref<1x128x32xf32, #tpu.memory_space<vmem>> -> memref<128x32xf32, #tpu.memory_space<vmem>>
    %dma_wait3A_81 = arith.constant 0 : i32
    %dma_wait3A_82 = tpu.memref_slice %arg8[%dma_wait3A_75, %dma_wait3A_76, %dma_wait3A_81] : memref<3x2x128xi32, #tpu.memory_space<vmem>> -> memref<1x1x128xi32, #tpu.memory_space<vmem>>
    %dma_wait3A_83 = tpu.memref_squeeze %dma_wait3A_82 : memref<1x1x128xi32, #tpu.memory_space<vmem>> -> memref<128xi32, #tpu.memory_space<vmem>>
    %dma_wait3A_84 = arith.constant 0 : i32
    %dma_wait3A_85 = arith.constant 0 : i32
    %dma_wait3A_86 = tpu.memref_slice %arg13[%dma_wait3A_84, %dma_wait3A_85] : memref<50176x32xf32, #tpu.memory_space<vmem_shared>> -> memref<50176x32xf32, #tpu.memory_space<vmem_shared>>
    tpu.wait_indirect_dma semaphore(%arg18 : memref<!tpu.dma_semaphore, #tpu.memory_space<semaphore_mem>>) src(%dma_wait3A_80 : memref<128x32xf32, #tpu.memory_space<vmem>>) dst(%dma_wait3A_86 : memref<50176x32xf32, #tpu.memory_space<vmem_shared>>)
    %dma_wait3A_87 = arith.constant 2 : i32
    %dma_wait3A_88 = arith.constant 2 : i32
    %dma_wait3A_89 = arith.constant 1 : i32
    %dma_wait3A_90 = arith.constant 0 : i32
    %dma_wait3A_91 = arith.constant 0 : i32
    %dma_wait3A_92 = tpu.memref_slice %arg10[%dma_wait3A_87, %dma_wait3A_90, %dma_wait3A_91] : memref<3x128x32xf32, #tpu.memory_space<vmem>> -> memref<1x128x32xf32, #tpu.memory_space<vmem>>
    %dma_wait3A_93 = tpu.memref_squeeze %dma_wait3A_92 : memref<1x128x32xf32, #tpu.memory_space<vmem>> -> memref<128x32xf32, #tpu.memory_space<vmem>>
    %dma_wait3A_94 = arith.constant 0 : i32
    %dma_wait3A_95 = tpu.memref_slice %arg8[%dma_wait3A_88, %dma_wait3A_89, %dma_wait3A_94] : memref<3x2x128xi32, #tpu.memory_space<vmem>> -> memref<1x1x128xi32, #tpu.memory_space<vmem>>
    %dma_wait3A_96 = tpu.memref_squeeze %dma_wait3A_95 : memref<1x1x128xi32, #tpu.memory_space<vmem>> -> memref<128xi32, #tpu.memory_space<vmem>>
    %dma_wait3A_97 = arith.constant 0 : i32
    %dma_wait3A_98 = arith.constant 0 : i32
    %dma_wait3A_99 = tpu.memref_slice %arg13[%dma_wait3A_97, %dma_wait3A_98] : memref<50176x32xf32, #tpu.memory_space<vmem_shared>> -> memref<50176x32xf32, #tpu.memory_space<vmem_shared>>
    tpu.wait_indirect_dma semaphore(%arg18 : memref<!tpu.dma_semaphore, #tpu.memory_space<semaphore_mem>>) src(%dma_wait3A_93 : memref<128x32xf32, #tpu.memory_space<vmem>>) dst(%dma_wait3A_99 : memref<50176x32xf32, #tpu.memory_space<vmem_shared>>)
    %dma_wait3A_100 = arith.constant 0 : i32
    %dma_wait3A_101 = arith.constant 0 : i32
    %dma_wait3A_102 = arith.constant 1 : i32
    %dma_wait3A_103 = arith.constant 0 : i32
    %dma_wait3A_104 = arith.constant 0 : i32
    %dma_wait3A_105 = tpu.memref_slice %arg11[%dma_wait3A_100, %dma_wait3A_103, %dma_wait3A_104] : memref<3x128x32xf32, #tpu.memory_space<vmem>> -> memref<1x128x32xf32, #tpu.memory_space<vmem>>
    %dma_wait3A_106 = tpu.memref_squeeze %dma_wait3A_105 : memref<1x128x32xf32, #tpu.memory_space<vmem>> -> memref<128x32xf32, #tpu.memory_space<vmem>>
    %dma_wait3A_107 = arith.constant 0 : i32
    %dma_wait3A_108 = tpu.memref_slice %arg9[%dma_wait3A_101, %dma_wait3A_102, %dma_wait3A_107] : memref<3x2x128xi32, #tpu.memory_space<vmem>> -> memref<1x1x128xi32, #tpu.memory_space<vmem>>
    %dma_wait3A_109 = tpu.memref_squeeze %dma_wait3A_108 : memref<1x1x128xi32, #tpu.memory_space<vmem>> -> memref<128xi32, #tpu.memory_space<vmem>>
    %dma_wait3A_110 = arith.constant 0 : i32
    %dma_wait3A_111 = arith.constant 0 : i32
    %dma_wait3A_112 = tpu.memref_slice %arg13[%dma_wait3A_110, %dma_wait3A_111] : memref<50176x32xf32, #tpu.memory_space<vmem_shared>> -> memref<50176x32xf32, #tpu.memory_space<vmem_shared>>
    tpu.wait_indirect_dma semaphore(%arg19 : memref<!tpu.dma_semaphore, #tpu.memory_space<semaphore_mem>>) src(%dma_wait3A_106 : memref<128x32xf32, #tpu.memory_space<vmem>>) dst(%dma_wait3A_112 : memref<50176x32xf32, #tpu.memory_space<vmem_shared>>)
    %dma_wait3A_113 = arith.constant 1 : i32
    %dma_wait3A_114 = arith.constant 1 : i32
    %dma_wait3A_115 = arith.constant 1 : i32
    %dma_wait3A_116 = arith.constant 0 : i32
    %dma_wait3A_117 = arith.constant 0 : i32
    %dma_wait3A_118 = tpu.memref_slice %arg11[%dma_wait3A_113, %dma_wait3A_116, %dma_wait3A_117] : memref<3x128x32xf32, #tpu.memory_space<vmem>> -> memref<1x128x32xf32, #tpu.memory_space<vmem>>
    %dma_wait3A_119 = tpu.memref_squeeze %dma_wait3A_118 : memref<1x128x32xf32, #tpu.memory_space<vmem>> -> memref<128x32xf32, #tpu.memory_space<vmem>>
    %dma_wait3A_120 = arith.constant 0 : i32
    %dma_wait3A_121 = tpu.memref_slice %arg9[%dma_wait3A_114, %dma_wait3A_115, %dma_wait3A_120] : memref<3x2x128xi32, #tpu.memory_space<vmem>> -> memref<1x1x128xi32, #tpu.memory_space<vmem>>
    %dma_wait3A_122 = tpu.memref_squeeze %dma_wait3A_121 : memref<1x1x128xi32, #tpu.memory_space<vmem>> -> memref<128xi32, #tpu.memory_space<vmem>>
    %dma_wait3A_123 = arith.constant 0 : i32
    %dma_wait3A_124 = arith.constant 0 : i32
    %dma_wait3A_125 = tpu.memref_slice %arg13[%dma_wait3A_123, %dma_wait3A_124] : memref<50176x32xf32, #tpu.memory_space<vmem_shared>> -> memref<50176x32xf32, #tpu.memory_space<vmem_shared>>
    tpu.wait_indirect_dma semaphore(%arg19 : memref<!tpu.dma_semaphore, #tpu.memory_space<semaphore_mem>>) src(%dma_wait3A_119 : memref<128x32xf32, #tpu.memory_space<vmem>>) dst(%dma_wait3A_125 : memref<50176x32xf32, #tpu.memory_space<vmem_shared>>)
    %dma_wait3A_126 = arith.constant 2 : i32
    %dma_wait3A_127 = arith.constant 2 : i32
    %dma_wait3A_128 = arith.constant 1 : i32
    %dma_wait3A_129 = arith.constant 0 : i32
    %dma_wait3A_130 = arith.constant 0 : i32
    %dma_wait3A_131 = tpu.memref_slice %arg11[%dma_wait3A_126, %dma_wait3A_129, %dma_wait3A_130] : memref<3x128x32xf32, #tpu.memory_space<vmem>> -> memref<1x128x32xf32, #tpu.memory_space<vmem>>
    %dma_wait3A_132 = tpu.memref_squeeze %dma_wait3A_131 : memref<1x128x32xf32, #tpu.memory_space<vmem>> -> memref<128x32xf32, #tpu.memory_space<vmem>>
    %dma_wait3A_133 = arith.constant 0 : i32
    %dma_wait3A_134 = tpu.memref_slice %arg9[%dma_wait3A_127, %dma_wait3A_128, %dma_wait3A_133] : memref<3x2x128xi32, #tpu.memory_space<vmem>> -> memref<1x1x128xi32, #tpu.memory_space<vmem>>
    %dma_wait3A_135 = tpu.memref_squeeze %dma_wait3A_134 : memref<1x1x128xi32, #tpu.memory_space<vmem>> -> memref<128xi32, #tpu.memory_space<vmem>>
    %dma_wait3A_136 = arith.constant 0 : i32
    %dma_wait3A_137 = arith.constant 0 : i32
    %dma_wait3A_138 = tpu.memref_slice %arg13[%dma_wait3A_136, %dma_wait3A_137] : memref<50176x32xf32, #tpu.memory_space<vmem_shared>> -> memref<50176x32xf32, #tpu.memory_space<vmem_shared>>
    tpu.wait_indirect_dma semaphore(%arg19 : memref<!tpu.dma_semaphore, #tpu.memory_space<semaphore_mem>>) src(%dma_wait3A_132 : memref<128x32xf32, #tpu.memory_space<vmem>>) dst(%dma_wait3A_138 : memref<50176x32xf32, #tpu.memory_space<vmem_shared>>)
    %lt3A = arith.constant 20 : i32
    %lt3A_139 = arith.cmpi slt, %add3A, %lt3A : i32
    %convert_element_type3A = arith.extui %lt3A_139 : i1 to i32
    %cond3A = arith.constant 0 : i32
    %cond3A_140 = arith.cmpi ne, %convert_element_type3A, %cond3A : i32
    scf.if %cond3A_140 {
      %add3A_148 = arith.constant 390 : i32
      %add3A_149 = arith.addi %add3A_9, %add3A_148 : i32
      "tpu.region"() ({
        %run_scoped3A_178 = tpu.sem_alloc : memref<!tpu.dma_semaphore, #tpu.memory_space<semaphore_mem>>
        %dma_start3A_179 = arith.constant 0 : i32
        %dma_start3A_180 = arith.constant 0 : i32
        %dma_start3A_181 = arith.constant 0 : i32
        %dma_start3A_182 = tpu.memref_slice %arg6[%dma_start3A_179, %dma_start3A_180, %dma_start3A_181] : memref<3x2x128xi32, #tpu.memory_space<vmem>> -> memref<1x2x128xi32, #tpu.memory_space<vmem>>
        %dma_start3A_183 = arith.constant 0 : i32
        %dma_start3A_184 = arith.constant 0 : i32
        %dma_start3A_185 = tpu.memref_slice %arg3[%add3A_149, %dma_start3A_183, %dma_start3A_184] : memref<12500x2x128xi32, #tpu.memory_space<hbm>> -> memref<1x2x128xi32, #tpu.memory_space<hbm>>
        %dma_start3A_186 = arith.constant 0 : i32
        %dma_start3A_187 = arith.constant 0 : i32
        %dma_start3A_188 = arith.constant 0 : i32
        %dma_start3A_189 = tpu.memref_slice %arg6[%dma_start3A_186, %dma_start3A_187, %dma_start3A_188] : memref<3x2x128xi32, #tpu.memory_space<vmem>> -> memref<1x2x128xi32, #tpu.memory_space<vmem>>
        %dma_start3A_190 = arith.constant 0 : i32
        %dma_start3A_191 = arith.constant 0 : i32
        %dma_start3A_192 = tpu.memref_slice %arg3[%add3A_149, %dma_start3A_190, %dma_start3A_191] : memref<12500x2x128xi32, #tpu.memory_space<hbm>> -> memref<1x2x128xi32, #tpu.memory_space<hbm>>
        tpu.enqueue_dma source(%dma_start3A_192 : memref<1x2x128xi32, #tpu.memory_space<hbm>>) target(%dma_start3A_189 : memref<1x2x128xi32, #tpu.memory_space<vmem>>) target_semaphore(%run_scoped3A_178 : memref<!tpu.dma_semaphore, #tpu.memory_space<semaphore_mem>>)
        %dma_wait3A_193 = arith.constant 0 : i32
        %dma_wait3A_194 = arith.constant 0 : i32
        %dma_wait3A_195 = arith.constant 0 : i32
        %dma_wait3A_196 = tpu.memref_slice %arg6[%dma_wait3A_193, %dma_wait3A_194, %dma_wait3A_195] : memref<3x2x128xi32, #tpu.memory_space<vmem>> -> memref<1x2x128xi32, #tpu.memory_space<vmem>>
        %dma_wait3A_197 = arith.constant 0 : i32
        %dma_wait3A_198 = arith.constant 0 : i32
        %dma_wait3A_199 = tpu.memref_slice %arg3[%add3A_149, %dma_wait3A_197, %dma_wait3A_198] : memref<12500x2x128xi32, #tpu.memory_space<hbm>> -> memref<1x2x128xi32, #tpu.memory_space<hbm>>
        %dma_wait3A_200 = arith.constant 0 : i32
        %dma_wait3A_201 = arith.constant 0 : i32
        %dma_wait3A_202 = arith.constant 0 : i32
        %dma_wait3A_203 = tpu.memref_slice %arg6[%dma_wait3A_200, %dma_wait3A_201, %dma_wait3A_202] : memref<3x2x128xi32, #tpu.memory_space<vmem>> -> memref<1x2x128xi32, #tpu.memory_space<vmem>>
        %dma_wait3A_204 = arith.constant 0 : i32
        %dma_wait3A_205 = arith.constant 0 : i32
        %dma_wait3A_206 = tpu.memref_slice %arg3[%add3A_149, %dma_wait3A_204, %dma_wait3A_205] : memref<12500x2x128xi32, #tpu.memory_space<hbm>> -> memref<1x2x128xi32, #tpu.memory_space<hbm>>
        tpu.wait_dma2 semaphore(%run_scoped3A_178 : memref<!tpu.dma_semaphore, #tpu.memory_space<semaphore_mem>>) src(%dma_wait3A_206 : memref<1x2x128xi32, #tpu.memory_space<hbm>>) dst(%dma_wait3A_203 : memref<1x2x128xi32, #tpu.memory_space<vmem>>)
        tpu.yield
      }) : () -> ()
      %dma_start3A_150 = arith.constant 0 : i32
      %dma_start3A_151 = arith.constant 0 : i32
      %dma_start3A_152 = arith.constant 0 : i32
      %dma_start3A_153 = arith.constant 0 : i32
      %dma_start3A_154 = arith.constant 0 : i32
      %dma_start3A_155 = tpu.memref_slice %arg10[%dma_start3A_152, %dma_start3A_153, %dma_start3A_154] : memref<3x128x32xf32, #tpu.memory_space<vmem>> -> memref<1x128x32xf32, #tpu.memory_space<vmem>>
      %dma_start3A_156 = tpu.memref_squeeze %dma_start3A_155 : memref<1x128x32xf32, #tpu.memory_space<vmem>> -> memref<128x32xf32, #tpu.memory_space<vmem>>
      %dma_start3A_157 = arith.constant 0 : i32
      %dma_start3A_158 = tpu.memref_slice %arg6[%dma_start3A_150, %dma_start3A_151, %dma_start3A_157] : memref<3x2x128xi32, #tpu.memory_space<vmem>> -> memref<1x1x128xi32, #tpu.memory_space<vmem>>
      %dma_start3A_159 = tpu.memref_squeeze %dma_start3A_158 : memref<1x1x128xi32, #tpu.memory_space<vmem>> -> memref<128xi32, #tpu.memory_space<vmem>>
      %dma_start3A_160 = arith.constant 0 : i32
      %dma_start3A_161 = arith.constant 0 : i32
      %dma_start3A_162 = tpu.memref_slice %arg2[%dma_start3A_160, %dma_start3A_161] : memref<50176x32xf32, #tpu.memory_space<hbm>> -> memref<50176x32xf32, #tpu.memory_space<hbm>>
      tpu.enqueue_indirect_dma source(%dma_start3A_162 : memref<50176x32xf32, #tpu.memory_space<hbm>>) target(%dma_start3A_156 : memref<128x32xf32, #tpu.memory_space<vmem>>) offsets(%dma_start3A_159 : memref<128xi32, #tpu.memory_space<vmem>>) semaphore(%arg16 : memref<!tpu.dma_semaphore, #tpu.memory_space<semaphore_mem>>)
      %dma_wait3A_163 = arith.constant 0 : i32
      %dma_wait3A_164 = arith.constant 0 : i32
      %dma_wait3A_165 = arith.constant 0 : i32
      %dma_wait3A_166 = arith.constant 0 : i32
      %dma_wait3A_167 = arith.constant 0 : i32
      %dma_wait3A_168 = tpu.memref_slice %arg10[%dma_wait3A_165, %dma_wait3A_166, %dma_wait3A_167] : memref<3x128x32xf32, #tpu.memory_space<vmem>> -> memref<1x128x32xf32, #tpu.memory_space<vmem>>
      %dma_wait3A_169 = tpu.memref_squeeze %dma_wait3A_168 : memref<1x128x32xf32, #tpu.memory_space<vmem>> -> memref<128x32xf32, #tpu.memory_space<vmem>>
      %dma_wait3A_170 = arith.constant 0 : i32
      %dma_wait3A_171 = tpu.memref_slice %arg6[%dma_wait3A_163, %dma_wait3A_164, %dma_wait3A_170] : memref<3x2x128xi32, #tpu.memory_space<vmem>> -> memref<1x1x128xi32, #tpu.memory_space<vmem>>
      %dma_wait3A_172 = tpu.memref_squeeze %dma_wait3A_171 : memref<1x1x128xi32, #tpu.memory_space<vmem>> -> memref<128xi32, #tpu.memory_space<vmem>>
      %dma_wait3A_173 = arith.constant 0 : i32
      %dma_wait3A_174 = arith.constant 0 : i32
      %dma_wait3A_175 = tpu.memref_slice %arg2[%dma_wait3A_173, %dma_wait3A_174] : memref<50176x32xf32, #tpu.memory_space<hbm>> -> memref<50176x32xf32, #tpu.memory_space<hbm>>
      tpu.wait_indirect_dma semaphore(%arg16 : memref<!tpu.dma_semaphore, #tpu.memory_space<semaphore_mem>>) src(%dma_wait3A_175 : memref<50176x32xf32, #tpu.memory_space<hbm>>) dst(%dma_wait3A_169 : memref<128x32xf32, #tpu.memory_space<vmem>>)
      %run_scoped3A = arith.constant 0 : i32
      %run_scoped3A_176 = arith.constant 0 : i32
      %run_scoped3A_177 = arith.constant 1 : i32
      "tpu.region"() ({
        %run_scoped3A_178 = tpu.sem_alloc : memref<!tpu.dma_semaphore, #tpu.memory_space<semaphore_mem>>
        %dma_start3A_179 = arith.constant 0 : i32
        %dma_start3A_180 = arith.constant 0 : i32
        %dma_start3A_181 = tpu.memref_slice %arg10[%run_scoped3A, %dma_start3A_179, %dma_start3A_180] : memref<3x128x32xf32, #tpu.memory_space<vmem>> -> memref<1x128x32xf32, #tpu.memory_space<vmem>>
        %dma_start3A_182 = tpu.memref_squeeze %dma_start3A_181 : memref<1x128x32xf32, #tpu.memory_space<vmem>> -> memref<128x32xf32, #tpu.memory_space<vmem>>
        %dma_start3A_183 = arith.constant 0 : i32
        %dma_start3A_184 = tpu.memref_slice %arg6[%run_scoped3A_176, %run_scoped3A_177, %dma_start3A_183] : memref<3x2x128xi32, #tpu.memory_space<vmem>> -> memref<1x1x128xi32, #tpu.memory_space<vmem>>
        %dma_start3A_185 = tpu.memref_squeeze %dma_start3A_184 : memref<1x1x128xi32, #tpu.memory_space<vmem>> -> memref<128xi32, #tpu.memory_space<vmem>>
        %dma_start3A_186 = arith.constant 0 : i32
        %dma_start3A_187 = arith.constant 0 : i32
        %dma_start3A_188 = tpu.memref_slice %arg13[%dma_start3A_186, %dma_start3A_187] : memref<50176x32xf32, #tpu.memory_space<vmem_shared>> -> memref<50176x32xf32, #tpu.memory_space<vmem_shared>>
        tpu.enqueue_indirect_dma source(%dma_start3A_182 : memref<128x32xf32, #tpu.memory_space<vmem>>) target(%dma_start3A_188 : memref<50176x32xf32, #tpu.memory_space<vmem_shared>>) offsets(%dma_start3A_185 : memref<128xi32, #tpu.memory_space<vmem>>) semaphore(%run_scoped3A_178 : memref<!tpu.dma_semaphore, #tpu.memory_space<semaphore_mem>>) {add = true}
        %dma_wait3A_189 = arith.constant 0 : i32
        %dma_wait3A_190 = arith.constant 0 : i32
        %dma_wait3A_191 = tpu.memref_slice %arg10[%run_scoped3A, %dma_wait3A_189, %dma_wait3A_190] : memref<3x128x32xf32, #tpu.memory_space<vmem>> -> memref<1x128x32xf32, #tpu.memory_space<vmem>>
        %dma_wait3A_192 = tpu.memref_squeeze %dma_wait3A_191 : memref<1x128x32xf32, #tpu.memory_space<vmem>> -> memref<128x32xf32, #tpu.memory_space<vmem>>
        %dma_wait3A_193 = arith.constant 0 : i32
        %dma_wait3A_194 = tpu.memref_slice %arg6[%run_scoped3A_176, %run_scoped3A_177, %dma_wait3A_193] : memref<3x2x128xi32, #tpu.memory_space<vmem>> -> memref<1x1x128xi32, #tpu.memory_space<vmem>>
        %dma_wait3A_195 = tpu.memref_squeeze %dma_wait3A_194 : memref<1x1x128xi32, #tpu.memory_space<vmem>> -> memref<128xi32, #tpu.memory_space<vmem>>
        %dma_wait3A_196 = arith.constant 0 : i32
        %dma_wait3A_197 = arith.constant 0 : i32
        %dma_wait3A_198 = tpu.memref_slice %arg13[%dma_wait3A_196, %dma_wait3A_197] : memref<50176x32xf32, #tpu.memory_space<vmem_shared>> -> memref<50176x32xf32, #tpu.memory_space<vmem_shared>>
        tpu.wait_indirect_dma semaphore(%run_scoped3A_178 : memref<!tpu.dma_semaphore, #tpu.memory_space<semaphore_mem>>) src(%dma_wait3A_192 : memref<128x32xf32, #tpu.memory_space<vmem>>) dst(%dma_wait3A_198 : memref<50176x32xf32, #tpu.memory_space<vmem_shared>>)
        tpu.yield
      }) : () -> ()
    } else {
    }
    %barrier3A_141 = arith.constant 0 : index
    tpu.barrier barrier_id(%barrier3A_141)
    %scan3A_142 = arith.constant 0 : i32
    %scan3A_143 = arith.constant 0 : i32
    %scan3A_144 = arith.constant 64 : i32
    %scan3A_145 = arith.addi %scan3A_143, %scan3A_144 : i32
    %scan3A_146 = arith.constant 1 : i32
    scf.for %scan3A_148 = %scan3A_143 to %scan3A_145 step %scan3A_146  : i32 {
      %mul3A_149 = arith.constant 3136 : i32
      %mul3A_150 = arith.muli %arg1, %mul3A_149 : i32
      %mul3A_151 = arith.constant 49 : i32
      %mul3A_152 = arith.muli %scan3A_148, %mul3A_151 : i32
      %add3A_153 = arith.addi %mul3A_150, %mul3A_152 : i32
      "tpu.region"() ({
        %run_scoped3A = tpu.sem_alloc : memref<!tpu.dma_semaphore, #tpu.memory_space<semaphore_mem>>
        %dma_start3A_154 = arith.constant 0 : i32
        %dma_start3A_155 = tpu.memref_slice %arg13[%add3A_153, %dma_start3A_154] : memref<50176x32xf32, #tpu.memory_space<vmem_shared>> -> memref<49x32xf32, #tpu.memory_space<vmem_shared>>
        %dma_start3A_156 = arith.constant 0 : i32
        %dma_start3A_157 = tpu.memref_slice %arg13[%add3A_153, %dma_start3A_156] : memref<50176x32xf32, #tpu.memory_space<vmem_shared>> -> memref<49x32xf32, #tpu.memory_space<vmem_shared>>
        tpu.enqueue_dma source(%dma_start3A_157 : memref<49x32xf32, #tpu.memory_space<vmem_shared>>) target(%arg12 : memref<49x32xf32, #tpu.memory_space<vmem>>) target_semaphore(%run_scoped3A : memref<!tpu.dma_semaphore, #tpu.memory_space<semaphore_mem>>)
        %dma_wait3A_158 = arith.constant 0 : i32
        %dma_wait3A_159 = tpu.memref_slice %arg13[%add3A_153, %dma_wait3A_158] : memref<50176x32xf32, #tpu.memory_space<vmem_shared>> -> memref<49x32xf32, #tpu.memory_space<vmem_shared>>
        %dma_wait3A_160 = arith.constant 0 : i32
        %dma_wait3A_161 = tpu.memref_slice %arg13[%add3A_153, %dma_wait3A_160] : memref<50176x32xf32, #tpu.memory_space<vmem_shared>> -> memref<49x32xf32, #tpu.memory_space<vmem_shared>>
        tpu.wait_dma2 semaphore(%run_scoped3A : memref<!tpu.dma_semaphore, #tpu.memory_space<semaphore_mem>>) src(%dma_wait3A_161 : memref<49x32xf32, #tpu.memory_space<vmem_shared>>) dst(%arg12 : memref<49x32xf32, #tpu.memory_space<vmem>>)
        tpu.yield
      }) : () -> ()
      "tpu.region"() ({
        %run_scoped3A = tpu.sem_alloc : memref<!tpu.dma_semaphore, #tpu.memory_space<semaphore_mem>>
        %dma_start3A_154 = arith.constant 0 : i32
        %dma_start3A_155 = tpu.memref_slice %arg5[%arg0, %add3A_153, %dma_start3A_154] : memref<2x50176x32xf32, #tpu.memory_space<hbm>> -> memref<1x49x32xf32, #tpu.memory_space<hbm>>
        %dma_start3A_156 = tpu.memref_squeeze %dma_start3A_155 : memref<1x49x32xf32, #tpu.memory_space<hbm>> -> memref<49x32xf32, #tpu.memory_space<hbm>>
        %dma_start3A_157 = arith.constant 0 : i32
        %dma_start3A_158 = tpu.memref_slice %arg5[%arg0, %add3A_153, %dma_start3A_157] : memref<2x50176x32xf32, #tpu.memory_space<hbm>> -> memref<1x49x32xf32, #tpu.memory_space<hbm>>
        %dma_start3A_159 = tpu.memref_squeeze %dma_start3A_158 : memref<1x49x32xf32, #tpu.memory_space<hbm>> -> memref<49x32xf32, #tpu.memory_space<hbm>>
        tpu.enqueue_dma source(%arg12 : memref<49x32xf32, #tpu.memory_space<vmem>>) target(%dma_start3A_159 : memref<49x32xf32, #tpu.memory_space<hbm>>) target_semaphore(%run_scoped3A : memref<!tpu.dma_semaphore, #tpu.memory_space<semaphore_mem>>)
        %dma_wait3A_160 = arith.constant 0 : i32
        %dma_wait3A_161 = tpu.memref_slice %arg5[%arg0, %add3A_153, %dma_wait3A_160] : memref<2x50176x32xf32, #tpu.memory_space<hbm>> -> memref<1x49x32xf32, #tpu.memory_space<hbm>>
        %dma_wait3A_162 = tpu.memref_squeeze %dma_wait3A_161 : memref<1x49x32xf32, #tpu.memory_space<hbm>> -> memref<49x32xf32, #tpu.memory_space<hbm>>
        %dma_wait3A_163 = arith.constant 0 : i32
        %dma_wait3A_164 = tpu.memref_slice %arg5[%arg0, %add3A_153, %dma_wait3A_163] : memref<2x50176x32xf32, #tpu.memory_space<hbm>> -> memref<1x49x32xf32, #tpu.memory_space<hbm>>
        %dma_wait3A_165 = tpu.memref_squeeze %dma_wait3A_164 : memref<1x49x32xf32, #tpu.memory_space<hbm>> -> memref<49x32xf32, #tpu.memory_space<hbm>>
        tpu.wait_dma2 semaphore(%run_scoped3A : memref<!tpu.dma_semaphore, #tpu.memory_space<semaphore_mem>>) src(%arg12 : memref<49x32xf32, #tpu.memory_space<vmem>>) dst(%dma_wait3A_165 : memref<49x32xf32, #tpu.memory_space<hbm>>)
        tpu.yield
      }) : () -> ()
    }
    %scan3A_147 = arith.constant 64 : i32
    return
  }
}

#map = affine_map<(d0, d1) -> (0, 0, 0)>
#map1 = affine_map<(d0, d1) -> (0)>
module attributes {stable_mosaic.version = 14 : i64} {
  func.func @_sc_degree(%arg0: i32, %arg1: i32, %arg2: memref<12500x2x128xi32, #tpu.memory_space<hbm>>, %arg3: memref<3136xf32, #tpu.memory_space<hbm>>, %arg4: memref<100352xf32, #tpu.memory_space<hbm>>, %arg5: memref<3x2x128xi32, #tpu.memory_space<vmem>>, %arg6: memref<3x2x128xi32, #tpu.memory_space<vmem>>, %arg7: memref<3x2x128xi32, #tpu.memory_space<vmem>>, %arg8: memref<3x2x128xi32, #tpu.memory_space<vmem>>, %arg9: memref<128xf32, #tpu.memory_space<vmem>>, %arg10: memref<3136xf32, #tpu.memory_space<vmem>>, %arg11: memref<50176xf32, #tpu.memory_space<vmem_shared>>, %arg12: memref<!tpu.dma_semaphore, #tpu.memory_space<semaphore_mem>>, %arg13: memref<!tpu.dma_semaphore, #tpu.memory_space<semaphore_mem>>, %arg14: memref<!tpu.dma_semaphore, #tpu.memory_space<semaphore_mem>>, %arg15: memref<!tpu.dma_semaphore, #tpu.memory_space<semaphore_mem>>) attributes {dimension_semantics = [#tpu.dimension_semantics<core_parallel>, #tpu.dimension_semantics<subcore_parallel>], iteration_bounds = array<i64: 2, 16>, scalar_prefetch = 0 : i64, scratch_operands = 11 : i64, tpu.core_type = #tpu.core_type<sc_vector_subcore>, window_params = [{transform_indices = #map}, {transform_indices = #map1}, {transform_indices = #map1}]} {
    %mul3A = arith.constant 16 : i32
    %mul3A_0 = arith.muli %arg0, %mul3A : i32
    %add3A = arith.addi %mul3A_0, %arg1 : i32
    "tpu.region"() ({
      %run_scoped3A = tpu.sem_alloc : memref<!tpu.dma_semaphore, #tpu.memory_space<semaphore_mem>>
      tpu.enqueue_dma source(%arg3 : memref<3136xf32, #tpu.memory_space<hbm>>) target(%arg10 : memref<3136xf32, #tpu.memory_space<vmem>>) target_semaphore(%run_scoped3A : memref<!tpu.dma_semaphore, #tpu.memory_space<semaphore_mem>>)
      tpu.wait_dma2 semaphore(%run_scoped3A : memref<!tpu.dma_semaphore, #tpu.memory_space<semaphore_mem>>) src(%arg3 : memref<3136xf32, #tpu.memory_space<hbm>>) dst(%arg10 : memref<3136xf32, #tpu.memory_space<vmem>>)
      tpu.yield
    }) : () -> ()
    %mul3A_1 = arith.constant 3136 : i32
    %mul3A_2 = arith.muli %arg1, %mul3A_1 : i32
    "tpu.region"() ({
      %run_scoped3A = tpu.sem_alloc : memref<!tpu.dma_semaphore, #tpu.memory_space<semaphore_mem>>
      %dma_start3A_116 = tpu.memref_slice %arg11[%mul3A_2] : memref<50176xf32, #tpu.memory_space<vmem_shared>> -> memref<3136xf32, #tpu.memory_space<vmem_shared>>
      %dma_start3A_117 = tpu.memref_slice %arg11[%mul3A_2] : memref<50176xf32, #tpu.memory_space<vmem_shared>> -> memref<3136xf32, #tpu.memory_space<vmem_shared>>
      tpu.enqueue_dma source(%arg10 : memref<3136xf32, #tpu.memory_space<vmem>>) target(%dma_start3A_117 : memref<3136xf32, #tpu.memory_space<vmem_shared>>) target_semaphore(%run_scoped3A : memref<!tpu.dma_semaphore, #tpu.memory_space<semaphore_mem>>)
      %dma_wait3A_118 = tpu.memref_slice %arg11[%mul3A_2] : memref<50176xf32, #tpu.memory_space<vmem_shared>> -> memref<3136xf32, #tpu.memory_space<vmem_shared>>
      %dma_wait3A_119 = tpu.memref_slice %arg11[%mul3A_2] : memref<50176xf32, #tpu.memory_space<vmem_shared>> -> memref<3136xf32, #tpu.memory_space<vmem_shared>>
      tpu.wait_dma2 semaphore(%run_scoped3A : memref<!tpu.dma_semaphore, #tpu.memory_space<semaphore_mem>>) src(%arg10 : memref<3136xf32, #tpu.memory_space<vmem>>) dst(%dma_wait3A_119 : memref<3136xf32, #tpu.memory_space<vmem_shared>>)
      tpu.yield
    }) : () -> ()
    %broadcast_in_dim3A = arith.constant 1.000000e+00 : f32
    %broadcast_in_dim3A_3 = vector.broadcast %broadcast_in_dim3A : f32 to vector<16xf32>
    %swap3A = arith.constant 0 : index
    %swap3A_4 = tpu.vector_load %arg9[%swap3A] {strides = array<i32>} : memref<128xf32, #tpu.memory_space<vmem>>, vector<16xf32>,
    %swap3A_5 = vector.shape_cast %swap3A_4 : vector<16xf32> to vector<16xf32>
    %swap3A_6 = vector.shape_cast %broadcast_in_dim3A_3 : vector<16xf32> to vector<16xf32>
    tpu.vector_store %arg9[%swap3A], %swap3A_6 {strides = array<i32>} : memref<128xf32, #tpu.memory_space<vmem>>, vector<16xf32>,
    %broadcast_in_dim3A_7 = arith.constant 1.000000e+00 : f32
    %broadcast_in_dim3A_8 = vector.broadcast %broadcast_in_dim3A_7 : f32 to vector<16xf32>
    %swap3A_9 = arith.constant 16 : index
    %swap3A_10 = tpu.vector_load %arg9[%swap3A_9] {strides = array<i32>} : memref<128xf32, #tpu.memory_space<vmem>>, vector<16xf32>,
    %swap3A_11 = vector.shape_cast %swap3A_10 : vector<16xf32> to vector<16xf32>
    %swap3A_12 = vector.shape_cast %broadcast_in_dim3A_8 : vector<16xf32> to vector<16xf32>
    tpu.vector_store %arg9[%swap3A_9], %swap3A_12 {strides = array<i32>} : memref<128xf32, #tpu.memory_space<vmem>>, vector<16xf32>,
    %broadcast_in_dim3A_13 = arith.constant 1.000000e+00 : f32
    %broadcast_in_dim3A_14 = vector.broadcast %broadcast_in_dim3A_13 : f32 to vector<16xf32>
    %swap3A_15 = arith.constant 32 : index
    %swap3A_16 = tpu.vector_load %arg9[%swap3A_15] {strides = array<i32>} : memref<128xf32, #tpu.memory_space<vmem>>, vector<16xf32>,
    %swap3A_17 = vector.shape_cast %swap3A_16 : vector<16xf32> to vector<16xf32>
    %swap3A_18 = vector.shape_cast %broadcast_in_dim3A_14 : vector<16xf32> to vector<16xf32>
    tpu.vector_store %arg9[%swap3A_15], %swap3A_18 {strides = array<i32>} : memref<128xf32, #tpu.memory_space<vmem>>, vector<16xf32>,
    %broadcast_in_dim3A_19 = arith.constant 1.000000e+00 : f32
    %broadcast_in_dim3A_20 = vector.broadcast %broadcast_in_dim3A_19 : f32 to vector<16xf32>
    %swap3A_21 = arith.constant 48 : index
    %swap3A_22 = tpu.vector_load %arg9[%swap3A_21] {strides = array<i32>} : memref<128xf32, #tpu.memory_space<vmem>>, vector<16xf32>,
    %swap3A_23 = vector.shape_cast %swap3A_22 : vector<16xf32> to vector<16xf32>
    %swap3A_24 = vector.shape_cast %broadcast_in_dim3A_20 : vector<16xf32> to vector<16xf32>
    tpu.vector_store %arg9[%swap3A_21], %swap3A_24 {strides = array<i32>} : memref<128xf32, #tpu.memory_space<vmem>>, vector<16xf32>,
    %broadcast_in_dim3A_25 = arith.constant 1.000000e+00 : f32
    %broadcast_in_dim3A_26 = vector.broadcast %broadcast_in_dim3A_25 : f32 to vector<16xf32>
    %swap3A_27 = arith.constant 64 : index
    %swap3A_28 = tpu.vector_load %arg9[%swap3A_27] {strides = array<i32>} : memref<128xf32, #tpu.memory_space<vmem>>, vector<16xf32>,
    %swap3A_29 = vector.shape_cast %swap3A_28 : vector<16xf32> to vector<16xf32>
    %swap3A_30 = vector.shape_cast %broadcast_in_dim3A_26 : vector<16xf32> to vector<16xf32>
    tpu.vector_store %arg9[%swap3A_27], %swap3A_30 {strides = array<i32>} : memref<128xf32, #tpu.memory_space<vmem>>, vector<16xf32>,
    %broadcast_in_dim3A_31 = arith.constant 1.000000e+00 : f32
    %broadcast_in_dim3A_32 = vector.broadcast %broadcast_in_dim3A_31 : f32 to vector<16xf32>
    %swap3A_33 = arith.constant 80 : index
    %swap3A_34 = tpu.vector_load %arg9[%swap3A_33] {strides = array<i32>} : memref<128xf32, #tpu.memory_space<vmem>>, vector<16xf32>,
    %swap3A_35 = vector.shape_cast %swap3A_34 : vector<16xf32> to vector<16xf32>
    %swap3A_36 = vector.shape_cast %broadcast_in_dim3A_32 : vector<16xf32> to vector<16xf32>
    tpu.vector_store %arg9[%swap3A_33], %swap3A_36 {strides = array<i32>} : memref<128xf32, #tpu.memory_space<vmem>>, vector<16xf32>,
    %broadcast_in_dim3A_37 = arith.constant 1.000000e+00 : f32
    %broadcast_in_dim3A_38 = vector.broadcast %broadcast_in_dim3A_37 : f32 to vector<16xf32>
    %swap3A_39 = arith.constant 96 : index
    %swap3A_40 = tpu.vector_load %arg9[%swap3A_39] {strides = array<i32>} : memref<128xf32, #tpu.memory_space<vmem>>, vector<16xf32>,
    %swap3A_41 = vector.shape_cast %swap3A_40 : vector<16xf32> to vector<16xf32>
    %swap3A_42 = vector.shape_cast %broadcast_in_dim3A_38 : vector<16xf32> to vector<16xf32>
    tpu.vector_store %arg9[%swap3A_39], %swap3A_42 {strides = array<i32>} : memref<128xf32, #tpu.memory_space<vmem>>, vector<16xf32>,
    %broadcast_in_dim3A_43 = arith.constant 1.000000e+00 : f32
    %broadcast_in_dim3A_44 = vector.broadcast %broadcast_in_dim3A_43 : f32 to vector<16xf32>
    %swap3A_45 = arith.constant 112 : index
    %swap3A_46 = tpu.vector_load %arg9[%swap3A_45] {strides = array<i32>} : memref<128xf32, #tpu.memory_space<vmem>>, vector<16xf32>,
    %swap3A_47 = vector.shape_cast %swap3A_46 : vector<16xf32> to vector<16xf32>
    %swap3A_48 = vector.shape_cast %broadcast_in_dim3A_44 : vector<16xf32> to vector<16xf32>
    tpu.vector_store %arg9[%swap3A_45], %swap3A_48 {strides = array<i32>} : memref<128xf32, #tpu.memory_space<vmem>>, vector<16xf32>,
    %barrier3A = arith.constant 0 : index
    tpu.barrier barrier_id(%barrier3A)
    %mul3A_49 = arith.constant 390 : i32
    %mul3A_50 = arith.muli %add3A, %mul3A_49 : i32
    %min3A = arith.constant 20 : i32
    %min3A_51 = arith.minsi %add3A, %min3A : i32
    %add3A_52 = arith.addi %mul3A_50, %min3A_51 : i32
    "tpu.region"() ({
      %run_scoped3A = tpu.sem_alloc : memref<!tpu.dma_semaphore, #tpu.memory_space<semaphore_mem>>
      %dma_start3A_116 = arith.constant 0 : i32
      %dma_start3A_117 = arith.constant 0 : i32
      %dma_start3A_118 = tpu.memref_slice %arg2[%add3A_52, %dma_start3A_116, %dma_start3A_117] : memref<12500x2x128xi32, #tpu.memory_space<hbm>> -> memref<3x2x128xi32, #tpu.memory_space<hbm>>
      %dma_start3A_119 = arith.constant 0 : i32
      %dma_start3A_120 = arith.constant 0 : i32
      %dma_start3A_121 = tpu.memref_slice %arg2[%add3A_52, %dma_start3A_119, %dma_start3A_120] : memref<12500x2x128xi32, #tpu.memory_space<hbm>> -> memref<3x2x128xi32, #tpu.memory_space<hbm>>
      tpu.enqueue_dma source(%dma_start3A_121 : memref<3x2x128xi32, #tpu.memory_space<hbm>>) target(%arg5 : memref<3x2x128xi32, #tpu.memory_space<vmem>>) target_semaphore(%run_scoped3A : memref<!tpu.dma_semaphore, #tpu.memory_space<semaphore_mem>>)
      %dma_wait3A_122 = arith.constant 0 : i32
      %dma_wait3A_123 = arith.constant 0 : i32
      %dma_wait3A_124 = tpu.memref_slice %arg2[%add3A_52, %dma_wait3A_122, %dma_wait3A_123] : memref<12500x2x128xi32, #tpu.memory_space<hbm>> -> memref<3x2x128xi32, #tpu.memory_space<hbm>>
      %dma_wait3A_125 = arith.constant 0 : i32
      %dma_wait3A_126 = arith.constant 0 : i32
      %dma_wait3A_127 = tpu.memref_slice %arg2[%add3A_52, %dma_wait3A_125, %dma_wait3A_126] : memref<12500x2x128xi32, #tpu.memory_space<hbm>> -> memref<3x2x128xi32, #tpu.memory_space<hbm>>
      tpu.wait_dma2 semaphore(%run_scoped3A : memref<!tpu.dma_semaphore, #tpu.memory_space<semaphore_mem>>) src(%dma_wait3A_127 : memref<3x2x128xi32, #tpu.memory_space<hbm>>) dst(%arg5 : memref<3x2x128xi32, #tpu.memory_space<vmem>>)
      tpu.yield
    }) : () -> ()
    %add3A_53 = arith.constant 3 : i32
    %add3A_54 = arith.addi %add3A_52, %add3A_53 : i32
    %dma_start3A = arith.constant 0 : i32
    %dma_start3A_55 = arith.constant 0 : i32
    %dma_start3A_56 = tpu.memref_slice %arg2[%add3A_54, %dma_start3A, %dma_start3A_55] : memref<12500x2x128xi32, #tpu.memory_space<hbm>> -> memref<3x2x128xi32, #tpu.memory_space<hbm>>
    %dma_start3A_57 = arith.constant 0 : i32
    %dma_start3A_58 = arith.constant 0 : i32
    %dma_start3A_59 = tpu.memref_slice %arg2[%add3A_54, %dma_start3A_57, %dma_start3A_58] : memref<12500x2x128xi32, #tpu.memory_space<hbm>> -> memref<3x2x128xi32, #tpu.memory_space<hbm>>
    tpu.enqueue_dma source(%dma_start3A_59 : memref<3x2x128xi32, #tpu.memory_space<hbm>>) target(%arg6 : memref<3x2x128xi32, #tpu.memory_space<vmem>>) target_semaphore(%arg13 : memref<!tpu.dma_semaphore, #tpu.memory_space<semaphore_mem>>)
    %scan3A = arith.constant 0 : i32
    %scan3A_60 = arith.constant 0 : i32
    %scan3A_61 = arith.constant 65 : i32
    %scan3A_62 = arith.addi %scan3A_60, %scan3A_61 : i32
    %scan3A_63 = arith.constant 1 : i32
    scf.for %scan3A_116 = %scan3A_60 to %scan3A_62 step %scan3A_63  : i32 {
      %mul3A_117 = arith.constant 2 : i32
      %mul3A_118 = arith.muli %mul3A_117, %scan3A_116 : i32
      %ge3A = arith.constant 1 : i32
      %ge3A_119 = arith.cmpi sge, %mul3A_118, %ge3A : i32
      %add3A_120 = arith.constant 1 : i32
      %add3A_121 = arith.addi %mul3A_118, %add3A_120 : i32
      %lt3A_122 = arith.constant 130 : i32
      %lt3A_123 = arith.cmpi slt, %add3A_121, %lt3A_122 : i32
      %and3A = arith.andi %ge3A_119, %lt3A_123 : i1
      %convert_element_type3A_124 = arith.extui %and3A : i1 to i32
      %cond3A_125 = arith.constant 0 : i32
      %cond3A_126 = arith.cmpi ne, %convert_element_type3A_124, %cond3A_125 : i32
      scf.if %cond3A_126 {
        %dma_wait3A_928 = arith.constant 0 : i32
        %dma_wait3A_929 = arith.constant 1 : i32
        %dma_wait3A_930 = arith.constant 0 : i32
        %dma_wait3A_931 = tpu.memref_slice %arg8[%dma_wait3A_928, %dma_wait3A_929, %dma_wait3A_930] : memref<3x2x128xi32, #tpu.memory_space<vmem>> -> memref<1x1x128xi32, #tpu.memory_space<vmem>>
        %dma_wait3A_932 = tpu.memref_squeeze %dma_wait3A_931 : memref<1x1x128xi32, #tpu.memory_space<vmem>> -> memref<128xi32, #tpu.memory_space<vmem>>
        %dma_wait3A_933 = arith.constant 0 : i32
        %dma_wait3A_934 = tpu.memref_slice %arg11[%dma_wait3A_933] : memref<50176xf32, #tpu.memory_space<vmem_shared>> -> memref<50176xf32, #tpu.memory_space<vmem_shared>>
        tpu.wait_indirect_dma semaphore(%arg15 : memref<!tpu.dma_semaphore, #tpu.memory_space<semaphore_mem>>) src(%arg9 : memref<128xf32, #tpu.memory_space<vmem>>) dst(%dma_wait3A_934 : memref<50176xf32, #tpu.memory_space<vmem_shared>>)
        %dma_wait3A_935 = arith.constant 1 : i32
        %dma_wait3A_936 = arith.constant 1 : i32
        %dma_wait3A_937 = arith.constant 0 : i32
        %dma_wait3A_938 = tpu.memref_slice %arg8[%dma_wait3A_935, %dma_wait3A_936, %dma_wait3A_937] : memref<3x2x128xi32, #tpu.memory_space<vmem>> -> memref<1x1x128xi32, #tpu.memory_space<vmem>>
        %dma_wait3A_939 = tpu.memref_squeeze %dma_wait3A_938 : memref<1x1x128xi32, #tpu.memory_space<vmem>> -> memref<128xi32, #tpu.memory_space<vmem>>
        %dma_wait3A_940 = arith.constant 0 : i32
        %dma_wait3A_941 = tpu.memref_slice %arg11[%dma_wait3A_940] : memref<50176xf32, #tpu.memory_space<vmem_shared>> -> memref<50176xf32, #tpu.memory_space<vmem_shared>>
        tpu.wait_indirect_dma semaphore(%arg15 : memref<!tpu.dma_semaphore, #tpu.memory_space<semaphore_mem>>) src(%arg9 : memref<128xf32, #tpu.memory_space<vmem>>) dst(%dma_wait3A_941 : memref<50176xf32, #tpu.memory_space<vmem_shared>>)
        %dma_wait3A_942 = arith.constant 2 : i32
        %dma_wait3A_943 = arith.constant 1 : i32
        %dma_wait3A_944 = arith.constant 0 : i32
        %dma_wait3A_945 = tpu.memref_slice %arg8[%dma_wait3A_942, %dma_wait3A_943, %dma_wait3A_944] : memref<3x2x128xi32, #tpu.memory_space<vmem>> -> memref<1x1x128xi32, #tpu.memory_space<vmem>>
        %dma_wait3A_946 = tpu.memref_squeeze %dma_wait3A_945 : memref<1x1x128xi32, #tpu.memory_space<vmem>> -> memref<128xi32, #tpu.memory_space<vmem>>
        %dma_wait3A_947 = arith.constant 0 : i32
        %dma_wait3A_948 = tpu.memref_slice %arg11[%dma_wait3A_947] : memref<50176xf32, #tpu.memory_space<vmem_shared>> -> memref<50176xf32, #tpu.memory_space<vmem_shared>>
        tpu.wait_indirect_dma semaphore(%arg15 : memref<!tpu.dma_semaphore, #tpu.memory_space<semaphore_mem>>) src(%arg9 : memref<128xf32, #tpu.memory_space<vmem>>) dst(%dma_wait3A_948 : memref<50176xf32, #tpu.memory_space<vmem_shared>>)
      } else {
      }
      %add3A_127 = arith.constant 1 : i32
      %add3A_128 = arith.addi %mul3A_118, %add3A_127 : i32
      %lt3A_129 = arith.constant 130 : i32
      %lt3A_130 = arith.cmpi slt, %add3A_128, %lt3A_129 : i32
      %convert_element_type3A_131 = arith.extui %lt3A_130 : i1 to i32
      %cond3A_132 = arith.constant 0 : i32
      %cond3A_133 = arith.cmpi ne, %convert_element_type3A_131, %cond3A_132 : i32
      scf.if %cond3A_133 {
        %add3A_928 = arith.constant 1 : i32
        %add3A_929 = arith.addi %mul3A_118, %add3A_928 : i32
        %mul3A_930 = arith.constant 3 : i32
        %mul3A_931 = arith.muli %add3A_929, %mul3A_930 : i32
        %add3A_932 = arith.addi %add3A_52, %mul3A_931 : i32
        %dma_wait3A_933 = arith.constant 0 : i32
        %dma_wait3A_934 = arith.constant 0 : i32
        %dma_wait3A_935 = tpu.memref_slice %arg2[%add3A_932, %dma_wait3A_933, %dma_wait3A_934] : memref<12500x2x128xi32, #tpu.memory_space<hbm>> -> memref<3x2x128xi32, #tpu.memory_space<hbm>>
        %dma_wait3A_936 = arith.constant 0 : i32
        %dma_wait3A_937 = arith.constant 0 : i32
        %dma_wait3A_938 = tpu.memref_slice %arg2[%add3A_932, %dma_wait3A_936, %dma_wait3A_937] : memref<12500x2x128xi32, #tpu.memory_space<hbm>> -> memref<3x2x128xi32, #tpu.memory_space<hbm>>
        tpu.wait_dma2 semaphore(%arg13 : memref<!tpu.dma_semaphore, #tpu.memory_space<semaphore_mem>>) src(%dma_wait3A_938 : memref<3x2x128xi32, #tpu.memory_space<hbm>>) dst(%arg6 : memref<3x2x128xi32, #tpu.memory_space<vmem>>)
      } else {
      }
      %get3A = arith.constant 0 : i32
      %get3A_134 = arith.constant 1 : i32
      %get3A_135 = arith.index_cast %get3A : i32 to index
      %get3A_136 = arith.index_cast %get3A_134 : i32 to index
      %get3A_137 = arith.constant 0 : index
      %get3A_138 = tpu.vector_load %arg5[%get3A_135, %get3A_136, %get3A_137] {strides = array<i32>} : memref<3x2x128xi32, #tpu.memory_space<vmem>>, vector<1x1x16xi32>,
      %get3A_139 = vector.shape_cast %get3A_138 : vector<1x1x16xi32> to vector<16xi32>
      %swap3A_140 = arith.constant 0 : i32
      %swap3A_141 = arith.constant 1 : i32
      %swap3A_142 = arith.index_cast %swap3A_140 : i32 to index
      %swap3A_143 = arith.index_cast %swap3A_141 : i32 to index
      %swap3A_144 = arith.constant 0 : index
      %swap3A_145 = tpu.vector_load %arg7[%swap3A_142, %swap3A_143, %swap3A_144] {strides = array<i32>} : memref<3x2x128xi32, #tpu.memory_space<vmem>>, vector<1x1x16xi32>,
      %swap3A_146 = vector.shape_cast %swap3A_145 : vector<1x1x16xi32> to vector<16xi32>
      %swap3A_147 = vector.shape_cast %get3A_139 : vector<16xi32> to vector<1x1x16xi32>
      tpu.vector_store %arg7[%swap3A_142, %swap3A_143, %swap3A_144], %swap3A_147 {strides = array<i32>} : memref<3x2x128xi32, #tpu.memory_space<vmem>>, vector<1x1x16xi32>,
      %get3A_148 = arith.constant 0 : i32
      %get3A_149 = arith.constant 1 : i32
      %get3A_150 = arith.index_cast %get3A_148 : i32 to index
      %get3A_151 = arith.index_cast %get3A_149 : i32 to index
      %get3A_152 = arith.constant 16 : index
      %get3A_153 = tpu.vector_load %arg5[%get3A_150, %get3A_151, %get3A_152] {strides = array<i32>} : memref<3x2x128xi32, #tpu.memory_space<vmem>>, vector<1x1x16xi32>,
      %get3A_154 = vector.shape_cast %get3A_153 : vector<1x1x16xi32> to vector<16xi32>
      %swap3A_155 = arith.constant 0 : i32
      %swap3A_156 = arith.constant 1 : i32
      %swap3A_157 = arith.index_cast %swap3A_155 : i32 to index
      %swap3A_158 = arith.index_cast %swap3A_156 : i32 to index
      %swap3A_159 = arith.constant 16 : index
      %swap3A_160 = tpu.vector_load %arg7[%swap3A_157, %swap3A_158, %swap3A_159] {strides = array<i32>} : memref<3x2x128xi32, #tpu.memory_space<vmem>>, vector<1x1x16xi32>,
      %swap3A_161 = vector.shape_cast %swap3A_160 : vector<1x1x16xi32> to vector<16xi32>
      %swap3A_162 = vector.shape_cast %get3A_154 : vector<16xi32> to vector<1x1x16xi32>
      tpu.vector_store %arg7[%swap3A_157, %swap3A_158, %swap3A_159], %swap3A_162 {strides = array<i32>} : memref<3x2x128xi32, #tpu.memory_space<vmem>>, vector<1x1x16xi32>,
      %get3A_163 = arith.constant 0 : i32
      %get3A_164 = arith.constant 1 : i32
      %get3A_165 = arith.index_cast %get3A_163 : i32 to index
      %get3A_166 = arith.index_cast %get3A_164 : i32 to index
      %get3A_167 = arith.constant 32 : index
      %get3A_168 = tpu.vector_load %arg5[%get3A_165, %get3A_166, %get3A_167] {strides = array<i32>} : memref<3x2x128xi32, #tpu.memory_space<vmem>>, vector<1x1x16xi32>,
      %get3A_169 = vector.shape_cast %get3A_168 : vector<1x1x16xi32> to vector<16xi32>
      %swap3A_170 = arith.constant 0 : i32
      %swap3A_171 = arith.constant 1 : i32
      %swap3A_172 = arith.index_cast %swap3A_170 : i32 to index
      %swap3A_173 = arith.index_cast %swap3A_171 : i32 to index
      %swap3A_174 = arith.constant 32 : index
      %swap3A_175 = tpu.vector_load %arg7[%swap3A_172, %swap3A_173, %swap3A_174] {strides = array<i32>} : memref<3x2x128xi32, #tpu.memory_space<vmem>>, vector<1x1x16xi32>,
      %swap3A_176 = vector.shape_cast %swap3A_175 : vector<1x1x16xi32> to vector<16xi32>
      %swap3A_177 = vector.shape_cast %get3A_169 : vector<16xi32> to vector<1x1x16xi32>
      tpu.vector_store %arg7[%swap3A_172, %swap3A_173, %swap3A_174], %swap3A_177 {strides = array<i32>} : memref<3x2x128xi32, #tpu.memory_space<vmem>>, vector<1x1x16xi32>,
      %get3A_178 = arith.constant 0 : i32
      %get3A_179 = arith.constant 1 : i32
      %get3A_180 = arith.index_cast %get3A_178 : i32 to index
      %get3A_181 = arith.index_cast %get3A_179 : i32 to index
      %get3A_182 = arith.constant 48 : index
      %get3A_183 = tpu.vector_load %arg5[%get3A_180, %get3A_181, %get3A_182] {strides = array<i32>} : memref<3x2x128xi32, #tpu.memory_space<vmem>>, vector<1x1x16xi32>,
      %get3A_184 = vector.shape_cast %get3A_183 : vector<1x1x16xi32> to vector<16xi32>
      %swap3A_185 = arith.constant 0 : i32
      %swap3A_186 = arith.constant 1 : i32
      %swap3A_187 = arith.index_cast %swap3A_185 : i32 to index
      %swap3A_188 = arith.index_cast %swap3A_186 : i32 to index
      %swap3A_189 = arith.constant 48 : index
      %swap3A_190 = tpu.vector_load %arg7[%swap3A_187, %swap3A_188, %swap3A_189] {strides = array<i32>} : memref<3x2x128xi32, #tpu.memory_space<vmem>>, vector<1x1x16xi32>,
      %swap3A_191 = vector.shape_cast %swap3A_190 : vector<1x1x16xi32> to vector<16xi32>
      %swap3A_192 = vector.shape_cast %get3A_184 : vector<16xi32> to vector<1x1x16xi32>
      tpu.vector_store %arg7[%swap3A_187, %swap3A_188, %swap3A_189], %swap3A_192 {strides = array<i32>} : memref<3x2x128xi32, #tpu.memory_space<vmem>>, vector<1x1x16xi32>,
      %get3A_193 = arith.constant 0 : i32
      %get3A_194 = arith.constant 1 : i32
      %get3A_195 = arith.index_cast %get3A_193 : i32 to index
      %get3A_196 = arith.index_cast %get3A_194 : i32 to index
      %get3A_197 = arith.constant 64 : index
      %get3A_198 = tpu.vector_load %arg5[%get3A_195, %get3A_196, %get3A_197] {strides = array<i32>} : memref<3x2x128xi32, #tpu.memory_space<vmem>>, vector<1x1x16xi32>,
      %get3A_199 = vector.shape_cast %get3A_198 : vector<1x1x16xi32> to vector<16xi32>
      %swap3A_200 = arith.constant 0 : i32
      %swap3A_201 = arith.constant 1 : i32
      %swap3A_202 = arith.index_cast %swap3A_200 : i32 to index
      %swap3A_203 = arith.index_cast %swap3A_201 : i32 to index
      %swap3A_204 = arith.constant 64 : index
      %swap3A_205 = tpu.vector_load %arg7[%swap3A_202, %swap3A_203, %swap3A_204] {strides = array<i32>} : memref<3x2x128xi32, #tpu.memory_space<vmem>>, vector<1x1x16xi32>,
      %swap3A_206 = vector.shape_cast %swap3A_205 : vector<1x1x16xi32> to vector<16xi32>
      %swap3A_207 = vector.shape_cast %get3A_199 : vector<16xi32> to vector<1x1x16xi32>
      tpu.vector_store %arg7[%swap3A_202, %swap3A_203, %swap3A_204], %swap3A_207 {strides = array<i32>} : memref<3x2x128xi32, #tpu.memory_space<vmem>>, vector<1x1x16xi32>,
      %get3A_208 = arith.constant 0 : i32
      %get3A_209 = arith.constant 1 : i32
      %get3A_210 = arith.index_cast %get3A_208 : i32 to index
      %get3A_211 = arith.index_cast %get3A_209 : i32 to index
      %get3A_212 = arith.constant 80 : index
      %get3A_213 = tpu.vector_load %arg5[%get3A_210, %get3A_211, %get3A_212] {strides = array<i32>} : memref<3x2x128xi32, #tpu.memory_space<vmem>>, vector<1x1x16xi32>,
      %get3A_214 = vector.shape_cast %get3A_213 : vector<1x1x16xi32> to vector<16xi32>
      %swap3A_215 = arith.constant 0 : i32
      %swap3A_216 = arith.constant 1 : i32
      %swap3A_217 = arith.index_cast %swap3A_215 : i32 to index
      %swap3A_218 = arith.index_cast %swap3A_216 : i32 to index
      %swap3A_219 = arith.constant 80 : index
      %swap3A_220 = tpu.vector_load %arg7[%swap3A_217, %swap3A_218, %swap3A_219] {strides = array<i32>} : memref<3x2x128xi32, #tpu.memory_space<vmem>>, vector<1x1x16xi32>,
      %swap3A_221 = vector.shape_cast %swap3A_220 : vector<1x1x16xi32> to vector<16xi32>
      %swap3A_222 = vector.shape_cast %get3A_214 : vector<16xi32> to vector<1x1x16xi32>
      tpu.vector_store %arg7[%swap3A_217, %swap3A_218, %swap3A_219], %swap3A_222 {strides = array<i32>} : memref<3x2x128xi32, #tpu.memory_space<vmem>>, vector<1x1x16xi32>,
      %get3A_223 = arith.constant 0 : i32
      %get3A_224 = arith.constant 1 : i32
      %get3A_225 = arith.index_cast %get3A_223 : i32 to index
      %get3A_226 = arith.index_cast %get3A_224 : i32 to index
      %get3A_227 = arith.constant 96 : index
      %get3A_228 = tpu.vector_load %arg5[%get3A_225, %get3A_226, %get3A_227] {strides = array<i32>} : memref<3x2x128xi32, #tpu.memory_space<vmem>>, vector<1x1x16xi32>,
      %get3A_229 = vector.shape_cast %get3A_228 : vector<1x1x16xi32> to vector<16xi32>
      %swap3A_230 = arith.constant 0 : i32
      %swap3A_231 = arith.constant 1 : i32
      %swap3A_232 = arith.index_cast %swap3A_230 : i32 to index
      %swap3A_233 = arith.index_cast %swap3A_231 : i32 to index
      %swap3A_234 = arith.constant 96 : index
      %swap3A_235 = tpu.vector_load %arg7[%swap3A_232, %swap3A_233, %swap3A_234] {strides = array<i32>} : memref<3x2x128xi32, #tpu.memory_space<vmem>>, vector<1x1x16xi32>,
      %swap3A_236 = vector.shape_cast %swap3A_235 : vector<1x1x16xi32> to vector<16xi32>
      %swap3A_237 = vector.shape_cast %get3A_229 : vector<16xi32> to vector<1x1x16xi32>
      tpu.vector_store %arg7[%swap3A_232, %swap3A_233, %swap3A_234], %swap3A_237 {strides = array<i32>} : memref<3x2x128xi32, #tpu.memory_space<vmem>>, vector<1x1x16xi32>,
      %get3A_238 = arith.constant 0 : i32
      %get3A_239 = arith.constant 1 : i32
      %get3A_240 = arith.index_cast %get3A_238 : i32 to index
      %get3A_241 = arith.index_cast %get3A_239 : i32 to index
      %get3A_242 = arith.constant 112 : index
      %get3A_243 = tpu.vector_load %arg5[%get3A_240, %get3A_241, %get3A_242] {strides = array<i32>} : memref<3x2x128xi32, #tpu.memory_space<vmem>>, vector<1x1x16xi32>,
      %get3A_244 = vector.shape_cast %get3A_243 : vector<1x1x16xi32> to vector<16xi32>
      %swap3A_245 = arith.constant 0 : i32
      %swap3A_246 = arith.constant 1 : i32
      %swap3A_247 = arith.index_cast %swap3A_245 : i32 to index
      %swap3A_248 = arith.index_cast %swap3A_246 : i32 to index
      %swap3A_249 = arith.constant 112 : index
      %swap3A_250 = tpu.vector_load %arg7[%swap3A_247, %swap3A_248, %swap3A_249] {strides = array<i32>} : memref<3x2x128xi32, #tpu.memory_space<vmem>>, vector<1x1x16xi32>,
      %swap3A_251 = vector.shape_cast %swap3A_250 : vector<1x1x16xi32> to vector<16xi32>
      %swap3A_252 = vector.shape_cast %get3A_244 : vector<16xi32> to vector<1x1x16xi32>
      tpu.vector_store %arg7[%swap3A_247, %swap3A_248, %swap3A_249], %swap3A_252 {strides = array<i32>} : memref<3x2x128xi32, #tpu.memory_space<vmem>>, vector<1x1x16xi32>,
      %get3A_253 = arith.constant 1 : i32
      %get3A_254 = arith.constant 1 : i32
      %get3A_255 = arith.index_cast %get3A_253 : i32 to index
      %get3A_256 = arith.index_cast %get3A_254 : i32 to index
      %get3A_257 = arith.constant 0 : index
      %get3A_258 = tpu.vector_load %arg5[%get3A_255, %get3A_256, %get3A_257] {strides = array<i32>} : memref<3x2x128xi32, #tpu.memory_space<vmem>>, vector<1x1x16xi32>,
      %get3A_259 = vector.shape_cast %get3A_258 : vector<1x1x16xi32> to vector<16xi32>
      %swap3A_260 = arith.constant 1 : i32
      %swap3A_261 = arith.constant 1 : i32
      %swap3A_262 = arith.index_cast %swap3A_260 : i32 to index
      %swap3A_263 = arith.index_cast %swap3A_261 : i32 to index
      %swap3A_264 = arith.constant 0 : index
      %swap3A_265 = tpu.vector_load %arg7[%swap3A_262, %swap3A_263, %swap3A_264] {strides = array<i32>} : memref<3x2x128xi32, #tpu.memory_space<vmem>>, vector<1x1x16xi32>,
      %swap3A_266 = vector.shape_cast %swap3A_265 : vector<1x1x16xi32> to vector<16xi32>
      %swap3A_267 = vector.shape_cast %get3A_259 : vector<16xi32> to vector<1x1x16xi32>
      tpu.vector_store %arg7[%swap3A_262, %swap3A_263, %swap3A_264], %swap3A_267 {strides = array<i32>} : memref<3x2x128xi32, #tpu.memory_space<vmem>>, vector<1x1x16xi32>,
      %get3A_268 = arith.constant 1 : i32
      %get3A_269 = arith.constant 1 : i32
      %get3A_270 = arith.index_cast %get3A_268 : i32 to index
      %get3A_271 = arith.index_cast %get3A_269 : i32 to index
      %get3A_272 = arith.constant 16 : index
      %get3A_273 = tpu.vector_load %arg5[%get3A_270, %get3A_271, %get3A_272] {strides = array<i32>} : memref<3x2x128xi32, #tpu.memory_space<vmem>>, vector<1x1x16xi32>,
      %get3A_274 = vector.shape_cast %get3A_273 : vector<1x1x16xi32> to vector<16xi32>
      %swap3A_275 = arith.constant 1 : i32
      %swap3A_276 = arith.constant 1 : i32
      %swap3A_277 = arith.index_cast %swap3A_275 : i32 to index
      %swap3A_278 = arith.index_cast %swap3A_276 : i32 to index
      %swap3A_279 = arith.constant 16 : index
      %swap3A_280 = tpu.vector_load %arg7[%swap3A_277, %swap3A_278, %swap3A_279] {strides = array<i32>} : memref<3x2x128xi32, #tpu.memory_space<vmem>>, vector<1x1x16xi32>,
      %swap3A_281 = vector.shape_cast %swap3A_280 : vector<1x1x16xi32> to vector<16xi32>
      %swap3A_282 = vector.shape_cast %get3A_274 : vector<16xi32> to vector<1x1x16xi32>
      tpu.vector_store %arg7[%swap3A_277, %swap3A_278, %swap3A_279], %swap3A_282 {strides = array<i32>} : memref<3x2x128xi32, #tpu.memory_space<vmem>>, vector<1x1x16xi32>,
      %get3A_283 = arith.constant 1 : i32
      %get3A_284 = arith.constant 1 : i32
      %get3A_285 = arith.index_cast %get3A_283 : i32 to index
      %get3A_286 = arith.index_cast %get3A_284 : i32 to index
      %get3A_287 = arith.constant 32 : index
      %get3A_288 = tpu.vector_load %arg5[%get3A_285, %get3A_286, %get3A_287] {strides = array<i32>} : memref<3x2x128xi32, #tpu.memory_space<vmem>>, vector<1x1x16xi32>,
      %get3A_289 = vector.shape_cast %get3A_288 : vector<1x1x16xi32> to vector<16xi32>
      %swap3A_290 = arith.constant 1 : i32
      %swap3A_291 = arith.constant 1 : i32
      %swap3A_292 = arith.index_cast %swap3A_290 : i32 to index
      %swap3A_293 = arith.index_cast %swap3A_291 : i32 to index
      %swap3A_294 = arith.constant 32 : index
      %swap3A_295 = tpu.vector_load %arg7[%swap3A_292, %swap3A_293, %swap3A_294] {strides = array<i32>} : memref<3x2x128xi32, #tpu.memory_space<vmem>>, vector<1x1x16xi32>,
      %swap3A_296 = vector.shape_cast %swap3A_295 : vector<1x1x16xi32> to vector<16xi32>
      %swap3A_297 = vector.shape_cast %get3A_289 : vector<16xi32> to vector<1x1x16xi32>
      tpu.vector_store %arg7[%swap3A_292, %swap3A_293, %swap3A_294], %swap3A_297 {strides = array<i32>} : memref<3x2x128xi32, #tpu.memory_space<vmem>>, vector<1x1x16xi32>,
      %get3A_298 = arith.constant 1 : i32
      %get3A_299 = arith.constant 1 : i32
      %get3A_300 = arith.index_cast %get3A_298 : i32 to index
      %get3A_301 = arith.index_cast %get3A_299 : i32 to index
      %get3A_302 = arith.constant 48 : index
      %get3A_303 = tpu.vector_load %arg5[%get3A_300, %get3A_301, %get3A_302] {strides = array<i32>} : memref<3x2x128xi32, #tpu.memory_space<vmem>>, vector<1x1x16xi32>,
      %get3A_304 = vector.shape_cast %get3A_303 : vector<1x1x16xi32> to vector<16xi32>
      %swap3A_305 = arith.constant 1 : i32
      %swap3A_306 = arith.constant 1 : i32
      %swap3A_307 = arith.index_cast %swap3A_305 : i32 to index
      %swap3A_308 = arith.index_cast %swap3A_306 : i32 to index
      %swap3A_309 = arith.constant 48 : index
      %swap3A_310 = tpu.vector_load %arg7[%swap3A_307, %swap3A_308, %swap3A_309] {strides = array<i32>} : memref<3x2x128xi32, #tpu.memory_space<vmem>>, vector<1x1x16xi32>,
      %swap3A_311 = vector.shape_cast %swap3A_310 : vector<1x1x16xi32> to vector<16xi32>
      %swap3A_312 = vector.shape_cast %get3A_304 : vector<16xi32> to vector<1x1x16xi32>
      tpu.vector_store %arg7[%swap3A_307, %swap3A_308, %swap3A_309], %swap3A_312 {strides = array<i32>} : memref<3x2x128xi32, #tpu.memory_space<vmem>>, vector<1x1x16xi32>,
      %get3A_313 = arith.constant 1 : i32
      %get3A_314 = arith.constant 1 : i32
      %get3A_315 = arith.index_cast %get3A_313 : i32 to index
      %get3A_316 = arith.index_cast %get3A_314 : i32 to index
      %get3A_317 = arith.constant 64 : index
      %get3A_318 = tpu.vector_load %arg5[%get3A_315, %get3A_316, %get3A_317] {strides = array<i32>} : memref<3x2x128xi32, #tpu.memory_space<vmem>>, vector<1x1x16xi32>,
      %get3A_319 = vector.shape_cast %get3A_318 : vector<1x1x16xi32> to vector<16xi32>
      %swap3A_320 = arith.constant 1 : i32
      %swap3A_321 = arith.constant 1 : i32
      %swap3A_322 = arith.index_cast %swap3A_320 : i32 to index
      %swap3A_323 = arith.index_cast %swap3A_321 : i32 to index
      %swap3A_324 = arith.constant 64 : index
      %swap3A_325 = tpu.vector_load %arg7[%swap3A_322, %swap3A_323, %swap3A_324] {strides = array<i32>} : memref<3x2x128xi32, #tpu.memory_space<vmem>>, vector<1x1x16xi32>,
      %swap3A_326 = vector.shape_cast %swap3A_325 : vector<1x1x16xi32> to vector<16xi32>
      %swap3A_327 = vector.shape_cast %get3A_319 : vector<16xi32> to vector<1x1x16xi32>
      tpu.vector_store %arg7[%swap3A_322, %swap3A_323, %swap3A_324], %swap3A_327 {strides = array<i32>} : memref<3x2x128xi32, #tpu.memory_space<vmem>>, vector<1x1x16xi32>,
      %get3A_328 = arith.constant 1 : i32
      %get3A_329 = arith.constant 1 : i32
      %get3A_330 = arith.index_cast %get3A_328 : i32 to index
      %get3A_331 = arith.index_cast %get3A_329 : i32 to index
      %get3A_332 = arith.constant 80 : index
      %get3A_333 = tpu.vector_load %arg5[%get3A_330, %get3A_331, %get3A_332] {strides = array<i32>} : memref<3x2x128xi32, #tpu.memory_space<vmem>>, vector<1x1x16xi32>,
      %get3A_334 = vector.shape_cast %get3A_333 : vector<1x1x16xi32> to vector<16xi32>
      %swap3A_335 = arith.constant 1 : i32
      %swap3A_336 = arith.constant 1 : i32
      %swap3A_337 = arith.index_cast %swap3A_335 : i32 to index
      %swap3A_338 = arith.index_cast %swap3A_336 : i32 to index
      %swap3A_339 = arith.constant 80 : index
      %swap3A_340 = tpu.vector_load %arg7[%swap3A_337, %swap3A_338, %swap3A_339] {strides = array<i32>} : memref<3x2x128xi32, #tpu.memory_space<vmem>>, vector<1x1x16xi32>,
      %swap3A_341 = vector.shape_cast %swap3A_340 : vector<1x1x16xi32> to vector<16xi32>
      %swap3A_342 = vector.shape_cast %get3A_334 : vector<16xi32> to vector<1x1x16xi32>
      tpu.vector_store %arg7[%swap3A_337, %swap3A_338, %swap3A_339], %swap3A_342 {strides = array<i32>} : memref<3x2x128xi32, #tpu.memory_space<vmem>>, vector<1x1x16xi32>,
      %get3A_343 = arith.constant 1 : i32
      %get3A_344 = arith.constant 1 : i32
      %get3A_345 = arith.index_cast %get3A_343 : i32 to index
      %get3A_346 = arith.index_cast %get3A_344 : i32 to index
      %get3A_347 = arith.constant 96 : index
      %get3A_348 = tpu.vector_load %arg5[%get3A_345, %get3A_346, %get3A_347] {strides = array<i32>} : memref<3x2x128xi32, #tpu.memory_space<vmem>>, vector<1x1x16xi32>,
      %get3A_349 = vector.shape_cast %get3A_348 : vector<1x1x16xi32> to vector<16xi32>
      %swap3A_350 = arith.constant 1 : i32
      %swap3A_351 = arith.constant 1 : i32
      %swap3A_352 = arith.index_cast %swap3A_350 : i32 to index
      %swap3A_353 = arith.index_cast %swap3A_351 : i32 to index
      %swap3A_354 = arith.constant 96 : index
      %swap3A_355 = tpu.vector_load %arg7[%swap3A_352, %swap3A_353, %swap3A_354] {strides = array<i32>} : memref<3x2x128xi32, #tpu.memory_space<vmem>>, vector<1x1x16xi32>,
      %swap3A_356 = vector.shape_cast %swap3A_355 : vector<1x1x16xi32> to vector<16xi32>
      %swap3A_357 = vector.shape_cast %get3A_349 : vector<16xi32> to vector<1x1x16xi32>
      tpu.vector_store %arg7[%swap3A_352, %swap3A_353, %swap3A_354], %swap3A_357 {strides = array<i32>} : memref<3x2x128xi32, #tpu.memory_space<vmem>>, vector<1x1x16xi32>,
      %get3A_358 = arith.constant 1 : i32
      %get3A_359 = arith.constant 1 : i32
      %get3A_360 = arith.index_cast %get3A_358 : i32 to index
      %get3A_361 = arith.index_cast %get3A_359 : i32 to index
      %get3A_362 = arith.constant 112 : index
      %get3A_363 = tpu.vector_load %arg5[%get3A_360, %get3A_361, %get3A_362] {strides = array<i32>} : memref<3x2x128xi32, #tpu.memory_space<vmem>>, vector<1x1x16xi32>,
      %get3A_364 = vector.shape_cast %get3A_363 : vector<1x1x16xi32> to vector<16xi32>
      %swap3A_365 = arith.constant 1 : i32
      %swap3A_366 = arith.constant 1 : i32
      %swap3A_367 = arith.index_cast %swap3A_365 : i32 to index
      %swap3A_368 = arith.index_cast %swap3A_366 : i32 to index
      %swap3A_369 = arith.constant 112 : index
      %swap3A_370 = tpu.vector_load %arg7[%swap3A_367, %swap3A_368, %swap3A_369] {strides = array<i32>} : memref<3x2x128xi32, #tpu.memory_space<vmem>>, vector<1x1x16xi32>,
      %swap3A_371 = vector.shape_cast %swap3A_370 : vector<1x1x16xi32> to vector<16xi32>
      %swap3A_372 = vector.shape_cast %get3A_364 : vector<16xi32> to vector<1x1x16xi32>
      tpu.vector_store %arg7[%swap3A_367, %swap3A_368, %swap3A_369], %swap3A_372 {strides = array<i32>} : memref<3x2x128xi32, #tpu.memory_space<vmem>>, vector<1x1x16xi32>,
      %get3A_373 = arith.constant 2 : i32
      %get3A_374 = arith.constant 1 : i32
      %get3A_375 = arith.index_cast %get3A_373 : i32 to index
      %get3A_376 = arith.index_cast %get3A_374 : i32 to index
      %get3A_377 = arith.constant 0 : index
      %get3A_378 = tpu.vector_load %arg5[%get3A_375, %get3A_376, %get3A_377] {strides = array<i32>} : memref<3x2x128xi32, #tpu.memory_space<vmem>>, vector<1x1x16xi32>,
      %get3A_379 = vector.shape_cast %get3A_378 : vector<1x1x16xi32> to vector<16xi32>
      %swap3A_380 = arith.constant 2 : i32
      %swap3A_381 = arith.constant 1 : i32
      %swap3A_382 = arith.index_cast %swap3A_380 : i32 to index
      %swap3A_383 = arith.index_cast %swap3A_381 : i32 to index
      %swap3A_384 = arith.constant 0 : index
      %swap3A_385 = tpu.vector_load %arg7[%swap3A_382, %swap3A_383, %swap3A_384] {strides = array<i32>} : memref<3x2x128xi32, #tpu.memory_space<vmem>>, vector<1x1x16xi32>,
      %swap3A_386 = vector.shape_cast %swap3A_385 : vector<1x1x16xi32> to vector<16xi32>
      %swap3A_387 = vector.shape_cast %get3A_379 : vector<16xi32> to vector<1x1x16xi32>
      tpu.vector_store %arg7[%swap3A_382, %swap3A_383, %swap3A_384], %swap3A_387 {strides = array<i32>} : memref<3x2x128xi32, #tpu.memory_space<vmem>>, vector<1x1x16xi32>,
      %get3A_388 = arith.constant 2 : i32
      %get3A_389 = arith.constant 1 : i32
      %get3A_390 = arith.index_cast %get3A_388 : i32 to index
      %get3A_391 = arith.index_cast %get3A_389 : i32 to index
      %get3A_392 = arith.constant 16 : index
      %get3A_393 = tpu.vector_load %arg5[%get3A_390, %get3A_391, %get3A_392] {strides = array<i32>} : memref<3x2x128xi32, #tpu.memory_space<vmem>>, vector<1x1x16xi32>,
      %get3A_394 = vector.shape_cast %get3A_393 : vector<1x1x16xi32> to vector<16xi32>
      %swap3A_395 = arith.constant 2 : i32
      %swap3A_396 = arith.constant 1 : i32
      %swap3A_397 = arith.index_cast %swap3A_395 : i32 to index
      %swap3A_398 = arith.index_cast %swap3A_396 : i32 to index
      %swap3A_399 = arith.constant 16 : index
      %swap3A_400 = tpu.vector_load %arg7[%swap3A_397, %swap3A_398, %swap3A_399] {strides = array<i32>} : memref<3x2x128xi32, #tpu.memory_space<vmem>>, vector<1x1x16xi32>,
      %swap3A_401 = vector.shape_cast %swap3A_400 : vector<1x1x16xi32> to vector<16xi32>
      %swap3A_402 = vector.shape_cast %get3A_394 : vector<16xi32> to vector<1x1x16xi32>
      tpu.vector_store %arg7[%swap3A_397, %swap3A_398, %swap3A_399], %swap3A_402 {strides = array<i32>} : memref<3x2x128xi32, #tpu.memory_space<vmem>>, vector<1x1x16xi32>,
      %get3A_403 = arith.constant 2 : i32
      %get3A_404 = arith.constant 1 : i32
      %get3A_405 = arith.index_cast %get3A_403 : i32 to index
      %get3A_406 = arith.index_cast %get3A_404 : i32 to index
      %get3A_407 = arith.constant 32 : index
      %get3A_408 = tpu.vector_load %arg5[%get3A_405, %get3A_406, %get3A_407] {strides = array<i32>} : memref<3x2x128xi32, #tpu.memory_space<vmem>>, vector<1x1x16xi32>,
      %get3A_409 = vector.shape_cast %get3A_408 : vector<1x1x16xi32> to vector<16xi32>
      %swap3A_410 = arith.constant 2 : i32
      %swap3A_411 = arith.constant 1 : i32
      %swap3A_412 = arith.index_cast %swap3A_410 : i32 to index
      %swap3A_413 = arith.index_cast %swap3A_411 : i32 to index
      %swap3A_414 = arith.constant 32 : index
      %swap3A_415 = tpu.vector_load %arg7[%swap3A_412, %swap3A_413, %swap3A_414] {strides = array<i32>} : memref<3x2x128xi32, #tpu.memory_space<vmem>>, vector<1x1x16xi32>,
      %swap3A_416 = vector.shape_cast %swap3A_415 : vector<1x1x16xi32> to vector<16xi32>
      %swap3A_417 = vector.shape_cast %get3A_409 : vector<16xi32> to vector<1x1x16xi32>
      tpu.vector_store %arg7[%swap3A_412, %swap3A_413, %swap3A_414], %swap3A_417 {strides = array<i32>} : memref<3x2x128xi32, #tpu.memory_space<vmem>>, vector<1x1x16xi32>,
      %get3A_418 = arith.constant 2 : i32
      %get3A_419 = arith.constant 1 : i32
      %get3A_420 = arith.index_cast %get3A_418 : i32 to index
      %get3A_421 = arith.index_cast %get3A_419 : i32 to index
      %get3A_422 = arith.constant 48 : index
      %get3A_423 = tpu.vector_load %arg5[%get3A_420, %get3A_421, %get3A_422] {strides = array<i32>} : memref<3x2x128xi32, #tpu.memory_space<vmem>>, vector<1x1x16xi32>,
      %get3A_424 = vector.shape_cast %get3A_423 : vector<1x1x16xi32> to vector<16xi32>
      %swap3A_425 = arith.constant 2 : i32
      %swap3A_426 = arith.constant 1 : i32
      %swap3A_427 = arith.index_cast %swap3A_425 : i32 to index
      %swap3A_428 = arith.index_cast %swap3A_426 : i32 to index
      %swap3A_429 = arith.constant 48 : index
      %swap3A_430 = tpu.vector_load %arg7[%swap3A_427, %swap3A_428, %swap3A_429] {strides = array<i32>} : memref<3x2x128xi32, #tpu.memory_space<vmem>>, vector<1x1x16xi32>,
      %swap3A_431 = vector.shape_cast %swap3A_430 : vector<1x1x16xi32> to vector<16xi32>
      %swap3A_432 = vector.shape_cast %get3A_424 : vector<16xi32> to vector<1x1x16xi32>
      tpu.vector_store %arg7[%swap3A_427, %swap3A_428, %swap3A_429], %swap3A_432 {strides = array<i32>} : memref<3x2x128xi32, #tpu.memory_space<vmem>>, vector<1x1x16xi32>,
      %get3A_433 = arith.constant 2 : i32
      %get3A_434 = arith.constant 1 : i32
      %get3A_435 = arith.index_cast %get3A_433 : i32 to index
      %get3A_436 = arith.index_cast %get3A_434 : i32 to index
      %get3A_437 = arith.constant 64 : index
      %get3A_438 = tpu.vector_load %arg5[%get3A_435, %get3A_436, %get3A_437] {strides = array<i32>} : memref<3x2x128xi32, #tpu.memory_space<vmem>>, vector<1x1x16xi32>,
      %get3A_439 = vector.shape_cast %get3A_438 : vector<1x1x16xi32> to vector<16xi32>
      %swap3A_440 = arith.constant 2 : i32
      %swap3A_441 = arith.constant 1 : i32
      %swap3A_442 = arith.index_cast %swap3A_440 : i32 to index
      %swap3A_443 = arith.index_cast %swap3A_441 : i32 to index
      %swap3A_444 = arith.constant 64 : index
      %swap3A_445 = tpu.vector_load %arg7[%swap3A_442, %swap3A_443, %swap3A_444] {strides = array<i32>} : memref<3x2x128xi32, #tpu.memory_space<vmem>>, vector<1x1x16xi32>,
      %swap3A_446 = vector.shape_cast %swap3A_445 : vector<1x1x16xi32> to vector<16xi32>
      %swap3A_447 = vector.shape_cast %get3A_439 : vector<16xi32> to vector<1x1x16xi32>
      tpu.vector_store %arg7[%swap3A_442, %swap3A_443, %swap3A_444], %swap3A_447 {strides = array<i32>} : memref<3x2x128xi32, #tpu.memory_space<vmem>>, vector<1x1x16xi32>,
      %get3A_448 = arith.constant 2 : i32
      %get3A_449 = arith.constant 1 : i32
      %get3A_450 = arith.index_cast %get3A_448 : i32 to index
      %get3A_451 = arith.index_cast %get3A_449 : i32 to index
      %get3A_452 = arith.constant 80 : index
      %get3A_453 = tpu.vector_load %arg5[%get3A_450, %get3A_451, %get3A_452] {strides = array<i32>} : memref<3x2x128xi32, #tpu.memory_space<vmem>>, vector<1x1x16xi32>,
      %get3A_454 = vector.shape_cast %get3A_453 : vector<1x1x16xi32> to vector<16xi32>
      %swap3A_455 = arith.constant 2 : i32
      %swap3A_456 = arith.constant 1 : i32
      %swap3A_457 = arith.index_cast %swap3A_455 : i32 to index
      %swap3A_458 = arith.index_cast %swap3A_456 : i32 to index
      %swap3A_459 = arith.constant 80 : index
      %swap3A_460 = tpu.vector_load %arg7[%swap3A_457, %swap3A_458, %swap3A_459] {strides = array<i32>} : memref<3x2x128xi32, #tpu.memory_space<vmem>>, vector<1x1x16xi32>,
      %swap3A_461 = vector.shape_cast %swap3A_460 : vector<1x1x16xi32> to vector<16xi32>
      %swap3A_462 = vector.shape_cast %get3A_454 : vector<16xi32> to vector<1x1x16xi32>
      tpu.vector_store %arg7[%swap3A_457, %swap3A_458, %swap3A_459], %swap3A_462 {strides = array<i32>} : memref<3x2x128xi32, #tpu.memory_space<vmem>>, vector<1x1x16xi32>,
      %get3A_463 = arith.constant 2 : i32
      %get3A_464 = arith.constant 1 : i32
      %get3A_465 = arith.index_cast %get3A_463 : i32 to index
      %get3A_466 = arith.index_cast %get3A_464 : i32 to index
      %get3A_467 = arith.constant 96 : index
      %get3A_468 = tpu.vector_load %arg5[%get3A_465, %get3A_466, %get3A_467] {strides = array<i32>} : memref<3x2x128xi32, #tpu.memory_space<vmem>>, vector<1x1x16xi32>,
      %get3A_469 = vector.shape_cast %get3A_468 : vector<1x1x16xi32> to vector<16xi32>
      %swap3A_470 = arith.constant 2 : i32
      %swap3A_471 = arith.constant 1 : i32
      %swap3A_472 = arith.index_cast %swap3A_470 : i32 to index
      %swap3A_473 = arith.index_cast %swap3A_471 : i32 to index
      %swap3A_474 = arith.constant 96 : index
      %swap3A_475 = tpu.vector_load %arg7[%swap3A_472, %swap3A_473, %swap3A_474] {strides = array<i32>} : memref<3x2x128xi32, #tpu.memory_space<vmem>>, vector<1x1x16xi32>,
      %swap3A_476 = vector.shape_cast %swap3A_475 : vector<1x1x16xi32> to vector<16xi32>
      %swap3A_477 = vector.shape_cast %get3A_469 : vector<16xi32> to vector<1x1x16xi32>
      tpu.vector_store %arg7[%swap3A_472, %swap3A_473, %swap3A_474], %swap3A_477 {strides = array<i32>} : memref<3x2x128xi32, #tpu.memory_space<vmem>>, vector<1x1x16xi32>,
      %get3A_478 = arith.constant 2 : i32
      %get3A_479 = arith.constant 1 : i32
      %get3A_480 = arith.index_cast %get3A_478 : i32 to index
      %get3A_481 = arith.index_cast %get3A_479 : i32 to index
      %get3A_482 = arith.constant 112 : index
      %get3A_483 = tpu.vector_load %arg5[%get3A_480, %get3A_481, %get3A_482] {strides = array<i32>} : memref<3x2x128xi32, #tpu.memory_space<vmem>>, vector<1x1x16xi32>,
      %get3A_484 = vector.shape_cast %get3A_483 : vector<1x1x16xi32> to vector<16xi32>
      %swap3A_485 = arith.constant 2 : i32
      %swap3A_486 = arith.constant 1 : i32
      %swap3A_487 = arith.index_cast %swap3A_485 : i32 to index
      %swap3A_488 = arith.index_cast %swap3A_486 : i32 to index
      %swap3A_489 = arith.constant 112 : index
      %swap3A_490 = tpu.vector_load %arg7[%swap3A_487, %swap3A_488, %swap3A_489] {strides = array<i32>} : memref<3x2x128xi32, #tpu.memory_space<vmem>>, vector<1x1x16xi32>,
      %swap3A_491 = vector.shape_cast %swap3A_490 : vector<1x1x16xi32> to vector<16xi32>
      %swap3A_492 = vector.shape_cast %get3A_484 : vector<16xi32> to vector<1x1x16xi32>
      tpu.vector_store %arg7[%swap3A_487, %swap3A_488, %swap3A_489], %swap3A_492 {strides = array<i32>} : memref<3x2x128xi32, #tpu.memory_space<vmem>>, vector<1x1x16xi32>,
      %dma_start3A_493 = arith.constant 0 : i32
      %dma_start3A_494 = arith.constant 1 : i32
      %dma_start3A_495 = arith.constant 0 : i32
      %dma_start3A_496 = tpu.memref_slice %arg7[%dma_start3A_493, %dma_start3A_494, %dma_start3A_495] : memref<3x2x128xi32, #tpu.memory_space<vmem>> -> memref<1x1x128xi32, #tpu.memory_space<vmem>>
      %dma_start3A_497 = tpu.memref_squeeze %dma_start3A_496 : memref<1x1x128xi32, #tpu.memory_space<vmem>> -> memref<128xi32, #tpu.memory_space<vmem>>
      %dma_start3A_498 = arith.constant 0 : i32
      %dma_start3A_499 = tpu.memref_slice %arg11[%dma_start3A_498] : memref<50176xf32, #tpu.memory_space<vmem_shared>> -> memref<50176xf32, #tpu.memory_space<vmem_shared>>
      tpu.enqueue_indirect_dma source(%arg9 : memref<128xf32, #tpu.memory_space<vmem>>) target(%dma_start3A_499 : memref<50176xf32, #tpu.memory_space<vmem_shared>>) offsets(%dma_start3A_497 : memref<128xi32, #tpu.memory_space<vmem>>) semaphore(%arg14 : memref<!tpu.dma_semaphore, #tpu.memory_space<semaphore_mem>>) {add = true}
      %dma_start3A_500 = arith.constant 1 : i32
      %dma_start3A_501 = arith.constant 1 : i32
      %dma_start3A_502 = arith.constant 0 : i32
      %dma_start3A_503 = tpu.memref_slice %arg7[%dma_start3A_500, %dma_start3A_501, %dma_start3A_502] : memref<3x2x128xi32, #tpu.memory_space<vmem>> -> memref<1x1x128xi32, #tpu.memory_space<vmem>>
      %dma_start3A_504 = tpu.memref_squeeze %dma_start3A_503 : memref<1x1x128xi32, #tpu.memory_space<vmem>> -> memref<128xi32, #tpu.memory_space<vmem>>
      %dma_start3A_505 = arith.constant 0 : i32
      %dma_start3A_506 = tpu.memref_slice %arg11[%dma_start3A_505] : memref<50176xf32, #tpu.memory_space<vmem_shared>> -> memref<50176xf32, #tpu.memory_space<vmem_shared>>
      tpu.enqueue_indirect_dma source(%arg9 : memref<128xf32, #tpu.memory_space<vmem>>) target(%dma_start3A_506 : memref<50176xf32, #tpu.memory_space<vmem_shared>>) offsets(%dma_start3A_504 : memref<128xi32, #tpu.memory_space<vmem>>) semaphore(%arg14 : memref<!tpu.dma_semaphore, #tpu.memory_space<semaphore_mem>>) {add = true}
      %dma_start3A_507 = arith.constant 2 : i32
      %dma_start3A_508 = arith.constant 1 : i32
      %dma_start3A_509 = arith.constant 0 : i32
      %dma_start3A_510 = tpu.memref_slice %arg7[%dma_start3A_507, %dma_start3A_508, %dma_start3A_509] : memref<3x2x128xi32, #tpu.memory_space<vmem>> -> memref<1x1x128xi32, #tpu.memory_space<vmem>>
      %dma_start3A_511 = tpu.memref_squeeze %dma_start3A_510 : memref<1x1x128xi32, #tpu.memory_space<vmem>> -> memref<128xi32, #tpu.memory_space<vmem>>
      %dma_start3A_512 = arith.constant 0 : i32
      %dma_start3A_513 = tpu.memref_slice %arg11[%dma_start3A_512] : memref<50176xf32, #tpu.memory_space<vmem_shared>> -> memref<50176xf32, #tpu.memory_space<vmem_shared>>
      tpu.enqueue_indirect_dma source(%arg9 : memref<128xf32, #tpu.memory_space<vmem>>) target(%dma_start3A_513 : memref<50176xf32, #tpu.memory_space<vmem_shared>>) offsets(%dma_start3A_511 : memref<128xi32, #tpu.memory_space<vmem>>) semaphore(%arg14 : memref<!tpu.dma_semaphore, #tpu.memory_space<semaphore_mem>>) {add = true}
      %add3A_514 = arith.constant 2 : i32
      %add3A_515 = arith.addi %mul3A_118, %add3A_514 : i32
      %lt3A_516 = arith.constant 130 : i32
      %lt3A_517 = arith.cmpi slt, %add3A_515, %lt3A_516 : i32
      %convert_element_type3A_518 = arith.extui %lt3A_517 : i1 to i32
      %cond3A_519 = arith.constant 0 : i32
      %cond3A_520 = arith.cmpi ne, %convert_element_type3A_518, %cond3A_519 : i32
      scf.if %cond3A_520 {
        %add3A_928 = arith.constant 2 : i32
        %add3A_929 = arith.addi %mul3A_118, %add3A_928 : i32
        %mul3A_930 = arith.constant 3 : i32
        %mul3A_931 = arith.muli %add3A_929, %mul3A_930 : i32
        %add3A_932 = arith.addi %add3A_52, %mul3A_931 : i32
        %dma_start3A_933 = arith.constant 0 : i32
        %dma_start3A_934 = arith.constant 0 : i32
        %dma_start3A_935 = tpu.memref_slice %arg2[%add3A_932, %dma_start3A_933, %dma_start3A_934] : memref<12500x2x128xi32, #tpu.memory_space<hbm>> -> memref<3x2x128xi32, #tpu.memory_space<hbm>>
        %dma_start3A_936 = arith.constant 0 : i32
        %dma_start3A_937 = arith.constant 0 : i32
        %dma_start3A_938 = tpu.memref_slice %arg2[%add3A_932, %dma_start3A_936, %dma_start3A_937] : memref<12500x2x128xi32, #tpu.memory_space<hbm>> -> memref<3x2x128xi32, #tpu.memory_space<hbm>>
        tpu.enqueue_dma source(%dma_start3A_938 : memref<3x2x128xi32, #tpu.memory_space<hbm>>) target(%arg5 : memref<3x2x128xi32, #tpu.memory_space<vmem>>) target_semaphore(%arg12 : memref<!tpu.dma_semaphore, #tpu.memory_space<semaphore_mem>>)
      } else {
      }
      %add3A_521 = arith.constant 1 : i32
      %add3A_522 = arith.addi %mul3A_118, %add3A_521 : i32
      %ge3A_523 = arith.constant 1 : i32
      %ge3A_524 = arith.cmpi sge, %add3A_522, %ge3A_523 : i32
      %add3A_525 = arith.constant 1 : i32
      %add3A_526 = arith.addi %add3A_522, %add3A_525 : i32
      %lt3A_527 = arith.constant 130 : i32
      %lt3A_528 = arith.cmpi slt, %add3A_526, %lt3A_527 : i32
      %and3A_529 = arith.andi %ge3A_524, %lt3A_528 : i1
      %convert_element_type3A_530 = arith.extui %and3A_529 : i1 to i32
      %cond3A_531 = arith.constant 0 : i32
      %cond3A_532 = arith.cmpi ne, %convert_element_type3A_530, %cond3A_531 : i32
      scf.if %cond3A_532 {
        %dma_wait3A_928 = arith.constant 0 : i32
        %dma_wait3A_929 = arith.constant 1 : i32
        %dma_wait3A_930 = arith.constant 0 : i32
        %dma_wait3A_931 = tpu.memref_slice %arg7[%dma_wait3A_928, %dma_wait3A_929, %dma_wait3A_930] : memref<3x2x128xi32, #tpu.memory_space<vmem>> -> memref<1x1x128xi32, #tpu.memory_space<vmem>>
        %dma_wait3A_932 = tpu.memref_squeeze %dma_wait3A_931 : memref<1x1x128xi32, #tpu.memory_space<vmem>> -> memref<128xi32, #tpu.memory_space<vmem>>
        %dma_wait3A_933 = arith.constant 0 : i32
        %dma_wait3A_934 = tpu.memref_slice %arg11[%dma_wait3A_933] : memref<50176xf32, #tpu.memory_space<vmem_shared>> -> memref<50176xf32, #tpu.memory_space<vmem_shared>>
        tpu.wait_indirect_dma semaphore(%arg14 : memref<!tpu.dma_semaphore, #tpu.memory_space<semaphore_mem>>) src(%arg9 : memref<128xf32, #tpu.memory_space<vmem>>) dst(%dma_wait3A_934 : memref<50176xf32, #tpu.memory_space<vmem_shared>>)
        %dma_wait3A_935 = arith.constant 1 : i32
        %dma_wait3A_936 = arith.constant 1 : i32
        %dma_wait3A_937 = arith.constant 0 : i32
        %dma_wait3A_938 = tpu.memref_slice %arg7[%dma_wait3A_935, %dma_wait3A_936, %dma_wait3A_937] : memref<3x2x128xi32, #tpu.memory_space<vmem>> -> memref<1x1x128xi32, #tpu.memory_space<vmem>>
        %dma_wait3A_939 = tpu.memref_squeeze %dma_wait3A_938 : memref<1x1x128xi32, #tpu.memory_space<vmem>> -> memref<128xi32, #tpu.memory_space<vmem>>
        %dma_wait3A_940 = arith.constant 0 : i32
        %dma_wait3A_941 = tpu.memref_slice %arg11[%dma_wait3A_940] : memref<50176xf32, #tpu.memory_space<vmem_shared>> -> memref<50176xf32, #tpu.memory_space<vmem_shared>>
        tpu.wait_indirect_dma semaphore(%arg14 : memref<!tpu.dma_semaphore, #tpu.memory_space<semaphore_mem>>) src(%arg9 : memref<128xf32, #tpu.memory_space<vmem>>) dst(%dma_wait3A_941 : memref<50176xf32, #tpu.memory_space<vmem_shared>>)
        %dma_wait3A_942 = arith.constant 2 : i32
        %dma_wait3A_943 = arith.constant 1 : i32
        %dma_wait3A_944 = arith.constant 0 : i32
        %dma_wait3A_945 = tpu.memref_slice %arg7[%dma_wait3A_942, %dma_wait3A_943, %dma_wait3A_944] : memref<3x2x128xi32, #tpu.memory_space<vmem>> -> memref<1x1x128xi32, #tpu.memory_space<vmem>>
        %dma_wait3A_946 = tpu.memref_squeeze %dma_wait3A_945 : memref<1x1x128xi32, #tpu.memory_space<vmem>> -> memref<128xi32, #tpu.memory_space<vmem>>
        %dma_wait3A_947 = arith.constant 0 : i32
        %dma_wait3A_948 = tpu.memref_slice %arg11[%dma_wait3A_947] : memref<50176xf32, #tpu.memory_space<vmem_shared>> -> memref<50176xf32, #tpu.memory_space<vmem_shared>>
        tpu.wait_indirect_dma semaphore(%arg14 : memref<!tpu.dma_semaphore, #tpu.memory_space<semaphore_mem>>) src(%arg9 : memref<128xf32, #tpu.memory_space<vmem>>) dst(%dma_wait3A_948 : memref<50176xf32, #tpu.memory_space<vmem_shared>>)
      } else {
      }
      %add3A_533 = arith.constant 1 : i32
      %add3A_534 = arith.addi %add3A_522, %add3A_533 : i32
      %lt3A_535 = arith.constant 130 : i32
      %lt3A_536 = arith.cmpi slt, %add3A_534, %lt3A_535 : i32
      %convert_element_type3A_537 = arith.extui %lt3A_536 : i1 to i32
      %cond3A_538 = arith.constant 0 : i32
      %cond3A_539 = arith.cmpi ne, %convert_element_type3A_537, %cond3A_538 : i32
      scf.if %cond3A_539 {
        %add3A_928 = arith.constant 1 : i32
        %add3A_929 = arith.addi %add3A_522, %add3A_928 : i32
        %mul3A_930 = arith.constant 3 : i32
        %mul3A_931 = arith.muli %add3A_929, %mul3A_930 : i32
        %add3A_932 = arith.addi %add3A_52, %mul3A_931 : i32
        %dma_wait3A_933 = arith.constant 0 : i32
        %dma_wait3A_934 = arith.constant 0 : i32
        %dma_wait3A_935 = tpu.memref_slice %arg2[%add3A_932, %dma_wait3A_933, %dma_wait3A_934] : memref<12500x2x128xi32, #tpu.memory_space<hbm>> -> memref<3x2x128xi32, #tpu.memory_space<hbm>>
        %dma_wait3A_936 = arith.constant 0 : i32
        %dma_wait3A_937 = arith.constant 0 : i32
        %dma_wait3A_938 = tpu.memref_slice %arg2[%add3A_932, %dma_wait3A_936, %dma_wait3A_937] : memref<12500x2x128xi32, #tpu.memory_space<hbm>> -> memref<3x2x128xi32, #tpu.memory_space<hbm>>
        tpu.wait_dma2 semaphore(%arg12 : memref<!tpu.dma_semaphore, #tpu.memory_space<semaphore_mem>>) src(%dma_wait3A_938 : memref<3x2x128xi32, #tpu.memory_space<hbm>>) dst(%arg5 : memref<3x2x128xi32, #tpu.memory_space<vmem>>)
      } else {
      }
      %get3A_540 = arith.constant 0 : i32
      %get3A_541 = arith.constant 1 : i32
      %get3A_542 = arith.index_cast %get3A_540 : i32 to index
      %get3A_543 = arith.index_cast %get3A_541 : i32 to index
      %get3A_544 = arith.constant 0 : index
      %get3A_545 = tpu.vector_load %arg6[%get3A_542, %get3A_543, %get3A_544] {strides = array<i32>} : memref<3x2x128xi32, #tpu.memory_space<vmem>>, vector<1x1x16xi32>,
      %get3A_546 = vector.shape_cast %get3A_545 : vector<1x1x16xi32> to vector<16xi32>
      %swap3A_547 = arith.constant 0 : i32
      %swap3A_548 = arith.constant 1 : i32
      %swap3A_549 = arith.index_cast %swap3A_547 : i32 to index
      %swap3A_550 = arith.index_cast %swap3A_548 : i32 to index
      %swap3A_551 = arith.constant 0 : index
      %swap3A_552 = tpu.vector_load %arg8[%swap3A_549, %swap3A_550, %swap3A_551] {strides = array<i32>} : memref<3x2x128xi32, #tpu.memory_space<vmem>>, vector<1x1x16xi32>,
      %swap3A_553 = vector.shape_cast %swap3A_552 : vector<1x1x16xi32> to vector<16xi32>
      %swap3A_554 = vector.shape_cast %get3A_546 : vector<16xi32> to vector<1x1x16xi32>
      tpu.vector_store %arg8[%swap3A_549, %swap3A_550, %swap3A_551], %swap3A_554 {strides = array<i32>} : memref<3x2x128xi32, #tpu.memory_space<vmem>>, vector<1x1x16xi32>,
      %get3A_555 = arith.constant 0 : i32
      %get3A_556 = arith.constant 1 : i32
      %get3A_557 = arith.index_cast %get3A_555 : i32 to index
      %get3A_558 = arith.index_cast %get3A_556 : i32 to index
      %get3A_559 = arith.constant 16 : index
      %get3A_560 = tpu.vector_load %arg6[%get3A_557, %get3A_558, %get3A_559] {strides = array<i32>} : memref<3x2x128xi32, #tpu.memory_space<vmem>>, vector<1x1x16xi32>,
      %get3A_561 = vector.shape_cast %get3A_560 : vector<1x1x16xi32> to vector<16xi32>
      %swap3A_562 = arith.constant 0 : i32
      %swap3A_563 = arith.constant 1 : i32
      %swap3A_564 = arith.index_cast %swap3A_562 : i32 to index
      %swap3A_565 = arith.index_cast %swap3A_563 : i32 to index
      %swap3A_566 = arith.constant 16 : index
      %swap3A_567 = tpu.vector_load %arg8[%swap3A_564, %swap3A_565, %swap3A_566] {strides = array<i32>} : memref<3x2x128xi32, #tpu.memory_space<vmem>>, vector<1x1x16xi32>,
      %swap3A_568 = vector.shape_cast %swap3A_567 : vector<1x1x16xi32> to vector<16xi32>
      %swap3A_569 = vector.shape_cast %get3A_561 : vector<16xi32> to vector<1x1x16xi32>
      tpu.vector_store %arg8[%swap3A_564, %swap3A_565, %swap3A_566], %swap3A_569 {strides = array<i32>} : memref<3x2x128xi32, #tpu.memory_space<vmem>>, vector<1x1x16xi32>,
      %get3A_570 = arith.constant 0 : i32
      %get3A_571 = arith.constant 1 : i32
      %get3A_572 = arith.index_cast %get3A_570 : i32 to index
      %get3A_573 = arith.index_cast %get3A_571 : i32 to index
      %get3A_574 = arith.constant 32 : index
      %get3A_575 = tpu.vector_load %arg6[%get3A_572, %get3A_573, %get3A_574] {strides = array<i32>} : memref<3x2x128xi32, #tpu.memory_space<vmem>>, vector<1x1x16xi32>,
      %get3A_576 = vector.shape_cast %get3A_575 : vector<1x1x16xi32> to vector<16xi32>
      %swap3A_577 = arith.constant 0 : i32
      %swap3A_578 = arith.constant 1 : i32
      %swap3A_579 = arith.index_cast %swap3A_577 : i32 to index
      %swap3A_580 = arith.index_cast %swap3A_578 : i32 to index
      %swap3A_581 = arith.constant 32 : index
      %swap3A_582 = tpu.vector_load %arg8[%swap3A_579, %swap3A_580, %swap3A_581] {strides = array<i32>} : memref<3x2x128xi32, #tpu.memory_space<vmem>>, vector<1x1x16xi32>,
      %swap3A_583 = vector.shape_cast %swap3A_582 : vector<1x1x16xi32> to vector<16xi32>
      %swap3A_584 = vector.shape_cast %get3A_576 : vector<16xi32> to vector<1x1x16xi32>
      tpu.vector_store %arg8[%swap3A_579, %swap3A_580, %swap3A_581], %swap3A_584 {strides = array<i32>} : memref<3x2x128xi32, #tpu.memory_space<vmem>>, vector<1x1x16xi32>,
      %get3A_585 = arith.constant 0 : i32
      %get3A_586 = arith.constant 1 : i32
      %get3A_587 = arith.index_cast %get3A_585 : i32 to index
      %get3A_588 = arith.index_cast %get3A_586 : i32 to index
      %get3A_589 = arith.constant 48 : index
      %get3A_590 = tpu.vector_load %arg6[%get3A_587, %get3A_588, %get3A_589] {strides = array<i32>} : memref<3x2x128xi32, #tpu.memory_space<vmem>>, vector<1x1x16xi32>,
      %get3A_591 = vector.shape_cast %get3A_590 : vector<1x1x16xi32> to vector<16xi32>
      %swap3A_592 = arith.constant 0 : i32
      %swap3A_593 = arith.constant 1 : i32
      %swap3A_594 = arith.index_cast %swap3A_592 : i32 to index
      %swap3A_595 = arith.index_cast %swap3A_593 : i32 to index
      %swap3A_596 = arith.constant 48 : index
      %swap3A_597 = tpu.vector_load %arg8[%swap3A_594, %swap3A_595, %swap3A_596] {strides = array<i32>} : memref<3x2x128xi32, #tpu.memory_space<vmem>>, vector<1x1x16xi32>,
      %swap3A_598 = vector.shape_cast %swap3A_597 : vector<1x1x16xi32> to vector<16xi32>
      %swap3A_599 = vector.shape_cast %get3A_591 : vector<16xi32> to vector<1x1x16xi32>
      tpu.vector_store %arg8[%swap3A_594, %swap3A_595, %swap3A_596], %swap3A_599 {strides = array<i32>} : memref<3x2x128xi32, #tpu.memory_space<vmem>>, vector<1x1x16xi32>,
      %get3A_600 = arith.constant 0 : i32
      %get3A_601 = arith.constant 1 : i32
      %get3A_602 = arith.index_cast %get3A_600 : i32 to index
      %get3A_603 = arith.index_cast %get3A_601 : i32 to index
      %get3A_604 = arith.constant 64 : index
      %get3A_605 = tpu.vector_load %arg6[%get3A_602, %get3A_603, %get3A_604] {strides = array<i32>} : memref<3x2x128xi32, #tpu.memory_space<vmem>>, vector<1x1x16xi32>,
      %get3A_606 = vector.shape_cast %get3A_605 : vector<1x1x16xi32> to vector<16xi32>
      %swap3A_607 = arith.constant 0 : i32
      %swap3A_608 = arith.constant 1 : i32
      %swap3A_609 = arith.index_cast %swap3A_607 : i32 to index
      %swap3A_610 = arith.index_cast %swap3A_608 : i32 to index
      %swap3A_611 = arith.constant 64 : index
      %swap3A_612 = tpu.vector_load %arg8[%swap3A_609, %swap3A_610, %swap3A_611] {strides = array<i32>} : memref<3x2x128xi32, #tpu.memory_space<vmem>>, vector<1x1x16xi32>,
      %swap3A_613 = vector.shape_cast %swap3A_612 : vector<1x1x16xi32> to vector<16xi32>
      %swap3A_614 = vector.shape_cast %get3A_606 : vector<16xi32> to vector<1x1x16xi32>
      tpu.vector_store %arg8[%swap3A_609, %swap3A_610, %swap3A_611], %swap3A_614 {strides = array<i32>} : memref<3x2x128xi32, #tpu.memory_space<vmem>>, vector<1x1x16xi32>,
      %get3A_615 = arith.constant 0 : i32
      %get3A_616 = arith.constant 1 : i32
      %get3A_617 = arith.index_cast %get3A_615 : i32 to index
      %get3A_618 = arith.index_cast %get3A_616 : i32 to index
      %get3A_619 = arith.constant 80 : index
      %get3A_620 = tpu.vector_load %arg6[%get3A_617, %get3A_618, %get3A_619] {strides = array<i32>} : memref<3x2x128xi32, #tpu.memory_space<vmem>>, vector<1x1x16xi32>,
      %get3A_621 = vector.shape_cast %get3A_620 : vector<1x1x16xi32> to vector<16xi32>
      %swap3A_622 = arith.constant 0 : i32
      %swap3A_623 = arith.constant 1 : i32
      %swap3A_624 = arith.index_cast %swap3A_622 : i32 to index
      %swap3A_625 = arith.index_cast %swap3A_623 : i32 to index
      %swap3A_626 = arith.constant 80 : index
      %swap3A_627 = tpu.vector_load %arg8[%swap3A_624, %swap3A_625, %swap3A_626] {strides = array<i32>} : memref<3x2x128xi32, #tpu.memory_space<vmem>>, vector<1x1x16xi32>,
      %swap3A_628 = vector.shape_cast %swap3A_627 : vector<1x1x16xi32> to vector<16xi32>
      %swap3A_629 = vector.shape_cast %get3A_621 : vector<16xi32> to vector<1x1x16xi32>
      tpu.vector_store %arg8[%swap3A_624, %swap3A_625, %swap3A_626], %swap3A_629 {strides = array<i32>} : memref<3x2x128xi32, #tpu.memory_space<vmem>>, vector<1x1x16xi32>,
      %get3A_630 = arith.constant 0 : i32
      %get3A_631 = arith.constant 1 : i32
      %get3A_632 = arith.index_cast %get3A_630 : i32 to index
      %get3A_633 = arith.index_cast %get3A_631 : i32 to index
      %get3A_634 = arith.constant 96 : index
      %get3A_635 = tpu.vector_load %arg6[%get3A_632, %get3A_633, %get3A_634] {strides = array<i32>} : memref<3x2x128xi32, #tpu.memory_space<vmem>>, vector<1x1x16xi32>,
      %get3A_636 = vector.shape_cast %get3A_635 : vector<1x1x16xi32> to vector<16xi32>
      %swap3A_637 = arith.constant 0 : i32
      %swap3A_638 = arith.constant 1 : i32
      %swap3A_639 = arith.index_cast %swap3A_637 : i32 to index
      %swap3A_640 = arith.index_cast %swap3A_638 : i32 to index
      %swap3A_641 = arith.constant 96 : index
      %swap3A_642 = tpu.vector_load %arg8[%swap3A_639, %swap3A_640, %swap3A_641] {strides = array<i32>} : memref<3x2x128xi32, #tpu.memory_space<vmem>>, vector<1x1x16xi32>,
      %swap3A_643 = vector.shape_cast %swap3A_642 : vector<1x1x16xi32> to vector<16xi32>
      %swap3A_644 = vector.shape_cast %get3A_636 : vector<16xi32> to vector<1x1x16xi32>
      tpu.vector_store %arg8[%swap3A_639, %swap3A_640, %swap3A_641], %swap3A_644 {strides = array<i32>} : memref<3x2x128xi32, #tpu.memory_space<vmem>>, vector<1x1x16xi32>,
      %get3A_645 = arith.constant 0 : i32
      %get3A_646 = arith.constant 1 : i32
      %get3A_647 = arith.index_cast %get3A_645 : i32 to index
      %get3A_648 = arith.index_cast %get3A_646 : i32 to index
      %get3A_649 = arith.constant 112 : index
      %get3A_650 = tpu.vector_load %arg6[%get3A_647, %get3A_648, %get3A_649] {strides = array<i32>} : memref<3x2x128xi32, #tpu.memory_space<vmem>>, vector<1x1x16xi32>,
      %get3A_651 = vector.shape_cast %get3A_650 : vector<1x1x16xi32> to vector<16xi32>
      %swap3A_652 = arith.constant 0 : i32
      %swap3A_653 = arith.constant 1 : i32
      %swap3A_654 = arith.index_cast %swap3A_652 : i32 to index
      %swap3A_655 = arith.index_cast %swap3A_653 : i32 to index
      %swap3A_656 = arith.constant 112 : index
      %swap3A_657 = tpu.vector_load %arg8[%swap3A_654, %swap3A_655, %swap3A_656] {strides = array<i32>} : memref<3x2x128xi32, #tpu.memory_space<vmem>>, vector<1x1x16xi32>,
      %swap3A_658 = vector.shape_cast %swap3A_657 : vector<1x1x16xi32> to vector<16xi32>
      %swap3A_659 = vector.shape_cast %get3A_651 : vector<16xi32> to vector<1x1x16xi32>
      tpu.vector_store %arg8[%swap3A_654, %swap3A_655, %swap3A_656], %swap3A_659 {strides = array<i32>} : memref<3x2x128xi32, #tpu.memory_space<vmem>>, vector<1x1x16xi32>,
      %get3A_660 = arith.constant 1 : i32
      %get3A_661 = arith.constant 1 : i32
      %get3A_662 = arith.index_cast %get3A_660 : i32 to index
      %get3A_663 = arith.index_cast %get3A_661 : i32 to index
      %get3A_664 = arith.constant 0 : index
      %get3A_665 = tpu.vector_load %arg6[%get3A_662, %get3A_663, %get3A_664] {strides = array<i32>} : memref<3x2x128xi32, #tpu.memory_space<vmem>>, vector<1x1x16xi32>,
      %get3A_666 = vector.shape_cast %get3A_665 : vector<1x1x16xi32> to vector<16xi32>
      %swap3A_667 = arith.constant 1 : i32
      %swap3A_668 = arith.constant 1 : i32
      %swap3A_669 = arith.index_cast %swap3A_667 : i32 to index
      %swap3A_670 = arith.index_cast %swap3A_668 : i32 to index
      %swap3A_671 = arith.constant 0 : index
      %swap3A_672 = tpu.vector_load %arg8[%swap3A_669, %swap3A_670, %swap3A_671] {strides = array<i32>} : memref<3x2x128xi32, #tpu.memory_space<vmem>>, vector<1x1x16xi32>,
      %swap3A_673 = vector.shape_cast %swap3A_672 : vector<1x1x16xi32> to vector<16xi32>
      %swap3A_674 = vector.shape_cast %get3A_666 : vector<16xi32> to vector<1x1x16xi32>
      tpu.vector_store %arg8[%swap3A_669, %swap3A_670, %swap3A_671], %swap3A_674 {strides = array<i32>} : memref<3x2x128xi32, #tpu.memory_space<vmem>>, vector<1x1x16xi32>,
      %get3A_675 = arith.constant 1 : i32
      %get3A_676 = arith.constant 1 : i32
      %get3A_677 = arith.index_cast %get3A_675 : i32 to index
      %get3A_678 = arith.index_cast %get3A_676 : i32 to index
      %get3A_679 = arith.constant 16 : index
      %get3A_680 = tpu.vector_load %arg6[%get3A_677, %get3A_678, %get3A_679] {strides = array<i32>} : memref<3x2x128xi32, #tpu.memory_space<vmem>>, vector<1x1x16xi32>,
      %get3A_681 = vector.shape_cast %get3A_680 : vector<1x1x16xi32> to vector<16xi32>
      %swap3A_682 = arith.constant 1 : i32
      %swap3A_683 = arith.constant 1 : i32
      %swap3A_684 = arith.index_cast %swap3A_682 : i32 to index
      %swap3A_685 = arith.index_cast %swap3A_683 : i32 to index
      %swap3A_686 = arith.constant 16 : index
      %swap3A_687 = tpu.vector_load %arg8[%swap3A_684, %swap3A_685, %swap3A_686] {strides = array<i32>} : memref<3x2x128xi32, #tpu.memory_space<vmem>>, vector<1x1x16xi32>,
      %swap3A_688 = vector.shape_cast %swap3A_687 : vector<1x1x16xi32> to vector<16xi32>
      %swap3A_689 = vector.shape_cast %get3A_681 : vector<16xi32> to vector<1x1x16xi32>
      tpu.vector_store %arg8[%swap3A_684, %swap3A_685, %swap3A_686], %swap3A_689 {strides = array<i32>} : memref<3x2x128xi32, #tpu.memory_space<vmem>>, vector<1x1x16xi32>,
      %get3A_690 = arith.constant 1 : i32
      %get3A_691 = arith.constant 1 : i32
      %get3A_692 = arith.index_cast %get3A_690 : i32 to index
      %get3A_693 = arith.index_cast %get3A_691 : i32 to index
      %get3A_694 = arith.constant 32 : index
      %get3A_695 = tpu.vector_load %arg6[%get3A_692, %get3A_693, %get3A_694] {strides = array<i32>} : memref<3x2x128xi32, #tpu.memory_space<vmem>>, vector<1x1x16xi32>,
      %get3A_696 = vector.shape_cast %get3A_695 : vector<1x1x16xi32> to vector<16xi32>
      %swap3A_697 = arith.constant 1 : i32
      %swap3A_698 = arith.constant 1 : i32
      %swap3A_699 = arith.index_cast %swap3A_697 : i32 to index
      %swap3A_700 = arith.index_cast %swap3A_698 : i32 to index
      %swap3A_701 = arith.constant 32 : index
      %swap3A_702 = tpu.vector_load %arg8[%swap3A_699, %swap3A_700, %swap3A_701] {strides = array<i32>} : memref<3x2x128xi32, #tpu.memory_space<vmem>>, vector<1x1x16xi32>,
      %swap3A_703 = vector.shape_cast %swap3A_702 : vector<1x1x16xi32> to vector<16xi32>
      %swap3A_704 = vector.shape_cast %get3A_696 : vector<16xi32> to vector<1x1x16xi32>
      tpu.vector_store %arg8[%swap3A_699, %swap3A_700, %swap3A_701], %swap3A_704 {strides = array<i32>} : memref<3x2x128xi32, #tpu.memory_space<vmem>>, vector<1x1x16xi32>,
      %get3A_705 = arith.constant 1 : i32
      %get3A_706 = arith.constant 1 : i32
      %get3A_707 = arith.index_cast %get3A_705 : i32 to index
      %get3A_708 = arith.index_cast %get3A_706 : i32 to index
      %get3A_709 = arith.constant 48 : index
      %get3A_710 = tpu.vector_load %arg6[%get3A_707, %get3A_708, %get3A_709] {strides = array<i32>} : memref<3x2x128xi32, #tpu.memory_space<vmem>>, vector<1x1x16xi32>,
      %get3A_711 = vector.shape_cast %get3A_710 : vector<1x1x16xi32> to vector<16xi32>
      %swap3A_712 = arith.constant 1 : i32
      %swap3A_713 = arith.constant 1 : i32
      %swap3A_714 = arith.index_cast %swap3A_712 : i32 to index
      %swap3A_715 = arith.index_cast %swap3A_713 : i32 to index
      %swap3A_716 = arith.constant 48 : index
      %swap3A_717 = tpu.vector_load %arg8[%swap3A_714, %swap3A_715, %swap3A_716] {strides = array<i32>} : memref<3x2x128xi32, #tpu.memory_space<vmem>>, vector<1x1x16xi32>,
      %swap3A_718 = vector.shape_cast %swap3A_717 : vector<1x1x16xi32> to vector<16xi32>
      %swap3A_719 = vector.shape_cast %get3A_711 : vector<16xi32> to vector<1x1x16xi32>
      tpu.vector_store %arg8[%swap3A_714, %swap3A_715, %swap3A_716], %swap3A_719 {strides = array<i32>} : memref<3x2x128xi32, #tpu.memory_space<vmem>>, vector<1x1x16xi32>,
      %get3A_720 = arith.constant 1 : i32
      %get3A_721 = arith.constant 1 : i32
      %get3A_722 = arith.index_cast %get3A_720 : i32 to index
      %get3A_723 = arith.index_cast %get3A_721 : i32 to index
      %get3A_724 = arith.constant 64 : index
      %get3A_725 = tpu.vector_load %arg6[%get3A_722, %get3A_723, %get3A_724] {strides = array<i32>} : memref<3x2x128xi32, #tpu.memory_space<vmem>>, vector<1x1x16xi32>,
      %get3A_726 = vector.shape_cast %get3A_725 : vector<1x1x16xi32> to vector<16xi32>
      %swap3A_727 = arith.constant 1 : i32
      %swap3A_728 = arith.constant 1 : i32
      %swap3A_729 = arith.index_cast %swap3A_727 : i32 to index
      %swap3A_730 = arith.index_cast %swap3A_728 : i32 to index
      %swap3A_731 = arith.constant 64 : index
      %swap3A_732 = tpu.vector_load %arg8[%swap3A_729, %swap3A_730, %swap3A_731] {strides = array<i32>} : memref<3x2x128xi32, #tpu.memory_space<vmem>>, vector<1x1x16xi32>,
      %swap3A_733 = vector.shape_cast %swap3A_732 : vector<1x1x16xi32> to vector<16xi32>
      %swap3A_734 = vector.shape_cast %get3A_726 : vector<16xi32> to vector<1x1x16xi32>
      tpu.vector_store %arg8[%swap3A_729, %swap3A_730, %swap3A_731], %swap3A_734 {strides = array<i32>} : memref<3x2x128xi32, #tpu.memory_space<vmem>>, vector<1x1x16xi32>,
      %get3A_735 = arith.constant 1 : i32
      %get3A_736 = arith.constant 1 : i32
      %get3A_737 = arith.index_cast %get3A_735 : i32 to index
      %get3A_738 = arith.index_cast %get3A_736 : i32 to index
      %get3A_739 = arith.constant 80 : index
      %get3A_740 = tpu.vector_load %arg6[%get3A_737, %get3A_738, %get3A_739] {strides = array<i32>} : memref<3x2x128xi32, #tpu.memory_space<vmem>>, vector<1x1x16xi32>,
      %get3A_741 = vector.shape_cast %get3A_740 : vector<1x1x16xi32> to vector<16xi32>
      %swap3A_742 = arith.constant 1 : i32
      %swap3A_743 = arith.constant 1 : i32
      %swap3A_744 = arith.index_cast %swap3A_742 : i32 to index
      %swap3A_745 = arith.index_cast %swap3A_743 : i32 to index
      %swap3A_746 = arith.constant 80 : index
      %swap3A_747 = tpu.vector_load %arg8[%swap3A_744, %swap3A_745, %swap3A_746] {strides = array<i32>} : memref<3x2x128xi32, #tpu.memory_space<vmem>>, vector<1x1x16xi32>,
      %swap3A_748 = vector.shape_cast %swap3A_747 : vector<1x1x16xi32> to vector<16xi32>
      %swap3A_749 = vector.shape_cast %get3A_741 : vector<16xi32> to vector<1x1x16xi32>
      tpu.vector_store %arg8[%swap3A_744, %swap3A_745, %swap3A_746], %swap3A_749 {strides = array<i32>} : memref<3x2x128xi32, #tpu.memory_space<vmem>>, vector<1x1x16xi32>,
      %get3A_750 = arith.constant 1 : i32
      %get3A_751 = arith.constant 1 : i32
      %get3A_752 = arith.index_cast %get3A_750 : i32 to index
      %get3A_753 = arith.index_cast %get3A_751 : i32 to index
      %get3A_754 = arith.constant 96 : index
      %get3A_755 = tpu.vector_load %arg6[%get3A_752, %get3A_753, %get3A_754] {strides = array<i32>} : memref<3x2x128xi32, #tpu.memory_space<vmem>>, vector<1x1x16xi32>,
      %get3A_756 = vector.shape_cast %get3A_755 : vector<1x1x16xi32> to vector<16xi32>
      %swap3A_757 = arith.constant 1 : i32
      %swap3A_758 = arith.constant 1 : i32
      %swap3A_759 = arith.index_cast %swap3A_757 : i32 to index
      %swap3A_760 = arith.index_cast %swap3A_758 : i32 to index
      %swap3A_761 = arith.constant 96 : index
      %swap3A_762 = tpu.vector_load %arg8[%swap3A_759, %swap3A_760, %swap3A_761] {strides = array<i32>} : memref<3x2x128xi32, #tpu.memory_space<vmem>>, vector<1x1x16xi32>,
      %swap3A_763 = vector.shape_cast %swap3A_762 : vector<1x1x16xi32> to vector<16xi32>
      %swap3A_764 = vector.shape_cast %get3A_756 : vector<16xi32> to vector<1x1x16xi32>
      tpu.vector_store %arg8[%swap3A_759, %swap3A_760, %swap3A_761], %swap3A_764 {strides = array<i32>} : memref<3x2x128xi32, #tpu.memory_space<vmem>>, vector<1x1x16xi32>,
      %get3A_765 = arith.constant 1 : i32
      %get3A_766 = arith.constant 1 : i32
      %get3A_767 = arith.index_cast %get3A_765 : i32 to index
      %get3A_768 = arith.index_cast %get3A_766 : i32 to index
      %get3A_769 = arith.constant 112 : index
      %get3A_770 = tpu.vector_load %arg6[%get3A_767, %get3A_768, %get3A_769] {strides = array<i32>} : memref<3x2x128xi32, #tpu.memory_space<vmem>>, vector<1x1x16xi32>,
      %get3A_771 = vector.shape_cast %get3A_770 : vector<1x1x16xi32> to vector<16xi32>
      %swap3A_772 = arith.constant 1 : i32
      %swap3A_773 = arith.constant 1 : i32
      %swap3A_774 = arith.index_cast %swap3A_772 : i32 to index
      %swap3A_775 = arith.index_cast %swap3A_773 : i32 to index
      %swap3A_776 = arith.constant 112 : index
      %swap3A_777 = tpu.vector_load %arg8[%swap3A_774, %swap3A_775, %swap3A_776] {strides = array<i32>} : memref<3x2x128xi32, #tpu.memory_space<vmem>>, vector<1x1x16xi32>,
      %swap3A_778 = vector.shape_cast %swap3A_777 : vector<1x1x16xi32> to vector<16xi32>
      %swap3A_779 = vector.shape_cast %get3A_771 : vector<16xi32> to vector<1x1x16xi32>
      tpu.vector_store %arg8[%swap3A_774, %swap3A_775, %swap3A_776], %swap3A_779 {strides = array<i32>} : memref<3x2x128xi32, #tpu.memory_space<vmem>>, vector<1x1x16xi32>,
      %get3A_780 = arith.constant 2 : i32
      %get3A_781 = arith.constant 1 : i32
      %get3A_782 = arith.index_cast %get3A_780 : i32 to index
      %get3A_783 = arith.index_cast %get3A_781 : i32 to index
      %get3A_784 = arith.constant 0 : index
      %get3A_785 = tpu.vector_load %arg6[%get3A_782, %get3A_783, %get3A_784] {strides = array<i32>} : memref<3x2x128xi32, #tpu.memory_space<vmem>>, vector<1x1x16xi32>,
      %get3A_786 = vector.shape_cast %get3A_785 : vector<1x1x16xi32> to vector<16xi32>
      %swap3A_787 = arith.constant 2 : i32
      %swap3A_788 = arith.constant 1 : i32
      %swap3A_789 = arith.index_cast %swap3A_787 : i32 to index
      %swap3A_790 = arith.index_cast %swap3A_788 : i32 to index
      %swap3A_791 = arith.constant 0 : index
      %swap3A_792 = tpu.vector_load %arg8[%swap3A_789, %swap3A_790, %swap3A_791] {strides = array<i32>} : memref<3x2x128xi32, #tpu.memory_space<vmem>>, vector<1x1x16xi32>,
      %swap3A_793 = vector.shape_cast %swap3A_792 : vector<1x1x16xi32> to vector<16xi32>
      %swap3A_794 = vector.shape_cast %get3A_786 : vector<16xi32> to vector<1x1x16xi32>
      tpu.vector_store %arg8[%swap3A_789, %swap3A_790, %swap3A_791], %swap3A_794 {strides = array<i32>} : memref<3x2x128xi32, #tpu.memory_space<vmem>>, vector<1x1x16xi32>,
      %get3A_795 = arith.constant 2 : i32
      %get3A_796 = arith.constant 1 : i32
      %get3A_797 = arith.index_cast %get3A_795 : i32 to index
      %get3A_798 = arith.index_cast %get3A_796 : i32 to index
      %get3A_799 = arith.constant 16 : index
      %get3A_800 = tpu.vector_load %arg6[%get3A_797, %get3A_798, %get3A_799] {strides = array<i32>} : memref<3x2x128xi32, #tpu.memory_space<vmem>>, vector<1x1x16xi32>,
      %get3A_801 = vector.shape_cast %get3A_800 : vector<1x1x16xi32> to vector<16xi32>
      %swap3A_802 = arith.constant 2 : i32
      %swap3A_803 = arith.constant 1 : i32
      %swap3A_804 = arith.index_cast %swap3A_802 : i32 to index
      %swap3A_805 = arith.index_cast %swap3A_803 : i32 to index
      %swap3A_806 = arith.constant 16 : index
      %swap3A_807 = tpu.vector_load %arg8[%swap3A_804, %swap3A_805, %swap3A_806] {strides = array<i32>} : memref<3x2x128xi32, #tpu.memory_space<vmem>>, vector<1x1x16xi32>,
      %swap3A_808 = vector.shape_cast %swap3A_807 : vector<1x1x16xi32> to vector<16xi32>
      %swap3A_809 = vector.shape_cast %get3A_801 : vector<16xi32> to vector<1x1x16xi32>
      tpu.vector_store %arg8[%swap3A_804, %swap3A_805, %swap3A_806], %swap3A_809 {strides = array<i32>} : memref<3x2x128xi32, #tpu.memory_space<vmem>>, vector<1x1x16xi32>,
      %get3A_810 = arith.constant 2 : i32
      %get3A_811 = arith.constant 1 : i32
      %get3A_812 = arith.index_cast %get3A_810 : i32 to index
      %get3A_813 = arith.index_cast %get3A_811 : i32 to index
      %get3A_814 = arith.constant 32 : index
      %get3A_815 = tpu.vector_load %arg6[%get3A_812, %get3A_813, %get3A_814] {strides = array<i32>} : memref<3x2x128xi32, #tpu.memory_space<vmem>>, vector<1x1x16xi32>,
      %get3A_816 = vector.shape_cast %get3A_815 : vector<1x1x16xi32> to vector<16xi32>
      %swap3A_817 = arith.constant 2 : i32
      %swap3A_818 = arith.constant 1 : i32
      %swap3A_819 = arith.index_cast %swap3A_817 : i32 to index
      %swap3A_820 = arith.index_cast %swap3A_818 : i32 to index
      %swap3A_821 = arith.constant 32 : index
      %swap3A_822 = tpu.vector_load %arg8[%swap3A_819, %swap3A_820, %swap3A_821] {strides = array<i32>} : memref<3x2x128xi32, #tpu.memory_space<vmem>>, vector<1x1x16xi32>,
      %swap3A_823 = vector.shape_cast %swap3A_822 : vector<1x1x16xi32> to vector<16xi32>
      %swap3A_824 = vector.shape_cast %get3A_816 : vector<16xi32> to vector<1x1x16xi32>
      tpu.vector_store %arg8[%swap3A_819, %swap3A_820, %swap3A_821], %swap3A_824 {strides = array<i32>} : memref<3x2x128xi32, #tpu.memory_space<vmem>>, vector<1x1x16xi32>,
      %get3A_825 = arith.constant 2 : i32
      %get3A_826 = arith.constant 1 : i32
      %get3A_827 = arith.index_cast %get3A_825 : i32 to index
      %get3A_828 = arith.index_cast %get3A_826 : i32 to index
      %get3A_829 = arith.constant 48 : index
      %get3A_830 = tpu.vector_load %arg6[%get3A_827, %get3A_828, %get3A_829] {strides = array<i32>} : memref<3x2x128xi32, #tpu.memory_space<vmem>>, vector<1x1x16xi32>,
      %get3A_831 = vector.shape_cast %get3A_830 : vector<1x1x16xi32> to vector<16xi32>
      %swap3A_832 = arith.constant 2 : i32
      %swap3A_833 = arith.constant 1 : i32
      %swap3A_834 = arith.index_cast %swap3A_832 : i32 to index
      %swap3A_835 = arith.index_cast %swap3A_833 : i32 to index
      %swap3A_836 = arith.constant 48 : index
      %swap3A_837 = tpu.vector_load %arg8[%swap3A_834, %swap3A_835, %swap3A_836] {strides = array<i32>} : memref<3x2x128xi32, #tpu.memory_space<vmem>>, vector<1x1x16xi32>,
      %swap3A_838 = vector.shape_cast %swap3A_837 : vector<1x1x16xi32> to vector<16xi32>
      %swap3A_839 = vector.shape_cast %get3A_831 : vector<16xi32> to vector<1x1x16xi32>
      tpu.vector_store %arg8[%swap3A_834, %swap3A_835, %swap3A_836], %swap3A_839 {strides = array<i32>} : memref<3x2x128xi32, #tpu.memory_space<vmem>>, vector<1x1x16xi32>,
      %get3A_840 = arith.constant 2 : i32
      %get3A_841 = arith.constant 1 : i32
      %get3A_842 = arith.index_cast %get3A_840 : i32 to index
      %get3A_843 = arith.index_cast %get3A_841 : i32 to index
      %get3A_844 = arith.constant 64 : index
      %get3A_845 = tpu.vector_load %arg6[%get3A_842, %get3A_843, %get3A_844] {strides = array<i32>} : memref<3x2x128xi32, #tpu.memory_space<vmem>>, vector<1x1x16xi32>,
      %get3A_846 = vector.shape_cast %get3A_845 : vector<1x1x16xi32> to vector<16xi32>
      %swap3A_847 = arith.constant 2 : i32
      %swap3A_848 = arith.constant 1 : i32
      %swap3A_849 = arith.index_cast %swap3A_847 : i32 to index
      %swap3A_850 = arith.index_cast %swap3A_848 : i32 to index
      %swap3A_851 = arith.constant 64 : index
      %swap3A_852 = tpu.vector_load %arg8[%swap3A_849, %swap3A_850, %swap3A_851] {strides = array<i32>} : memref<3x2x128xi32, #tpu.memory_space<vmem>>, vector<1x1x16xi32>,
      %swap3A_853 = vector.shape_cast %swap3A_852 : vector<1x1x16xi32> to vector<16xi32>
      %swap3A_854 = vector.shape_cast %get3A_846 : vector<16xi32> to vector<1x1x16xi32>
      tpu.vector_store %arg8[%swap3A_849, %swap3A_850, %swap3A_851], %swap3A_854 {strides = array<i32>} : memref<3x2x128xi32, #tpu.memory_space<vmem>>, vector<1x1x16xi32>,
      %get3A_855 = arith.constant 2 : i32
      %get3A_856 = arith.constant 1 : i32
      %get3A_857 = arith.index_cast %get3A_855 : i32 to index
      %get3A_858 = arith.index_cast %get3A_856 : i32 to index
      %get3A_859 = arith.constant 80 : index
      %get3A_860 = tpu.vector_load %arg6[%get3A_857, %get3A_858, %get3A_859] {strides = array<i32>} : memref<3x2x128xi32, #tpu.memory_space<vmem>>, vector<1x1x16xi32>,
      %get3A_861 = vector.shape_cast %get3A_860 : vector<1x1x16xi32> to vector<16xi32>
      %swap3A_862 = arith.constant 2 : i32
      %swap3A_863 = arith.constant 1 : i32
      %swap3A_864 = arith.index_cast %swap3A_862 : i32 to index
      %swap3A_865 = arith.index_cast %swap3A_863 : i32 to index
      %swap3A_866 = arith.constant 80 : index
      %swap3A_867 = tpu.vector_load %arg8[%swap3A_864, %swap3A_865, %swap3A_866] {strides = array<i32>} : memref<3x2x128xi32, #tpu.memory_space<vmem>>, vector<1x1x16xi32>,
      %swap3A_868 = vector.shape_cast %swap3A_867 : vector<1x1x16xi32> to vector<16xi32>
      %swap3A_869 = vector.shape_cast %get3A_861 : vector<16xi32> to vector<1x1x16xi32>
      tpu.vector_store %arg8[%swap3A_864, %swap3A_865, %swap3A_866], %swap3A_869 {strides = array<i32>} : memref<3x2x128xi32, #tpu.memory_space<vmem>>, vector<1x1x16xi32>,
      %get3A_870 = arith.constant 2 : i32
      %get3A_871 = arith.constant 1 : i32
      %get3A_872 = arith.index_cast %get3A_870 : i32 to index
      %get3A_873 = arith.index_cast %get3A_871 : i32 to index
      %get3A_874 = arith.constant 96 : index
      %get3A_875 = tpu.vector_load %arg6[%get3A_872, %get3A_873, %get3A_874] {strides = array<i32>} : memref<3x2x128xi32, #tpu.memory_space<vmem>>, vector<1x1x16xi32>,
      %get3A_876 = vector.shape_cast %get3A_875 : vector<1x1x16xi32> to vector<16xi32>
      %swap3A_877 = arith.constant 2 : i32
      %swap3A_878 = arith.constant 1 : i32
      %swap3A_879 = arith.index_cast %swap3A_877 : i32 to index
      %swap3A_880 = arith.index_cast %swap3A_878 : i32 to index
      %swap3A_881 = arith.constant 96 : index
      %swap3A_882 = tpu.vector_load %arg8[%swap3A_879, %swap3A_880, %swap3A_881] {strides = array<i32>} : memref<3x2x128xi32, #tpu.memory_space<vmem>>, vector<1x1x16xi32>,
      %swap3A_883 = vector.shape_cast %swap3A_882 : vector<1x1x16xi32> to vector<16xi32>
      %swap3A_884 = vector.shape_cast %get3A_876 : vector<16xi32> to vector<1x1x16xi32>
      tpu.vector_store %arg8[%swap3A_879, %swap3A_880, %swap3A_881], %swap3A_884 {strides = array<i32>} : memref<3x2x128xi32, #tpu.memory_space<vmem>>, vector<1x1x16xi32>,
      %get3A_885 = arith.constant 2 : i32
      %get3A_886 = arith.constant 1 : i32
      %get3A_887 = arith.index_cast %get3A_885 : i32 to index
      %get3A_888 = arith.index_cast %get3A_886 : i32 to index
      %get3A_889 = arith.constant 112 : index
      %get3A_890 = tpu.vector_load %arg6[%get3A_887, %get3A_888, %get3A_889] {strides = array<i32>} : memref<3x2x128xi32, #tpu.memory_space<vmem>>, vector<1x1x16xi32>,
      %get3A_891 = vector.shape_cast %get3A_890 : vector<1x1x16xi32> to vector<16xi32>
      %swap3A_892 = arith.constant 2 : i32
      %swap3A_893 = arith.constant 1 : i32
      %swap3A_894 = arith.index_cast %swap3A_892 : i32 to index
      %swap3A_895 = arith.index_cast %swap3A_893 : i32 to index
      %swap3A_896 = arith.constant 112 : index
      %swap3A_897 = tpu.vector_load %arg8[%swap3A_894, %swap3A_895, %swap3A_896] {strides = array<i32>} : memref<3x2x128xi32, #tpu.memory_space<vmem>>, vector<1x1x16xi32>,
      %swap3A_898 = vector.shape_cast %swap3A_897 : vector<1x1x16xi32> to vector<16xi32>
      %swap3A_899 = vector.shape_cast %get3A_891 : vector<16xi32> to vector<1x1x16xi32>
      tpu.vector_store %arg8[%swap3A_894, %swap3A_895, %swap3A_896], %swap3A_899 {strides = array<i32>} : memref<3x2x128xi32, #tpu.memory_space<vmem>>, vector<1x1x16xi32>,
      %dma_start3A_900 = arith.constant 0 : i32
      %dma_start3A_901 = arith.constant 1 : i32
      %dma_start3A_902 = arith.constant 0 : i32
      %dma_start3A_903 = tpu.memref_slice %arg8[%dma_start3A_900, %dma_start3A_901, %dma_start3A_902] : memref<3x2x128xi32, #tpu.memory_space<vmem>> -> memref<1x1x128xi32, #tpu.memory_space<vmem>>
      %dma_start3A_904 = tpu.memref_squeeze %dma_start3A_903 : memref<1x1x128xi32, #tpu.memory_space<vmem>> -> memref<128xi32, #tpu.memory_space<vmem>>
      %dma_start3A_905 = arith.constant 0 : i32
      %dma_start3A_906 = tpu.memref_slice %arg11[%dma_start3A_905] : memref<50176xf32, #tpu.memory_space<vmem_shared>> -> memref<50176xf32, #tpu.memory_space<vmem_shared>>
      tpu.enqueue_indirect_dma source(%arg9 : memref<128xf32, #tpu.memory_space<vmem>>) target(%dma_start3A_906 : memref<50176xf32, #tpu.memory_space<vmem_shared>>) offsets(%dma_start3A_904 : memref<128xi32, #tpu.memory_space<vmem>>) semaphore(%arg15 : memref<!tpu.dma_semaphore, #tpu.memory_space<semaphore_mem>>) {add = true}
      %dma_start3A_907 = arith.constant 1 : i32
      %dma_start3A_908 = arith.constant 1 : i32
      %dma_start3A_909 = arith.constant 0 : i32
      %dma_start3A_910 = tpu.memref_slice %arg8[%dma_start3A_907, %dma_start3A_908, %dma_start3A_909] : memref<3x2x128xi32, #tpu.memory_space<vmem>> -> memref<1x1x128xi32, #tpu.memory_space<vmem>>
      %dma_start3A_911 = tpu.memref_squeeze %dma_start3A_910 : memref<1x1x128xi32, #tpu.memory_space<vmem>> -> memref<128xi32, #tpu.memory_space<vmem>>
      %dma_start3A_912 = arith.constant 0 : i32
      %dma_start3A_913 = tpu.memref_slice %arg11[%dma_start3A_912] : memref<50176xf32, #tpu.memory_space<vmem_shared>> -> memref<50176xf32, #tpu.memory_space<vmem_shared>>
      tpu.enqueue_indirect_dma source(%arg9 : memref<128xf32, #tpu.memory_space<vmem>>) target(%dma_start3A_913 : memref<50176xf32, #tpu.memory_space<vmem_shared>>) offsets(%dma_start3A_911 : memref<128xi32, #tpu.memory_space<vmem>>) semaphore(%arg15 : memref<!tpu.dma_semaphore, #tpu.memory_space<semaphore_mem>>) {add = true}
      %dma_start3A_914 = arith.constant 2 : i32
      %dma_start3A_915 = arith.constant 1 : i32
      %dma_start3A_916 = arith.constant 0 : i32
      %dma_start3A_917 = tpu.memref_slice %arg8[%dma_start3A_914, %dma_start3A_915, %dma_start3A_916] : memref<3x2x128xi32, #tpu.memory_space<vmem>> -> memref<1x1x128xi32, #tpu.memory_space<vmem>>
      %dma_start3A_918 = tpu.memref_squeeze %dma_start3A_917 : memref<1x1x128xi32, #tpu.memory_space<vmem>> -> memref<128xi32, #tpu.memory_space<vmem>>
      %dma_start3A_919 = arith.constant 0 : i32
      %dma_start3A_920 = tpu.memref_slice %arg11[%dma_start3A_919] : memref<50176xf32, #tpu.memory_space<vmem_shared>> -> memref<50176xf32, #tpu.memory_space<vmem_shared>>
      tpu.enqueue_indirect_dma source(%arg9 : memref<128xf32, #tpu.memory_space<vmem>>) target(%dma_start3A_920 : memref<50176xf32, #tpu.memory_space<vmem_shared>>) offsets(%dma_start3A_918 : memref<128xi32, #tpu.memory_space<vmem>>) semaphore(%arg15 : memref<!tpu.dma_semaphore, #tpu.memory_space<semaphore_mem>>) {add = true}
      %add3A_921 = arith.constant 2 : i32
      %add3A_922 = arith.addi %add3A_522, %add3A_921 : i32
      %lt3A_923 = arith.constant 130 : i32
      %lt3A_924 = arith.cmpi slt, %add3A_922, %lt3A_923 : i32
      %convert_element_type3A_925 = arith.extui %lt3A_924 : i1 to i32
      %cond3A_926 = arith.constant 0 : i32
      %cond3A_927 = arith.cmpi ne, %convert_element_type3A_925, %cond3A_926 : i32
      scf.if %cond3A_927 {
        %add3A_928 = arith.constant 2 : i32
        %add3A_929 = arith.addi %add3A_522, %add3A_928 : i32
        %mul3A_930 = arith.constant 3 : i32
        %mul3A_931 = arith.muli %add3A_929, %mul3A_930 : i32
        %add3A_932 = arith.addi %add3A_52, %mul3A_931 : i32
        %dma_start3A_933 = arith.constant 0 : i32
        %dma_start3A_934 = arith.constant 0 : i32
        %dma_start3A_935 = tpu.memref_slice %arg2[%add3A_932, %dma_start3A_933, %dma_start3A_934] : memref<12500x2x128xi32, #tpu.memory_space<hbm>> -> memref<3x2x128xi32, #tpu.memory_space<hbm>>
        %dma_start3A_936 = arith.constant 0 : i32
        %dma_start3A_937 = arith.constant 0 : i32
        %dma_start3A_938 = tpu.memref_slice %arg2[%add3A_932, %dma_start3A_936, %dma_start3A_937] : memref<12500x2x128xi32, #tpu.memory_space<hbm>> -> memref<3x2x128xi32, #tpu.memory_space<hbm>>
        tpu.enqueue_dma source(%dma_start3A_938 : memref<3x2x128xi32, #tpu.memory_space<hbm>>) target(%arg6 : memref<3x2x128xi32, #tpu.memory_space<vmem>>) target_semaphore(%arg13 : memref<!tpu.dma_semaphore, #tpu.memory_space<semaphore_mem>>)
      } else {
      }
    }
    %scan3A_64 = arith.constant 65 : i32
    %dma_wait3A = arith.constant 0 : i32
    %dma_wait3A_65 = arith.constant 1 : i32
    %dma_wait3A_66 = arith.constant 0 : i32
    %dma_wait3A_67 = tpu.memref_slice %arg7[%dma_wait3A, %dma_wait3A_65, %dma_wait3A_66] : memref<3x2x128xi32, #tpu.memory_space<vmem>> -> memref<1x1x128xi32, #tpu.memory_space<vmem>>
    %dma_wait3A_68 = tpu.memref_squeeze %dma_wait3A_67 : memref<1x1x128xi32, #tpu.memory_space<vmem>> -> memref<128xi32, #tpu.memory_space<vmem>>
    %dma_wait3A_69 = arith.constant 0 : i32
    %dma_wait3A_70 = tpu.memref_slice %arg11[%dma_wait3A_69] : memref<50176xf32, #tpu.memory_space<vmem_shared>> -> memref<50176xf32, #tpu.memory_space<vmem_shared>>
    tpu.wait_indirect_dma semaphore(%arg14 : memref<!tpu.dma_semaphore, #tpu.memory_space<semaphore_mem>>) src(%arg9 : memref<128xf32, #tpu.memory_space<vmem>>) dst(%dma_wait3A_70 : memref<50176xf32, #tpu.memory_space<vmem_shared>>)
    %dma_wait3A_71 = arith.constant 1 : i32
    %dma_wait3A_72 = arith.constant 1 : i32
    %dma_wait3A_73 = arith.constant 0 : i32
    %dma_wait3A_74 = tpu.memref_slice %arg7[%dma_wait3A_71, %dma_wait3A_72, %dma_wait3A_73] : memref<3x2x128xi32, #tpu.memory_space<vmem>> -> memref<1x1x128xi32, #tpu.memory_space<vmem>>
    %dma_wait3A_75 = tpu.memref_squeeze %dma_wait3A_74 : memref<1x1x128xi32, #tpu.memory_space<vmem>> -> memref<128xi32, #tpu.memory_space<vmem>>
    %dma_wait3A_76 = arith.constant 0 : i32
    %dma_wait3A_77 = tpu.memref_slice %arg11[%dma_wait3A_76] : memref<50176xf32, #tpu.memory_space<vmem_shared>> -> memref<50176xf32, #tpu.memory_space<vmem_shared>>
    tpu.wait_indirect_dma semaphore(%arg14 : memref<!tpu.dma_semaphore, #tpu.memory_space<semaphore_mem>>) src(%arg9 : memref<128xf32, #tpu.memory_space<vmem>>) dst(%dma_wait3A_77 : memref<50176xf32, #tpu.memory_space<vmem_shared>>)
    %dma_wait3A_78 = arith.constant 2 : i32
    %dma_wait3A_79 = arith.constant 1 : i32
    %dma_wait3A_80 = arith.constant 0 : i32
    %dma_wait3A_81 = tpu.memref_slice %arg7[%dma_wait3A_78, %dma_wait3A_79, %dma_wait3A_80] : memref<3x2x128xi32, #tpu.memory_space<vmem>> -> memref<1x1x128xi32, #tpu.memory_space<vmem>>
    %dma_wait3A_82 = tpu.memref_squeeze %dma_wait3A_81 : memref<1x1x128xi32, #tpu.memory_space<vmem>> -> memref<128xi32, #tpu.memory_space<vmem>>
    %dma_wait3A_83 = arith.constant 0 : i32
    %dma_wait3A_84 = tpu.memref_slice %arg11[%dma_wait3A_83] : memref<50176xf32, #tpu.memory_space<vmem_shared>> -> memref<50176xf32, #tpu.memory_space<vmem_shared>>
    tpu.wait_indirect_dma semaphore(%arg14 : memref<!tpu.dma_semaphore, #tpu.memory_space<semaphore_mem>>) src(%arg9 : memref<128xf32, #tpu.memory_space<vmem>>) dst(%dma_wait3A_84 : memref<50176xf32, #tpu.memory_space<vmem_shared>>)
    %dma_wait3A_85 = arith.constant 0 : i32
    %dma_wait3A_86 = arith.constant 1 : i32
    %dma_wait3A_87 = arith.constant 0 : i32
    %dma_wait3A_88 = tpu.memref_slice %arg8[%dma_wait3A_85, %dma_wait3A_86, %dma_wait3A_87] : memref<3x2x128xi32, #tpu.memory_space<vmem>> -> memref<1x1x128xi32, #tpu.memory_space<vmem>>
    %dma_wait3A_89 = tpu.memref_squeeze %dma_wait3A_88 : memref<1x1x128xi32, #tpu.memory_space<vmem>> -> memref<128xi32, #tpu.memory_space<vmem>>
    %dma_wait3A_90 = arith.constant 0 : i32
    %dma_wait3A_91 = tpu.memref_slice %arg11[%dma_wait3A_90] : memref<50176xf32, #tpu.memory_space<vmem_shared>> -> memref<50176xf32, #tpu.memory_space<vmem_shared>>
    tpu.wait_indirect_dma semaphore(%arg15 : memref<!tpu.dma_semaphore, #tpu.memory_space<semaphore_mem>>) src(%arg9 : memref<128xf32, #tpu.memory_space<vmem>>) dst(%dma_wait3A_91 : memref<50176xf32, #tpu.memory_space<vmem_shared>>)
    %dma_wait3A_92 = arith.constant 1 : i32
    %dma_wait3A_93 = arith.constant 1 : i32
    %dma_wait3A_94 = arith.constant 0 : i32
    %dma_wait3A_95 = tpu.memref_slice %arg8[%dma_wait3A_92, %dma_wait3A_93, %dma_wait3A_94] : memref<3x2x128xi32, #tpu.memory_space<vmem>> -> memref<1x1x128xi32, #tpu.memory_space<vmem>>
    %dma_wait3A_96 = tpu.memref_squeeze %dma_wait3A_95 : memref<1x1x128xi32, #tpu.memory_space<vmem>> -> memref<128xi32, #tpu.memory_space<vmem>>
    %dma_wait3A_97 = arith.constant 0 : i32
    %dma_wait3A_98 = tpu.memref_slice %arg11[%dma_wait3A_97] : memref<50176xf32, #tpu.memory_space<vmem_shared>> -> memref<50176xf32, #tpu.memory_space<vmem_shared>>
    tpu.wait_indirect_dma semaphore(%arg15 : memref<!tpu.dma_semaphore, #tpu.memory_space<semaphore_mem>>) src(%arg9 : memref<128xf32, #tpu.memory_space<vmem>>) dst(%dma_wait3A_98 : memref<50176xf32, #tpu.memory_space<vmem_shared>>)
    %dma_wait3A_99 = arith.constant 2 : i32
    %dma_wait3A_100 = arith.constant 1 : i32
    %dma_wait3A_101 = arith.constant 0 : i32
    %dma_wait3A_102 = tpu.memref_slice %arg8[%dma_wait3A_99, %dma_wait3A_100, %dma_wait3A_101] : memref<3x2x128xi32, #tpu.memory_space<vmem>> -> memref<1x1x128xi32, #tpu.memory_space<vmem>>
    %dma_wait3A_103 = tpu.memref_squeeze %dma_wait3A_102 : memref<1x1x128xi32, #tpu.memory_space<vmem>> -> memref<128xi32, #tpu.memory_space<vmem>>
    %dma_wait3A_104 = arith.constant 0 : i32
    %dma_wait3A_105 = tpu.memref_slice %arg11[%dma_wait3A_104] : memref<50176xf32, #tpu.memory_space<vmem_shared>> -> memref<50176xf32, #tpu.memory_space<vmem_shared>>
    tpu.wait_indirect_dma semaphore(%arg15 : memref<!tpu.dma_semaphore, #tpu.memory_space<semaphore_mem>>) src(%arg9 : memref<128xf32, #tpu.memory_space<vmem>>) dst(%dma_wait3A_105 : memref<50176xf32, #tpu.memory_space<vmem_shared>>)
    %lt3A = arith.constant 20 : i32
    %lt3A_106 = arith.cmpi slt, %add3A, %lt3A : i32
    %convert_element_type3A = arith.extui %lt3A_106 : i1 to i32
    %cond3A = arith.constant 0 : i32
    %cond3A_107 = arith.cmpi ne, %convert_element_type3A, %cond3A : i32
    scf.if %cond3A_107 {
      %add3A_116 = arith.constant 390 : i32
      %add3A_117 = arith.addi %add3A_52, %add3A_116 : i32
      "tpu.region"() ({
        %run_scoped3A_119 = tpu.sem_alloc : memref<!tpu.dma_semaphore, #tpu.memory_space<semaphore_mem>>
        %dma_start3A_120 = arith.constant 0 : i32
        %dma_start3A_121 = arith.constant 0 : i32
        %dma_start3A_122 = arith.constant 0 : i32
        %dma_start3A_123 = tpu.memref_slice %arg5[%dma_start3A_120, %dma_start3A_121, %dma_start3A_122] : memref<3x2x128xi32, #tpu.memory_space<vmem>> -> memref<1x2x128xi32, #tpu.memory_space<vmem>>
        %dma_start3A_124 = arith.constant 0 : i32
        %dma_start3A_125 = arith.constant 0 : i32
        %dma_start3A_126 = tpu.memref_slice %arg2[%add3A_117, %dma_start3A_124, %dma_start3A_125] : memref<12500x2x128xi32, #tpu.memory_space<hbm>> -> memref<1x2x128xi32, #tpu.memory_space<hbm>>
        %dma_start3A_127 = arith.constant 0 : i32
        %dma_start3A_128 = arith.constant 0 : i32
        %dma_start3A_129 = arith.constant 0 : i32
        %dma_start3A_130 = tpu.memref_slice %arg5[%dma_start3A_127, %dma_start3A_128, %dma_start3A_129] : memref<3x2x128xi32, #tpu.memory_space<vmem>> -> memref<1x2x128xi32, #tpu.memory_space<vmem>>
        %dma_start3A_131 = arith.constant 0 : i32
        %dma_start3A_132 = arith.constant 0 : i32
        %dma_start3A_133 = tpu.memref_slice %arg2[%add3A_117, %dma_start3A_131, %dma_start3A_132] : memref<12500x2x128xi32, #tpu.memory_space<hbm>> -> memref<1x2x128xi32, #tpu.memory_space<hbm>>
        tpu.enqueue_dma source(%dma_start3A_133 : memref<1x2x128xi32, #tpu.memory_space<hbm>>) target(%dma_start3A_130 : memref<1x2x128xi32, #tpu.memory_space<vmem>>) target_semaphore(%run_scoped3A_119 : memref<!tpu.dma_semaphore, #tpu.memory_space<semaphore_mem>>)
        %dma_wait3A_134 = arith.constant 0 : i32
        %dma_wait3A_135 = arith.constant 0 : i32
        %dma_wait3A_136 = arith.constant 0 : i32
        %dma_wait3A_137 = tpu.memref_slice %arg5[%dma_wait3A_134, %dma_wait3A_135, %dma_wait3A_136] : memref<3x2x128xi32, #tpu.memory_space<vmem>> -> memref<1x2x128xi32, #tpu.memory_space<vmem>>
        %dma_wait3A_138 = arith.constant 0 : i32
        %dma_wait3A_139 = arith.constant 0 : i32
        %dma_wait3A_140 = tpu.memref_slice %arg2[%add3A_117, %dma_wait3A_138, %dma_wait3A_139] : memref<12500x2x128xi32, #tpu.memory_space<hbm>> -> memref<1x2x128xi32, #tpu.memory_space<hbm>>
        %dma_wait3A_141 = arith.constant 0 : i32
        %dma_wait3A_142 = arith.constant 0 : i32
        %dma_wait3A_143 = arith.constant 0 : i32
        %dma_wait3A_144 = tpu.memref_slice %arg5[%dma_wait3A_141, %dma_wait3A_142, %dma_wait3A_143] : memref<3x2x128xi32, #tpu.memory_space<vmem>> -> memref<1x2x128xi32, #tpu.memory_space<vmem>>
        %dma_wait3A_145 = arith.constant 0 : i32
        %dma_wait3A_146 = arith.constant 0 : i32
        %dma_wait3A_147 = tpu.memref_slice %arg2[%add3A_117, %dma_wait3A_145, %dma_wait3A_146] : memref<12500x2x128xi32, #tpu.memory_space<hbm>> -> memref<1x2x128xi32, #tpu.memory_space<hbm>>
        tpu.wait_dma2 semaphore(%run_scoped3A_119 : memref<!tpu.dma_semaphore, #tpu.memory_space<semaphore_mem>>) src(%dma_wait3A_147 : memref<1x2x128xi32, #tpu.memory_space<hbm>>) dst(%dma_wait3A_144 : memref<1x2x128xi32, #tpu.memory_space<vmem>>)
        tpu.yield
      }) : () -> ()
      %run_scoped3A = arith.constant 0 : i32
      %run_scoped3A_118 = arith.constant 1 : i32
      "tpu.region"() ({
        %run_scoped3A_119 = tpu.sem_alloc : memref<!tpu.dma_semaphore, #tpu.memory_space<semaphore_mem>>
        %dma_start3A_120 = arith.constant 0 : i32
        %dma_start3A_121 = tpu.memref_slice %arg5[%run_scoped3A, %run_scoped3A_118, %dma_start3A_120] : memref<3x2x128xi32, #tpu.memory_space<vmem>> -> memref<1x1x128xi32, #tpu.memory_space<vmem>>
        %dma_start3A_122 = tpu.memref_squeeze %dma_start3A_121 : memref<1x1x128xi32, #tpu.memory_space<vmem>> -> memref<128xi32, #tpu.memory_space<vmem>>
        %dma_start3A_123 = arith.constant 0 : i32
        %dma_start3A_124 = tpu.memref_slice %arg11[%dma_start3A_123] : memref<50176xf32, #tpu.memory_space<vmem_shared>> -> memref<50176xf32, #tpu.memory_space<vmem_shared>>
        tpu.enqueue_indirect_dma source(%arg9 : memref<128xf32, #tpu.memory_space<vmem>>) target(%dma_start3A_124 : memref<50176xf32, #tpu.memory_space<vmem_shared>>) offsets(%dma_start3A_122 : memref<128xi32, #tpu.memory_space<vmem>>) semaphore(%run_scoped3A_119 : memref<!tpu.dma_semaphore, #tpu.memory_space<semaphore_mem>>) {add = true}
        %dma_wait3A_125 = arith.constant 0 : i32
        %dma_wait3A_126 = tpu.memref_slice %arg5[%run_scoped3A, %run_scoped3A_118, %dma_wait3A_125] : memref<3x2x128xi32, #tpu.memory_space<vmem>> -> memref<1x1x128xi32, #tpu.memory_space<vmem>>
        %dma_wait3A_127 = tpu.memref_squeeze %dma_wait3A_126 : memref<1x1x128xi32, #tpu.memory_space<vmem>> -> memref<128xi32, #tpu.memory_space<vmem>>
        %dma_wait3A_128 = arith.constant 0 : i32
        %dma_wait3A_129 = tpu.memref_slice %arg11[%dma_wait3A_128] : memref<50176xf32, #tpu.memory_space<vmem_shared>> -> memref<50176xf32, #tpu.memory_space<vmem_shared>>
        tpu.wait_indirect_dma semaphore(%run_scoped3A_119 : memref<!tpu.dma_semaphore, #tpu.memory_space<semaphore_mem>>) src(%arg9 : memref<128xf32, #tpu.memory_space<vmem>>) dst(%dma_wait3A_129 : memref<50176xf32, #tpu.memory_space<vmem_shared>>)
        tpu.yield
      }) : () -> ()
    } else {
    }
    %barrier3A_108 = arith.constant 0 : index
    tpu.barrier barrier_id(%barrier3A_108)
    %mul3A_109 = arith.constant 3136 : i32
    %mul3A_110 = arith.muli %arg1, %mul3A_109 : i32
    "tpu.region"() ({
      %run_scoped3A = tpu.sem_alloc : memref<!tpu.dma_semaphore, #tpu.memory_space<semaphore_mem>>
      %dma_start3A_116 = tpu.memref_slice %arg11[%mul3A_110] : memref<50176xf32, #tpu.memory_space<vmem_shared>> -> memref<3136xf32, #tpu.memory_space<vmem_shared>>
      %dma_start3A_117 = tpu.memref_slice %arg11[%mul3A_110] : memref<50176xf32, #tpu.memory_space<vmem_shared>> -> memref<3136xf32, #tpu.memory_space<vmem_shared>>
      tpu.enqueue_dma source(%dma_start3A_117 : memref<3136xf32, #tpu.memory_space<vmem_shared>>) target(%arg10 : memref<3136xf32, #tpu.memory_space<vmem>>) target_semaphore(%run_scoped3A : memref<!tpu.dma_semaphore, #tpu.memory_space<semaphore_mem>>)
      %dma_wait3A_118 = tpu.memref_slice %arg11[%mul3A_110] : memref<50176xf32, #tpu.memory_space<vmem_shared>> -> memref<3136xf32, #tpu.memory_space<vmem_shared>>
      %dma_wait3A_119 = tpu.memref_slice %arg11[%mul3A_110] : memref<50176xf32, #tpu.memory_space<vmem_shared>> -> memref<3136xf32, #tpu.memory_space<vmem_shared>>
      tpu.wait_dma2 semaphore(%run_scoped3A : memref<!tpu.dma_semaphore, #tpu.memory_space<semaphore_mem>>) src(%dma_wait3A_119 : memref<3136xf32, #tpu.memory_space<vmem_shared>>) dst(%arg10 : memref<3136xf32, #tpu.memory_space<vmem>>)
      tpu.yield
    }) : () -> ()
    %mul3A_111 = arith.constant 50176 : i32
    %mul3A_112 = arith.muli %arg0, %mul3A_111 : i32
    %mul3A_113 = arith.constant 3136 : i32
    %mul3A_114 = arith.muli %arg1, %mul3A_113 : i32
    %add3A_115 = arith.addi %mul3A_112, %mul3A_114 : i32
    "tpu.region"() ({
      %run_scoped3A = tpu.sem_alloc : memref<!tpu.dma_semaphore, #tpu.memory_space<semaphore_mem>>
      %dma_start3A_116 = tpu.memref_slice %arg4[%add3A_115] : memref<100352xf32, #tpu.memory_space<hbm>> -> memref<3136xf32, #tpu.memory_space<hbm>>
      %dma_start3A_117 = tpu.memref_slice %arg4[%add3A_115] : memref<100352xf32, #tpu.memory_space<hbm>> -> memref<3136xf32, #tpu.memory_space<hbm>>
      tpu.enqueue_dma source(%arg10 : memref<3136xf32, #tpu.memory_space<vmem>>) target(%dma_start3A_117 : memref<3136xf32, #tpu.memory_space<hbm>>) target_semaphore(%run_scoped3A : memref<!tpu.dma_semaphore, #tpu.memory_space<semaphore_mem>>)
      %dma_wait3A_118 = tpu.memref_slice %arg4[%add3A_115] : memref<100352xf32, #tpu.memory_space<hbm>> -> memref<3136xf32, #tpu.memory_space<hbm>>
      %dma_wait3A_119 = tpu.memref_slice %arg4[%add3A_115] : memref<100352xf32, #tpu.memory_space<hbm>> -> memref<3136xf32, #tpu.memory_space<hbm>>
      tpu.wait_dma2 semaphore(%run_scoped3A : memref<!tpu.dma_semaphore, #tpu.memory_space<semaphore_mem>>) src(%arg10 : memref<3136xf32, #tpu.memory_space<vmem>>) dst(%dma_wait3A_119 : memref<3136xf32, #tpu.memory_space<hbm>>)
      tpu.yield
    }) : () -> ()
    return
  }
}

module attributes {stable_mosaic.version = 14 : i64} {
  func.func @_tc0_body(%arg0: i32, %arg1: memref<3584x22xf32, #tpu.memory_space<vmem>>, %arg2: memref<22x32xf32, #tpu.memory_space<vmem>>, %arg3: memref<3584x32xf32, #tpu.memory_space<vmem>>) attributes {dimension_semantics = [#tpu.dimension_semantics<arbitrary>], iteration_bounds = array<i64: 14>, scalar_prefetch = 0 : i64, scratch_operands = 0 : i64, tpu.core_type = #tpu.core_type<tc>, window_params = [{transform_indices = @transform_0, window_bounds = array<i64: 3584, 22>}, {pipeline_mode = #tpu.pipeline_mode<synchronous>, transform_indices = @transform_1, window_bounds = array<i64: 22, 32>}, {transform_indices = @transform_2, window_bounds = array<i64: 3584, 32>}]} {
    %get3A = arith.constant 0 : index
    %get3A_0 = arith.constant 0 : index
    %get3A_1 = vector.load %arg1[%get3A, %get3A_0] : memref<3584x22xf32, #tpu.memory_space<vmem>>, vector<3584x22xf32>
    %convert_element_type3A = arith.truncf %get3A_1 : vector<3584x22xf32> to vector<3584x22xbf16>
    %get3A_2 = arith.constant 0 : index
    %get3A_3 = arith.constant 0 : index
    %get3A_4 = vector.load %arg2[%get3A_2, %get3A_3] : memref<22x32xf32, #tpu.memory_space<vmem>>, vector<22x32xf32>
    %convert_element_type3A_5 = arith.truncf %get3A_4 : vector<22x32xf32> to vector<22x32xbf16>
    %dot_general3A = arith.constant dense<0.000000e+00> : vector<3584x32xf32>
    %dot_general3A_6 = tpu.matmul %convert_element_type3A, %convert_element_type3A_5, %dot_general3A {dimension_numbers = #tpu.dot_dimension_numbers<[1], [0], [0], [1], [0, 0, 1, 1], [], []>, transpose_lhs_hint = false} : vector<3584x22xbf16>, vector<22x32xbf16>, vector<3584x32xf32> -> vector<3584x32xf32>
    %swap3A = arith.constant 0 : index
    %swap3A_7 = arith.constant 0 : index
    %swap3A_8 = vector.load %arg3[%swap3A, %swap3A_7] : memref<3584x32xf32, #tpu.memory_space<vmem>>, vector<3584x32xf32>
    tpu.vector_store %arg3[%swap3A, %swap3A_7], %dot_general3A_6 {strides = array<i32>} : memref<3584x32xf32, #tpu.memory_space<vmem>>, vector<3584x32xf32>,
    return
  }
  func.func @transform_0(%arg0: i32) -> (i32, i32) {
    %c0_i32 = arith.constant 0 : i32
    %c0_i32_0 = arith.constant 0 : i32
    return %arg0, %c0_i32 : i32, i32
  }
  func.func @transform_1(%arg0: i32) -> (i32, i32) {
    %c0_i32 = arith.constant 0 : i32
    %c0_i32_0 = arith.constant 0 : i32
    %c0_i32_1 = arith.constant 0 : i32
    return %c0_i32, %c0_i32_0 : i32, i32
  }
  func.func @transform_2(%arg0: i32) -> (i32, i32) {
    %c0_i32 = arith.constant 0 : i32
    %c0_i32_0 = arith.constant 0 : i32
    return %arg0, %c0_i32 : i32, i32
  }
}

module attributes {stable_mosaic.version = 14 : i64} {
  func.func @_tc1_body(%arg0: i32, %arg1: memref<3584x32xf32, #tpu.memory_space<vmem>>, %arg2: memref<2x3584xf32, #tpu.memory_space<vmem>>, %arg3: memref<1x32xf32, #tpu.memory_space<vmem>>, %arg4: memref<3584x32xf32, #tpu.memory_space<vmem>>, %arg5: memref<3584x32xf32, #tpu.memory_space<vmem>>) attributes {dimension_semantics = [#tpu.dimension_semantics<arbitrary>], iteration_bounds = array<i64: 14>, scalar_prefetch = 0 : i64, scratch_operands = 0 : i64, tpu.core_type = #tpu.core_type<tc>, window_params = [{transform_indices = @transform_0, window_bounds = array<i64: 3584, 32>}, {transform_indices = @transform_1, window_bounds = array<i64: 2, 3584>}, {pipeline_mode = #tpu.pipeline_mode<synchronous>, transform_indices = @transform_2, window_bounds = array<i64: 1, 32>}, {transform_indices = @transform_3, window_bounds = array<i64: 3584, 32>}, {transform_indices = @transform_4, window_bounds = array<i64: 3584, 32>}]} {
    %get3A = arith.constant 0 : index
    %get3A_0 = arith.constant 0 : index
    %get3A_1 = vector.load %arg2[%get3A, %get3A_0] : memref<2x3584xf32, #tpu.memory_space<vmem>>, vector<1x3584xf32>
    %get3A_2 = vector.shape_cast %get3A_1 : vector<1x3584xf32> to vector<3584xf32>
    %get3A_3 = arith.constant 1 : index
    %get3A_4 = arith.constant 0 : index
    %get3A_5 = vector.load %arg2[%get3A_3, %get3A_4] : memref<2x3584xf32, #tpu.memory_space<vmem>>, vector<1x3584xf32>
    %get3A_6 = vector.shape_cast %get3A_5 : vector<1x3584xf32> to vector<3584xf32>
    %add3A = arith.addf %get3A_2, %get3A_6 : vector<3584xf32>
    %add3A_7 = arith.constant 1.000000e+00 : f32
    %add3A_8 = vector.broadcast %add3A_7 : f32 to vector<3584xf32>
    %add3A_9 = arith.addf %add3A, %add3A_8 : vector<3584xf32>
    %rsqrt3A = math.rsqrt %add3A_9 : vector<3584xf32>
    %broadcast_in_dim3A = vector.shape_cast %rsqrt3A : vector<3584xf32> to vector<3584x1xf32>
    %get3A_10 = arith.constant 0 : index
    %get3A_11 = arith.constant 0 : index
    %get3A_12 = vector.load %arg1[%get3A_10, %get3A_11] : memref<3584x32xf32, #tpu.memory_space<vmem>>, vector<3584x32xf32>
    %mul3A = vector.broadcast %broadcast_in_dim3A : vector<3584x1xf32> to vector<3584x32xf32>
    %mul3A_13 = arith.mulf %get3A_12, %mul3A : vector<3584x32xf32>
    %swap3A = arith.constant 0 : index
    %swap3A_14 = arith.constant 0 : index
    %swap3A_15 = vector.load %arg4[%swap3A, %swap3A_14] : memref<3584x32xf32, #tpu.memory_space<vmem>>, vector<3584x32xf32>
    tpu.vector_store %arg4[%swap3A, %swap3A_14], %mul3A_13 {strides = array<i32>} : memref<3584x32xf32, #tpu.memory_space<vmem>>, vector<3584x32xf32>,
    %mul3A_16 = arith.mulf %broadcast_in_dim3A, %broadcast_in_dim3A : vector<3584x1xf32>
    %mul3A_17 = vector.broadcast %mul3A_16 : vector<3584x1xf32> to vector<3584x32xf32>
    %mul3A_18 = arith.mulf %get3A_12, %mul3A_17 : vector<3584x32xf32>
    %get3A_19 = arith.constant 0 : index
    %get3A_20 = arith.constant 0 : index
    %get3A_21 = vector.load %arg3[%get3A_19, %get3A_20] : memref<1x32xf32, #tpu.memory_space<vmem>>, vector<1x32xf32>
    %add3A_22 = vector.broadcast %get3A_21 : vector<1x32xf32> to vector<3584x32xf32>
    %add3A_23 = arith.addf %mul3A_18, %add3A_22 : vector<3584x32xf32>
    %swap3A_24 = arith.constant 0 : index
    %swap3A_25 = arith.constant 0 : index
    %swap3A_26 = vector.load %arg5[%swap3A_24, %swap3A_25] : memref<3584x32xf32, #tpu.memory_space<vmem>>, vector<3584x32xf32>
    tpu.vector_store %arg5[%swap3A_24, %swap3A_25], %add3A_23 {strides = array<i32>} : memref<3584x32xf32, #tpu.memory_space<vmem>>, vector<3584x32xf32>,
    return
  }
  func.func @transform_0(%arg0: i32) -> (i32, i32) {
    %c0_i32 = arith.constant 0 : i32
    %c0_i32_0 = arith.constant 0 : i32
    return %arg0, %c0_i32 : i32, i32
  }
  func.func @transform_1(%arg0: i32) -> (i32, i32) {
    %c0_i32 = arith.constant 0 : i32
    %c0_i32_0 = arith.constant 0 : i32
    return %c0_i32, %arg0 : i32, i32
  }
  func.func @transform_2(%arg0: i32) -> (i32, i32) {
    %c0_i32 = arith.constant 0 : i32
    %c0_i32_0 = arith.constant 0 : i32
    %c0_i32_1 = arith.constant 0 : i32
    return %c0_i32, %c0_i32_0 : i32, i32
  }
  func.func @transform_3(%arg0: i32) -> (i32, i32) {
    %c0_i32 = arith.constant 0 : i32
    %c0_i32_0 = arith.constant 0 : i32
    return %arg0, %c0_i32 : i32, i32
  }
  func.func @transform_4(%arg0: i32) -> (i32, i32) {
    %c0_i32 = arith.constant 0 : i32
    %c0_i32_0 = arith.constant 0 : i32
    return %arg0, %c0_i32 : i32, i32
  }
}

module attributes {stable_mosaic.version = 14 : i64} {
  func.func @_tc2_body(%arg0: i32, %arg1: memref<2x3584x32xf32, #tpu.memory_space<vmem>>, %arg2: memref<3584x32xf32, #tpu.memory_space<vmem>>, %arg3: memref<2x3584xf32, #tpu.memory_space<vmem>>, %arg4: memref<32x32xf32, #tpu.memory_space<vmem>>, %arg5: memref<1x32xf32, #tpu.memory_space<vmem>>, %arg6: memref<3584x32xf32, #tpu.memory_space<vmem>>, %arg7: memref<3584x32xf32, #tpu.memory_space<vmem>>) attributes {dimension_semantics = [#tpu.dimension_semantics<arbitrary>], iteration_bounds = array<i64: 14>, scalar_prefetch = 0 : i64, scratch_operands = 0 : i64, tpu.core_type = #tpu.core_type<tc>, window_params = [{transform_indices = @transform_0, window_bounds = array<i64: 2, 3584, 32>}, {transform_indices = @transform_1, window_bounds = array<i64: 3584, 32>}, {transform_indices = @transform_2, window_bounds = array<i64: 2, 3584>}, {pipeline_mode = #tpu.pipeline_mode<synchronous>, transform_indices = @transform_3, window_bounds = array<i64: 32, 32>}, {pipeline_mode = #tpu.pipeline_mode<synchronous>, transform_indices = @transform_4, window_bounds = array<i64: 1, 32>}, {transform_indices = @transform_5, window_bounds = array<i64: 3584, 32>}, {transform_indices = @transform_6, window_bounds = array<i64: 3584, 32>}]} {
    %get3A = arith.constant 0 : index
    %get3A_0 = arith.constant 0 : index
    %get3A_1 = vector.load %arg3[%get3A, %get3A_0] : memref<2x3584xf32, #tpu.memory_space<vmem>>, vector<1x3584xf32>
    %get3A_2 = vector.shape_cast %get3A_1 : vector<1x3584xf32> to vector<3584xf32>
    %get3A_3 = arith.constant 1 : index
    %get3A_4 = arith.constant 0 : index
    %get3A_5 = vector.load %arg3[%get3A_3, %get3A_4] : memref<2x3584xf32, #tpu.memory_space<vmem>>, vector<1x3584xf32>
    %get3A_6 = vector.shape_cast %get3A_5 : vector<1x3584xf32> to vector<3584xf32>
    %add3A = arith.addf %get3A_2, %get3A_6 : vector<3584xf32>
    %add3A_7 = arith.constant 1.000000e+00 : f32
    %add3A_8 = vector.broadcast %add3A_7 : f32 to vector<3584xf32>
    %add3A_9 = arith.addf %add3A, %add3A_8 : vector<3584xf32>
    %rsqrt3A = math.rsqrt %add3A_9 : vector<3584xf32>
    %broadcast_in_dim3A = vector.shape_cast %rsqrt3A : vector<3584xf32> to vector<3584x1xf32>
    %get3A_10 = arith.constant 0 : index
    %get3A_11 = arith.constant 0 : index
    %get3A_12 = arith.constant 0 : index
    %get3A_13 = vector.load %arg1[%get3A_10, %get3A_11, %get3A_12] : memref<2x3584x32xf32, #tpu.memory_space<vmem>>, vector<1x3584x32xf32>
    %get3A_14 = vector.shape_cast %get3A_13 : vector<1x3584x32xf32> to vector<3584x32xf32>
    %get3A_15 = arith.constant 1 : index
    %get3A_16 = arith.constant 0 : index
    %get3A_17 = arith.constant 0 : index
    %get3A_18 = vector.load %arg1[%get3A_15, %get3A_16, %get3A_17] : memref<2x3584x32xf32, #tpu.memory_space<vmem>>, vector<1x3584x32xf32>
    %get3A_19 = vector.shape_cast %get3A_18 : vector<1x3584x32xf32> to vector<3584x32xf32>
    %add3A_20 = arith.addf %get3A_14, %get3A_19 : vector<3584x32xf32>
    %mul3A = vector.broadcast %broadcast_in_dim3A : vector<3584x1xf32> to vector<3584x32xf32>
    %mul3A_21 = arith.mulf %mul3A, %add3A_20 : vector<3584x32xf32>
    %get3A_22 = arith.constant 0 : index
    %get3A_23 = arith.constant 0 : index
    %get3A_24 = vector.load %arg2[%get3A_22, %get3A_23] : memref<3584x32xf32, #tpu.memory_space<vmem>>, vector<3584x32xf32>
    %add3A_25 = arith.addf %mul3A_21, %get3A_24 : vector<3584x32xf32>
    %max3A = arith.constant 0.000000e+00 : f32
    %max3A_26 = vector.broadcast %max3A : f32 to vector<3584x32xf32>
    %max3A_27 = arith.maximumf %add3A_25, %max3A_26 : vector<3584x32xf32>
    %convert_element_type3A = arith.truncf %max3A_27 : vector<3584x32xf32> to vector<3584x32xbf16>
    %get3A_28 = arith.constant 0 : index
    %get3A_29 = arith.constant 0 : index
    %get3A_30 = vector.load %arg4[%get3A_28, %get3A_29] : memref<32x32xf32, #tpu.memory_space<vmem>>, vector<32x32xf32>
    %convert_element_type3A_31 = arith.truncf %get3A_30 : vector<32x32xf32> to vector<32x32xbf16>
    %dot_general3A = arith.constant dense<0.000000e+00> : vector<3584x32xf32>
    %dot_general3A_32 = tpu.matmul %convert_element_type3A, %convert_element_type3A_31, %dot_general3A {dimension_numbers = #tpu.dot_dimension_numbers<[1], [0], [0], [1], [0, 0, 1, 1], [], []>, transpose_lhs_hint = false} : vector<3584x32xbf16>, vector<32x32xbf16>, vector<3584x32xf32> -> vector<3584x32xf32>
    %mul3A_33 = vector.broadcast %broadcast_in_dim3A : vector<3584x1xf32> to vector<3584x32xf32>
    %mul3A_34 = arith.mulf %dot_general3A_32, %mul3A_33 : vector<3584x32xf32>
    %swap3A = arith.constant 0 : index
    %swap3A_35 = arith.constant 0 : index
    %swap3A_36 = vector.load %arg6[%swap3A, %swap3A_35] : memref<3584x32xf32, #tpu.memory_space<vmem>>, vector<3584x32xf32>
    tpu.vector_store %arg6[%swap3A, %swap3A_35], %mul3A_34 {strides = array<i32>} : memref<3584x32xf32, #tpu.memory_space<vmem>>, vector<3584x32xf32>,
    %mul3A_37 = arith.mulf %broadcast_in_dim3A, %broadcast_in_dim3A : vector<3584x1xf32>
    %mul3A_38 = vector.broadcast %mul3A_37 : vector<3584x1xf32> to vector<3584x32xf32>
    %mul3A_39 = arith.mulf %dot_general3A_32, %mul3A_38 : vector<3584x32xf32>
    %get3A_40 = arith.constant 0 : index
    %get3A_41 = arith.constant 0 : index
    %get3A_42 = vector.load %arg5[%get3A_40, %get3A_41] : memref<1x32xf32, #tpu.memory_space<vmem>>, vector<1x32xf32>
    %add3A_43 = vector.broadcast %get3A_42 : vector<1x32xf32> to vector<3584x32xf32>
    %add3A_44 = arith.addf %mul3A_39, %add3A_43 : vector<3584x32xf32>
    %swap3A_45 = arith.constant 0 : index
    %swap3A_46 = arith.constant 0 : index
    %swap3A_47 = vector.load %arg7[%swap3A_45, %swap3A_46] : memref<3584x32xf32, #tpu.memory_space<vmem>>, vector<3584x32xf32>
    tpu.vector_store %arg7[%swap3A_45, %swap3A_46], %add3A_44 {strides = array<i32>} : memref<3584x32xf32, #tpu.memory_space<vmem>>, vector<3584x32xf32>,
    return
  }
  func.func @transform_0(%arg0: i32) -> (i32, i32, i32) {
    %c0_i32 = arith.constant 0 : i32
    %c0_i32_0 = arith.constant 0 : i32
    %c0_i32_1 = arith.constant 0 : i32
    return %c0_i32, %arg0, %c0_i32_0 : i32, i32, i32
  }
  func.func @transform_1(%arg0: i32) -> (i32, i32) {
    %c0_i32 = arith.constant 0 : i32
    %c0_i32_0 = arith.constant 0 : i32
    return %arg0, %c0_i32 : i32, i32
  }
  func.func @transform_2(%arg0: i32) -> (i32, i32) {
    %c0_i32 = arith.constant 0 : i32
    %c0_i32_0 = arith.constant 0 : i32
    return %c0_i32, %arg0 : i32, i32
  }
  func.func @transform_3(%arg0: i32) -> (i32, i32) {
    %c0_i32 = arith.constant 0 : i32
    %c0_i32_0 = arith.constant 0 : i32
    %c0_i32_1 = arith.constant 0 : i32
    return %c0_i32, %c0_i32_0 : i32, i32
  }
  func.func @transform_4(%arg0: i32) -> (i32, i32) {
    %c0_i32 = arith.constant 0 : i32
    %c0_i32_0 = arith.constant 0 : i32
    %c0_i32_1 = arith.constant 0 : i32
    return %c0_i32, %c0_i32_0 : i32, i32
  }
  func.func @transform_5(%arg0: i32) -> (i32, i32) {
    %c0_i32 = arith.constant 0 : i32
    %c0_i32_0 = arith.constant 0 : i32
    return %arg0, %c0_i32 : i32, i32
  }
  func.func @transform_6(%arg0: i32) -> (i32, i32) {
    %c0_i32 = arith.constant 0 : i32
    %c0_i32_0 = arith.constant 0 : i32
    return %arg0, %c0_i32 : i32, i32
  }
}

module attributes {stable_mosaic.version = 14 : i64} {
  func.func @_tc3_body(%arg0: i32, %arg1: memref<2x3584x32xf32, #tpu.memory_space<vmem>>, %arg2: memref<3584x32xf32, #tpu.memory_space<vmem>>, %arg3: memref<2x3584xf32, #tpu.memory_space<vmem>>, %arg4: memref<32x10xf32, #tpu.memory_space<vmem>>, %arg5: memref<1x10xf32, #tpu.memory_space<vmem>>, %arg6: memref<10x2xf32, #tpu.memory_space<vmem>>, %arg7: memref<1x2xf32, #tpu.memory_space<vmem>>, %arg8: memref<3584x2xf32, #tpu.memory_space<vmem>>) attributes {dimension_semantics = [#tpu.dimension_semantics<arbitrary>], iteration_bounds = array<i64: 14>, scalar_prefetch = 0 : i64, scratch_operands = 0 : i64, tpu.core_type = #tpu.core_type<tc>, window_params = [{transform_indices = @transform_0, window_bounds = array<i64: 2, 3584, 32>}, {transform_indices = @transform_1, window_bounds = array<i64: 3584, 32>}, {transform_indices = @transform_2, window_bounds = array<i64: 2, 3584>}, {pipeline_mode = #tpu.pipeline_mode<synchronous>, transform_indices = @transform_3, window_bounds = array<i64: 32, 10>}, {pipeline_mode = #tpu.pipeline_mode<synchronous>, transform_indices = @transform_4, window_bounds = array<i64: 1, 10>}, {pipeline_mode = #tpu.pipeline_mode<synchronous>, transform_indices = @transform_5, window_bounds = array<i64: 10, 2>}, {pipeline_mode = #tpu.pipeline_mode<synchronous>, transform_indices = @transform_6, window_bounds = array<i64: 1, 2>}, {transform_indices = @transform_7, window_bounds = array<i64: 3584, 2>}]} {
    %get3A = arith.constant 0 : index
    %get3A_0 = arith.constant 0 : index
    %get3A_1 = vector.load %arg3[%get3A, %get3A_0] : memref<2x3584xf32, #tpu.memory_space<vmem>>, vector<1x3584xf32>
    %get3A_2 = vector.shape_cast %get3A_1 : vector<1x3584xf32> to vector<3584xf32>
    %get3A_3 = arith.constant 1 : index
    %get3A_4 = arith.constant 0 : index
    %get3A_5 = vector.load %arg3[%get3A_3, %get3A_4] : memref<2x3584xf32, #tpu.memory_space<vmem>>, vector<1x3584xf32>
    %get3A_6 = vector.shape_cast %get3A_5 : vector<1x3584xf32> to vector<3584xf32>
    %add3A = arith.addf %get3A_2, %get3A_6 : vector<3584xf32>
    %add3A_7 = arith.constant 1.000000e+00 : f32
    %add3A_8 = vector.broadcast %add3A_7 : f32 to vector<3584xf32>
    %add3A_9 = arith.addf %add3A, %add3A_8 : vector<3584xf32>
    %rsqrt3A = math.rsqrt %add3A_9 : vector<3584xf32>
    %broadcast_in_dim3A = vector.shape_cast %rsqrt3A : vector<3584xf32> to vector<3584x1xf32>
    %get3A_10 = arith.constant 0 : index
    %get3A_11 = arith.constant 0 : index
    %get3A_12 = arith.constant 0 : index
    %get3A_13 = vector.load %arg1[%get3A_10, %get3A_11, %get3A_12] : memref<2x3584x32xf32, #tpu.memory_space<vmem>>, vector<1x3584x32xf32>
    %get3A_14 = vector.shape_cast %get3A_13 : vector<1x3584x32xf32> to vector<3584x32xf32>
    %get3A_15 = arith.constant 1 : index
    %get3A_16 = arith.constant 0 : index
    %get3A_17 = arith.constant 0 : index
    %get3A_18 = vector.load %arg1[%get3A_15, %get3A_16, %get3A_17] : memref<2x3584x32xf32, #tpu.memory_space<vmem>>, vector<1x3584x32xf32>
    %get3A_19 = vector.shape_cast %get3A_18 : vector<1x3584x32xf32> to vector<3584x32xf32>
    %add3A_20 = arith.addf %get3A_14, %get3A_19 : vector<3584x32xf32>
    %mul3A = vector.broadcast %broadcast_in_dim3A : vector<3584x1xf32> to vector<3584x32xf32>
    %mul3A_21 = arith.mulf %mul3A, %add3A_20 : vector<3584x32xf32>
    %get3A_22 = arith.constant 0 : index
    %get3A_23 = arith.constant 0 : index
    %get3A_24 = vector.load %arg2[%get3A_22, %get3A_23] : memref<3584x32xf32, #tpu.memory_space<vmem>>, vector<3584x32xf32>
    %add3A_25 = arith.addf %mul3A_21, %get3A_24 : vector<3584x32xf32>
    %max3A = arith.constant 0.000000e+00 : f32
    %max3A_26 = vector.broadcast %max3A : f32 to vector<3584x32xf32>
    %max3A_27 = arith.maximumf %add3A_25, %max3A_26 : vector<3584x32xf32>
    %convert_element_type3A = arith.truncf %max3A_27 : vector<3584x32xf32> to vector<3584x32xbf16>
    %get3A_28 = arith.constant 0 : index
    %get3A_29 = arith.constant 0 : index
    %get3A_30 = vector.load %arg4[%get3A_28, %get3A_29] : memref<32x10xf32, #tpu.memory_space<vmem>>, vector<32x10xf32>
    %convert_element_type3A_31 = arith.truncf %get3A_30 : vector<32x10xf32> to vector<32x10xbf16>
    %dot_general3A = arith.constant dense<0.000000e+00> : vector<3584x10xf32>
    %dot_general3A_32 = tpu.matmul %convert_element_type3A, %convert_element_type3A_31, %dot_general3A {dimension_numbers = #tpu.dot_dimension_numbers<[1], [0], [0], [1], [0, 0, 1, 1], [], []>, transpose_lhs_hint = false} : vector<3584x32xbf16>, vector<32x10xbf16>, vector<3584x10xf32> -> vector<3584x10xf32>
    %get3A_33 = arith.constant 0 : index
    %get3A_34 = arith.constant 0 : index
    %get3A_35 = vector.load %arg5[%get3A_33, %get3A_34] : memref<1x10xf32, #tpu.memory_space<vmem>>, vector<1x10xf32>
    %add3A_36 = vector.broadcast %get3A_35 : vector<1x10xf32> to vector<3584x10xf32>
    %add3A_37 = arith.addf %dot_general3A_32, %add3A_36 : vector<3584x10xf32>
    %max3A_38 = arith.constant 0.000000e+00 : f32
    %max3A_39 = vector.broadcast %max3A_38 : f32 to vector<3584x10xf32>
    %max3A_40 = arith.maximumf %add3A_37, %max3A_39 : vector<3584x10xf32>
    %convert_element_type3A_41 = arith.truncf %max3A_40 : vector<3584x10xf32> to vector<3584x10xbf16>
    %get3A_42 = arith.constant 0 : index
    %get3A_43 = arith.constant 0 : index
    %get3A_44 = vector.load %arg6[%get3A_42, %get3A_43] : memref<10x2xf32, #tpu.memory_space<vmem>>, vector<10x2xf32>
    %convert_element_type3A_45 = arith.truncf %get3A_44 : vector<10x2xf32> to vector<10x2xbf16>
    %dot_general3A_46 = arith.constant dense<0.000000e+00> : vector<3584x2xf32>
    %dot_general3A_47 = tpu.matmul %convert_element_type3A_41, %convert_element_type3A_45, %dot_general3A_46 {dimension_numbers = #tpu.dot_dimension_numbers<[1], [0], [0], [1], [0, 0, 1, 1], [], []>, transpose_lhs_hint = false} : vector<3584x10xbf16>, vector<10x2xbf16>, vector<3584x2xf32> -> vector<3584x2xf32>
    %get3A_48 = arith.constant 0 : index
    %get3A_49 = arith.constant 0 : index
    %get3A_50 = vector.load %arg7[%get3A_48, %get3A_49] : memref<1x2xf32, #tpu.memory_space<vmem>>, vector<1x2xf32>
    %add3A_51 = vector.broadcast %get3A_50 : vector<1x2xf32> to vector<3584x2xf32>
    %add3A_52 = arith.addf %dot_general3A_47, %add3A_51 : vector<3584x2xf32>
    %swap3A = arith.constant 0 : index
    %swap3A_53 = arith.constant 0 : index
    %swap3A_54 = vector.load %arg8[%swap3A, %swap3A_53] : memref<3584x2xf32, #tpu.memory_space<vmem>>, vector<3584x2xf32>
    tpu.vector_store %arg8[%swap3A, %swap3A_53], %add3A_52 {strides = array<i32>} : memref<3584x2xf32, #tpu.memory_space<vmem>>, vector<3584x2xf32>,
    return
  }
  func.func @transform_0(%arg0: i32) -> (i32, i32, i32) {
    %c0_i32 = arith.constant 0 : i32
    %c0_i32_0 = arith.constant 0 : i32
    %c0_i32_1 = arith.constant 0 : i32
    return %c0_i32, %arg0, %c0_i32_0 : i32, i32, i32
  }
  func.func @transform_1(%arg0: i32) -> (i32, i32) {
    %c0_i32 = arith.constant 0 : i32
    %c0_i32_0 = arith.constant 0 : i32
    return %arg0, %c0_i32 : i32, i32
  }
  func.func @transform_2(%arg0: i32) -> (i32, i32) {
    %c0_i32 = arith.constant 0 : i32
    %c0_i32_0 = arith.constant 0 : i32
    return %c0_i32, %arg0 : i32, i32
  }
  func.func @transform_3(%arg0: i32) -> (i32, i32) {
    %c0_i32 = arith.constant 0 : i32
    %c0_i32_0 = arith.constant 0 : i32
    %c0_i32_1 = arith.constant 0 : i32
    return %c0_i32, %c0_i32_0 : i32, i32
  }
  func.func @transform_4(%arg0: i32) -> (i32, i32) {
    %c0_i32 = arith.constant 0 : i32
    %c0_i32_0 = arith.constant 0 : i32
    %c0_i32_1 = arith.constant 0 : i32
    return %c0_i32, %c0_i32_0 : i32, i32
  }
  func.func @transform_5(%arg0: i32) -> (i32, i32) {
    %c0_i32 = arith.constant 0 : i32
    %c0_i32_0 = arith.constant 0 : i32
    %c0_i32_1 = arith.constant 0 : i32
    return %c0_i32, %c0_i32_0 : i32, i32
  }
  func.func @transform_6(%arg0: i32) -> (i32, i32) {
    %c0_i32 = arith.constant 0 : i32
    %c0_i32_0 = arith.constant 0 : i32
    %c0_i32_1 = arith.constant 0 : i32
    return %c0_i32, %c0_i32_0 : i32, i32
  }
  func.func @transform_7(%arg0: i32) -> (i32, i32) {
    %c0_i32 = arith.constant 0 : i32
    %c0_i32_0 = arith.constant 0 : i32
    return %arg0, %c0_i32 : i32, i32
  }
}

</mosaic_0001>

<sc_bundles>
// kernel: kernel.12.cloned.1.call-start
scs
__scs_entry_jumppad:
0x0: {  	(pc) =	sbr.rel $0x88, $3  }
0x1: {  	(tag) =	ssettag $0x0;
	lr =	simm.s32 $0x1  }
0x2: {  	[smem:$0x3F97] =	sst lr;
	_ =	strace $0xD0000000  }
0x3: {  	_ = 	snop  }
0x4: {  	_ = 	snop  }
0x5: {  	_ = 	snop  }
0x6: {  	_ = 	snop  }
0x7: {  	_ = 	snop  }
__scs_overlays_trampoline_lowered:
0x8: {  	[smem:$0x3FA6] =	sst s0  }
0x9: {  	[smem:$0x3FA7] =	sst s1  }
0xa: {  	[smem:$0x3FA8] =	sst s2  }
0xb: {  	[smem:$0x3FA9] =	sst s3  }
0xc: {  	[smem:$0x3FAA] =	sst s4  }
0xd: {  	[smem:$0x3FAB] =	sst s5  }
0xe: {  	[smem:$0x3FAC] =	sst s6  }
0xf: {  	[smem:$0x3FAD] =	sst s7  }
0x10: {  	[smem:$0x3FAE] =	sst s8  }
0x11: {  	[smem:$0x3FAF] =	sst s9;
	s0 =	simm.s32 @!p0 $0x0  }
0x12: {  	s1 =	sld [smem:$0x3F95];
	s0 =	simm.s32 @p0 $0x1  }
0x13: {  	[smem:$0x3FB0] =	sst s0;
	s0 =	simm.s32 @!p1 $0x0  }
0x14: {  	s2 =	sld [smem:$0x3F94];
	s0 =	simm.s32 @p1 $0x1  }
0x15: {  	[smem:$0x3FB1] =	sst s0;
	s0 =	simm.s32 @!p2 $0x0  }
0x16: {  	s3 =	sld [smem:$0x3FDB];
	s0 =	simm.s32 @p2 $0x1  }
0x17: {  	s4 =	simm.s32 $0x1BF5;
	[smem:$0x3FB3] =	sst s0  }
0x18: {  	s0 =	sld [smem:$0x3F96];
	_ =	swait.ge [sflag:s4], $0x0  }
0x19: {  	s7 =	sld [smem:$0x3F97]  }
0x1a: {  	s8 =	sadd.s32 $0xFFFFE003, lr  }
0x1b: {  	s9 =	sadd.s32 $0xFFFFFEF7, lr;
	s5 =	simm.s32 $0xFFFFFFFF;
	p2 =	slt.u32 s8, $0xFFFFF086  }
0x1c: {  	p1 =	slt.u32 s9, $0xF7A;
	s5 =	simm.s32 @!p2 $0x0  }
0x1d: {  	s5 =	simm.s32 @p1 $0x1;
	p0 =	seq.s32 s7, s2  }
0x1e: {  	s7 =	smul.u32 @!p0 $0xF7A, s2;
	p2 =	seq.s32 @!p0 s5, $0x0  }
0x1f: {  	s9 =	smul.u32 $0xF7A, s1;
	s8 =	simm.s32 @!p0 $0x1BF5;
	p2 =	por !p2, p0  }
0x20: {  	[sflag:s8] =	ssyncset.s32 @!p0 $0xFFFFF086;
	s6 =	sadd.s32 @!p0 s3, s7;
	s7 =	simm.s32 @!p0 $0x108  }
0x21: {  	s3 =	sadd.s32 s3, s9;
	s6 =	sadd.s32 @!p0 $0x88, s6;
	s7 =	simm.s32 @p2 $0x1082  }
0x22: {  	[simem:s7], [sflag:s8] =	dma.local @!p0 [hbm:s6], $0xF7A  }
0x23: {  	s9 =	sor.u32 $0xD0000000, s2;
	s6 =	simm.s32 $0x108;
	_ =	swait.ge @!p0 [sflag:s8], $0x0  }
0x24: {  	s3 =	sadd.s32 $0x88, s3;
	s6 =	simm.s32 @!p1 $0x1082;
	[sflag:s4] =	ssyncset.s32 $0xFFFFF086  }
0x25: {  	[simem:s6], [sflag:s4] =	dma.local [hbm:s3], $0xF7A  }
0x26: {  	[smem:$0x3F97] =	sst s1;
	(tag) =	ssettag s2;
	_ =	strace s9  }
0x27: {  	s1 =	sld [smem:$0x3FA7]  }
0x28: {  	s2 =	sld [smem:$0x3FA8]  }
0x29: {  	s4 =	sld [smem:$0x3FAA]  }
0x2a: {  	p0 =	seq.s32 s5, $0x0;
	s5 =	sld [smem:$0x3FAB]  }
0x2b: {  	s6 =	sld [smem:$0x3FAC]  }
0x2c: {  	s7 =	sld [smem:$0x3FAD]  }
0x2d: {  	s3 =	simm.s32 $0x108;
	s8 =	sld [smem:$0x3FAE]  }
0x2e: {  	s3 =	simm.s32 @!p0 $0x1082;
	s9 =	sld [smem:$0x3FAF]  }
0x2f: {  	lr =	sadd.s32 s0, s3;
	s0 =	sld [smem:$0x3FA6]  }
0x30: {  	s3 =	sld [smem:$0x3FA9]  }
0x31: {  	[smem:$0x3FB2] =	sst s10  }
0x32: {  	s10 =	sld [smem:$0x3FB0];
	_ =	sdelay $0x3  }
0x33: {  	p0 =	seq.s32 s10, $0x1;
	s10 =	sld [smem:$0x3FB2];
	_ =	sdelay $0x3  }
0x34: {  	[smem:$0x3FB2] =	sst s10  }
0x35: {  	s10 =	sld [smem:$0x3FB1];
	_ =	sdelay $0x3  }
0x36: {  	p1 =	seq.s32 s10, $0x1;
	s10 =	sld [smem:$0x3FB2];
	_ =	sdelay $0x3  }
0x37: {  	[smem:$0x3FB2] =	sst s10  }
0x38: {  	s10 =	sld [smem:$0x3FB3]  }
0x39: {  	_ = 	snop;
	(pc) =	sbr.ind lr, $3  }
0x3a: {  	_ = 	snop  }
0x3b: {  	_ = 	snop  }
0x3c: {  	p2 =	seq.s32 s10, $0x1;
	s10 =	sld [smem:$0x3FB2]  }
0x3d: {  	_ =	shalt  }
0x3e: {  	_ =	shalt  }
0x3f: {  	_ =	shalt  }
0x40: {  	_ =	shalt  }
0x41: {  	_ =	shalt  }
0x42: {  	_ =	shalt  }
0x43: {  	_ =	shalt  }
0x44: {  	_ =	shalt  }
0x45: {  	_ =	shalt  }
0x46: {  	_ =	shalt  }
0x47: {  	_ =	shalt  }
0x48: {  	_ =	shalt  }
0x49: {  	_ =	shalt  }
0x4a: {  	_ =	shalt  }
0x4b: {  	_ =	shalt  }
0x4c: {  	_ =	shalt  }
0x4d: {  	_ =	shalt  }
0x4e: {  	_ =	shalt  }
0x4f: {  	_ =	shalt  }
0x50: {  	_ =	shalt  }
0x51: {  	_ =	shalt  }
0x52: {  	_ =	shalt  }
0x53: {  	_ =	shalt  }
0x54: {  	_ =	shalt  }
0x55: {  	_ =	shalt  }
0x56: {  	_ =	shalt  }
0x57: {  	_ =	shalt  }
0x58: {  	_ =	shalt  }
0x59: {  	_ =	shalt  }
0x5a: {  	_ =	shalt  }
0x5b: {  	_ =	shalt  }
0x5c: {  	_ =	shalt  }
0x5d: {  	_ =	shalt  }
0x5e: {  	_ =	shalt  }
0x5f: {  	_ =	shalt  }
0x60: {  	_ =	shalt  }
0x61: {  	_ =	shalt  }
0x62: {  	_ =	shalt  }
0x63: {  	_ =	shalt  }
0x64: {  	_ =	shalt  }
0x65: {  	_ =	shalt  }
0x66: {  	_ =	shalt  }
0x67: {  	_ =	shalt  }
0x68: {  	_ =	shalt  }
0x69: {  	_ =	shalt  }
0x6a: {  	_ =	shalt  }
0x6b: {  	_ =	shalt  }
0x6c: {  	_ =	shalt  }
0x6d: {  	_ =	shalt  }
0x6e: {  	_ =	shalt  }
0x6f: {  	_ =	shalt  }
0x70: {  	_ =	shalt  }
0x71: {  	_ =	shalt  }
0x72: {  	_ =	shalt  }
0x73: {  	_ =	shalt  }
0x74: {  	_ =	shalt  }
0x75: {  	_ =	shalt  }
0x76: {  	_ =	shalt  }
0x77: {  	_ =	shalt  }
0x78: {  	_ =	shalt  }
0x79: {  	_ =	shalt  }
0x7a: {  	_ =	shalt  }
0x7b: {  	_ =	shalt  }
0x7c: {  	_ =	shalt  }
0x7d: {  	_ =	shalt  }
0x7e: {  	_ =	shalt  }
0x7f: {  	_ =	shalt  }
0x80: {  	_ =	shalt  }
0x81: {  	_ =	shalt  }
0x82: {  	_ =	shalt  }
0x83: {  	_ =	shalt  }
0x84: {  	_ =	shalt  }
0x85: {  	_ =	shalt  }
0x86: {  	_ =	shalt  }
0x87: {  	_ =	shalt  }
.Lfunc_end0:
.L_simem_size_0:
called_computation.1_lowered:
.L_overlay_start_0:
0x88: {  	s2 =	sld [smem:$0x3FD9]  }
0x89: {  	s3 =	sld [smem:$0x3FFE];
	_ =	sdelay $0x1  }
0x8a: {  	s1 =	srdreg.scid  }
0x8b: {  	s0 =	sand.u32 $0x1, s1  }
0x8c: {  	s17 =	sshll.u32 s0, $0xA;
	s2 =	sadd.s32 s3, s2  }
0x8d: {  	s2 =	sadd.s32 s2, s17  }
0x8e: {  	[smem:$0x3FBE] =	sst s2  }
0x8f: {  	_ = 	snop  }
0x90: {  	s2 =	sld [smem:$0x3FD0];
	(tm) =	ssettm $0x1  }
0x91: {  	s18 =	sld [smem:$0x3FFB];
	_ =	sdelay $0x3  }
0x92: {  	_ =	strace s18  }
0x93: {  	s3 =	sld [smem:$0x3FFC];
	_ =	sdelay $0x3  }
0x94: {  	_ =	strace s3  }
0x95: {  	s3 =	sld [smem:$0x3FFD];
	_ =	sdelay $0x3  }
0x96: {  	_ =	strace s3  }
0x97: {  	_ =	strace $0x8FFFFFFF  }
0x98: {  	s19 =	sld [smem:$0x3FDB];
	_ =	sdelay $0x1  }
0x99: {  	s4 =	simm.s32 $_scs_section_size  }
0x9a: {  	s5 =	simm.s32 $_size__tile_overlayer_lowered;
	s6 =	simm.s32 $_tile_overlayer_lowered  }
0x9b: {  	s22 =	simm.s32 $0x1BFF;
	s21 =	sshll.u32 s6, $0x1;
	s3 =	sadd.s32 s4, s19  }
0x9c: {  	s7 =	simm.s32 $0x0;
	s20 =	sshll.u32 s5, $0x1;
	s5 =	sadd.s32 s21, s3  }
0x9d: {  	[timem:s7], [sflag:s22] =	dma.local [hbm:s5], s20  }
0x9e: {  	_ =	swait.ge [sflag:s22], s20  }
0x9f: {  	s4 =	ssub.s32 $0x0, s20;
	[sflag:s22] =	ssyncset.done $0x0  }
0xa0: {  	[sflag:s22] =	ssyncadd.s32 s4;
	_ =	sdelay $0x1  }
0xa1: {  	s23 =	simm.s32 $0x1B8B  }
0xa2: {  	_ =	swait.ge [sflag:s23], $0x1  }
0xa3: {  	[sflag:s23] =	ssyncset.done $0x0  }
0xa4: {  	s25 =	simm.s32 $0x1B8E;
	s24 =	sld [smem:$0x3FFE];
	[sflag:s23] =	ssyncadd.s32 $0xFFFFFFFF  }
0xa5: {  	s26 =	simm.s32 $execute0_lowered;
	[smem:$0x3FD2] =	sst s25  }
0xa6: {  	s5 =	sshll.u32 s26, $0x1;
	_ =	strace $0x80000049;
	[dreg:$0x1] =	wrdreg $0xFFFFFFFF  }
0xa7: {  	s28 =	simm.s32 $_size_execute0_lowered;
	s3 =	sadd.s32 s3, s5;
	[dreg:$0x0] =	wrdreg $0x0  }
0xa8: {  	s5 =	sshll.u32 s28, $0x1;
	[dreg:$0x2] =	wrdreg s3  }
0xa9: {  	[dreg:$0x3] =	wrdreg s5  }
0xaa: {  	[dreg:$0x4] =	wrdreg $0xC0  }
0xab: {  	_ =	task [dreg:s7], $0x5FFFF  }
0xac: {  	[dreg:$0x1] =	wrdreg $0xFFFFFFFF  }
0xad: {  	[dreg:$0x0] =	wrdreg $0x60  }
0xae: {  	[dreg:$0x2] =	wrdreg s24  }
0xaf: {  	[dreg:$0x3] =	wrdreg s2  }
0xb0: {  	[dreg:$0x4] =	wrdreg $0x72200  }
0xb1: {  	[dreg:$0x5] =	wrdreg $0x9  }
0xb2: {  	_ =	task.clear_ibuf [dreg:s7], $0x6FFFF;
	_ =	strace $0x90000049  }
0xb3: {  	s29 =	simm.s32 $0x9;
	_ =	strace $0x8000004B  }
0xb4: {  	_ =	swait.ge [sflag:s29], $0x1  }
0xb5: {  	[sflag:s29] =	ssyncadd.s32 $0xFFFFFFFF  }
0xb6: {  	_ =	strace $0x9000004B  }
0xb7: {  	_ =	sfence  }
0xb8: {  	s30 =	sld [smem:$0x0];
	_ =	sdelay $0x2  }
0xb9: {  	s31 =	sshll.u32 s1, $0xD;
	s1 =	sshrl.u32 s1, $0x2  }
0xba: {  	s3 =	sand.u32 $0x4000, s31;
	s1 =	sadd.s32 s1, s30  }
0xbb: {  	s0 =	sor.u32 s3, s0;
	s1 =	sshll.u32 s1, $0x11  }
0xbc: {  	s0 =	sor.u32 s1, s0  }
0xbd: {  	s0 =	sadd.s32 $0x8F2B, s0  }
0xbe: {  	[sflag:s0] =	ssyncadd.remote.s32 $0x1  }
0xbf: {  	_ =	sfence.sel $0xFFFF  }
0xc0: {  	[dreg:$0x0] =	wrdreg $0xFFFFFFFF;
	(pc) =	sbr.abs _section_cstart, $3  }
0xc1: {  	[dreg:$0x1] =	wrdreg $0xFFFFFFFF  }
0xc2: {  	_ =	task.clear_ibuf [dreg:s7], $0x2FFFF;
	_ =	strace $0x9FFFFFFF  }
0xc3: {  	(tm) =	ssettm $0x7FFFFFFF  }
tec
execute0_lowered:
.L_overlay_start_1:
0x0: {  	(tag) =	ssettag $0x1  }
0x1: {  	s0 =	rddreg [dreg:$0x0]  }
0x2: {  	s2 =	rddreg [dreg:$0x2];
	s1 =	srdreg.scid  }
0x3: {  	s4 =	simm.s32 $0x0;
	s12 =	stileid.u32;
	s14 =	simm.s32 $0x6C00  }
0x4: {  	s15 =	simm.s32 $0x7;
	s16 =	simm.s32 $0x80;
	s17 =	simm.s32 $0xC00  }
0x5: {  	s19 =	simm.s32 $0x1C00;
	s28 =	simm.s32 $0x500;
	s29 =	simm.s32 $0x5C00  }
0x6: {  	s30 =	simm.s32 $0x3;
	s31 =	simm.s32 $0x680;
	s6 =	smul.u32 $0x18800, s12  }
0x7: {  	s18 =	simm.s32 $0x980;
	s1 =	sand.u32 $0x1, s1;
	s11 =	smul.u32 $0x186, s12  }
0x8: {  	[smem:$0x7FF] =	sst s4;
	s5 =	sadd.s32 $0x128600, s0;
	s22 =	smul.u32 $0x62000, s12  }
0x9: {  	s8 =	sadd.s32 $0x2A00, s0;
	s3 =	smul.u32 $0x188000, s1;
	s7 =	sshll.u32 s1, $0x4  }
0xa: {  	_ =	strace $0x8000004A;
	s10 =	smul.u32 $0x1860, s1;
	s1 =	ssub.s32 $0x2, s1  }
0xb: {  	s7 =	sor.u32 s12, s7;
	s21 =	sshrl.u32 s1, $0x1;
	s3 =	sadd.s32 s6, s3  }
0xc: {  	s20 =	smul.u32 $0x186, s7;
	s9 =	smin.u32 s7, $0x14;
	s10 =	sadd.s32 s11, s10  }
0xd: {  	s1 =	ssub.s32 s1, s21;
	s21 =	simm.s32 $0x2C00;
	p0 =	sgt.u32 s7, $0x13  }
0xe: {  	s7 =	simm.s32 $0xB80;
	s3 =	sshrl.u32 s3, $0x3;
	s24 =	sadd.s32 s9, s10  }
0xf: {  	s1 =	smax.u32 s1, $0x1;
	s6 =	sadd.s32 s9, s20;
	s0 =	sadd.s32 s3, s0  }
0x10: {  	s3 =	sshll.u32 s24, $0x5;
	[dreg:$0x7] =	wrdreg s1;
	s24 =	simm.s32 $0x3C00  }
0x11: {  	s1 =	simm.s32 $0x4;
	s20 =	simm.s32 $0xA80;
	s6 =	sshll.u32 s6, $0x5  }
0x12: {  	s26 =	sadd.s32 s3, s8;
	s3 =	simm.s32 $0x880;
	s13 =	sadd.s32 s8, s6  }
0x13: {  	s6 =	sshrl.u32 s22, $0x2;
	s11 =	sadd.s32 $0x120, s26;
	s12 =	sadd.s32 $0xC0, s26  }
0x14: {  	s22 =	simm.s32 $0x300;
	s26 =	simm.s32 $0x4C00;
	s8 =	simm.s32 $0x0  }
0x15: {  	s23 =	sadd.s32 $0x60, s13;
	[dreg:$0x4] =	wrdreg s13;
	s25 =	sadd.s32 $0x30C0, s13  }
0x16: {  	s9 =	sadd.s32 s6, s2;
	s13 =	sadd.s32 $0x159600, s0;
	[dreg:$0x5] =	wrdreg s23  }
0x17: {  	s0 =	simm.s32 $0x780;
	[dreg:$0x6] =	wrdreg s25;
	s23 =	simm.s32 $0x2  }
.LBB2_1:
0x18: {  	[dreg:$0x8] =	wrdreg s8  }
0x19: {  	s6 =	rddreg [dreg:$0x1]  }
0x1a: {  	[tilespmem:s14], [sflag:$0x7] =	stream.linear.gather [hbm4b:s6+s4], $0x620, $0x38;
	[tilespmem:$0x1FA20] =	vst v63  }
0x1b: {  	_ =	swait.ge [sflag:s15], $0x620  }
0x1c: {  	[sflag:s15] =	ssyncset.done $0x0  }
0x1d: {  	s25 =	sadd.s32 $0x0, s9;
	[sflag:s15] =	ssyncadd.s32 $0xFFFFF9E0  }
0x1e: {  	[spmem:s25] =	stream.linear.scatter [tilespmem:s14], [sflag:$0x7], $0x620, $0x38;
	[tilespmem:$0x1FA20] =	vst v63  }
0x1f: {  	s8 =	simm.s32 $0x1880;
	_ =	swait.ge [sflag:s15], $0x620  }
.LBB2_2:
0x20: {  	s10 =	sshra.s32 s8, $0x2;
	[sflag:s15] =	ssyncset.done $0x0;
	p1 =	sne.s32 s8, $0x60780  }
.Ltmp0:
0x21: {  	s10 =	sadd.s32 s10, s9;
	[sflag:s15] =	ssyncadd.s32 $0xFFFFF9E0;
	(pc) =	sbr.rel @p1 .LBB2_2-.Ltmp0, $3  }
0x22: {  	[spmem:s10] =	stream.linear.scatter [tilespmem:s14], [sflag:$0x7], $0x620, $0x38;
	[tilespmem:$0x1FA20] =	vst v63  }
0x23: {  	s8 =	sadd.s32 $0x1880, s8;
	_ =	sdelay $0x1  }
0x24: {  	_ =	swait.ge [sflag:s15], $0x620  }
0x25: {  	[sflag:s15] =	ssyncset.done $0x0  }
0x26: {  	[sflag:s15] =	ssyncadd.s32 $0xFFFFF9E0  }
0x27: {  	[bflag:$0x0] =	sbarrier.arrive $0xFFFF  }
0x28: {  	s8 =	simm.s32 $0x0;
	s6 =	rddreg [dreg:$0x4]  }
0x29: {  	[tilespmem:s8], [sflag:$0x7] =	stream.linear.gather [hbm4b:s6+s8], $0x300, $0x38;
	[tilespmem:$0x1FA20] =	vst v63  }
0x2a: {  	_ =	swait.ge [sflag:s15], $0x300  }
0x2b: {  	[sflag:s15] =	ssyncset.done $0x0  }
0x2c: {  	[sflag:s15] =	ssyncadd.s32 $0xFFFFFD00  }
0x2d: {  	[tilespmem:s17], [sflag:$0x3] =	stream.indirect.gather [hbm4b:s5+s16], $0x20, s8, s16, $0xb8;
	[tilespmem:$0x1FA20] =	vst v63  }
0x2e: {  	s25 =	simm.s32 $0x100  }
0x2f: {  	[tilespmem:s19], [sflag:$0x3] =	stream.indirect.gather [hbm4b:s5+s16], $0x20, s25, s16, $0xb8;
	[tilespmem:$0x1FA20] =	vst v63  }
0x30: {  	s10 =	simm.s32 $0x200  }
0x31: {  	[tilespmem:s21], [sflag:$0x3] =	stream.indirect.gather [hbm4b:s5+s16], $0x20, s10, s16, $0xb8;
	[tilespmem:$0x1FA20] =	vst v63  }
0x32: {  	s25 =	rddreg [dreg:$0x5]  }
0x33: {  	[tilespmem:s22], [sflag:$0x2] =	stream.linear.gather [hbm4b:s25+s8], $0x300, $0x38;
	[tilespmem:$0x1FA20] =	vst v63  }
.LBB2_4:
0x34: {  	p1 =	seq.s32 s8, $0x0  }
0x35: {  	s10 =	simm.s32 @!p1 $0x6  }
0x36: {  	_ =	swait.ge @!p1 [sflag:s10], $0x1000  }
0x37: {  	[sflag:s10] =	ssyncset.done @!p1 $0x0  }
0x38: {  	[sflag:s10] =	ssyncadd.s32 @!p1 $0xFFFFF000  }
0x39: {  	_ =	swait.ge @!p1 [sflag:s10], $0x1000  }
0x3a: {  	[sflag:s10] =	ssyncset.done @!p1 $0x0  }
0x3b: {  	[sflag:s10] =	ssyncadd.s32 @!p1 $0xFFFFF000  }
0x3c: {  	_ =	swait.ge @!p1 [sflag:s10], $0x1000  }
0x3d: {  	[sflag:s10] =	ssyncset.done @!p1 $0x0  }
0x3e: {  	[sflag:s10] =	ssyncadd.s32 @!p1 $0xFFFFF000  }
0x3f: {  	_ =	swait.ge [sflag:s23], $0x300  }
0x40: {  	[sflag:s23] =	ssyncset.done $0x0  }
0x41: {  	[sflag:s23] =	ssyncadd.s32 $0xFFFFFD00  }
0x42: {  	[tilespmem:s24], [sflag:$0x4] =	stream.indirect.gather [hbm4b:s5+s16], $0x20, s22, s16, $0xb8;
	[tilespmem:$0x1FA20] =	vst v63  }
0x43: {  	s6 =	simm.s32 $0x400  }
0x44: {  	[tilespmem:s26], [sflag:$0x4] =	stream.indirect.gather [hbm4b:s5+s16], $0x20, s6, s16, $0xb8;
	[tilespmem:$0x1FA20] =	vst v63  }
0x45: {  	_ = 	snop  }
0x46: {  	[tilespmem:s29], [sflag:$0x4] =	stream.indirect.gather [hbm4b:s5+s16], $0x20, s28, s16, $0xb8;
	[tilespmem:$0x1FA20] =	vst v63  }
0x47: {  	_ =	swait.ge [sflag:s30], $0x1000  }
0x48: {  	[sflag:s30] =	ssyncset.done $0x0  }
0x49: {  	[sflag:s30] =	ssyncadd.s32 $0xFFFFF000  }
0x4a: {  	_ =	swait.ge [sflag:s30], $0x1000  }
0x4b: {  	[sflag:s30] =	ssyncset.done $0x0  }
0x4c: {  	[sflag:s30] =	ssyncadd.s32 $0xFFFFF000  }
0x4d: {  	_ =	swait.ge [sflag:s30], $0x1000  }
0x4e: {  	[sflag:s30] =	ssyncset.done $0x0  }
0x4f: {  	[sflag:s30] =	ssyncadd.s32 $0xFFFFF000  }
0x50: {  	v0 =	vld [tilespmem:$0x80]  }
0x51: {  	v1 =	vld [tilespmem:$0x90]  }
0x52: {  	v2 =	vld [tilespmem:$0xA0]  }
0x53: {  	v3 =	vld [tilespmem:$0xB0]  }
0x54: {  	v4 =	vld [tilespmem:$0xC0]  }
0x55: {  	v21 =	vld [tilespmem:$0xD0];
	[tilespmem:$0x680] =	vst v0  }
0x56: {  	v22 =	vld [tilespmem:$0xE0];
	[tilespmem:$0x690] =	vst v1  }
0x57: {  	v23 =	vld [tilespmem:$0xF0];
	[tilespmem:$0x6A0] =	vst v2  }
0x58: {  	v24 =	vld [tilespmem:$0x180];
	[tilespmem:$0x6B0] =	vst v3  }
0x59: {  	v25 =	vld [tilespmem:$0x190];
	[tilespmem:$0x6C0] =	vst v4  }
0x5a: {  	v26 =	vld [tilespmem:$0x1A0];
	[tilespmem:$0x6D0] =	vst v21  }
0x5b: {  	v27 =	vld [tilespmem:$0x1B0];
	[tilespmem:$0x6E0] =	vst v22  }
0x5c: {  	v28 =	vld [tilespmem:$0x1C0];
	[tilespmem:$0x6F0] =	vst v23  }
0x5d: {  	v29 =	vld [tilespmem:$0x1D0];
	[tilespmem:$0x780] =	vst v24  }
0x5e: {  	v30 =	vld [tilespmem:$0x1E0];
	[tilespmem:$0x790] =	vst v25  }
0x5f: {  	v31 =	vld [tilespmem:$0x1F0];
	[tilespmem:$0x7A0] =	vst v26  }
0x60: {  	v32 =	vld [tilespmem:$0x280];
	[tilespmem:$0x7B0] =	vst v27  }
0x61: {  	v33 =	vld [tilespmem:$0x290];
	[tilespmem:$0x7C0] =	vst v28  }
0x62: {  	v34 =	vld [tilespmem:$0x2A0];
	[tilespmem:$0x7D0] =	vst v29  }
0x63: {  	v35 =	vld [tilespmem:$0x2B0];
	[tilespmem:$0x7E0] =	vst v30  }
0x64: {  	v36 =	vld [tilespmem:$0x2C0];
	[tilespmem:$0x7F0] =	vst v31  }
0x65: {  	v37 =	vld [tilespmem:$0x2D0];
	[tilespmem:$0x880] =	vst v32  }
0x66: {  	v38 =	vld [tilespmem:$0x2E0];
	[tilespmem:$0x890] =	vst v33  }
0x67: {  	v39 =	vld [tilespmem:$0x2F0];
	[tilespmem:$0x8A0] =	vst v34  }
0x68: {  	[tilespmem:$0x8B0] =	vst v35  }
0x69: {  	[tilespmem:$0x8C0] =	vst v36  }
0x6a: {  	[tilespmem:$0x8D0] =	vst v37  }
0x6b: {  	[tilespmem:$0x8E0] =	vst v38  }
0x6c: {  	[tilespmem:$0x8F0] =	vst v39  }
0x6d: {  	[spmem:s2] =	stream.indirect.scatter.add.f32 [tilespmem:s17], [sflag:$0x5], $0x20, s31, s16, $0xb8;
	[tilespmem:$0x1FA20] =	vst v63  }
0x6e: {  	_ = 	snop  }
0x6f: {  	[spmem:s2] =	stream.indirect.scatter.add.f32 [tilespmem:s19], [sflag:$0x5], $0x20, s0, s16, $0xb8;
	[tilespmem:$0x1FA20] =	vst v63  }
0x70: {  	p1 =	seq.s32 s8, $0x3000  }
0x71: {  	[spmem:s2] =	stream.indirect.scatter.add.f32 [tilespmem:s21], [sflag:$0x5], $0x20, s3, s16, $0xb8;
	[tilespmem:$0x1FA20] =	vst v63  }
0x72: {  	s10 =	sadd.s32 @!p1 s8, s12;
	s6 =	simm.s32 @!p1 $0x0  }
0x73: {  	[tilespmem:s6], [sflag:$0x1] =	stream.linear.gather @!p1 [hbm4b:s10+s6], $0x300, $0x38;
	[tilespmem:$0x1FA20] =	vst v63  }
0x74: {  	s10 =	simm.s32 @!p1 $0x5  }
0x75: {  	_ =	swait.ge @!p1 [sflag:s10], $0x1000  }
0x76: {  	[sflag:s10] =	ssyncset.done @!p1 $0x0  }
0x77: {  	[sflag:s10] =	ssyncadd.s32 @!p1 $0xFFFFF000  }
0x78: {  	_ =	swait.ge @!p1 [sflag:s10], $0x1000  }
0x79: {  	[sflag:s10] =	ssyncset.done @!p1 $0x0  }
0x7a: {  	[sflag:s10] =	ssyncadd.s32 @!p1 $0xFFFFF000  }
0x7b: {  	_ =	swait.ge @!p1 [sflag:s10], $0x1000  }
0x7c: {  	[sflag:s10] =	ssyncset.done @!p1 $0x0  }
0x7d: {  	[sflag:s10] =	ssyncadd.s32 @!p1 $0xFFFFF000;
	s10 =	simm.s32 @!p1 $0x1  }
0x7e: {  	_ =	swait.ge @!p1 [sflag:s10], $0x300  }
0x7f: {  	[sflag:s10] =	ssyncset.done @!p1 $0x0  }
0x80: {  	s25 =	simm.s32 @!p1 $0xC00;
	[sflag:s10] =	ssyncadd.s32 @!p1 $0xFFFFFD00;
	s10 =	simm.s32 @!p1 $0x80  }
0x81: {  	[tilespmem:s25], [sflag:$0x3] =	stream.indirect.gather @!p1 [hbm4b:s5+s10], $0x20, s6, s10, $0xb8;
	[tilespmem:$0x1FA20] =	vst v63  }
0x82: {  	s6 =	simm.s32 @!p1 $0x100;
	s25 =	simm.s32 @!p1 $0x1C00  }
0x83: {  	[tilespmem:s25], [sflag:$0x3] =	stream.indirect.gather @!p1 [hbm4b:s5+s10], $0x20, s6, s10, $0xb8;
	[tilespmem:$0x1FA20] =	vst v63  }
0x84: {  	s6 =	simm.s32 @!p1 $0x200;
	s25 =	simm.s32 @!p1 $0x2C00  }
0x85: {  	[tilespmem:s25], [sflag:$0x3] =	stream.indirect.gather @!p1 [hbm4b:s5+s10], $0x20, s6, s10, $0xb8;
	[tilespmem:$0x1FA20] =	vst v63  }
0x86: {  	_ =	swait.ge [sflag:s1], $0x1000  }
0x87: {  	[sflag:s1] =	ssyncset.done $0x0  }
0x88: {  	[sflag:s1] =	ssyncadd.s32 $0xFFFFF000  }
0x89: {  	_ =	swait.ge [sflag:s1], $0x1000  }
0x8a: {  	[sflag:s1] =	ssyncset.done $0x0  }
0x8b: {  	[sflag:s1] =	ssyncadd.s32 $0xFFFFF000  }
0x8c: {  	_ =	swait.ge [sflag:s1], $0x1000  }
0x8d: {  	[sflag:s1] =	ssyncset.done $0x0  }
0x8e: {  	[sflag:s1] =	ssyncadd.s32 $0xFFFFF000  }
0x8f: {  	v40 =	vld [tilespmem:$0x380]  }
0x90: {  	v41 =	vld [tilespmem:$0x390]  }
0x91: {  	v42 =	vld [tilespmem:$0x3A0]  }
0x92: {  	v43 =	vld [tilespmem:$0x3B0]  }
0x93: {  	v44 =	vld [tilespmem:$0x3C0]  }
0x94: {  	v45 =	vld [tilespmem:$0x3D0];
	[tilespmem:$0x980] =	vst v40  }
0x95: {  	v46 =	vld [tilespmem:$0x3E0];
	[tilespmem:$0x990] =	vst v41  }
0x96: {  	v47 =	vld [tilespmem:$0x3F0];
	[tilespmem:$0x9A0] =	vst v42  }
0x97: {  	v48 =	vld [tilespmem:$0x480];
	[tilespmem:$0x9B0] =	vst v43  }
0x98: {  	v49 =	vld [tilespmem:$0x490];
	[tilespmem:$0x9C0] =	vst v44  }
0x99: {  	v50 =	vld [tilespmem:$0x4A0];
	[tilespmem:$0x9D0] =	vst v45  }
0x9a: {  	v51 =	vld [tilespmem:$0x4B0];
	[tilespmem:$0x9E0] =	vst v46  }
0x9b: {  	v52 =	vld [tilespmem:$0x4C0];
	[tilespmem:$0x9F0] =	vst v47  }
0x9c: {  	v53 =	vld [tilespmem:$0x4D0];
	[tilespmem:$0xA80] =	vst v48  }
0x9d: {  	v54 =	vld [tilespmem:$0x4E0];
	[tilespmem:$0xA90] =	vst v49  }
0x9e: {  	v55 =	vld [tilespmem:$0x4F0];
	[tilespmem:$0xAA0] =	vst v50  }
0x9f: {  	v56 =	vld [tilespmem:$0x580];
	[tilespmem:$0xAB0] =	vst v51  }
0xa0: {  	v57 =	vld [tilespmem:$0x590];
	[tilespmem:$0xAC0] =	vst v52  }
0xa1: {  	v58 =	vld [tilespmem:$0x5A0];
	[tilespmem:$0xAD0] =	vst v53  }
0xa2: {  	v59 =	vld [tilespmem:$0x5B0];
	[tilespmem:$0xAE0] =	vst v54  }
0xa3: {  	v60 =	vld [tilespmem:$0x5C0];
	[tilespmem:$0xAF0] =	vst v55  }
0xa4: {  	v61 =	vld [tilespmem:$0x5D0];
	[tilespmem:$0xB80] =	vst v56  }
0xa5: {  	v62 =	vld [tilespmem:$0x5E0];
	[tilespmem:$0xB90] =	vst v57  }
0xa6: {  	v63 =	vld [tilespmem:$0x5F0];
	[tilespmem:$0xBA0] =	vst v58  }
0xa7: {  	[tilespmem:$0xBB0] =	vst v59  }
0xa8: {  	[tilespmem:$0xBC0] =	vst v60  }
0xa9: {  	[tilespmem:$0xBD0] =	vst v61  }
0xaa: {  	[tilespmem:$0xBE0] =	vst v62  }
0xab: {  	[tilespmem:$0xBF0] =	vst v63  }
0xac: {  	[spmem:s2] =	stream.indirect.scatter.add.f32 [tilespmem:s24], [sflag:$0x6], $0x20, s18, s16, $0xb8;
	[tilespmem:$0x1FA20] =	vst v63  }
.Ltmp1:
0xad: {  	_ = 	snop;
	(pc) =	sbr.rel @p1 .LBB2_6-.Ltmp1, $4  }
0xae: {  	_ = 	snop  }
0xaf: {  	[spmem:s2] =	stream.indirect.scatter.add.f32 [tilespmem:s26], [sflag:$0x6], $0x20, s20, s16, $0xb8;
	[tilespmem:$0x1FA20] =	vst v63  }
0xb0: {  	_ = 	snop  }
0xb1: {  	[spmem:s2] =	stream.indirect.scatter.add.f32 [tilespmem:s29], [sflag:$0x6], $0x20, s7, s16, $0xb8;
	[tilespmem:$0x1FA20] =	vst v63  }
.Ltmp2:
0xb2: {  	(pc) =	sbr.rel .LBB2_4-.Ltmp2, $3  }
0xb3: {  	_ =	sdelay $0x1  }
0xb4: {  	s6 =	sadd.s32 s8, s11;
	s8 =	sadd.s32 $0xC0, s8  }
0xb5: {  	[tilespmem:s22], [sflag:$0x2] =	stream.linear.gather [hbm4b:s6+s4], $0x300, $0x38;
	[tilespmem:$0x1FA20] =	vst v63  }
.LBB2_6:
0xb6: {  	s6 =	simm.s32 $0x5  }
0xb7: {  	_ =	swait.ge [sflag:s6], $0x1000  }
0xb8: {  	[sflag:s6] =	ssyncset.done $0x0  }
0xb9: {  	[sflag:s6] =	ssyncadd.s32 $0xFFFFF000  }
0xba: {  	_ =	swait.ge [sflag:s6], $0x1000  }
0xbb: {  	[sflag:s6] =	ssyncset.done $0x0  }
0xbc: {  	[sflag:s6] =	ssyncadd.s32 $0xFFFFF000  }
0xbd: {  	_ =	swait.ge [sflag:s6], $0x1000  }
0xbe: {  	[sflag:s6] =	ssyncset.done $0x0  }
0xbf: {  	s10 =	simm.s32 $0x6;
	[sflag:s6] =	ssyncadd.s32 $0xFFFFF000  }
0xc0: {  	_ =	swait.ge [sflag:s10], $0x1000  }
0xc1: {  	[sflag:s10] =	ssyncset.done $0x0  }
0xc2: {  	[sflag:s10] =	ssyncadd.s32 $0xFFFFF000  }
0xc3: {  	_ =	swait.ge [sflag:s10], $0x1000  }
0xc4: {  	[sflag:s10] =	ssyncset.done $0x0  }
0xc5: {  	[sflag:s10] =	ssyncadd.s32 $0xFFFFF000  }
0xc6: {  	_ =	swait.ge [sflag:s10], $0x1000  }
0xc7: {  	[sflag:s10] =	ssyncset.done $0x0  }
0xc8: {  	s6 =	simm.s32 @!p0 $0x0;
	s8 =	rddreg [dreg:$0x6];
	[sflag:s10] =	ssyncadd.s32 $0xFFFFF000  }
0xc9: {  	[tilespmem:s6], [sflag:$0x7] =	stream.linear.gather @!p0 [hbm4b:s8+s6], $0x100, $0x38;
	[tilespmem:$0x1FA20] =	vst v63  }
0xca: {  	s8 =	simm.s32 @!p0 $0x7  }
0xcb: {  	_ =	swait.ge @!p0 [sflag:s8], $0x100  }
0xcc: {  	[sflag:s8] =	ssyncset.done @!p0 $0x0  }
0xcd: {  	s25 =	simm.s32 @!p0 $0xC00;
	s10 =	simm.s32 @!p0 $0x80;
	[sflag:s8] =	ssyncadd.s32 @!p0 $0xFFFFFF00  }
0xce: {  	[tilespmem:s25], [sflag:$0x3] =	stream.indirect.gather @!p0 [hbm4b:s5+s10], $0x20, s6, s10, $0xb8;
	[tilespmem:$0x1FA20] =	vst v63  }
0xcf: {  	s6 =	simm.s32 @!p0 $0x3  }
0xd0: {  	_ =	swait.ge @!p0 [sflag:s6], $0x1000  }
0xd1: {  	[sflag:s6] =	ssyncset.done @!p0 $0x0  }
0xd2: {  	[sflag:s6] =	ssyncadd.s32 @!p0 $0xFFFFF000  }
0xd3: {  	[spmem:s2] =	stream.indirect.scatter.add.f32 @!p0 [tilespmem:s25], [sflag:$0x7], $0x20, s10, s10, $0xb8;
	[tilespmem:$0x1FA20] =	vst v63  }
0xd4: {  	_ =	swait.ge @!p0 [sflag:s8], $0x1000  }
0xd5: {  	[sflag:s8] =	ssyncset.done @!p0 $0x0  }
0xd6: {  	[sflag:s8] =	ssyncadd.s32 @!p0 $0xFFFFF000  }
0xd7: {  	[bflag:$0x0] =	sbarrier.arrive $0xFFFF  }
0xd8: {  	[tilespmem:s14], [sflag:$0x7] =	stream.linear.gather [spmem:s9], $0x620, $0x38;
	[tilespmem:$0x1FA20] =	vst v63  }
0xd9: {  	_ =	swait.ge [sflag:s15], $0x620  }
0xda: {  	[sflag:s15] =	ssyncset.done $0x0  }
0xdb: {  	s25 =	sadd.s32 $0x0, s13;
	[sflag:s15] =	ssyncadd.s32 $0xFFFFF9E0  }
0xdc: {  	[hbm4b:s25+s4] =	stream.linear.scatter [tilespmem:s14], [sflag:$0x7], $0x620, $0x38;
	[tilespmem:$0x1FA20] =	vst v63  }
0xdd: {  	_ =	swait.ge [sflag:s15], $0x620  }
0xde: {  	s10 =	smov.u32 s9;
	s8 =	simm.s32 $0xC4;
	[sflag:s15] =	ssyncset.done $0x0  }
.LBB2_7:
0xdf: {  	p1 =	sne.s32 s8, $0x303C;
	[sflag:s15] =	ssyncadd.s32 $0xFFFFF9E0;
	s10 =	sadd.s32 $0x620, s10  }
0xe0: {  	[tilespmem:s14], [sflag:$0x7] =	stream.linear.gather [spmem:s10], $0x620, $0x38;
	[tilespmem:$0x1FA20] =	vst v63  }
0xe1: {  	s6 =	smov.u32 s8;
	s8 =	sadd.s32 $0xC4, s8;
	_ =	swait.ge [sflag:s15], $0x620  }
.Ltmp3:
0xe2: {  	[sflag:s15] =	ssyncset.done $0x0;
	(pc) =	sbr.rel @p1 .LBB2_7-.Ltmp3, $4  }
0xe3: {  	s6 =	sadd.s32 s6, s13;
	[sflag:s15] =	ssyncadd.s32 $0xFFFFF9E0  }
0xe4: {  	[hbm4b:s6+s4] =	stream.linear.scatter [tilespmem:s14], [sflag:$0x7], $0x620, $0x38;
	[tilespmem:$0x1FA20] =	vst v63  }
0xe5: {  	_ =	swait.ge [sflag:s15], $0x620  }
0xe6: {  	[sflag:s15] =	ssyncset.done $0x0  }
0xe7: {  	s8 =	rddreg [dreg:$0x8]  }
0xe8: {  	s6 =	rddreg [dreg:$0x7];
	s8 =	sadd.s32 $0x1, s8  }
0xe9: {  	p1 =	sne.s32 s8, s6  }
.Ltmp4:
0xea: {  	_ = 	snop;
	(pc) =	sbr.rel @p1 .LBB2_1-.Ltmp4, $2  }
0xeb: {  	_ =	sdelay $0x2  }
0xec: {  	[sflag:s15] =	ssyncadd.s32 $0xFFFFF9E0  }
0xed: {  	_ =	sfence.sel $0x180000  }
0xee: {  	[bflag:$0x0] =	sbarrier.arrive $0xFFFF  }
0xef: {  	_ =	strace $0x9000004A  }
0xf0: {  	s0 =	stileid.u32;
	[bflag:$0x2] =	sbarrier.arrive $0xFFFF  }
0xf1: {  	p0 =	sne.s32 s0, $0x0;
	s0 =	rddreg [dreg:$0x3]  }
0xf2: {  	s0 =	sadd.s32 @!p0 $0x100000, s0  }
0xf3: {  	[sflag:s0] =	ssyncadd.tile.s32 @!p0 $0x1;
	_ =	shalt  }
.Lfunc_end2:
_tile_overlayer_lowered:
.L_overlay_start_2:
0xf4: {  	(tag) =	ssettag $0x2  }
0xf5: {  	s0 =	rddreg [dreg:$0x0];
	s2 =	stileid.u32  }
0xf6: {  	s1 =	rddreg [dreg:$0x1];
	p0 =	sne.s32 s2, $0x0  }
0xf7: {  	s3 =	rddreg [dreg:$0x2];
	[bflag:$0x3] =	sbarrier.arrive $0xFFFF;
	s2 =	simm.s32 @!p0 $0x1C07  }
0xf8: {  	[timem:s3], [sflag:s2] =	dma.local @!p0 [hbm:s0], s1  }
0xf9: {  	s0 =	simm.s32 @!p0 $0x7  }
0xfa: {  	_ =	swait.ge @!p0 [sflag:s0], s1  }
0xfb: {  	s1 =	ssub.s32 @!p0 $0x0, s1;
	[sflag:s0] =	ssyncset.done @!p0 $0x0  }
0xfc: {  	[sflag:s0] =	ssyncadd.s32 @!p0 s1  }
0xfd: {  	[bflag:$0x3] =	sbarrier.arrive $0xFFFF  }
0xfe: {  	_ =	shalt  }

// kernel: kernel.15.cloned.1.call-start
scs
__scs_entry_jumppad:
0x0: {  	(pc) =	sbr.rel $0x88, $3  }
0x1: {  	(tag) =	ssettag $0x0;
	lr =	simm.s32 $0x1  }
0x2: {  	[smem:$0x3F97] =	sst lr;
	_ =	strace $0xD0000000  }
0x3: {  	_ = 	snop  }
0x4: {  	_ = 	snop  }
0x5: {  	_ = 	snop  }
0x6: {  	_ = 	snop  }
0x7: {  	_ = 	snop  }
__scs_overlays_trampoline_lowered:
0x8: {  	[smem:$0x3FA6] =	sst s0  }
0x9: {  	[smem:$0x3FA7] =	sst s1  }
0xa: {  	[smem:$0x3FA8] =	sst s2  }
0xb: {  	[smem:$0x3FA9] =	sst s3  }
0xc: {  	[smem:$0x3FAA] =	sst s4  }
0xd: {  	[smem:$0x3FAB] =	sst s5  }
0xe: {  	[smem:$0x3FAC] =	sst s6  }
0xf: {  	[smem:$0x3FAD] =	sst s7  }
0x10: {  	[smem:$0x3FAE] =	sst s8  }
0x11: {  	[smem:$0x3FAF] =	sst s9;
	s0 =	simm.s32 @!p0 $0x0  }
0x12: {  	s1 =	sld [smem:$0x3F95];
	s0 =	simm.s32 @p0 $0x1  }
0x13: {  	[smem:$0x3FB0] =	sst s0;
	s0 =	simm.s32 @!p1 $0x0  }
0x14: {  	s2 =	sld [smem:$0x3F94];
	s0 =	simm.s32 @p1 $0x1  }
0x15: {  	[smem:$0x3FB1] =	sst s0;
	s0 =	simm.s32 @!p2 $0x0  }
0x16: {  	s3 =	sld [smem:$0x3FDB];
	s0 =	simm.s32 @p2 $0x1  }
0x17: {  	s4 =	simm.s32 $0x1BF5;
	[smem:$0x3FB3] =	sst s0  }
0x18: {  	s0 =	sld [smem:$0x3F96];
	_ =	swait.ge [sflag:s4], $0x0  }
0x19: {  	s7 =	sld [smem:$0x3F97]  }
0x1a: {  	s8 =	sadd.s32 $0xFFFFE003, lr  }
0x1b: {  	s9 =	sadd.s32 $0xFFFFFEF7, lr;
	s5 =	simm.s32 $0xFFFFFFFF;
	p2 =	slt.u32 s8, $0xFFFFF086  }
0x1c: {  	p1 =	slt.u32 s9, $0xF7A;
	s5 =	simm.s32 @!p2 $0x0  }
0x1d: {  	s5 =	simm.s32 @p1 $0x1;
	p0 =	seq.s32 s7, s2  }
0x1e: {  	s7 =	smul.u32 @!p0 $0xF7A, s2;
	p2 =	seq.s32 @!p0 s5, $0x0  }
0x1f: {  	s9 =	smul.u32 $0xF7A, s1;
	s8 =	simm.s32 @!p0 $0x1BF5;
	p2 =	por !p2, p0  }
0x20: {  	[sflag:s8] =	ssyncset.s32 @!p0 $0xFFFFF086;
	s6 =	sadd.s32 @!p0 s3, s7;
	s7 =	simm.s32 @!p0 $0x108  }
0x21: {  	s3 =	sadd.s32 s3, s9;
	s6 =	sadd.s32 @!p0 $0x88, s6;
	s7 =	simm.s32 @p2 $0x1082  }
0x22: {  	[simem:s7], [sflag:s8] =	dma.local @!p0 [hbm:s6], $0xF7A  }
0x23: {  	s9 =	sor.u32 $0xD0000000, s2;
	s6 =	simm.s32 $0x108;
	_ =	swait.ge @!p0 [sflag:s8], $0x0  }
0x24: {  	s3 =	sadd.s32 $0x88, s3;
	s6 =	simm.s32 @!p1 $0x1082;
	[sflag:s4] =	ssyncset.s32 $0xFFFFF086  }
0x25: {  	[simem:s6], [sflag:s4] =	dma.local [hbm:s3], $0xF7A  }
0x26: {  	[smem:$0x3F97] =	sst s1;
	(tag) =	ssettag s2;
	_ =	strace s9  }
0x27: {  	s1 =	sld [smem:$0x3FA7]  }
0x28: {  	s2 =	sld [smem:$0x3FA8]  }
0x29: {  	s4 =	sld [smem:$0x3FAA]  }
0x2a: {  	p0 =	seq.s32 s5, $0x0;
	s5 =	sld [smem:$0x3FAB]  }
0x2b: {  	s6 =	sld [smem:$0x3FAC]  }
0x2c: {  	s7 =	sld [smem:$0x3FAD]  }
0x2d: {  	s3 =	simm.s32 $0x108;
	s8 =	sld [smem:$0x3FAE]  }
0x2e: {  	s3 =	simm.s32 @!p0 $0x1082;
	s9 =	sld [smem:$0x3FAF]  }
0x2f: {  	lr =	sadd.s32 s0, s3;
	s0 =	sld [smem:$0x3FA6]  }
0x30: {  	s3 =	sld [smem:$0x3FA9]  }
0x31: {  	[smem:$0x3FB2] =	sst s10  }
0x32: {  	s10 =	sld [smem:$0x3FB0];
	_ =	sdelay $0x3  }
0x33: {  	p0 =	seq.s32 s10, $0x1;
	s10 =	sld [smem:$0x3FB2];
	_ =	sdelay $0x3  }
0x34: {  	[smem:$0x3FB2] =	sst s10  }
0x35: {  	s10 =	sld [smem:$0x3FB1];
	_ =	sdelay $0x3  }
0x36: {  	p1 =	seq.s32 s10, $0x1;
	s10 =	sld [smem:$0x3FB2];
	_ =	sdelay $0x3  }
0x37: {  	[smem:$0x3FB2] =	sst s10  }
0x38: {  	s10 =	sld [smem:$0x3FB3]  }
0x39: {  	_ = 	snop;
	(pc) =	sbr.ind lr, $3  }
0x3a: {  	_ = 	snop  }
0x3b: {  	_ = 	snop  }
0x3c: {  	p2 =	seq.s32 s10, $0x1;
	s10 =	sld [smem:$0x3FB2]  }
0x3d: {  	_ =	shalt  }
0x3e: {  	_ =	shalt  }
0x3f: {  	_ =	shalt  }
0x40: {  	_ =	shalt  }
0x41: {  	_ =	shalt  }
0x42: {  	_ =	shalt  }
0x43: {  	_ =	shalt  }
0x44: {  	_ =	shalt  }
0x45: {  	_ =	shalt  }
0x46: {  	_ =	shalt  }
0x47: {  	_ =	shalt  }
0x48: {  	_ =	shalt  }
0x49: {  	_ =	shalt  }
0x4a: {  	_ =	shalt  }
0x4b: {  	_ =	shalt  }
0x4c: {  	_ =	shalt  }
0x4d: {  	_ =	shalt  }
0x4e: {  	_ =	shalt  }
0x4f: {  	_ =	shalt  }
0x50: {  	_ =	shalt  }
0x51: {  	_ =	shalt  }
0x52: {  	_ =	shalt  }
0x53: {  	_ =	shalt  }
0x54: {  	_ =	shalt  }
0x55: {  	_ =	shalt  }
0x56: {  	_ =	shalt  }
0x57: {  	_ =	shalt  }
0x58: {  	_ =	shalt  }
0x59: {  	_ =	shalt  }
0x5a: {  	_ =	shalt  }
0x5b: {  	_ =	shalt  }
0x5c: {  	_ =	shalt  }
0x5d: {  	_ =	shalt  }
0x5e: {  	_ =	shalt  }
0x5f: {  	_ =	shalt  }
0x60: {  	_ =	shalt  }
0x61: {  	_ =	shalt  }
0x62: {  	_ =	shalt  }
0x63: {  	_ =	shalt  }
0x64: {  	_ =	shalt  }
0x65: {  	_ =	shalt  }
0x66: {  	_ =	shalt  }
0x67: {  	_ =	shalt  }
0x68: {  	_ =	shalt  }
0x69: {  	_ =	shalt  }
0x6a: {  	_ =	shalt  }
0x6b: {  	_ =	shalt  }
0x6c: {  	_ =	shalt  }
0x6d: {  	_ =	shalt  }
0x6e: {  	_ =	shalt  }
0x6f: {  	_ =	shalt  }
0x70: {  	_ =	shalt  }
0x71: {  	_ =	shalt  }
0x72: {  	_ =	shalt  }
0x73: {  	_ =	shalt  }
0x74: {  	_ =	shalt  }
0x75: {  	_ =	shalt  }
0x76: {  	_ =	shalt  }
0x77: {  	_ =	shalt  }
0x78: {  	_ =	shalt  }
0x79: {  	_ =	shalt  }
0x7a: {  	_ =	shalt  }
0x7b: {  	_ =	shalt  }
0x7c: {  	_ =	shalt  }
0x7d: {  	_ =	shalt  }
0x7e: {  	_ =	shalt  }
0x7f: {  	_ =	shalt  }
0x80: {  	_ =	shalt  }
0x81: {  	_ =	shalt  }
0x82: {  	_ =	shalt  }
0x83: {  	_ =	shalt  }
0x84: {  	_ =	shalt  }
0x85: {  	_ =	shalt  }
0x86: {  	_ =	shalt  }
0x87: {  	_ =	shalt  }
.Lfunc_end0:
.L_simem_size_0:
called_computation.2_lowered:
.L_overlay_start_0:
0x88: {  	s2 =	sld [smem:$0x3FD9]  }
0x89: {  	s3 =	sld [smem:$0x3FFE];
	_ =	sdelay $0x1  }
0x8a: {  	s1 =	srdreg.scid  }
0x8b: {  	s0 =	sand.u32 $0x1, s1  }
0x8c: {  	s17 =	sshll.u32 s0, $0xA;
	s2 =	sadd.s32 s3, s2  }
0x8d: {  	s2 =	sadd.s32 s2, s17  }
0x8e: {  	[smem:$0x3FBE] =	sst s2  }
0x8f: {  	_ = 	snop  }
0x90: {  	s2 =	sld [smem:$0x3FD0];
	(tm) =	ssettm $0x1  }
0x91: {  	s18 =	sld [smem:$0x3FFB];
	_ =	sdelay $0x3  }
0x92: {  	_ =	strace s18  }
0x93: {  	s3 =	sld [smem:$0x3FFC];
	_ =	sdelay $0x3  }
0x94: {  	_ =	strace s3  }
0x95: {  	s3 =	sld [smem:$0x3FFD];
	_ =	sdelay $0x3  }
0x96: {  	_ =	strace s3  }
0x97: {  	_ =	strace $0x8FFFFFFF  }
0x98: {  	s19 =	sld [smem:$0x3FDB];
	_ =	sdelay $0x1  }
0x99: {  	s4 =	simm.s32 $_scs_section_size  }
0x9a: {  	s5 =	simm.s32 $_size__tile_overlayer_lowered;
	s6 =	simm.s32 $_tile_overlayer_lowered  }
0x9b: {  	s22 =	simm.s32 $0x1BFF;
	s21 =	sshll.u32 s6, $0x1;
	s3 =	sadd.s32 s4, s19  }
0x9c: {  	s7 =	simm.s32 $0x0;
	s20 =	sshll.u32 s5, $0x1;
	s5 =	sadd.s32 s21, s3  }
0x9d: {  	[timem:s7], [sflag:s22] =	dma.local [hbm:s5], s20  }
0x9e: {  	_ =	swait.ge [sflag:s22], s20  }
0x9f: {  	s4 =	ssub.s32 $0x0, s20;
	[sflag:s22] =	ssyncset.done $0x0  }
0xa0: {  	[sflag:s22] =	ssyncadd.s32 s4;
	_ =	sdelay $0x1  }
0xa1: {  	s23 =	simm.s32 $0x1B8B  }
0xa2: {  	_ =	swait.ge [sflag:s23], $0x1  }
0xa3: {  	[sflag:s23] =	ssyncset.done $0x0  }
0xa4: {  	s25 =	simm.s32 $0x1B8E;
	s24 =	sld [smem:$0x3FFE];
	[sflag:s23] =	ssyncadd.s32 $0xFFFFFFFF  }
0xa5: {  	s26 =	simm.s32 $execute0_lowered;
	[smem:$0x3FD2] =	sst s25  }
0xa6: {  	s5 =	sshll.u32 s26, $0x1;
	_ =	strace $0x8000004C;
	[dreg:$0x1] =	wrdreg $0xFFFFFFFF  }
0xa7: {  	s28 =	simm.s32 $_size_execute0_lowered;
	s3 =	sadd.s32 s3, s5;
	[dreg:$0x0] =	wrdreg $0x0  }
0xa8: {  	s5 =	sshll.u32 s28, $0x1;
	[dreg:$0x2] =	wrdreg s3  }
0xa9: {  	[dreg:$0x3] =	wrdreg s5  }
0xaa: {  	[dreg:$0x4] =	wrdreg $0xC0  }
0xab: {  	_ =	task [dreg:s7], $0x5FFFF  }
0xac: {  	[dreg:$0x1] =	wrdreg $0xFFFFFFFF  }
0xad: {  	[dreg:$0x0] =	wrdreg $0x60  }
0xae: {  	[dreg:$0x2] =	wrdreg s24  }
0xaf: {  	[dreg:$0x3] =	wrdreg s2  }
0xb0: {  	[dreg:$0x4] =	wrdreg $0x72200  }
0xb1: {  	[dreg:$0x5] =	wrdreg $0x9  }
0xb2: {  	_ =	task.clear_ibuf [dreg:s7], $0x6FFFF;
	_ =	strace $0x9000004C  }
0xb3: {  	s29 =	simm.s32 $0x9;
	_ =	strace $0x8000004E  }
0xb4: {  	_ =	swait.ge [sflag:s29], $0x1  }
0xb5: {  	[sflag:s29] =	ssyncadd.s32 $0xFFFFFFFF  }
0xb6: {  	_ =	strace $0x9000004E  }
0xb7: {  	_ =	sfence  }
0xb8: {  	s30 =	sld [smem:$0x0];
	_ =	sdelay $0x2  }
0xb9: {  	s31 =	sshll.u32 s1, $0xD;
	s1 =	sshrl.u32 s1, $0x2  }
0xba: {  	s3 =	sand.u32 $0x4000, s31;
	s1 =	sadd.s32 s1, s30  }
0xbb: {  	s0 =	sor.u32 s3, s0;
	s1 =	sshll.u32 s1, $0x11  }
0xbc: {  	s0 =	sor.u32 s1, s0  }
0xbd: {  	s0 =	sadd.s32 $0x8F2B, s0  }
0xbe: {  	[sflag:s0] =	ssyncadd.remote.s32 $0x1  }
0xbf: {  	_ =	sfence.sel $0xFFFF  }
0xc0: {  	[dreg:$0x0] =	wrdreg $0xFFFFFFFF;
	(pc) =	sbr.abs _section_cstart, $3  }
0xc1: {  	[dreg:$0x1] =	wrdreg $0xFFFFFFFF  }
0xc2: {  	_ =	task.clear_ibuf [dreg:s7], $0x2FFFF;
	_ =	strace $0x9FFFFFFF  }
0xc3: {  	(tm) =	ssettm $0x7FFFFFFF  }
tec
execute0_lowered:
.L_overlay_start_1:
0x0: {  	(tag) =	ssettag $0x1  }
0x1: {  	s0 =	rddreg [dreg:$0x0]  }
0x2: {  	s2 =	rddreg [dreg:$0x2];
	s1 =	srdreg.scid  }
0x3: {  	s4 =	simm.s32 $0x0;
	s12 =	stileid.u32;
	s14 =	simm.s32 $0x6C00  }
0x4: {  	s15 =	simm.s32 $0x7;
	s16 =	simm.s32 $0x80;
	s17 =	simm.s32 $0xC00  }
0x5: {  	s19 =	simm.s32 $0x1C00;
	s28 =	simm.s32 $0x500;
	s29 =	simm.s32 $0x5C00  }
0x6: {  	s30 =	simm.s32 $0x3;
	s31 =	simm.s32 $0x680;
	s6 =	smul.u32 $0x18800, s12  }
0x7: {  	s18 =	simm.s32 $0x980;
	s1 =	sand.u32 $0x1, s1;
	s11 =	smul.u32 $0x186, s12  }
0x8: {  	[smem:$0x7FF] =	sst s4;
	s5 =	sadd.s32 $0x1EC600, s0;
	s22 =	smul.u32 $0x62000, s12  }
0x9: {  	s8 =	sadd.s32 $0x2A00, s0;
	s3 =	smul.u32 $0x188000, s1;
	s7 =	sshll.u32 s1, $0x4  }
0xa: {  	_ =	strace $0x8000004D;
	s10 =	smul.u32 $0x1860, s1;
	s1 =	ssub.s32 $0x2, s1  }
0xb: {  	s7 =	sor.u32 s12, s7;
	s21 =	sshrl.u32 s1, $0x1;
	s3 =	sadd.s32 s6, s3  }
0xc: {  	s20 =	smul.u32 $0x186, s7;
	s9 =	smin.u32 s7, $0x14;
	s10 =	sadd.s32 s11, s10  }
0xd: {  	s1 =	ssub.s32 s1, s21;
	s21 =	simm.s32 $0x2C00;
	p0 =	sgt.u32 s7, $0x13  }
0xe: {  	s7 =	simm.s32 $0xB80;
	s3 =	sshrl.u32 s3, $0x3;
	s24 =	sadd.s32 s9, s10  }
0xf: {  	s1 =	smax.u32 s1, $0x1;
	s6 =	sadd.s32 s9, s20;
	s0 =	sadd.s32 s3, s0  }
0x10: {  	s3 =	sshll.u32 s24, $0x5;
	[dreg:$0x7] =	wrdreg s1;
	s24 =	simm.s32 $0x3C00  }
0x11: {  	s1 =	simm.s32 $0x4;
	s20 =	simm.s32 $0xA80;
	s6 =	sshll.u32 s6, $0x5  }
0x12: {  	s26 =	sadd.s32 s3, s8;
	s3 =	simm.s32 $0x880;
	s13 =	sadd.s32 s8, s6  }
0x13: {  	s6 =	sshrl.u32 s22, $0x2;
	s11 =	sadd.s32 $0x120, s26;
	s12 =	sadd.s32 $0xC0, s26  }
0x14: {  	s22 =	simm.s32 $0x300;
	s26 =	simm.s32 $0x4C00;
	s8 =	simm.s32 $0x0  }
0x15: {  	s23 =	sadd.s32 $0x60, s13;
	[dreg:$0x4] =	wrdreg s13;
	s25 =	sadd.s32 $0x30C0, s13  }
0x16: {  	s9 =	sadd.s32 s6, s2;
	s13 =	sadd.s32 $0x64600, s0;
	[dreg:$0x5] =	wrdreg s23  }
0x17: {  	s0 =	simm.s32 $0x780;
	[dreg:$0x6] =	wrdreg s25;
	s23 =	simm.s32 $0x2  }
.LBB2_1:
0x18: {  	[dreg:$0x8] =	wrdreg s8  }
0x19: {  	s6 =	rddreg [dreg:$0x1]  }
0x1a: {  	[tilespmem:s14], [sflag:$0x7] =	stream.linear.gather [hbm4b:s6+s4], $0x620, $0x38;
	[tilespmem:$0x1FA20] =	vst v63  }
0x1b: {  	_ =	swait.ge [sflag:s15], $0x620  }
0x1c: {  	[sflag:s15] =	ssyncset.done $0x0  }
0x1d: {  	s25 =	sadd.s32 $0x0, s9;
	[sflag:s15] =	ssyncadd.s32 $0xFFFFF9E0  }
0x1e: {  	[spmem:s25] =	stream.linear.scatter [tilespmem:s14], [sflag:$0x7], $0x620, $0x38;
	[tilespmem:$0x1FA20] =	vst v63  }
0x1f: {  	s8 =	simm.s32 $0x1880;
	_ =	swait.ge [sflag:s15], $0x620  }
.LBB2_2:
0x20: {  	s10 =	sshra.s32 s8, $0x2;
	[sflag:s15] =	ssyncset.done $0x0;
	p1 =	sne.s32 s8, $0x60780  }
.Ltmp0:
0x21: {  	s10 =	sadd.s32 s10, s9;
	[sflag:s15] =	ssyncadd.s32 $0xFFFFF9E0;
	(pc) =	sbr.rel @p1 .LBB2_2-.Ltmp0, $3  }
0x22: {  	[spmem:s10] =	stream.linear.scatter [tilespmem:s14], [sflag:$0x7], $0x620, $0x38;
	[tilespmem:$0x1FA20] =	vst v63  }
0x23: {  	s8 =	sadd.s32 $0x1880, s8;
	_ =	sdelay $0x1  }
0x24: {  	_ =	swait.ge [sflag:s15], $0x620  }
0x25: {  	[sflag:s15] =	ssyncset.done $0x0  }
0x26: {  	[sflag:s15] =	ssyncadd.s32 $0xFFFFF9E0  }
0x27: {  	[bflag:$0x0] =	sbarrier.arrive $0xFFFF  }
0x28: {  	s8 =	simm.s32 $0x0;
	s6 =	rddreg [dreg:$0x4]  }
0x29: {  	[tilespmem:s8], [sflag:$0x7] =	stream.linear.gather [hbm4b:s6+s8], $0x300, $0x38;
	[tilespmem:$0x1FA20] =	vst v63  }
0x2a: {  	_ =	swait.ge [sflag:s15], $0x300  }
0x2b: {  	[sflag:s15] =	ssyncset.done $0x0  }
0x2c: {  	[sflag:s15] =	ssyncadd.s32 $0xFFFFFD00  }
0x2d: {  	[tilespmem:s17], [sflag:$0x3] =	stream.indirect.gather [hbm4b:s5+s16], $0x20, s8, s16, $0xb8;
	[tilespmem:$0x1FA20] =	vst v63  }
0x2e: {  	s25 =	simm.s32 $0x100  }
0x2f: {  	[tilespmem:s19], [sflag:$0x3] =	stream.indirect.gather [hbm4b:s5+s16], $0x20, s25, s16, $0xb8;
	[tilespmem:$0x1FA20] =	vst v63  }
0x30: {  	s10 =	simm.s32 $0x200  }
0x31: {  	[tilespmem:s21], [sflag:$0x3] =	stream.indirect.gather [hbm4b:s5+s16], $0x20, s10, s16, $0xb8;
	[tilespmem:$0x1FA20] =	vst v63  }
0x32: {  	s25 =	rddreg [dreg:$0x5]  }
0x33: {  	[tilespmem:s22], [sflag:$0x2] =	stream.linear.gather [hbm4b:s25+s8], $0x300, $0x38;
	[tilespmem:$0x1FA20] =	vst v63  }
.LBB2_4:
0x34: {  	p1 =	seq.s32 s8, $0x0  }
0x35: {  	s10 =	simm.s32 @!p1 $0x6  }
0x36: {  	_ =	swait.ge @!p1 [sflag:s10], $0x1000  }
0x37: {  	[sflag:s10] =	ssyncset.done @!p1 $0x0  }
0x38: {  	[sflag:s10] =	ssyncadd.s32 @!p1 $0xFFFFF000  }
0x39: {  	_ =	swait.ge @!p1 [sflag:s10], $0x1000  }
0x3a: {  	[sflag:s10] =	ssyncset.done @!p1 $0x0  }
0x3b: {  	[sflag:s10] =	ssyncadd.s32 @!p1 $0xFFFFF000  }
0x3c: {  	_ =	swait.ge @!p1 [sflag:s10], $0x1000  }
0x3d: {  	[sflag:s10] =	ssyncset.done @!p1 $0x0  }
0x3e: {  	[sflag:s10] =	ssyncadd.s32 @!p1 $0xFFFFF000  }
0x3f: {  	_ =	swait.ge [sflag:s23], $0x300  }
0x40: {  	[sflag:s23] =	ssyncset.done $0x0  }
0x41: {  	[sflag:s23] =	ssyncadd.s32 $0xFFFFFD00  }
0x42: {  	[tilespmem:s24], [sflag:$0x4] =	stream.indirect.gather [hbm4b:s5+s16], $0x20, s22, s16, $0xb8;
	[tilespmem:$0x1FA20] =	vst v63  }
0x43: {  	s6 =	simm.s32 $0x400  }
0x44: {  	[tilespmem:s26], [sflag:$0x4] =	stream.indirect.gather [hbm4b:s5+s16], $0x20, s6, s16, $0xb8;
	[tilespmem:$0x1FA20] =	vst v63  }
0x45: {  	_ = 	snop  }
0x46: {  	[tilespmem:s29], [sflag:$0x4] =	stream.indirect.gather [hbm4b:s5+s16], $0x20, s28, s16, $0xb8;
	[tilespmem:$0x1FA20] =	vst v63  }
0x47: {  	_ =	swait.ge [sflag:s30], $0x1000  }
0x48: {  	[sflag:s30] =	ssyncset.done $0x0  }
0x49: {  	[sflag:s30] =	ssyncadd.s32 $0xFFFFF000  }
0x4a: {  	_ =	swait.ge [sflag:s30], $0x1000  }
0x4b: {  	[sflag:s30] =	ssyncset.done $0x0  }
0x4c: {  	[sflag:s30] =	ssyncadd.s32 $0xFFFFF000  }
0x4d: {  	_ =	swait.ge [sflag:s30], $0x1000  }
0x4e: {  	[sflag:s30] =	ssyncset.done $0x0  }
0x4f: {  	[sflag:s30] =	ssyncadd.s32 $0xFFFFF000  }
0x50: {  	v0 =	vld [tilespmem:$0x80]  }
0x51: {  	v1 =	vld [tilespmem:$0x90]  }
0x52: {  	v2 =	vld [tilespmem:$0xA0]  }
0x53: {  	v3 =	vld [tilespmem:$0xB0]  }
0x54: {  	v4 =	vld [tilespmem:$0xC0]  }
0x55: {  	v21 =	vld [tilespmem:$0xD0];
	[tilespmem:$0x680] =	vst v0  }
0x56: {  	v22 =	vld [tilespmem:$0xE0];
	[tilespmem:$0x690] =	vst v1  }
0x57: {  	v23 =	vld [tilespmem:$0xF0];
	[tilespmem:$0x6A0] =	vst v2  }
0x58: {  	v24 =	vld [tilespmem:$0x180];
	[tilespmem:$0x6B0] =	vst v3  }
0x59: {  	v25 =	vld [tilespmem:$0x190];
	[tilespmem:$0x6C0] =	vst v4  }
0x5a: {  	v26 =	vld [tilespmem:$0x1A0];
	[tilespmem:$0x6D0] =	vst v21  }
0x5b: {  	v27 =	vld [tilespmem:$0x1B0];
	[tilespmem:$0x6E0] =	vst v22  }
0x5c: {  	v28 =	vld [tilespmem:$0x1C0];
	[tilespmem:$0x6F0] =	vst v23  }
0x5d: {  	v29 =	vld [tilespmem:$0x1D0];
	[tilespmem:$0x780] =	vst v24  }
0x5e: {  	v30 =	vld [tilespmem:$0x1E0];
	[tilespmem:$0x790] =	vst v25  }
0x5f: {  	v31 =	vld [tilespmem:$0x1F0];
	[tilespmem:$0x7A0] =	vst v26  }
0x60: {  	v32 =	vld [tilespmem:$0x280];
	[tilespmem:$0x7B0] =	vst v27  }
0x61: {  	v33 =	vld [tilespmem:$0x290];
	[tilespmem:$0x7C0] =	vst v28  }
0x62: {  	v34 =	vld [tilespmem:$0x2A0];
	[tilespmem:$0x7D0] =	vst v29  }
0x63: {  	v35 =	vld [tilespmem:$0x2B0];
	[tilespmem:$0x7E0] =	vst v30  }
0x64: {  	v36 =	vld [tilespmem:$0x2C0];
	[tilespmem:$0x7F0] =	vst v31  }
0x65: {  	v37 =	vld [tilespmem:$0x2D0];
	[tilespmem:$0x880] =	vst v32  }
0x66: {  	v38 =	vld [tilespmem:$0x2E0];
	[tilespmem:$0x890] =	vst v33  }
0x67: {  	v39 =	vld [tilespmem:$0x2F0];
	[tilespmem:$0x8A0] =	vst v34  }
0x68: {  	[tilespmem:$0x8B0] =	vst v35  }
0x69: {  	[tilespmem:$0x8C0] =	vst v36  }
0x6a: {  	[tilespmem:$0x8D0] =	vst v37  }
0x6b: {  	[tilespmem:$0x8E0] =	vst v38  }
0x6c: {  	[tilespmem:$0x8F0] =	vst v39  }
0x6d: {  	[spmem:s2] =	stream.indirect.scatter.add.f32 [tilespmem:s17], [sflag:$0x5], $0x20, s31, s16, $0xb8;
	[tilespmem:$0x1FA20] =	vst v63  }
0x6e: {  	_ = 	snop  }
0x6f: {  	[spmem:s2] =	stream.indirect.scatter.add.f32 [tilespmem:s19], [sflag:$0x5], $0x20, s0, s16, $0xb8;
	[tilespmem:$0x1FA20] =	vst v63  }
0x70: {  	p1 =	seq.s32 s8, $0x3000  }
0x71: {  	[spmem:s2] =	stream.indirect.scatter.add.f32 [tilespmem:s21], [sflag:$0x5], $0x20, s3, s16, $0xb8;
	[tilespmem:$0x1FA20] =	vst v63  }
0x72: {  	s10 =	sadd.s32 @!p1 s8, s12;
	s6 =	simm.s32 @!p1 $0x0  }
0x73: {  	[tilespmem:s6], [sflag:$0x1] =	stream.linear.gather @!p1 [hbm4b:s10+s6], $0x300, $0x38;
	[tilespmem:$0x1FA20] =	vst v63  }
0x74: {  	s10 =	simm.s32 @!p1 $0x5  }
0x75: {  	_ =	swait.ge @!p1 [sflag:s10], $0x1000  }
0x76: {  	[sflag:s10] =	ssyncset.done @!p1 $0x0  }
0x77: {  	[sflag:s10] =	ssyncadd.s32 @!p1 $0xFFFFF000  }
0x78: {  	_ =	swait.ge @!p1 [sflag:s10], $0x1000  }
0x79: {  	[sflag:s10] =	ssyncset.done @!p1 $0x0  }
0x7a: {  	[sflag:s10] =	ssyncadd.s32 @!p1 $0xFFFFF000  }
0x7b: {  	_ =	swait.ge @!p1 [sflag:s10], $0x1000  }
0x7c: {  	[sflag:s10] =	ssyncset.done @!p1 $0x0  }
0x7d: {  	[sflag:s10] =	ssyncadd.s32 @!p1 $0xFFFFF000;
	s10 =	simm.s32 @!p1 $0x1  }
0x7e: {  	_ =	swait.ge @!p1 [sflag:s10], $0x300  }
0x7f: {  	[sflag:s10] =	ssyncset.done @!p1 $0x0  }
0x80: {  	s25 =	simm.s32 @!p1 $0xC00;
	[sflag:s10] =	ssyncadd.s32 @!p1 $0xFFFFFD00;
	s10 =	simm.s32 @!p1 $0x80  }
0x81: {  	[tilespmem:s25], [sflag:$0x3] =	stream.indirect.gather @!p1 [hbm4b:s5+s10], $0x20, s6, s10, $0xb8;
	[tilespmem:$0x1FA20] =	vst v63  }
0x82: {  	s6 =	simm.s32 @!p1 $0x100;
	s25 =	simm.s32 @!p1 $0x1C00  }
0x83: {  	[tilespmem:s25], [sflag:$0x3] =	stream.indirect.gather @!p1 [hbm4b:s5+s10], $0x20, s6, s10, $0xb8;
	[tilespmem:$0x1FA20] =	vst v63  }
0x84: {  	s6 =	simm.s32 @!p1 $0x200;
	s25 =	simm.s32 @!p1 $0x2C00  }
0x85: {  	[tilespmem:s25], [sflag:$0x3] =	stream.indirect.gather @!p1 [hbm4b:s5+s10], $0x20, s6, s10, $0xb8;
	[tilespmem:$0x1FA20] =	vst v63  }
0x86: {  	_ =	swait.ge [sflag:s1], $0x1000  }
0x87: {  	[sflag:s1] =	ssyncset.done $0x0  }
0x88: {  	[sflag:s1] =	ssyncadd.s32 $0xFFFFF000  }
0x89: {  	_ =	swait.ge [sflag:s1], $0x1000  }
0x8a: {  	[sflag:s1] =	ssyncset.done $0x0  }
0x8b: {  	[sflag:s1] =	ssyncadd.s32 $0xFFFFF000  }
0x8c: {  	_ =	swait.ge [sflag:s1], $0x1000  }
0x8d: {  	[sflag:s1] =	ssyncset.done $0x0  }
0x8e: {  	[sflag:s1] =	ssyncadd.s32 $0xFFFFF000  }
0x8f: {  	v40 =	vld [tilespmem:$0x380]  }
0x90: {  	v41 =	vld [tilespmem:$0x390]  }
0x91: {  	v42 =	vld [tilespmem:$0x3A0]  }
0x92: {  	v43 =	vld [tilespmem:$0x3B0]  }
0x93: {  	v44 =	vld [tilespmem:$0x3C0]  }
0x94: {  	v45 =	vld [tilespmem:$0x3D0];
	[tilespmem:$0x980] =	vst v40  }
0x95: {  	v46 =	vld [tilespmem:$0x3E0];
	[tilespmem:$0x990] =	vst v41  }
0x96: {  	v47 =	vld [tilespmem:$0x3F0];
	[tilespmem:$0x9A0] =	vst v42  }
0x97: {  	v48 =	vld [tilespmem:$0x480];
	[tilespmem:$0x9B0] =	vst v43  }
0x98: {  	v49 =	vld [tilespmem:$0x490];
	[tilespmem:$0x9C0] =	vst v44  }
0x99: {  	v50 =	vld [tilespmem:$0x4A0];
	[tilespmem:$0x9D0] =	vst v45  }
0x9a: {  	v51 =	vld [tilespmem:$0x4B0];
	[tilespmem:$0x9E0] =	vst v46  }
0x9b: {  	v52 =	vld [tilespmem:$0x4C0];
	[tilespmem:$0x9F0] =	vst v47  }
0x9c: {  	v53 =	vld [tilespmem:$0x4D0];
	[tilespmem:$0xA80] =	vst v48  }
0x9d: {  	v54 =	vld [tilespmem:$0x4E0];
	[tilespmem:$0xA90] =	vst v49  }
0x9e: {  	v55 =	vld [tilespmem:$0x4F0];
	[tilespmem:$0xAA0] =	vst v50  }
0x9f: {  	v56 =	vld [tilespmem:$0x580];
	[tilespmem:$0xAB0] =	vst v51  }
0xa0: {  	v57 =	vld [tilespmem:$0x590];
	[tilespmem:$0xAC0] =	vst v52  }
0xa1: {  	v58 =	vld [tilespmem:$0x5A0];
	[tilespmem:$0xAD0] =	vst v53  }
0xa2: {  	v59 =	vld [tilespmem:$0x5B0];
	[tilespmem:$0xAE0] =	vst v54  }
0xa3: {  	v60 =	vld [tilespmem:$0x5C0];
	[tilespmem:$0xAF0] =	vst v55  }
0xa4: {  	v61 =	vld [tilespmem:$0x5D0];
	[tilespmem:$0xB80] =	vst v56  }
0xa5: {  	v62 =	vld [tilespmem:$0x5E0];
	[tilespmem:$0xB90] =	vst v57  }
0xa6: {  	v63 =	vld [tilespmem:$0x5F0];
	[tilespmem:$0xBA0] =	vst v58  }
0xa7: {  	[tilespmem:$0xBB0] =	vst v59  }
0xa8: {  	[tilespmem:$0xBC0] =	vst v60  }
0xa9: {  	[tilespmem:$0xBD0] =	vst v61  }
0xaa: {  	[tilespmem:$0xBE0] =	vst v62  }
0xab: {  	[tilespmem:$0xBF0] =	vst v63  }
0xac: {  	[spmem:s2] =	stream.indirect.scatter.add.f32 [tilespmem:s24], [sflag:$0x6], $0x20, s18, s16, $0xb8;
	[tilespmem:$0x1FA20] =	vst v63  }
.Ltmp1:
0xad: {  	_ = 	snop;
	(pc) =	sbr.rel @p1 .LBB2_6-.Ltmp1, $4  }
0xae: {  	_ = 	snop  }
0xaf: {  	[spmem:s2] =	stream.indirect.scatter.add.f32 [tilespmem:s26], [sflag:$0x6], $0x20, s20, s16, $0xb8;
	[tilespmem:$0x1FA20] =	vst v63  }
0xb0: {  	_ = 	snop  }
0xb1: {  	[spmem:s2] =	stream.indirect.scatter.add.f32 [tilespmem:s29], [sflag:$0x6], $0x20, s7, s16, $0xb8;
	[tilespmem:$0x1FA20] =	vst v63  }
.Ltmp2:
0xb2: {  	(pc) =	sbr.rel .LBB2_4-.Ltmp2, $3  }
0xb3: {  	_ =	sdelay $0x1  }
0xb4: {  	s6 =	sadd.s32 s8, s11;
	s8 =	sadd.s32 $0xC0, s8  }
0xb5: {  	[tilespmem:s22], [sflag:$0x2] =	stream.linear.gather [hbm4b:s6+s4], $0x300, $0x38;
	[tilespmem:$0x1FA20] =	vst v63  }
.LBB2_6:
0xb6: {  	s6 =	simm.s32 $0x5  }
0xb7: {  	_ =	swait.ge [sflag:s6], $0x1000  }
0xb8: {  	[sflag:s6] =	ssyncset.done $0x0  }
0xb9: {  	[sflag:s6] =	ssyncadd.s32 $0xFFFFF000  }
0xba: {  	_ =	swait.ge [sflag:s6], $0x1000  }
0xbb: {  	[sflag:s6] =	ssyncset.done $0x0  }
0xbc: {  	[sflag:s6] =	ssyncadd.s32 $0xFFFFF000  }
0xbd: {  	_ =	swait.ge [sflag:s6], $0x1000  }
0xbe: {  	[sflag:s6] =	ssyncset.done $0x0  }
0xbf: {  	s10 =	simm.s32 $0x6;
	[sflag:s6] =	ssyncadd.s32 $0xFFFFF000  }
0xc0: {  	_ =	swait.ge [sflag:s10], $0x1000  }
0xc1: {  	[sflag:s10] =	ssyncset.done $0x0  }
0xc2: {  	[sflag:s10] =	ssyncadd.s32 $0xFFFFF000  }
0xc3: {  	_ =	swait.ge [sflag:s10], $0x1000  }
0xc4: {  	[sflag:s10] =	ssyncset.done $0x0  }
0xc5: {  	[sflag:s10] =	ssyncadd.s32 $0xFFFFF000  }
0xc6: {  	_ =	swait.ge [sflag:s10], $0x1000  }
0xc7: {  	[sflag:s10] =	ssyncset.done $0x0  }
0xc8: {  	s6 =	simm.s32 @!p0 $0x0;
	s8 =	rddreg [dreg:$0x6];
	[sflag:s10] =	ssyncadd.s32 $0xFFFFF000  }
0xc9: {  	[tilespmem:s6], [sflag:$0x7] =	stream.linear.gather @!p0 [hbm4b:s8+s6], $0x100, $0x38;
	[tilespmem:$0x1FA20] =	vst v63  }
0xca: {  	s8 =	simm.s32 @!p0 $0x7  }
0xcb: {  	_ =	swait.ge @!p0 [sflag:s8], $0x100  }
0xcc: {  	[sflag:s8] =	ssyncset.done @!p0 $0x0  }
0xcd: {  	s25 =	simm.s32 @!p0 $0xC00;
	s10 =	simm.s32 @!p0 $0x80;
	[sflag:s8] =	ssyncadd.s32 @!p0 $0xFFFFFF00  }
0xce: {  	[tilespmem:s25], [sflag:$0x3] =	stream.indirect.gather @!p0 [hbm4b:s5+s10], $0x20, s6, s10, $0xb8;
	[tilespmem:$0x1FA20] =	vst v63  }
0xcf: {  	s6 =	simm.s32 @!p0 $0x3  }
0xd0: {  	_ =	swait.ge @!p0 [sflag:s6], $0x1000  }
0xd1: {  	[sflag:s6] =	ssyncset.done @!p0 $0x0  }
0xd2: {  	[sflag:s6] =	ssyncadd.s32 @!p0 $0xFFFFF000  }
0xd3: {  	[spmem:s2] =	stream.indirect.scatter.add.f32 @!p0 [tilespmem:s25], [sflag:$0x7], $0x20, s10, s10, $0xb8;
	[tilespmem:$0x1FA20] =	vst v63  }
0xd4: {  	_ =	swait.ge @!p0 [sflag:s8], $0x1000  }
0xd5: {  	[sflag:s8] =	ssyncset.done @!p0 $0x0  }
0xd6: {  	[sflag:s8] =	ssyncadd.s32 @!p0 $0xFFFFF000  }
0xd7: {  	[bflag:$0x0] =	sbarrier.arrive $0xFFFF  }
0xd8: {  	[tilespmem:s14], [sflag:$0x7] =	stream.linear.gather [spmem:s9], $0x620, $0x38;
	[tilespmem:$0x1FA20] =	vst v63  }
0xd9: {  	_ =	swait.ge [sflag:s15], $0x620  }
0xda: {  	[sflag:s15] =	ssyncset.done $0x0  }
0xdb: {  	s25 =	sadd.s32 $0x0, s13;
	[sflag:s15] =	ssyncadd.s32 $0xFFFFF9E0  }
0xdc: {  	[hbm4b:s25+s4] =	stream.linear.scatter [tilespmem:s14], [sflag:$0x7], $0x620, $0x38;
	[tilespmem:$0x1FA20] =	vst v63  }
0xdd: {  	_ =	swait.ge [sflag:s15], $0x620  }
0xde: {  	s10 =	smov.u32 s9;
	s8 =	simm.s32 $0xC4;
	[sflag:s15] =	ssyncset.done $0x0  }
.LBB2_7:
0xdf: {  	p1 =	sne.s32 s8, $0x303C;
	[sflag:s15] =	ssyncadd.s32 $0xFFFFF9E0;
	s10 =	sadd.s32 $0x620, s10  }
0xe0: {  	[tilespmem:s14], [sflag:$0x7] =	stream.linear.gather [spmem:s10], $0x620, $0x38;
	[tilespmem:$0x1FA20] =	vst v63  }
0xe1: {  	s6 =	smov.u32 s8;
	s8 =	sadd.s32 $0xC4, s8;
	_ =	swait.ge [sflag:s15], $0x620  }
.Ltmp3:
0xe2: {  	[sflag:s15] =	ssyncset.done $0x0;
	(pc) =	sbr.rel @p1 .LBB2_7-.Ltmp3, $4  }
0xe3: {  	s6 =	sadd.s32 s6, s13;
	[sflag:s15] =	ssyncadd.s32 $0xFFFFF9E0  }
0xe4: {  	[hbm4b:s6+s4] =	stream.linear.scatter [tilespmem:s14], [sflag:$0x7], $0x620, $0x38;
	[tilespmem:$0x1FA20] =	vst v63  }
0xe5: {  	_ =	swait.ge [sflag:s15], $0x620  }
0xe6: {  	[sflag:s15] =	ssyncset.done $0x0  }
0xe7: {  	s8 =	rddreg [dreg:$0x8]  }
0xe8: {  	s6 =	rddreg [dreg:$0x7];
	s8 =	sadd.s32 $0x1, s8  }
0xe9: {  	p1 =	sne.s32 s8, s6  }
.Ltmp4:
0xea: {  	_ = 	snop;
	(pc) =	sbr.rel @p1 .LBB2_1-.Ltmp4, $2  }
0xeb: {  	_ =	sdelay $0x2  }
0xec: {  	[sflag:s15] =	ssyncadd.s32 $0xFFFFF9E0  }
0xed: {  	_ =	sfence.sel $0x180000  }
0xee: {  	[bflag:$0x0] =	sbarrier.arrive $0xFFFF  }
0xef: {  	_ =	strace $0x9000004D  }
0xf0: {  	s0 =	stileid.u32;
	[bflag:$0x2] =	sbarrier.arrive $0xFFFF  }
0xf1: {  	p0 =	sne.s32 s0, $0x0;
	s0 =	rddreg [dreg:$0x3]  }
0xf2: {  	s0 =	sadd.s32 @!p0 $0x100000, s0  }
0xf3: {  	[sflag:s0] =	ssyncadd.tile.s32 @!p0 $0x1;
	_ =	shalt  }
.Lfunc_end2:
_tile_overlayer_lowered:
.L_overlay_start_2:
0xf4: {  	(tag) =	ssettag $0x2  }
0xf5: {  	s0 =	rddreg [dreg:$0x0];
	s2 =	stileid.u32  }
0xf6: {  	s1 =	rddreg [dreg:$0x1];
	p0 =	sne.s32 s2, $0x0  }
0xf7: {  	s3 =	rddreg [dreg:$0x2];
	[bflag:$0x3] =	sbarrier.arrive $0xFFFF;
	s2 =	simm.s32 @!p0 $0x1C07  }
0xf8: {  	[timem:s3], [sflag:s2] =	dma.local @!p0 [hbm:s0], s1  }
0xf9: {  	s0 =	simm.s32 @!p0 $0x7  }
0xfa: {  	_ =	swait.ge @!p0 [sflag:s0], s1  }
0xfb: {  	s1 =	ssub.s32 @!p0 $0x0, s1;
	[sflag:s0] =	ssyncset.done @!p0 $0x0  }
0xfc: {  	[sflag:s0] =	ssyncadd.s32 @!p0 s1  }
0xfd: {  	[bflag:$0x3] =	sbarrier.arrive $0xFFFF  }
0xfe: {  	_ =	shalt  }

// kernel: kernel.9.cloned.1.call-start
scs
__scs_entry_jumppad:
0x0: {  	(pc) =	sbr.rel $0x88, $3  }
0x1: {  	(tag) =	ssettag $0x0;
	lr =	simm.s32 $0x1  }
0x2: {  	[smem:$0x3F97] =	sst lr;
	_ =	strace $0xD0000000  }
0x3: {  	_ = 	snop  }
0x4: {  	_ = 	snop  }
0x5: {  	_ = 	snop  }
0x6: {  	_ = 	snop  }
0x7: {  	_ = 	snop  }
__scs_overlays_trampoline_lowered:
0x8: {  	[smem:$0x3FA6] =	sst s0  }
0x9: {  	[smem:$0x3FA7] =	sst s1  }
0xa: {  	[smem:$0x3FA8] =	sst s2  }
0xb: {  	[smem:$0x3FA9] =	sst s3  }
0xc: {  	[smem:$0x3FAA] =	sst s4  }
0xd: {  	[smem:$0x3FAB] =	sst s5  }
0xe: {  	[smem:$0x3FAC] =	sst s6  }
0xf: {  	[smem:$0x3FAD] =	sst s7  }
0x10: {  	[smem:$0x3FAE] =	sst s8  }
0x11: {  	[smem:$0x3FAF] =	sst s9;
	s0 =	simm.s32 @!p0 $0x0  }
0x12: {  	s1 =	sld [smem:$0x3F95];
	s0 =	simm.s32 @p0 $0x1  }
0x13: {  	[smem:$0x3FB0] =	sst s0;
	s0 =	simm.s32 @!p1 $0x0  }
0x14: {  	s2 =	sld [smem:$0x3F94];
	s0 =	simm.s32 @p1 $0x1  }
0x15: {  	[smem:$0x3FB1] =	sst s0;
	s0 =	simm.s32 @!p2 $0x0  }
0x16: {  	s3 =	sld [smem:$0x3FDB];
	s0 =	simm.s32 @p2 $0x1  }
0x17: {  	s4 =	simm.s32 $0x1BF5;
	[smem:$0x3FB3] =	sst s0  }
0x18: {  	s0 =	sld [smem:$0x3F96];
	_ =	swait.ge [sflag:s4], $0x0  }
0x19: {  	s7 =	sld [smem:$0x3F97]  }
0x1a: {  	s8 =	sadd.s32 $0xFFFFE003, lr  }
0x1b: {  	s9 =	sadd.s32 $0xFFFFFEF7, lr;
	s5 =	simm.s32 $0xFFFFFFFF;
	p2 =	slt.u32 s8, $0xFFFFF086  }
0x1c: {  	p1 =	slt.u32 s9, $0xF7A;
	s5 =	simm.s32 @!p2 $0x0  }
0x1d: {  	s5 =	simm.s32 @p1 $0x1;
	p0 =	seq.s32 s7, s2  }
0x1e: {  	s7 =	smul.u32 @!p0 $0xF7A, s2;
	p2 =	seq.s32 @!p0 s5, $0x0  }
0x1f: {  	s9 =	smul.u32 $0xF7A, s1;
	s8 =	simm.s32 @!p0 $0x1BF5;
	p2 =	por !p2, p0  }
0x20: {  	[sflag:s8] =	ssyncset.s32 @!p0 $0xFFFFF086;
	s6 =	sadd.s32 @!p0 s3, s7;
	s7 =	simm.s32 @!p0 $0x108  }
0x21: {  	s3 =	sadd.s32 s3, s9;
	s6 =	sadd.s32 @!p0 $0x88, s6;
	s7 =	simm.s32 @p2 $0x1082  }
0x22: {  	[simem:s7], [sflag:s8] =	dma.local @!p0 [hbm:s6], $0xF7A  }
0x23: {  	s9 =	sor.u32 $0xD0000000, s2;
	s6 =	simm.s32 $0x108;
	_ =	swait.ge @!p0 [sflag:s8], $0x0  }
0x24: {  	s3 =	sadd.s32 $0x88, s3;
	s6 =	simm.s32 @!p1 $0x1082;
	[sflag:s4] =	ssyncset.s32 $0xFFFFF086  }
0x25: {  	[simem:s6], [sflag:s4] =	dma.local [hbm:s3], $0xF7A  }
0x26: {  	[smem:$0x3F97] =	sst s1;
	(tag) =	ssettag s2;
	_ =	strace s9  }
0x27: {  	s1 =	sld [smem:$0x3FA7]  }
0x28: {  	s2 =	sld [smem:$0x3FA8]  }
0x29: {  	s4 =	sld [smem:$0x3FAA]  }
0x2a: {  	p0 =	seq.s32 s5, $0x0;
	s5 =	sld [smem:$0x3FAB]  }
0x2b: {  	s6 =	sld [smem:$0x3FAC]  }
0x2c: {  	s7 =	sld [smem:$0x3FAD]  }
0x2d: {  	s3 =	simm.s32 $0x108;
	s8 =	sld [smem:$0x3FAE]  }
0x2e: {  	s3 =	simm.s32 @!p0 $0x1082;
	s9 =	sld [smem:$0x3FAF]  }
0x2f: {  	lr =	sadd.s32 s0, s3;
	s0 =	sld [smem:$0x3FA6]  }
0x30: {  	s3 =	sld [smem:$0x3FA9]  }
0x31: {  	[smem:$0x3FB2] =	sst s10  }
0x32: {  	s10 =	sld [smem:$0x3FB0];
	_ =	sdelay $0x3  }
0x33: {  	p0 =	seq.s32 s10, $0x1;
	s10 =	sld [smem:$0x3FB2];
	_ =	sdelay $0x3  }
0x34: {  	[smem:$0x3FB2] =	sst s10  }
0x35: {  	s10 =	sld [smem:$0x3FB1];
	_ =	sdelay $0x3  }
0x36: {  	p1 =	seq.s32 s10, $0x1;
	s10 =	sld [smem:$0x3FB2];
	_ =	sdelay $0x3  }
0x37: {  	[smem:$0x3FB2] =	sst s10  }
0x38: {  	s10 =	sld [smem:$0x3FB3]  }
0x39: {  	_ = 	snop;
	(pc) =	sbr.ind lr, $3  }
0x3a: {  	_ = 	snop  }
0x3b: {  	_ = 	snop  }
0x3c: {  	p2 =	seq.s32 s10, $0x1;
	s10 =	sld [smem:$0x3FB2]  }
0x3d: {  	_ =	shalt  }
0x3e: {  	_ =	shalt  }
0x3f: {  	_ =	shalt  }
0x40: {  	_ =	shalt  }
0x41: {  	_ =	shalt  }
0x42: {  	_ =	shalt  }
0x43: {  	_ =	shalt  }
0x44: {  	_ =	shalt  }
0x45: {  	_ =	shalt  }
0x46: {  	_ =	shalt  }
0x47: {  	_ =	shalt  }
0x48: {  	_ =	shalt  }
0x49: {  	_ =	shalt  }
0x4a: {  	_ =	shalt  }
0x4b: {  	_ =	shalt  }
0x4c: {  	_ =	shalt  }
0x4d: {  	_ =	shalt  }
0x4e: {  	_ =	shalt  }
0x4f: {  	_ =	shalt  }
0x50: {  	_ =	shalt  }
0x51: {  	_ =	shalt  }
0x52: {  	_ =	shalt  }
0x53: {  	_ =	shalt  }
0x54: {  	_ =	shalt  }
0x55: {  	_ =	shalt  }
0x56: {  	_ =	shalt  }
0x57: {  	_ =	shalt  }
0x58: {  	_ =	shalt  }
0x59: {  	_ =	shalt  }
0x5a: {  	_ =	shalt  }
0x5b: {  	_ =	shalt  }
0x5c: {  	_ =	shalt  }
0x5d: {  	_ =	shalt  }
0x5e: {  	_ =	shalt  }
0x5f: {  	_ =	shalt  }
0x60: {  	_ =	shalt  }
0x61: {  	_ =	shalt  }
0x62: {  	_ =	shalt  }
0x63: {  	_ =	shalt  }
0x64: {  	_ =	shalt  }
0x65: {  	_ =	shalt  }
0x66: {  	_ =	shalt  }
0x67: {  	_ =	shalt  }
0x68: {  	_ =	shalt  }
0x69: {  	_ =	shalt  }
0x6a: {  	_ =	shalt  }
0x6b: {  	_ =	shalt  }
0x6c: {  	_ =	shalt  }
0x6d: {  	_ =	shalt  }
0x6e: {  	_ =	shalt  }
0x6f: {  	_ =	shalt  }
0x70: {  	_ =	shalt  }
0x71: {  	_ =	shalt  }
0x72: {  	_ =	shalt  }
0x73: {  	_ =	shalt  }
0x74: {  	_ =	shalt  }
0x75: {  	_ =	shalt  }
0x76: {  	_ =	shalt  }
0x77: {  	_ =	shalt  }
0x78: {  	_ =	shalt  }
0x79: {  	_ =	shalt  }
0x7a: {  	_ =	shalt  }
0x7b: {  	_ =	shalt  }
0x7c: {  	_ =	shalt  }
0x7d: {  	_ =	shalt  }
0x7e: {  	_ =	shalt  }
0x7f: {  	_ =	shalt  }
0x80: {  	_ =	shalt  }
0x81: {  	_ =	shalt  }
0x82: {  	_ =	shalt  }
0x83: {  	_ =	shalt  }
0x84: {  	_ =	shalt  }
0x85: {  	_ =	shalt  }
0x86: {  	_ =	shalt  }
0x87: {  	_ =	shalt  }
.Lfunc_end0:
.L_simem_size_0:
called_computation_lowered:
.L_overlay_start_0:
0x88: {  	s2 =	sld [smem:$0x3FD9]  }
0x89: {  	s3 =	sld [smem:$0x3FFE];
	_ =	sdelay $0x1  }
0x8a: {  	s1 =	srdreg.scid  }
0x8b: {  	s0 =	sand.u32 $0x1, s1  }
0x8c: {  	s17 =	sshll.u32 s0, $0xA;
	s2 =	sadd.s32 s3, s2  }
0x8d: {  	s2 =	sadd.s32 s2, s17  }
0x8e: {  	[smem:$0x3FBE] =	sst s2  }
0x8f: {  	_ = 	snop  }
0x90: {  	s2 =	sld [smem:$0x3FD0];
	(tm) =	ssettm $0x1  }
0x91: {  	s18 =	sld [smem:$0x3FFB];
	_ =	sdelay $0x3  }
0x92: {  	_ =	strace s18  }
0x93: {  	s3 =	sld [smem:$0x3FFC];
	_ =	sdelay $0x3  }
0x94: {  	_ =	strace s3  }
0x95: {  	s3 =	sld [smem:$0x3FFD];
	_ =	sdelay $0x3  }
0x96: {  	_ =	strace s3  }
0x97: {  	_ =	strace $0x8FFFFFFF  }
0x98: {  	s19 =	sld [smem:$0x3FDB];
	_ =	sdelay $0x1  }
0x99: {  	s4 =	simm.s32 $_scs_section_size  }
0x9a: {  	s5 =	simm.s32 $_size__tile_overlayer_lowered;
	s6 =	simm.s32 $_tile_overlayer_lowered  }
0x9b: {  	s22 =	simm.s32 $0x1BFF;
	s21 =	sshll.u32 s6, $0x1;
	s3 =	sadd.s32 s4, s19  }
0x9c: {  	s7 =	simm.s32 $0x0;
	s20 =	sshll.u32 s5, $0x1;
	s5 =	sadd.s32 s21, s3  }
0x9d: {  	[timem:s7], [sflag:s22] =	dma.local [hbm:s5], s20  }
0x9e: {  	_ =	swait.ge [sflag:s22], s20  }
0x9f: {  	s4 =	ssub.s32 $0x0, s20;
	[sflag:s22] =	ssyncset.done $0x0  }
0xa0: {  	[sflag:s22] =	ssyncadd.s32 s4;
	_ =	sdelay $0x1  }
0xa1: {  	s23 =	simm.s32 $0x1B8B  }
0xa2: {  	_ =	swait.ge [sflag:s23], $0x1  }
0xa3: {  	[sflag:s23] =	ssyncset.done $0x0  }
0xa4: {  	s25 =	simm.s32 $0x1B8E;
	s24 =	sld [smem:$0x3FFE];
	[sflag:s23] =	ssyncadd.s32 $0xFFFFFFFF  }
0xa5: {  	s26 =	simm.s32 $execute0_lowered;
	[smem:$0x3FD2] =	sst s25  }
0xa6: {  	s5 =	sshll.u32 s26, $0x1;
	_ =	strace $0x80000046;
	[dreg:$0x1] =	wrdreg $0xFFFFFFFF  }
0xa7: {  	s28 =	simm.s32 $_size_execute0_lowered;
	s3 =	sadd.s32 s3, s5;
	[dreg:$0x0] =	wrdreg $0x0  }
0xa8: {  	s5 =	sshll.u32 s28, $0x1;
	[dreg:$0x2] =	wrdreg s3  }
0xa9: {  	[dreg:$0x3] =	wrdreg s5  }
0xaa: {  	[dreg:$0x4] =	wrdreg $0xC0  }
0xab: {  	_ =	task [dreg:s7], $0x5FFFF  }
0xac: {  	[dreg:$0x1] =	wrdreg $0xFFFFFFFF  }
0xad: {  	[dreg:$0x0] =	wrdreg $0x60  }
0xae: {  	[dreg:$0x2] =	wrdreg s24  }
0xaf: {  	[dreg:$0x3] =	wrdreg s2  }
0xb0: {  	[dreg:$0x4] =	wrdreg $0x18C00  }
0xb1: {  	[dreg:$0x5] =	wrdreg $0x9  }
0xb2: {  	_ =	task.clear_ibuf [dreg:s7], $0x6FFFF;
	_ =	strace $0x90000046  }
0xb3: {  	s29 =	simm.s32 $0x9;
	_ =	strace $0x80000048  }
0xb4: {  	_ =	swait.ge [sflag:s29], $0x1  }
0xb5: {  	[sflag:s29] =	ssyncadd.s32 $0xFFFFFFFF  }
0xb6: {  	_ =	strace $0x90000048  }
0xb7: {  	_ =	sfence  }
0xb8: {  	s30 =	sld [smem:$0x0];
	_ =	sdelay $0x2  }
0xb9: {  	s31 =	sshll.u32 s1, $0xD;
	s1 =	sshrl.u32 s1, $0x2  }
0xba: {  	s3 =	sand.u32 $0x4000, s31;
	s1 =	sadd.s32 s1, s30  }
0xbb: {  	s0 =	sor.u32 s3, s0;
	s1 =	sshll.u32 s1, $0x11  }
0xbc: {  	s0 =	sor.u32 s1, s0  }
0xbd: {  	s0 =	sadd.s32 $0x8F2B, s0  }
0xbe: {  	[sflag:s0] =	ssyncadd.remote.s32 $0x1  }
0xbf: {  	_ =	sfence.sel $0xFFFF  }
0xc0: {  	[dreg:$0x0] =	wrdreg $0xFFFFFFFF;
	(pc) =	sbr.abs _section_cstart, $3  }
0xc1: {  	[dreg:$0x1] =	wrdreg $0xFFFFFFFF  }
0xc2: {  	_ =	task.clear_ibuf [dreg:s7], $0x2FFFF;
	_ =	strace $0x9FFFFFFF  }
0xc3: {  	(tm) =	ssettm $0x7FFFFFFF  }
tec
execute0_lowered:
.L_overlay_start_1:
0x0: {  	(tag) =	ssettag $0x1  }
0x1: {  	s5 =	rddreg [dreg:$0x0]  }
0x2: {  	s2 =	rddreg [dreg:$0x1]  }
0x3: {  	s3 =	rddreg [dreg:$0x2]  }
0x4: {  	s4 =	srdreg.scid;
	s1 =	stileid.u32  }
0x5: {  	s0 =	rddreg [dreg:$0x3];
	s16 =	simm.s32 $0x2;
	s17 =	simm.s32 $0x80  }
0x6: {  	s18 =	simm.s32 $0x680;
	s19 =	simm.s32 $0xC00;
	s20 =	simm.s32 $0x780  }
0x7: {  	s21 =	simm.s32 $0x880;
	s22 =	simm.s32 $0x980;
	s23 =	simm.s32 $0xA80  }
0x8: {  	s28 =	simm.s32 $0x0;
	s6 =	sand.u32 $0x1, s4;
	s7 =	smul.u32 $0xC40, s1  }
0x9: {  	s4 =	simm.s32 $0x0;
	s11 =	sadd.s32 $0x2A00, s5;
	s13 =	smul.u32 $0x186, s1  }
0xa: {  	s8 =	smul.u32 $0xC400, s6;
	s9 =	sshll.u32 s6, $0x4;
	[smem:$0x7FF] =	sst s4  }
0xb: {  	s10 =	smul.u32 $0x1860, s6;
	s6 =	ssub.s32 $0x2, s6;
	s25 =	sor.u32 s1, s9  }
0xc: {  	_ =	strace $0x80000047;
	s24 =	sshrl.u32 s6, $0x1;
	s8 =	sadd.s32 s7, s8  }
0xd: {  	s9 =	smul.u32 $0x186, s25;
	s12 =	smin.u32 s25, $0x14;
	s15 =	ssub.s32 s6, s24  }
0xe: {  	s30 =	sadd.s32 s13, s10;
	s13 =	simm.s32 $0xC80;
	s24 =	simm.s32 $0xB80  }
0xf: {  	p0 =	sgt.u32 s25, $0x13;
	s25 =	simm.s32 $0x3;
	s8 =	sshrl.u32 s8, $0x3  }
0x10: {  	s31 =	sadd.s32 s12, s30;
	s10 =	smax.u32 s15, $0x1;
	s15 =	simm.s32 $0x300  }
.Ltmp0:
0x11: {  	s14 =	sadd.s32 s8, s5;
	s26 =	sadd.s32 s12, s9;
	(pc) =	sbr.rel .LBB2_1-.Ltmp0, $4  }
0x12: {  	s5 =	sadd.s32 s7, s3;
	s12 =	sshll.u32 s31, $0x5;
	s29 =	sshll.u32 s26, $0x5  }
0x13: {  	s9 =	sadd.s32 $0x64600, s14;
	s12 =	sadd.s32 s12, s11;
	s14 =	simm.s32 $0x5  }
0x14: {  	s26 =	simm.s32 $0x4;
	s6 =	sadd.s32 s11, s29;
	s11 =	sadd.s32 $0x120, s12  }
0x15: {  	v0 =	vimm.f32 $1.000000000e+00;
	s12 =	sadd.s32 $0xC0, s12;
	s7 =	sadd.s32 $0x60, s6;
	s8 =	sadd.s32 $0x30C0, s6  }
.LBB2_4:
0x16: {  	_ =	swait.ge [sflag:s25], $0x80  }
0x17: {  	[sflag:s25] =	ssyncset.done $0x0  }
0x18: {  	[sflag:s25] =	ssyncadd.s32 $0xFFFFFF80  }
0x19: {  	_ =	swait.ge [sflag:s25], $0x80  }
0x1a: {  	[sflag:s25] =	ssyncset.done $0x0  }
0x1b: {  	[sflag:s25] =	ssyncadd.s32 $0xFFFFFF80  }
0x1c: {  	_ =	swait.ge [sflag:s25], $0x80  }
0x1d: {  	[sflag:s25] =	ssyncset.done $0x0  }
0x1e: {  	[sflag:s25] =	ssyncadd.s32 $0xFFFFFF80  }
0x1f: {  	_ =	swait.ge [sflag:s26], $0x80  }
0x20: {  	[sflag:s26] =	ssyncset.done $0x0  }
0x21: {  	[sflag:s26] =	ssyncadd.s32 $0xFFFFFF80  }
0x22: {  	_ =	swait.ge [sflag:s26], $0x80  }
0x23: {  	[sflag:s26] =	ssyncset.done $0x0  }
0x24: {  	[sflag:s26] =	ssyncadd.s32 $0xFFFFFF80  }
0x25: {  	_ =	swait.ge [sflag:s26], $0x80  }
0x26: {  	[sflag:s26] =	ssyncset.done $0x0  }
0x27: {  	s29 =	simm.s32 @!p0 $0x0;
	[sflag:s26] =	ssyncadd.s32 $0xFFFFFF80  }
0x28: {  	[tilespmem:s29], [sflag:$0x5] =	stream.linear.gather @!p0 [hbm4b:s8+s29], $0x100, $0x38;
	[tilespmem:$0x2500] =	vst v63  }
0x29: {  	s29 =	simm.s32 @!p0 $0x5  }
0x2a: {  	_ =	swait.ge @!p0 [sflag:s29], $0x100  }
0x2b: {  	[sflag:s29] =	ssyncset.done @!p0 $0x0  }
0x2c: {  	s30 =	simm.s32 @!p0 $0x80;
	s31 =	simm.s32 @!p0 $0xC00;
	[sflag:s29] =	ssyncadd.s32 @!p0 $0xFFFFFF00  }
0x2d: {  	[spmem:s3] =	stream.indirect.scatter.add.f32 @!p0 [tilespmem:s31], [sflag:$0x5], $0x1, s30, s30, $0xb8;
	[tilespmem:$0x2500] =	vst v63  }
0x2e: {  	_ =	swait.ge @!p0 [sflag:s29], $0x80  }
0x2f: {  	[sflag:s29] =	ssyncset.done @!p0 $0x0  }
0x30: {  	[sflag:s29] =	ssyncadd.s32 @!p0 $0xFFFFFF80  }
0x31: {  	[bflag:$0x0] =	sbarrier.arrive $0xFFFF  }
0x32: {  	[tilespmem:s13], [sflag:$0x5] =	stream.linear.gather [spmem:s5], $0xC40, $0x38;
	[tilespmem:$0x2500] =	vst v63  }
0x33: {  	s28 =	sadd.s32 $0x1, s28;
	_ =	swait.ge [sflag:s14], $0xC40  }
0x34: {  	p1 =	sne.s32 s28, s10;
	[sflag:s14] =	ssyncset.done $0x0  }
.Ltmp1:
0x35: {  	[sflag:s14] =	ssyncadd.s32 $0xFFFFF3C0;
	(pc) =	sbr.rel @!p1 .LBB2_5-.Ltmp1, $4  }
0x36: {  	[hbm4b:s9+s4] =	stream.linear.scatter [tilespmem:s13], [sflag:$0x5], $0xC40, $0x38;
	[tilespmem:$0x2500] =	vst v63  }
0x37: {  	_ =	swait.ge [sflag:s14], $0xC40  }
0x38: {  	[sflag:s14] =	ssyncset.done $0x0  }
0x39: {  	[sflag:s14] =	ssyncadd.s32 $0xFFFFF3C0  }
.LBB2_1:
0x3a: {  	[tilespmem:s13], [sflag:$0x5] =	stream.linear.gather [hbm4b:s2+s4], $0xC40, $0x38;
	[tilespmem:$0x2500] =	vst v63  }
0x3b: {  	_ =	swait.ge [sflag:s14], $0xC40  }
0x3c: {  	[sflag:s14] =	ssyncset.done $0x0  }
0x3d: {  	[sflag:s14] =	ssyncadd.s32 $0xFFFFF3C0  }
0x3e: {  	[spmem:s5] =	stream.linear.scatter [tilespmem:s13], [sflag:$0x5], $0xC40, $0x38;
	[tilespmem:$0x2500] =	vst v63  }
0x3f: {  	_ =	swait.ge [sflag:s14], $0xC40  }
0x40: {  	[sflag:s14] =	ssyncset.done $0x0  }
0x41: {  	[sflag:s14] =	ssyncadd.s32 $0xFFFFF3C0  }
0x42: {  	[tilespmem:$0xC00] =	vst v0  }
0x43: {  	[tilespmem:$0xC10] =	vst v0  }
0x44: {  	[tilespmem:$0xC20] =	vst v0  }
0x45: {  	[tilespmem:$0xC30] =	vst v0  }
0x46: {  	[tilespmem:$0xC40] =	vst v0  }
0x47: {  	[tilespmem:$0xC50] =	vst v0  }
0x48: {  	[tilespmem:$0xC60] =	vst v0  }
0x49: {  	[tilespmem:$0xC70] =	vst v0  }
0x4a: {  	[bflag:$0x0] =	sbarrier.arrive $0xFFFF  }
0x4b: {  	[tilespmem:s4], [sflag:$0x5] =	stream.linear.gather [hbm4b:s6+s4], $0x300, $0x38;
	[tilespmem:$0x2500] =	vst v63  }
0x4c: {  	_ =	swait.ge [sflag:s14], $0x300  }
0x4d: {  	[sflag:s14] =	ssyncset.done $0x0  }
0x4e: {  	s29 =	simm.s32 $0x0;
	[sflag:s14] =	ssyncadd.s32 $0xFFFFFD00  }
0x4f: {  	[tilespmem:s15], [sflag:$0x2] =	stream.linear.gather [hbm4b:s7+s4], $0x300, $0x38;
	[tilespmem:$0x2500] =	vst v63  }
.LBB2_2:
0x50: {  	p1 =	seq.s32 s29, $0x0  }
0x51: {  	s30 =	simm.s32 @!p1 $0x4  }
0x52: {  	_ =	swait.ge @!p1 [sflag:s30], $0x80  }
0x53: {  	[sflag:s30] =	ssyncset.done @!p1 $0x0  }
0x54: {  	[sflag:s30] =	ssyncadd.s32 @!p1 $0xFFFFFF80  }
0x55: {  	_ =	swait.ge @!p1 [sflag:s30], $0x80  }
0x56: {  	[sflag:s30] =	ssyncset.done @!p1 $0x0  }
0x57: {  	[sflag:s30] =	ssyncadd.s32 @!p1 $0xFFFFFF80  }
0x58: {  	_ =	swait.ge @!p1 [sflag:s30], $0x80  }
0x59: {  	[sflag:s30] =	ssyncset.done @!p1 $0x0  }
0x5a: {  	[sflag:s30] =	ssyncadd.s32 @!p1 $0xFFFFFF80  }
0x5b: {  	_ =	swait.ge [sflag:s16], $0x300  }
0x5c: {  	[sflag:s16] =	ssyncset.done $0x0  }
0x5d: {  	[sflag:s16] =	ssyncadd.s32 $0xFFFFFD00  }
0x5e: {  	v1 =	vld [tilespmem:$0x80]  }
0x5f: {  	v2 =	vld [tilespmem:$0x90]  }
0x60: {  	v3 =	vld [tilespmem:$0xA0]  }
0x61: {  	v4 =	vld [tilespmem:$0xB0]  }
0x62: {  	v5 =	vld [tilespmem:$0xC0]  }
0x63: {  	v48 =	vld [tilespmem:$0x180];
	[tilespmem:$0x680] =	vst v1  }
0x64: {  	v1 =	vld [tilespmem:$0xD0];
	[tilespmem:$0x690] =	vst v2  }
0x65: {  	v2 =	vld [tilespmem:$0xE0];
	[tilespmem:$0x6A0] =	vst v3  }
0x66: {  	v3 =	vld [tilespmem:$0xF0];
	[tilespmem:$0x6B0] =	vst v4  }
0x67: {  	v49 =	vld [tilespmem:$0x190];
	[tilespmem:$0x6C0] =	vst v5  }
0x68: {  	v50 =	vld [tilespmem:$0x1D0];
	[tilespmem:$0x780] =	vst v48  }
0x69: {  	[tilespmem:$0x6D0] =	vst v1;
	v1 =	vld [tilespmem:$0x1A0]  }
0x6a: {  	[tilespmem:$0x6E0] =	vst v2;
	v2 =	vld [tilespmem:$0x1B0]  }
0x6b: {  	[tilespmem:$0x6F0] =	vst v3;
	v3 =	vld [tilespmem:$0x1C0]  }
0x6c: {  	v51 =	vld [tilespmem:$0x1E0];
	[tilespmem:$0x790] =	vst v49  }
0x6d: {  	v52 =	vld [tilespmem:$0x2A0];
	[tilespmem:$0x7D0] =	vst v50  }
0x6e: {  	[tilespmem:$0x7A0] =	vst v1;
	v1 =	vld [tilespmem:$0x1F0]  }
0x6f: {  	[tilespmem:$0x7B0] =	vst v2;
	v2 =	vld [tilespmem:$0x280]  }
0x70: {  	[tilespmem:$0x7C0] =	vst v3;
	v3 =	vld [tilespmem:$0x290]  }
0x71: {  	v53 =	vld [tilespmem:$0x2B0];
	[tilespmem:$0x7E0] =	vst v51  }
0x72: {  	v54 =	vld [tilespmem:$0x2F0];
	[tilespmem:$0x8A0] =	vst v52  }
0x73: {  	[tilespmem:$0x7F0] =	vst v1;
	v1 =	vld [tilespmem:$0x2C0]  }
0x74: {  	[tilespmem:$0x880] =	vst v2;
	v2 =	vld [tilespmem:$0x2D0]  }
0x75: {  	[tilespmem:$0x890] =	vst v3;
	v3 =	vld [tilespmem:$0x2E0]  }
0x76: {  	[tilespmem:$0x8B0] =	vst v53  }
0x77: {  	[tilespmem:$0x8F0] =	vst v54  }
0x78: {  	[tilespmem:$0x8C0] =	vst v1  }
0x79: {  	[tilespmem:$0x8D0] =	vst v2  }
0x7a: {  	[tilespmem:$0x8E0] =	vst v3  }
0x7b: {  	[spmem:s3] =	stream.indirect.scatter.add.f32 [tilespmem:s19], [sflag:$0x3], $0x1, s18, s17, $0xb8;
	[tilespmem:$0x2500] =	vst v63  }
0x7c: {  	_ = 	snop  }
0x7d: {  	[spmem:s3] =	stream.indirect.scatter.add.f32 [tilespmem:s19], [sflag:$0x3], $0x1, s20, s17, $0xb8;
	[tilespmem:$0x2500] =	vst v63  }
0x7e: {  	p1 =	seq.s32 s29, $0x3000  }
0x7f: {  	[spmem:s3] =	stream.indirect.scatter.add.f32 [tilespmem:s19], [sflag:$0x3], $0x1, s21, s17, $0xb8;
	[tilespmem:$0x2500] =	vst v63  }
0x80: {  	s30 =	sadd.s32 @!p1 s29, s12;
	s31 =	simm.s32 @!p1 $0x0  }
0x81: {  	[tilespmem:s31], [sflag:$0x1] =	stream.linear.gather @!p1 [hbm4b:s30+s31], $0x300, $0x38;
	[tilespmem:$0x2500] =	vst v63  }
0x82: {  	s30 =	simm.s32 @!p1 $0x3  }
0x83: {  	_ =	swait.ge @!p1 [sflag:s30], $0x80  }
0x84: {  	[sflag:s30] =	ssyncset.done @!p1 $0x0  }
0x85: {  	[sflag:s30] =	ssyncadd.s32 @!p1 $0xFFFFFF80  }
0x86: {  	_ =	swait.ge @!p1 [sflag:s30], $0x80  }
0x87: {  	[sflag:s30] =	ssyncset.done @!p1 $0x0  }
0x88: {  	[sflag:s30] =	ssyncadd.s32 @!p1 $0xFFFFFF80  }
0x89: {  	_ =	swait.ge @!p1 [sflag:s30], $0x80  }
0x8a: {  	[sflag:s30] =	ssyncset.done @!p1 $0x0  }
0x8b: {  	[sflag:s30] =	ssyncadd.s32 @!p1 $0xFFFFFF80;
	s30 =	simm.s32 @!p1 $0x1  }
0x8c: {  	_ =	swait.ge @!p1 [sflag:s30], $0x300  }
0x8d: {  	[sflag:s30] =	ssyncset.done @!p1 $0x0  }
0x8e: {  	[sflag:s30] =	ssyncadd.s32 @!p1 $0xFFFFFD00  }
0x8f: {  	v1 =	vld [tilespmem:$0x380]  }
0x90: {  	v2 =	vld [tilespmem:$0x390]  }
0x91: {  	v3 =	vld [tilespmem:$0x3A0]  }
0x92: {  	v55 =	vld [tilespmem:$0x3B0]  }
0x93: {  	v56 =	vld [tilespmem:$0x3C0]  }
0x94: {  	v57 =	vld [tilespmem:$0x480];
	[tilespmem:$0x980] =	vst v1  }
0x95: {  	v1 =	vld [tilespmem:$0x3D0];
	[tilespmem:$0x990] =	vst v2  }
0x96: {  	v2 =	vld [tilespmem:$0x3E0];
	[tilespmem:$0x9A0] =	vst v3  }
0x97: {  	v3 =	vld [tilespmem:$0x3F0];
	[tilespmem:$0x9B0] =	vst v55  }
0x98: {  	v58 =	vld [tilespmem:$0x490];
	[tilespmem:$0x9C0] =	vst v56  }
0x99: {  	v59 =	vld [tilespmem:$0x4D0];
	[tilespmem:$0xA80] =	vst v57  }
0x9a: {  	[tilespmem:$0x9D0] =	vst v1;
	v1 =	vld [tilespmem:$0x4A0]  }
0x9b: {  	[tilespmem:$0x9E0] =	vst v2;
	v2 =	vld [tilespmem:$0x4B0]  }
0x9c: {  	[tilespmem:$0x9F0] =	vst v3;
	v3 =	vld [tilespmem:$0x4C0]  }
0x9d: {  	v60 =	vld [tilespmem:$0x4E0];
	[tilespmem:$0xA90] =	vst v58  }
0x9e: {  	v61 =	vld [tilespmem:$0x5A0];
	[tilespmem:$0xAD0] =	vst v59  }
0x9f: {  	[tilespmem:$0xAA0] =	vst v1;
	v1 =	vld [tilespmem:$0x4F0]  }
0xa0: {  	[tilespmem:$0xAB0] =	vst v2;
	v2 =	vld [tilespmem:$0x580]  }
0xa1: {  	[tilespmem:$0xAC0] =	vst v3;
	v3 =	vld [tilespmem:$0x590]  }
0xa2: {  	v62 =	vld [tilespmem:$0x5B0];
	[tilespmem:$0xAE0] =	vst v60  }
0xa3: {  	v63 =	vld [tilespmem:$0x5F0];
	[tilespmem:$0xBA0] =	vst v61  }
0xa4: {  	[tilespmem:$0xAF0] =	vst v1;
	v1 =	vld [tilespmem:$0x5C0]  }
0xa5: {  	[tilespmem:$0xB80] =	vst v2;
	v2 =	vld [tilespmem:$0x5D0]  }
0xa6: {  	[tilespmem:$0xB90] =	vst v3;
	v3 =	vld [tilespmem:$0x5E0]  }
0xa7: {  	[tilespmem:$0xBB0] =	vst v62  }
0xa8: {  	[tilespmem:$0xBF0] =	vst v63  }
0xa9: {  	[tilespmem:$0xBC0] =	vst v1  }
0xaa: {  	[tilespmem:$0xBD0] =	vst v2  }
0xab: {  	[tilespmem:$0xBE0] =	vst v3  }
0xac: {  	[spmem:s3] =	stream.indirect.scatter.add.f32 [tilespmem:s19], [sflag:$0x4], $0x1, s22, s17, $0xb8;
	[tilespmem:$0x2500] =	vst v63  }
.Ltmp2:
0xad: {  	_ = 	snop;
	(pc) =	sbr.rel @p1 .LBB2_4-.Ltmp2, $4  }
0xae: {  	_ = 	snop  }
0xaf: {  	[spmem:s3] =	stream.indirect.scatter.add.f32 [tilespmem:s19], [sflag:$0x4], $0x1, s23, s17, $0xb8;
	[tilespmem:$0x2500] =	vst v63  }
0xb0: {  	_ = 	snop  }
0xb1: {  	[spmem:s3] =	stream.indirect.scatter.add.f32 [tilespmem:s19], [sflag:$0x4], $0x1, s24, s17, $0xb8;
	[tilespmem:$0x2500] =	vst v63  }
.Ltmp3:
0xb2: {  	(pc) =	sbr.rel .LBB2_2-.Ltmp3, $3  }
0xb3: {  	_ =	sdelay $0x1  }
0xb4: {  	s30 =	sadd.s32 s29, s11;
	s29 =	sadd.s32 $0xC0, s29  }
0xb5: {  	[tilespmem:s15], [sflag:$0x2] =	stream.linear.gather [hbm4b:s30+s4], $0x300, $0x38;
	[tilespmem:$0x2500] =	vst v63  }
.LBB2_5:
0xb6: {  	_ =	sfence.sel $0x180000  }
0xb7: {  	[bflag:$0x0] =	sbarrier.arrive $0xFFFF  }
0xb8: {  	p0 =	sne.s32 s1, $0x0;
	_ =	strace $0x90000047  }
0xb9: {  	s0 =	sadd.s32 @!p0 $0x100000, s0;
	[bflag:$0x2] =	sbarrier.arrive $0xFFFF  }
0xba: {  	[sflag:s0] =	ssyncadd.tile.s32 @!p0 $0x1;
	_ =	shalt  }
.Lfunc_end2:
_tile_overlayer_lowered:
.L_overlay_start_2:
0xbb: {  	(tag) =	ssettag $0x2  }
0xbc: {  	s0 =	rddreg [dreg:$0x0];
	s2 =	stileid.u32  }
0xbd: {  	s1 =	rddreg [dreg:$0x1];
	p0 =	sne.s32 s2, $0x0  }
0xbe: {  	s3 =	rddreg [dreg:$0x2];
	[bflag:$0x3] =	sbarrier.arrive $0xFFFF;
	s2 =	simm.s32 @!p0 $0x1C05  }
0xbf: {  	[timem:s3], [sflag:s2] =	dma.local @!p0 [hbm:s0], s1  }
0xc0: {  	s0 =	simm.s32 @!p0 $0x5  }
0xc1: {  	_ =	swait.ge @!p0 [sflag:s0], s1  }
0xc2: {  	s1 =	ssub.s32 @!p0 $0x0, s1;
	[sflag:s0] =	ssyncset.done @!p0 $0x0  }
0xc3: {  	[sflag:s0] =	ssyncadd.s32 @!p0 s1  }
0xc4: {  	[bflag:$0x3] =	sbarrier.arrive $0xFFFF  }
0xc5: {  	_ =	shalt  }

</sc_bundles>
